<compile_context>
chip_gen: v7x
topology: tpu7x:2x2x1
jax: 0.10.2.dev20260603
libtpu: 0.0.44.dev20260713+nightly
codegen_flags: <defaults>
</compile_context>

<pallas_src>
import functools

import jax
import jax.numpy as jnp
from jax import lax
from jax.experimental import pallas as pl
from jax.experimental.pallas import tpu as pltpu
from jax.experimental.pallas import tpu_sc as plsc

BATCH = 16384
HIST = 50
DIM = 128
NW = 32
CHUNK_B = 2
CHUNK = CHUNK_B * HIST
NBUF = 4
N_SLICES = 4
SLICE_B = BATCH // N_SLICES


def _make_kernel(n_batches):
    batch_per_w = n_batches // NW
    n_chunks = batch_per_w // CHUNK_B
    n_groups = n_chunks // NBUF
    mesh = plsc.VectorSubcoreMesh(core_axis_name="c", subcore_axis_name="s")

    @functools.partial(
        pl.kernel,
        out_type=jax.ShapeDtypeStruct((n_batches, HIST, DIM), jnp.float32),
        mesh=mesh,
        scratch_types=[
            pltpu.VMEM((n_chunks, CHUNK), jnp.int32),
            [pltpu.VMEM((CHUNK, DIM), jnp.float32) for _ in range(NBUF)],
            [pltpu.SemaphoreType.DMA for _ in range(NBUF)],
            [pltpu.SemaphoreType.DMA for _ in range(NBUF)],
        ],
    )
    def gather_kernel(idx_hbm, table_hbm, out_hbm, idx_v, rows, gsems, ssems):
        wid = lax.axis_index("s") * 2 + lax.axis_index("c")
        base_b = wid * batch_per_w
        pltpu.sync_copy(idx_hbm.at[wid], idx_v)

        def start_gather(b, j):
            pltpu.async_copy(table_hbm.at[idx_v.at[j]], rows[b], gsems[b])

        def wait_gather(b):
            pltpu.make_async_copy(table_hbm.at[idx_v.at[0]], rows[b], gsems[b]).wait()

        def start_store(b, j):
            b0 = base_b + j * CHUNK_B
            pltpu.async_copy(rows[b].at[pl.ds(0, HIST)], out_hbm.at[b0], ssems[b])
            pltpu.async_copy(
                rows[b].at[pl.ds(HIST, HIST)], out_hbm.at[b0 + 1], ssems[b]
            )

        def wait_store(b):
            pltpu.make_async_copy(
                rows[b].at[pl.ds(0, HIST)], out_hbm.at[0], ssems[b]
            ).wait()
            pltpu.make_async_copy(
                rows[b].at[pl.ds(0, HIST)], out_hbm.at[0], ssems[b]
            ).wait()

        for b in range(NBUF):
            start_gather(b, b)

        def body(g, carry):
            j0 = g * NBUF
            for b in range(NBUF):
                wait_gather(b)
                start_store(b, j0 + b)
            for b in range(NBUF):
                wait_store(b)
                start_gather(b, j0 + NBUF + b)
            return carry

        lax.fori_loop(0, n_groups - 1, body, 0)

        j0 = (n_groups - 1) * NBUF
        for b in range(NBUF):
            wait_gather(b)
            start_store(b, j0 + b)
        for b in range(NBUF):
            wait_store(b)

    return gather_kernel


_gather = _make_kernel(SLICE_B)


@jax.jit
def kernel(y_true, proxies):
    idx = y_true.astype(jnp.int32)
    outs = []
    for s in range(N_SLICES):
        sl = idx[s * SLICE_B:(s + 1) * SLICE_B]
        n_chunks = SLICE_B // NW // CHUNK_B
        outs.append(_gather(sl.reshape(NW, n_chunks, CHUNK), proxies))
    return jnp.concatenate(outs, axis=0)

# --- scband reference (transcript-rebuilt; emitter-appended) ---
"""Pipeline reference for scband-proxy-net-6562710028849 (READ-ONLY COPY).

The authoritative reference and input builder live on the scoring server;
editing this copy changes nothing except your own understanding.
"""

import jax, jax.numpy as jnp
import numpy as np

N_CLASSES = 100000
DIM = 128
BATCH = 16384
HIST = 50


def setup_inputs(seed: int = 0) -> dict:
    key = jax.random.key(seed)
    k1, k2 = jax.random.split(key)
    proxies = jax.random.normal(k1, (N_CLASSES, DIM), dtype=jnp.float32)
    y_true = jax.random.randint(k2, (BATCH, HIST), 0, N_CLASSES, dtype=jnp.int64)
    return {"y_true": y_true, "proxies": proxies}


def reference(y_true, proxies):
    # ProxyNet.forward: embedding lookup of proxies at y_true
    proxies_y_true = jnp.take(proxies, y_true, axis=0)
    return proxies_y_true

if __name__ == "__main__":
    import jax
    _d = setup_inputs()
    print(jax.jit(kernel)(*tuple(_d.values())))

</pallas_src>

<mosaic_0001>
#map = affine_map<(d0, d1) -> (0, 0, 0)>
#map1 = affine_map<(d0, d1) -> (0, 0)>
module attributes {stable_mosaic.version = 14 : i64} {
  func.func @gather_kernel(%arg0: i32, %arg1: i32, %arg2: memref<32x64x100xi32, #tpu.memory_space<hbm>>, %arg3: memref<100000x128xf32, #tpu.memory_space<hbm>>, %arg4: memref<4096x50x128xf32, #tpu.memory_space<hbm>>, %arg5: memref<64x100xi32, #tpu.memory_space<vmem>>, %arg6: memref<100x128xf32, #tpu.memory_space<vmem>>, %arg7: memref<100x128xf32, #tpu.memory_space<vmem>>, %arg8: memref<100x128xf32, #tpu.memory_space<vmem>>, %arg9: memref<100x128xf32, #tpu.memory_space<vmem>>, %arg10: memref<!tpu.dma_semaphore, #tpu.memory_space<semaphore_mem>>, %arg11: memref<!tpu.dma_semaphore, #tpu.memory_space<semaphore_mem>>, %arg12: memref<!tpu.dma_semaphore, #tpu.memory_space<semaphore_mem>>, %arg13: memref<!tpu.dma_semaphore, #tpu.memory_space<semaphore_mem>>, %arg14: memref<!tpu.dma_semaphore, #tpu.memory_space<semaphore_mem>>, %arg15: memref<!tpu.dma_semaphore, #tpu.memory_space<semaphore_mem>>, %arg16: memref<!tpu.dma_semaphore, #tpu.memory_space<semaphore_mem>>, %arg17: memref<!tpu.dma_semaphore, #tpu.memory_space<semaphore_mem>>) attributes {dimension_semantics = [#tpu.dimension_semantics<core_parallel>, #tpu.dimension_semantics<subcore_parallel>], iteration_bounds = array<i64: 2, 16>, scalar_prefetch = 0 : i64, scratch_operands = 13 : i64, tpu.core_type = #tpu.core_type<sc_vector_subcore>, window_params = [{transform_indices = #map}, {transform_indices = #map1}, {transform_indices = #map}]} {
    %mul3A = arith.constant 2 : i32
    %mul3A_0 = arith.muli %arg1, %mul3A : i32
    %add3A = arith.addi %mul3A_0, %arg0 : i32
    %mul3A_1 = arith.constant 128 : i32
    %mul3A_2 = arith.muli %add3A, %mul3A_1 : i32
    "tpu.region"() ({
      %run_scoped3A = tpu.sem_alloc : memref<!tpu.dma_semaphore, #tpu.memory_space<semaphore_mem>>
      %dma_start3A_310 = arith.constant 0 : i32
      %dma_start3A_311 = arith.constant 0 : i32
      %dma_start3A_312 = tpu.memref_slice %arg2[%add3A, %dma_start3A_310, %dma_start3A_311] : memref<32x64x100xi32, #tpu.memory_space<hbm>> -> memref<1x64x100xi32, #tpu.memory_space<hbm>>
      %dma_start3A_313 = tpu.memref_squeeze %dma_start3A_312 : memref<1x64x100xi32, #tpu.memory_space<hbm>> -> memref<64x100xi32, #tpu.memory_space<hbm>>
      %dma_start3A_314 = arith.constant 0 : i32
      %dma_start3A_315 = arith.constant 0 : i32
      %dma_start3A_316 = tpu.memref_slice %arg2[%add3A, %dma_start3A_314, %dma_start3A_315] : memref<32x64x100xi32, #tpu.memory_space<hbm>> -> memref<1x64x100xi32, #tpu.memory_space<hbm>>
      %dma_start3A_317 = tpu.memref_squeeze %dma_start3A_316 : memref<1x64x100xi32, #tpu.memory_space<hbm>> -> memref<64x100xi32, #tpu.memory_space<hbm>>
      tpu.enqueue_dma source(%dma_start3A_317 : memref<64x100xi32, #tpu.memory_space<hbm>>) target(%arg5 : memref<64x100xi32, #tpu.memory_space<vmem>>) target_semaphore(%run_scoped3A : memref<!tpu.dma_semaphore, #tpu.memory_space<semaphore_mem>>)
      %dma_wait3A_318 = arith.constant 0 : i32
      %dma_wait3A_319 = arith.constant 0 : i32
      %dma_wait3A_320 = tpu.memref_slice %arg2[%add3A, %dma_wait3A_318, %dma_wait3A_319] : memref<32x64x100xi32, #tpu.memory_space<hbm>> -> memref<1x64x100xi32, #tpu.memory_space<hbm>>
      %dma_wait3A_321 = tpu.memref_squeeze %dma_wait3A_320 : memref<1x64x100xi32, #tpu.memory_space<hbm>> -> memref<64x100xi32, #tpu.memory_space<hbm>>
      %dma_wait3A_322 = arith.constant 0 : i32
      %dma_wait3A_323 = arith.constant 0 : i32
      %dma_wait3A_324 = tpu.memref_slice %arg2[%add3A, %dma_wait3A_322, %dma_wait3A_323] : memref<32x64x100xi32, #tpu.memory_space<hbm>> -> memref<1x64x100xi32, #tpu.memory_space<hbm>>
      %dma_wait3A_325 = tpu.memref_squeeze %dma_wait3A_324 : memref<1x64x100xi32, #tpu.memory_space<hbm>> -> memref<64x100xi32, #tpu.memory_space<hbm>>
      tpu.wait_dma2 semaphore(%run_scoped3A : memref<!tpu.dma_semaphore, #tpu.memory_space<semaphore_mem>>) src(%dma_wait3A_325 : memref<64x100xi32, #tpu.memory_space<hbm>>) dst(%arg5 : memref<64x100xi32, #tpu.memory_space<vmem>>)
      tpu.yield
    }) : () -> ()
    %dma_start3A = arith.constant 0 : i32
    %dma_start3A_3 = arith.constant 0 : i32
    %dma_start3A_4 = tpu.memref_slice %arg5[%dma_start3A, %dma_start3A_3] : memref<64x100xi32, #tpu.memory_space<vmem>> -> memref<1x100xi32, #tpu.memory_space<vmem>>
    %dma_start3A_5 = tpu.memref_squeeze %dma_start3A_4 : memref<1x100xi32, #tpu.memory_space<vmem>> -> memref<100xi32, #tpu.memory_space<vmem>>
    %dma_start3A_6 = arith.constant 0 : i32
    %dma_start3A_7 = arith.constant 0 : i32
    %dma_start3A_8 = tpu.memref_slice %arg3[%dma_start3A_6, %dma_start3A_7] : memref<100000x128xf32, #tpu.memory_space<hbm>> -> memref<100000x128xf32, #tpu.memory_space<hbm>>
    tpu.enqueue_indirect_dma source(%dma_start3A_8 : memref<100000x128xf32, #tpu.memory_space<hbm>>) target(%arg6 : memref<100x128xf32, #tpu.memory_space<vmem>>) offsets(%dma_start3A_5 : memref<100xi32, #tpu.memory_space<vmem>>) semaphore(%arg10 : memref<!tpu.dma_semaphore, #tpu.memory_space<semaphore_mem>>)
    %dma_start3A_9 = arith.constant 1 : i32
    %dma_start3A_10 = arith.constant 0 : i32
    %dma_start3A_11 = tpu.memref_slice %arg5[%dma_start3A_9, %dma_start3A_10] : memref<64x100xi32, #tpu.memory_space<vmem>> -> memref<1x100xi32, #tpu.memory_space<vmem>>
    %dma_start3A_12 = tpu.memref_squeeze %dma_start3A_11 : memref<1x100xi32, #tpu.memory_space<vmem>> -> memref<100xi32, #tpu.memory_space<vmem>>
    %dma_start3A_13 = arith.constant 0 : i32
    %dma_start3A_14 = arith.constant 0 : i32
    %dma_start3A_15 = tpu.memref_slice %arg3[%dma_start3A_13, %dma_start3A_14] : memref<100000x128xf32, #tpu.memory_space<hbm>> -> memref<100000x128xf32, #tpu.memory_space<hbm>>
    tpu.enqueue_indirect_dma source(%dma_start3A_15 : memref<100000x128xf32, #tpu.memory_space<hbm>>) target(%arg7 : memref<100x128xf32, #tpu.memory_space<vmem>>) offsets(%dma_start3A_12 : memref<100xi32, #tpu.memory_space<vmem>>) semaphore(%arg11 : memref<!tpu.dma_semaphore, #tpu.memory_space<semaphore_mem>>)
    %dma_start3A_16 = arith.constant 2 : i32
    %dma_start3A_17 = arith.constant 0 : i32
    %dma_start3A_18 = tpu.memref_slice %arg5[%dma_start3A_16, %dma_start3A_17] : memref<64x100xi32, #tpu.memory_space<vmem>> -> memref<1x100xi32, #tpu.memory_space<vmem>>
    %dma_start3A_19 = tpu.memref_squeeze %dma_start3A_18 : memref<1x100xi32, #tpu.memory_space<vmem>> -> memref<100xi32, #tpu.memory_space<vmem>>
    %dma_start3A_20 = arith.constant 0 : i32
    %dma_start3A_21 = arith.constant 0 : i32
    %dma_start3A_22 = tpu.memref_slice %arg3[%dma_start3A_20, %dma_start3A_21] : memref<100000x128xf32, #tpu.memory_space<hbm>> -> memref<100000x128xf32, #tpu.memory_space<hbm>>
    tpu.enqueue_indirect_dma source(%dma_start3A_22 : memref<100000x128xf32, #tpu.memory_space<hbm>>) target(%arg8 : memref<100x128xf32, #tpu.memory_space<vmem>>) offsets(%dma_start3A_19 : memref<100xi32, #tpu.memory_space<vmem>>) semaphore(%arg12 : memref<!tpu.dma_semaphore, #tpu.memory_space<semaphore_mem>>)
    %dma_start3A_23 = arith.constant 3 : i32
    %dma_start3A_24 = arith.constant 0 : i32
    %dma_start3A_25 = tpu.memref_slice %arg5[%dma_start3A_23, %dma_start3A_24] : memref<64x100xi32, #tpu.memory_space<vmem>> -> memref<1x100xi32, #tpu.memory_space<vmem>>
    %dma_start3A_26 = tpu.memref_squeeze %dma_start3A_25 : memref<1x100xi32, #tpu.memory_space<vmem>> -> memref<100xi32, #tpu.memory_space<vmem>>
    %dma_start3A_27 = arith.constant 0 : i32
    %dma_start3A_28 = arith.constant 0 : i32
    %dma_start3A_29 = tpu.memref_slice %arg3[%dma_start3A_27, %dma_start3A_28] : memref<100000x128xf32, #tpu.memory_space<hbm>> -> memref<100000x128xf32, #tpu.memory_space<hbm>>
    tpu.enqueue_indirect_dma source(%dma_start3A_29 : memref<100000x128xf32, #tpu.memory_space<hbm>>) target(%arg9 : memref<100x128xf32, #tpu.memory_space<vmem>>) offsets(%dma_start3A_26 : memref<100xi32, #tpu.memory_space<vmem>>) semaphore(%arg13 : memref<!tpu.dma_semaphore, #tpu.memory_space<semaphore_mem>>)
    %scan3A = arith.constant 0 : i32
    %scan3A_30 = arith.constant 0 : i32
    %scan3A_31 = arith.constant 15 : i32
    %scan3A_32 = arith.addi %scan3A_30, %scan3A_31 : i32
    %scan3A_33 = arith.constant 1 : i32
    scf.for %scan3A_310 = %scan3A_30 to %scan3A_32 step %scan3A_33  : i32 {
      %mul3A_311 = arith.constant 4 : i32
      %mul3A_312 = arith.muli %scan3A_310, %mul3A_311 : i32
      %dma_wait3A_313 = arith.constant 0 : i32
      %dma_wait3A_314 = arith.constant 0 : i32
      %dma_wait3A_315 = tpu.memref_slice %arg5[%dma_wait3A_313, %dma_wait3A_314] : memref<64x100xi32, #tpu.memory_space<vmem>> -> memref<1x100xi32, #tpu.memory_space<vmem>>
      %dma_wait3A_316 = tpu.memref_squeeze %dma_wait3A_315 : memref<1x100xi32, #tpu.memory_space<vmem>> -> memref<100xi32, #tpu.memory_space<vmem>>
      %dma_wait3A_317 = arith.constant 0 : i32
      %dma_wait3A_318 = arith.constant 0 : i32
      %dma_wait3A_319 = tpu.memref_slice %arg3[%dma_wait3A_317, %dma_wait3A_318] : memref<100000x128xf32, #tpu.memory_space<hbm>> -> memref<100000x128xf32, #tpu.memory_space<hbm>>
      tpu.wait_indirect_dma semaphore(%arg10 : memref<!tpu.dma_semaphore, #tpu.memory_space<semaphore_mem>>) src(%dma_wait3A_319 : memref<100000x128xf32, #tpu.memory_space<hbm>>) dst(%arg6 : memref<100x128xf32, #tpu.memory_space<vmem>>)
      %add3A_320 = arith.constant 0 : i32
      %add3A_321 = arith.addi %mul3A_312, %add3A_320 : i32
      %mul3A_322 = arith.constant 2 : i32
      %mul3A_323 = arith.muli %add3A_321, %mul3A_322 : i32
      %add3A_324 = arith.addi %mul3A_2, %mul3A_323 : i32
      %dma_start3A_325 = arith.constant 0 : i32
      %dma_start3A_326 = arith.constant 0 : i32
      %dma_start3A_327 = tpu.memref_slice %arg6[%dma_start3A_325, %dma_start3A_326] : memref<100x128xf32, #tpu.memory_space<vmem>> -> memref<50x128xf32, #tpu.memory_space<vmem>>
      %dma_start3A_328 = arith.constant 0 : i32
      %dma_start3A_329 = arith.constant 0 : i32
      %dma_start3A_330 = tpu.memref_slice %arg4[%add3A_324, %dma_start3A_328, %dma_start3A_329] : memref<4096x50x128xf32, #tpu.memory_space<hbm>> -> memref<1x50x128xf32, #tpu.memory_space<hbm>>
      %dma_start3A_331 = tpu.memref_squeeze %dma_start3A_330 : memref<1x50x128xf32, #tpu.memory_space<hbm>> -> memref<50x128xf32, #tpu.memory_space<hbm>>
      %dma_start3A_332 = arith.constant 0 : i32
      %dma_start3A_333 = arith.constant 0 : i32
      %dma_start3A_334 = tpu.memref_slice %arg4[%add3A_324, %dma_start3A_332, %dma_start3A_333] : memref<4096x50x128xf32, #tpu.memory_space<hbm>> -> memref<1x50x128xf32, #tpu.memory_space<hbm>>
      %dma_start3A_335 = tpu.memref_squeeze %dma_start3A_334 : memref<1x50x128xf32, #tpu.memory_space<hbm>> -> memref<50x128xf32, #tpu.memory_space<hbm>>
      %dma_start3A_336 = arith.constant 0 : i32
      %dma_start3A_337 = arith.constant 0 : i32
      %dma_start3A_338 = tpu.memref_slice %arg6[%dma_start3A_336, %dma_start3A_337] : memref<100x128xf32, #tpu.memory_space<vmem>> -> memref<50x128xf32, #tpu.memory_space<vmem>>
      tpu.enqueue_dma source(%dma_start3A_338 : memref<50x128xf32, #tpu.memory_space<vmem>>) target(%dma_start3A_335 : memref<50x128xf32, #tpu.memory_space<hbm>>) target_semaphore(%arg14 : memref<!tpu.dma_semaphore, #tpu.memory_space<semaphore_mem>>)
      %add3A_339 = arith.constant 1 : i32
      %add3A_340 = arith.addi %add3A_324, %add3A_339 : i32
      %dma_start3A_341 = arith.constant 50 : i32
      %dma_start3A_342 = arith.constant 0 : i32
      %dma_start3A_343 = tpu.memref_slice %arg6[%dma_start3A_341, %dma_start3A_342] : memref<100x128xf32, #tpu.memory_space<vmem>> -> memref<50x128xf32, #tpu.memory_space<vmem>>
      %dma_start3A_344 = arith.constant 0 : i32
      %dma_start3A_345 = arith.constant 0 : i32
      %dma_start3A_346 = tpu.memref_slice %arg4[%add3A_340, %dma_start3A_344, %dma_start3A_345] : memref<4096x50x128xf32, #tpu.memory_space<hbm>> -> memref<1x50x128xf32, #tpu.memory_space<hbm>>
      %dma_start3A_347 = tpu.memref_squeeze %dma_start3A_346 : memref<1x50x128xf32, #tpu.memory_space<hbm>> -> memref<50x128xf32, #tpu.memory_space<hbm>>
      %dma_start3A_348 = arith.constant 0 : i32
      %dma_start3A_349 = arith.constant 0 : i32
      %dma_start3A_350 = tpu.memref_slice %arg4[%add3A_340, %dma_start3A_348, %dma_start3A_349] : memref<4096x50x128xf32, #tpu.memory_space<hbm>> -> memref<1x50x128xf32, #tpu.memory_space<hbm>>
      %dma_start3A_351 = tpu.memref_squeeze %dma_start3A_350 : memref<1x50x128xf32, #tpu.memory_space<hbm>> -> memref<50x128xf32, #tpu.memory_space<hbm>>
      %dma_start3A_352 = arith.constant 50 : i32
      %dma_start3A_353 = arith.constant 0 : i32
      %dma_start3A_354 = tpu.memref_slice %arg6[%dma_start3A_352, %dma_start3A_353] : memref<100x128xf32, #tpu.memory_space<vmem>> -> memref<50x128xf32, #tpu.memory_space<vmem>>
      tpu.enqueue_dma source(%dma_start3A_354 : memref<50x128xf32, #tpu.memory_space<vmem>>) target(%dma_start3A_351 : memref<50x128xf32, #tpu.memory_space<hbm>>) target_semaphore(%arg14 : memref<!tpu.dma_semaphore, #tpu.memory_space<semaphore_mem>>)
      %dma_wait3A_355 = arith.constant 0 : i32
      %dma_wait3A_356 = arith.constant 0 : i32
      %dma_wait3A_357 = tpu.memref_slice %arg5[%dma_wait3A_355, %dma_wait3A_356] : memref<64x100xi32, #tpu.memory_space<vmem>> -> memref<1x100xi32, #tpu.memory_space<vmem>>
      %dma_wait3A_358 = tpu.memref_squeeze %dma_wait3A_357 : memref<1x100xi32, #tpu.memory_space<vmem>> -> memref<100xi32, #tpu.memory_space<vmem>>
      %dma_wait3A_359 = arith.constant 0 : i32
      %dma_wait3A_360 = arith.constant 0 : i32
      %dma_wait3A_361 = tpu.memref_slice %arg3[%dma_wait3A_359, %dma_wait3A_360] : memref<100000x128xf32, #tpu.memory_space<hbm>> -> memref<100000x128xf32, #tpu.memory_space<hbm>>
      tpu.wait_indirect_dma semaphore(%arg11 : memref<!tpu.dma_semaphore, #tpu.memory_space<semaphore_mem>>) src(%dma_wait3A_361 : memref<100000x128xf32, #tpu.memory_space<hbm>>) dst(%arg7 : memref<100x128xf32, #tpu.memory_space<vmem>>)
      %add3A_362 = arith.constant 1 : i32
      %add3A_363 = arith.addi %mul3A_312, %add3A_362 : i32
      %mul3A_364 = arith.constant 2 : i32
      %mul3A_365 = arith.muli %add3A_363, %mul3A_364 : i32
      %add3A_366 = arith.addi %mul3A_2, %mul3A_365 : i32
      %dma_start3A_367 = arith.constant 0 : i32
      %dma_start3A_368 = arith.constant 0 : i32
      %dma_start3A_369 = tpu.memref_slice %arg7[%dma_start3A_367, %dma_start3A_368] : memref<100x128xf32, #tpu.memory_space<vmem>> -> memref<50x128xf32, #tpu.memory_space<vmem>>
      %dma_start3A_370 = arith.constant 0 : i32
      %dma_start3A_371 = arith.constant 0 : i32
      %dma_start3A_372 = tpu.memref_slice %arg4[%add3A_366, %dma_start3A_370, %dma_start3A_371] : memref<4096x50x128xf32, #tpu.memory_space<hbm>> -> memref<1x50x128xf32, #tpu.memory_space<hbm>>
      %dma_start3A_373 = tpu.memref_squeeze %dma_start3A_372 : memref<1x50x128xf32, #tpu.memory_space<hbm>> -> memref<50x128xf32, #tpu.memory_space<hbm>>
      %dma_start3A_374 = arith.constant 0 : i32
      %dma_start3A_375 = arith.constant 0 : i32
      %dma_start3A_376 = tpu.memref_slice %arg4[%add3A_366, %dma_start3A_374, %dma_start3A_375] : memref<4096x50x128xf32, #tpu.memory_space<hbm>> -> memref<1x50x128xf32, #tpu.memory_space<hbm>>
      %dma_start3A_377 = tpu.memref_squeeze %dma_start3A_376 : memref<1x50x128xf32, #tpu.memory_space<hbm>> -> memref<50x128xf32, #tpu.memory_space<hbm>>
      %dma_start3A_378 = arith.constant 0 : i32
      %dma_start3A_379 = arith.constant 0 : i32
      %dma_start3A_380 = tpu.memref_slice %arg7[%dma_start3A_378, %dma_start3A_379] : memref<100x128xf32, #tpu.memory_space<vmem>> -> memref<50x128xf32, #tpu.memory_space<vmem>>
      tpu.enqueue_dma source(%dma_start3A_380 : memref<50x128xf32, #tpu.memory_space<vmem>>) target(%dma_start3A_377 : memref<50x128xf32, #tpu.memory_space<hbm>>) target_semaphore(%arg15 : memref<!tpu.dma_semaphore, #tpu.memory_space<semaphore_mem>>)
      %add3A_381 = arith.constant 1 : i32
      %add3A_382 = arith.addi %add3A_366, %add3A_381 : i32
      %dma_start3A_383 = arith.constant 50 : i32
      %dma_start3A_384 = arith.constant 0 : i32
      %dma_start3A_385 = tpu.memref_slice %arg7[%dma_start3A_383, %dma_start3A_384] : memref<100x128xf32, #tpu.memory_space<vmem>> -> memref<50x128xf32, #tpu.memory_space<vmem>>
      %dma_start3A_386 = arith.constant 0 : i32
      %dma_start3A_387 = arith.constant 0 : i32
      %dma_start3A_388 = tpu.memref_slice %arg4[%add3A_382, %dma_start3A_386, %dma_start3A_387] : memref<4096x50x128xf32, #tpu.memory_space<hbm>> -> memref<1x50x128xf32, #tpu.memory_space<hbm>>
      %dma_start3A_389 = tpu.memref_squeeze %dma_start3A_388 : memref<1x50x128xf32, #tpu.memory_space<hbm>> -> memref<50x128xf32, #tpu.memory_space<hbm>>
      %dma_start3A_390 = arith.constant 0 : i32
      %dma_start3A_391 = arith.constant 0 : i32
      %dma_start3A_392 = tpu.memref_slice %arg4[%add3A_382, %dma_start3A_390, %dma_start3A_391] : memref<4096x50x128xf32, #tpu.memory_space<hbm>> -> memref<1x50x128xf32, #tpu.memory_space<hbm>>
      %dma_start3A_393 = tpu.memref_squeeze %dma_start3A_392 : memref<1x50x128xf32, #tpu.memory_space<hbm>> -> memref<50x128xf32, #tpu.memory_space<hbm>>
      %dma_start3A_394 = arith.constant 50 : i32
      %dma_start3A_395 = arith.constant 0 : i32
      %dma_start3A_396 = tpu.memref_slice %arg7[%dma_start3A_394, %dma_start3A_395] : memref<100x128xf32, #tpu.memory_space<vmem>> -> memref<50x128xf32, #tpu.memory_space<vmem>>
      tpu.enqueue_dma source(%dma_start3A_396 : memref<50x128xf32, #tpu.memory_space<vmem>>) target(%dma_start3A_393 : memref<50x128xf32, #tpu.memory_space<hbm>>) target_semaphore(%arg15 : memref<!tpu.dma_semaphore, #tpu.memory_space<semaphore_mem>>)
      %dma_wait3A_397 = arith.constant 0 : i32
      %dma_wait3A_398 = arith.constant 0 : i32
      %dma_wait3A_399 = tpu.memref_slice %arg5[%dma_wait3A_397, %dma_wait3A_398] : memref<64x100xi32, #tpu.memory_space<vmem>> -> memref<1x100xi32, #tpu.memory_space<vmem>>
      %dma_wait3A_400 = tpu.memref_squeeze %dma_wait3A_399 : memref<1x100xi32, #tpu.memory_space<vmem>> -> memref<100xi32, #tpu.memory_space<vmem>>
      %dma_wait3A_401 = arith.constant 0 : i32
      %dma_wait3A_402 = arith.constant 0 : i32
      %dma_wait3A_403 = tpu.memref_slice %arg3[%dma_wait3A_401, %dma_wait3A_402] : memref<100000x128xf32, #tpu.memory_space<hbm>> -> memref<100000x128xf32, #tpu.memory_space<hbm>>
      tpu.wait_indirect_dma semaphore(%arg12 : memref<!tpu.dma_semaphore, #tpu.memory_space<semaphore_mem>>) src(%dma_wait3A_403 : memref<100000x128xf32, #tpu.memory_space<hbm>>) dst(%arg8 : memref<100x128xf32, #tpu.memory_space<vmem>>)
      %add3A_404 = arith.constant 2 : i32
      %add3A_405 = arith.addi %mul3A_312, %add3A_404 : i32
      %mul3A_406 = arith.constant 2 : i32
      %mul3A_407 = arith.muli %add3A_405, %mul3A_406 : i32
      %add3A_408 = arith.addi %mul3A_2, %mul3A_407 : i32
      %dma_start3A_409 = arith.constant 0 : i32
      %dma_start3A_410 = arith.constant 0 : i32
      %dma_start3A_411 = tpu.memref_slice %arg8[%dma_start3A_409, %dma_start3A_410] : memref<100x128xf32, #tpu.memory_space<vmem>> -> memref<50x128xf32, #tpu.memory_space<vmem>>
      %dma_start3A_412 = arith.constant 0 : i32
      %dma_start3A_413 = arith.constant 0 : i32
      %dma_start3A_414 = tpu.memref_slice %arg4[%add3A_408, %dma_start3A_412, %dma_start3A_413] : memref<4096x50x128xf32, #tpu.memory_space<hbm>> -> memref<1x50x128xf32, #tpu.memory_space<hbm>>
      %dma_start3A_415 = tpu.memref_squeeze %dma_start3A_414 : memref<1x50x128xf32, #tpu.memory_space<hbm>> -> memref<50x128xf32, #tpu.memory_space<hbm>>
      %dma_start3A_416 = arith.constant 0 : i32
      %dma_start3A_417 = arith.constant 0 : i32
      %dma_start3A_418 = tpu.memref_slice %arg4[%add3A_408, %dma_start3A_416, %dma_start3A_417] : memref<4096x50x128xf32, #tpu.memory_space<hbm>> -> memref<1x50x128xf32, #tpu.memory_space<hbm>>
      %dma_start3A_419 = tpu.memref_squeeze %dma_start3A_418 : memref<1x50x128xf32, #tpu.memory_space<hbm>> -> memref<50x128xf32, #tpu.memory_space<hbm>>
      %dma_start3A_420 = arith.constant 0 : i32
      %dma_start3A_421 = arith.constant 0 : i32
      %dma_start3A_422 = tpu.memref_slice %arg8[%dma_start3A_420, %dma_start3A_421] : memref<100x128xf32, #tpu.memory_space<vmem>> -> memref<50x128xf32, #tpu.memory_space<vmem>>
      tpu.enqueue_dma source(%dma_start3A_422 : memref<50x128xf32, #tpu.memory_space<vmem>>) target(%dma_start3A_419 : memref<50x128xf32, #tpu.memory_space<hbm>>) target_semaphore(%arg16 : memref<!tpu.dma_semaphore, #tpu.memory_space<semaphore_mem>>)
      %add3A_423 = arith.constant 1 : i32
      %add3A_424 = arith.addi %add3A_408, %add3A_423 : i32
      %dma_start3A_425 = arith.constant 50 : i32
      %dma_start3A_426 = arith.constant 0 : i32
      %dma_start3A_427 = tpu.memref_slice %arg8[%dma_start3A_425, %dma_start3A_426] : memref<100x128xf32, #tpu.memory_space<vmem>> -> memref<50x128xf32, #tpu.memory_space<vmem>>
      %dma_start3A_428 = arith.constant 0 : i32
      %dma_start3A_429 = arith.constant 0 : i32
      %dma_start3A_430 = tpu.memref_slice %arg4[%add3A_424, %dma_start3A_428, %dma_start3A_429] : memref<4096x50x128xf32, #tpu.memory_space<hbm>> -> memref<1x50x128xf32, #tpu.memory_space<hbm>>
      %dma_start3A_431 = tpu.memref_squeeze %dma_start3A_430 : memref<1x50x128xf32, #tpu.memory_space<hbm>> -> memref<50x128xf32, #tpu.memory_space<hbm>>
      %dma_start3A_432 = arith.constant 0 : i32
      %dma_start3A_433 = arith.constant 0 : i32
      %dma_start3A_434 = tpu.memref_slice %arg4[%add3A_424, %dma_start3A_432, %dma_start3A_433] : memref<4096x50x128xf32, #tpu.memory_space<hbm>> -> memref<1x50x128xf32, #tpu.memory_space<hbm>>
      %dma_start3A_435 = tpu.memref_squeeze %dma_start3A_434 : memref<1x50x128xf32, #tpu.memory_space<hbm>> -> memref<50x128xf32, #tpu.memory_space<hbm>>
      %dma_start3A_436 = arith.constant 50 : i32
      %dma_start3A_437 = arith.constant 0 : i32
      %dma_start3A_438 = tpu.memref_slice %arg8[%dma_start3A_436, %dma_start3A_437] : memref<100x128xf32, #tpu.memory_space<vmem>> -> memref<50x128xf32, #tpu.memory_space<vmem>>
      tpu.enqueue_dma source(%dma_start3A_438 : memref<50x128xf32, #tpu.memory_space<vmem>>) target(%dma_start3A_435 : memref<50x128xf32, #tpu.memory_space<hbm>>) target_semaphore(%arg16 : memref<!tpu.dma_semaphore, #tpu.memory_space<semaphore_mem>>)
      %dma_wait3A_439 = arith.constant 0 : i32
      %dma_wait3A_440 = arith.constant 0 : i32
      %dma_wait3A_441 = tpu.memref_slice %arg5[%dma_wait3A_439, %dma_wait3A_440] : memref<64x100xi32, #tpu.memory_space<vmem>> -> memref<1x100xi32, #tpu.memory_space<vmem>>
      %dma_wait3A_442 = tpu.memref_squeeze %dma_wait3A_441 : memref<1x100xi32, #tpu.memory_space<vmem>> -> memref<100xi32, #tpu.memory_space<vmem>>
      %dma_wait3A_443 = arith.constant 0 : i32
      %dma_wait3A_444 = arith.constant 0 : i32
      %dma_wait3A_445 = tpu.memref_slice %arg3[%dma_wait3A_443, %dma_wait3A_444] : memref<100000x128xf32, #tpu.memory_space<hbm>> -> memref<100000x128xf32, #tpu.memory_space<hbm>>
      tpu.wait_indirect_dma semaphore(%arg13 : memref<!tpu.dma_semaphore, #tpu.memory_space<semaphore_mem>>) src(%dma_wait3A_445 : memref<100000x128xf32, #tpu.memory_space<hbm>>) dst(%arg9 : memref<100x128xf32, #tpu.memory_space<vmem>>)
      %add3A_446 = arith.constant 3 : i32
      %add3A_447 = arith.addi %mul3A_312, %add3A_446 : i32
      %mul3A_448 = arith.constant 2 : i32
      %mul3A_449 = arith.muli %add3A_447, %mul3A_448 : i32
      %add3A_450 = arith.addi %mul3A_2, %mul3A_449 : i32
      %dma_start3A_451 = arith.constant 0 : i32
      %dma_start3A_452 = arith.constant 0 : i32
      %dma_start3A_453 = tpu.memref_slice %arg9[%dma_start3A_451, %dma_start3A_452] : memref<100x128xf32, #tpu.memory_space<vmem>> -> memref<50x128xf32, #tpu.memory_space<vmem>>
      %dma_start3A_454 = arith.constant 0 : i32
      %dma_start3A_455 = arith.constant 0 : i32
      %dma_start3A_456 = tpu.memref_slice %arg4[%add3A_450, %dma_start3A_454, %dma_start3A_455] : memref<4096x50x128xf32, #tpu.memory_space<hbm>> -> memref<1x50x128xf32, #tpu.memory_space<hbm>>
      %dma_start3A_457 = tpu.memref_squeeze %dma_start3A_456 : memref<1x50x128xf32, #tpu.memory_space<hbm>> -> memref<50x128xf32, #tpu.memory_space<hbm>>
      %dma_start3A_458 = arith.constant 0 : i32
      %dma_start3A_459 = arith.constant 0 : i32
      %dma_start3A_460 = tpu.memref_slice %arg4[%add3A_450, %dma_start3A_458, %dma_start3A_459] : memref<4096x50x128xf32, #tpu.memory_space<hbm>> -> memref<1x50x128xf32, #tpu.memory_space<hbm>>
      %dma_start3A_461 = tpu.memref_squeeze %dma_start3A_460 : memref<1x50x128xf32, #tpu.memory_space<hbm>> -> memref<50x128xf32, #tpu.memory_space<hbm>>
      %dma_start3A_462 = arith.constant 0 : i32
      %dma_start3A_463 = arith.constant 0 : i32
      %dma_start3A_464 = tpu.memref_slice %arg9[%dma_start3A_462, %dma_start3A_463] : memref<100x128xf32, #tpu.memory_space<vmem>> -> memref<50x128xf32, #tpu.memory_space<vmem>>
      tpu.enqueue_dma source(%dma_start3A_464 : memref<50x128xf32, #tpu.memory_space<vmem>>) target(%dma_start3A_461 : memref<50x128xf32, #tpu.memory_space<hbm>>) target_semaphore(%arg17 : memref<!tpu.dma_semaphore, #tpu.memory_space<semaphore_mem>>)
      %add3A_465 = arith.constant 1 : i32
      %add3A_466 = arith.addi %add3A_450, %add3A_465 : i32
      %dma_start3A_467 = arith.constant 50 : i32
      %dma_start3A_468 = arith.constant 0 : i32
      %dma_start3A_469 = tpu.memref_slice %arg9[%dma_start3A_467, %dma_start3A_468] : memref<100x128xf32, #tpu.memory_space<vmem>> -> memref<50x128xf32, #tpu.memory_space<vmem>>
      %dma_start3A_470 = arith.constant 0 : i32
      %dma_start3A_471 = arith.constant 0 : i32
      %dma_start3A_472 = tpu.memref_slice %arg4[%add3A_466, %dma_start3A_470, %dma_start3A_471] : memref<4096x50x128xf32, #tpu.memory_space<hbm>> -> memref<1x50x128xf32, #tpu.memory_space<hbm>>
      %dma_start3A_473 = tpu.memref_squeeze %dma_start3A_472 : memref<1x50x128xf32, #tpu.memory_space<hbm>> -> memref<50x128xf32, #tpu.memory_space<hbm>>
      %dma_start3A_474 = arith.constant 0 : i32
      %dma_start3A_475 = arith.constant 0 : i32
      %dma_start3A_476 = tpu.memref_slice %arg4[%add3A_466, %dma_start3A_474, %dma_start3A_475] : memref<4096x50x128xf32, #tpu.memory_space<hbm>> -> memref<1x50x128xf32, #tpu.memory_space<hbm>>
      %dma_start3A_477 = tpu.memref_squeeze %dma_start3A_476 : memref<1x50x128xf32, #tpu.memory_space<hbm>> -> memref<50x128xf32, #tpu.memory_space<hbm>>
      %dma_start3A_478 = arith.constant 50 : i32
      %dma_start3A_479 = arith.constant 0 : i32
      %dma_start3A_480 = tpu.memref_slice %arg9[%dma_start3A_478, %dma_start3A_479] : memref<100x128xf32, #tpu.memory_space<vmem>> -> memref<50x128xf32, #tpu.memory_space<vmem>>
      tpu.enqueue_dma source(%dma_start3A_480 : memref<50x128xf32, #tpu.memory_space<vmem>>) target(%dma_start3A_477 : memref<50x128xf32, #tpu.memory_space<hbm>>) target_semaphore(%arg17 : memref<!tpu.dma_semaphore, #tpu.memory_space<semaphore_mem>>)
      %dma_wait3A_481 = arith.constant 0 : i32
      %dma_wait3A_482 = arith.constant 0 : i32
      %dma_wait3A_483 = arith.constant 0 : i32
      %dma_wait3A_484 = tpu.memref_slice %arg6[%dma_wait3A_482, %dma_wait3A_483] : memref<100x128xf32, #tpu.memory_space<vmem>> -> memref<50x128xf32, #tpu.memory_space<vmem>>
      %dma_wait3A_485 = arith.constant 0 : i32
      %dma_wait3A_486 = arith.constant 0 : i32
      %dma_wait3A_487 = tpu.memref_slice %arg4[%dma_wait3A_481, %dma_wait3A_485, %dma_wait3A_486] : memref<4096x50x128xf32, #tpu.memory_space<hbm>> -> memref<1x50x128xf32, #tpu.memory_space<hbm>>
      %dma_wait3A_488 = tpu.memref_squeeze %dma_wait3A_487 : memref<1x50x128xf32, #tpu.memory_space<hbm>> -> memref<50x128xf32, #tpu.memory_space<hbm>>
      %dma_wait3A_489 = arith.constant 0 : i32
      %dma_wait3A_490 = arith.constant 0 : i32
      %dma_wait3A_491 = tpu.memref_slice %arg4[%dma_wait3A_481, %dma_wait3A_489, %dma_wait3A_490] : memref<4096x50x128xf32, #tpu.memory_space<hbm>> -> memref<1x50x128xf32, #tpu.memory_space<hbm>>
      %dma_wait3A_492 = tpu.memref_squeeze %dma_wait3A_491 : memref<1x50x128xf32, #tpu.memory_space<hbm>> -> memref<50x128xf32, #tpu.memory_space<hbm>>
      %dma_wait3A_493 = arith.constant 0 : i32
      %dma_wait3A_494 = arith.constant 0 : i32
      %dma_wait3A_495 = tpu.memref_slice %arg6[%dma_wait3A_493, %dma_wait3A_494] : memref<100x128xf32, #tpu.memory_space<vmem>> -> memref<50x128xf32, #tpu.memory_space<vmem>>
      tpu.wait_dma2 semaphore(%arg14 : memref<!tpu.dma_semaphore, #tpu.memory_space<semaphore_mem>>) src(%dma_wait3A_495 : memref<50x128xf32, #tpu.memory_space<vmem>>) dst(%dma_wait3A_492 : memref<50x128xf32, #tpu.memory_space<hbm>>)
      %dma_wait3A_496 = arith.constant 0 : i32
      %dma_wait3A_497 = arith.constant 0 : i32
      %dma_wait3A_498 = arith.constant 0 : i32
      %dma_wait3A_499 = tpu.memref_slice %arg6[%dma_wait3A_497, %dma_wait3A_498] : memref<100x128xf32, #tpu.memory_space<vmem>> -> memref<50x128xf32, #tpu.memory_space<vmem>>
      %dma_wait3A_500 = arith.constant 0 : i32
      %dma_wait3A_501 = arith.constant 0 : i32
      %dma_wait3A_502 = tpu.memref_slice %arg4[%dma_wait3A_496, %dma_wait3A_500, %dma_wait3A_501] : memref<4096x50x128xf32, #tpu.memory_space<hbm>> -> memref<1x50x128xf32, #tpu.memory_space<hbm>>
      %dma_wait3A_503 = tpu.memref_squeeze %dma_wait3A_502 : memref<1x50x128xf32, #tpu.memory_space<hbm>> -> memref<50x128xf32, #tpu.memory_space<hbm>>
      %dma_wait3A_504 = arith.constant 0 : i32
      %dma_wait3A_505 = arith.constant 0 : i32
      %dma_wait3A_506 = tpu.memref_slice %arg4[%dma_wait3A_496, %dma_wait3A_504, %dma_wait3A_505] : memref<4096x50x128xf32, #tpu.memory_space<hbm>> -> memref<1x50x128xf32, #tpu.memory_space<hbm>>
      %dma_wait3A_507 = tpu.memref_squeeze %dma_wait3A_506 : memref<1x50x128xf32, #tpu.memory_space<hbm>> -> memref<50x128xf32, #tpu.memory_space<hbm>>
      %dma_wait3A_508 = arith.constant 0 : i32
      %dma_wait3A_509 = arith.constant 0 : i32
      %dma_wait3A_510 = tpu.memref_slice %arg6[%dma_wait3A_508, %dma_wait3A_509] : memref<100x128xf32, #tpu.memory_space<vmem>> -> memref<50x128xf32, #tpu.memory_space<vmem>>
      tpu.wait_dma2 semaphore(%arg14 : memref<!tpu.dma_semaphore, #tpu.memory_space<semaphore_mem>>) src(%dma_wait3A_510 : memref<50x128xf32, #tpu.memory_space<vmem>>) dst(%dma_wait3A_507 : memref<50x128xf32, #tpu.memory_space<hbm>>)
      %add3A_511 = arith.constant 4 : i32
      %add3A_512 = arith.addi %mul3A_312, %add3A_511 : i32
      %add3A_513 = arith.constant 0 : i32
      %add3A_514 = arith.addi %add3A_512, %add3A_513 : i32
      %dma_start3A_515 = arith.constant 0 : i32
      %dma_start3A_516 = tpu.memref_slice %arg5[%add3A_514, %dma_start3A_515] : memref<64x100xi32, #tpu.memory_space<vmem>> -> memref<1x100xi32, #tpu.memory_space<vmem>>
      %dma_start3A_517 = tpu.memref_squeeze %dma_start3A_516 : memref<1x100xi32, #tpu.memory_space<vmem>> -> memref<100xi32, #tpu.memory_space<vmem>>
      %dma_start3A_518 = arith.constant 0 : i32
      %dma_start3A_519 = arith.constant 0 : i32
      %dma_start3A_520 = tpu.memref_slice %arg3[%dma_start3A_518, %dma_start3A_519] : memref<100000x128xf32, #tpu.memory_space<hbm>> -> memref<100000x128xf32, #tpu.memory_space<hbm>>
      tpu.enqueue_indirect_dma source(%dma_start3A_520 : memref<100000x128xf32, #tpu.memory_space<hbm>>) target(%arg6 : memref<100x128xf32, #tpu.memory_space<vmem>>) offsets(%dma_start3A_517 : memref<100xi32, #tpu.memory_space<vmem>>) semaphore(%arg10 : memref<!tpu.dma_semaphore, #tpu.memory_space<semaphore_mem>>)
      %dma_wait3A_521 = arith.constant 0 : i32
      %dma_wait3A_522 = arith.constant 0 : i32
      %dma_wait3A_523 = arith.constant 0 : i32
      %dma_wait3A_524 = tpu.memref_slice %arg7[%dma_wait3A_522, %dma_wait3A_523] : memref<100x128xf32, #tpu.memory_space<vmem>> -> memref<50x128xf32, #tpu.memory_space<vmem>>
      %dma_wait3A_525 = arith.constant 0 : i32
      %dma_wait3A_526 = arith.constant 0 : i32
      %dma_wait3A_527 = tpu.memref_slice %arg4[%dma_wait3A_521, %dma_wait3A_525, %dma_wait3A_526] : memref<4096x50x128xf32, #tpu.memory_space<hbm>> -> memref<1x50x128xf32, #tpu.memory_space<hbm>>
      %dma_wait3A_528 = tpu.memref_squeeze %dma_wait3A_527 : memref<1x50x128xf32, #tpu.memory_space<hbm>> -> memref<50x128xf32, #tpu.memory_space<hbm>>
      %dma_wait3A_529 = arith.constant 0 : i32
      %dma_wait3A_530 = arith.constant 0 : i32
      %dma_wait3A_531 = tpu.memref_slice %arg4[%dma_wait3A_521, %dma_wait3A_529, %dma_wait3A_530] : memref<4096x50x128xf32, #tpu.memory_space<hbm>> -> memref<1x50x128xf32, #tpu.memory_space<hbm>>
      %dma_wait3A_532 = tpu.memref_squeeze %dma_wait3A_531 : memref<1x50x128xf32, #tpu.memory_space<hbm>> -> memref<50x128xf32, #tpu.memory_space<hbm>>
      %dma_wait3A_533 = arith.constant 0 : i32
      %dma_wait3A_534 = arith.constant 0 : i32
      %dma_wait3A_535 = tpu.memref_slice %arg7[%dma_wait3A_533, %dma_wait3A_534] : memref<100x128xf32, #tpu.memory_space<vmem>> -> memref<50x128xf32, #tpu.memory_space<vmem>>
      tpu.wait_dma2 semaphore(%arg15 : memref<!tpu.dma_semaphore, #tpu.memory_space<semaphore_mem>>) src(%dma_wait3A_535 : memref<50x128xf32, #tpu.memory_space<vmem>>) dst(%dma_wait3A_532 : memref<50x128xf32, #tpu.memory_space<hbm>>)
      %dma_wait3A_536 = arith.constant 0 : i32
      %dma_wait3A_537 = arith.constant 0 : i32
      %dma_wait3A_538 = arith.constant 0 : i32
      %dma_wait3A_539 = tpu.memref_slice %arg7[%dma_wait3A_537, %dma_wait3A_538] : memref<100x128xf32, #tpu.memory_space<vmem>> -> memref<50x128xf32, #tpu.memory_space<vmem>>
      %dma_wait3A_540 = arith.constant 0 : i32
      %dma_wait3A_541 = arith.constant 0 : i32
      %dma_wait3A_542 = tpu.memref_slice %arg4[%dma_wait3A_536, %dma_wait3A_540, %dma_wait3A_541] : memref<4096x50x128xf32, #tpu.memory_space<hbm>> -> memref<1x50x128xf32, #tpu.memory_space<hbm>>
      %dma_wait3A_543 = tpu.memref_squeeze %dma_wait3A_542 : memref<1x50x128xf32, #tpu.memory_space<hbm>> -> memref<50x128xf32, #tpu.memory_space<hbm>>
      %dma_wait3A_544 = arith.constant 0 : i32
      %dma_wait3A_545 = arith.constant 0 : i32
      %dma_wait3A_546 = tpu.memref_slice %arg4[%dma_wait3A_536, %dma_wait3A_544, %dma_wait3A_545] : memref<4096x50x128xf32, #tpu.memory_space<hbm>> -> memref<1x50x128xf32, #tpu.memory_space<hbm>>
      %dma_wait3A_547 = tpu.memref_squeeze %dma_wait3A_546 : memref<1x50x128xf32, #tpu.memory_space<hbm>> -> memref<50x128xf32, #tpu.memory_space<hbm>>
      %dma_wait3A_548 = arith.constant 0 : i32
      %dma_wait3A_549 = arith.constant 0 : i32
      %dma_wait3A_550 = tpu.memref_slice %arg7[%dma_wait3A_548, %dma_wait3A_549] : memref<100x128xf32, #tpu.memory_space<vmem>> -> memref<50x128xf32, #tpu.memory_space<vmem>>
      tpu.wait_dma2 semaphore(%arg15 : memref<!tpu.dma_semaphore, #tpu.memory_space<semaphore_mem>>) src(%dma_wait3A_550 : memref<50x128xf32, #tpu.memory_space<vmem>>) dst(%dma_wait3A_547 : memref<50x128xf32, #tpu.memory_space<hbm>>)
      %add3A_551 = arith.constant 4 : i32
      %add3A_552 = arith.addi %mul3A_312, %add3A_551 : i32
      %add3A_553 = arith.constant 1 : i32
      %add3A_554 = arith.addi %add3A_552, %add3A_553 : i32
      %dma_start3A_555 = arith.constant 0 : i32
      %dma_start3A_556 = tpu.memref_slice %arg5[%add3A_554, %dma_start3A_555] : memref<64x100xi32, #tpu.memory_space<vmem>> -> memref<1x100xi32, #tpu.memory_space<vmem>>
      %dma_start3A_557 = tpu.memref_squeeze %dma_start3A_556 : memref<1x100xi32, #tpu.memory_space<vmem>> -> memref<100xi32, #tpu.memory_space<vmem>>
      %dma_start3A_558 = arith.constant 0 : i32
      %dma_start3A_559 = arith.constant 0 : i32
      %dma_start3A_560 = tpu.memref_slice %arg3[%dma_start3A_558, %dma_start3A_559] : memref<100000x128xf32, #tpu.memory_space<hbm>> -> memref<100000x128xf32, #tpu.memory_space<hbm>>
      tpu.enqueue_indirect_dma source(%dma_start3A_560 : memref<100000x128xf32, #tpu.memory_space<hbm>>) target(%arg7 : memref<100x128xf32, #tpu.memory_space<vmem>>) offsets(%dma_start3A_557 : memref<100xi32, #tpu.memory_space<vmem>>) semaphore(%arg11 : memref<!tpu.dma_semaphore, #tpu.memory_space<semaphore_mem>>)
      %dma_wait3A_561 = arith.constant 0 : i32
      %dma_wait3A_562 = arith.constant 0 : i32
      %dma_wait3A_563 = arith.constant 0 : i32
      %dma_wait3A_564 = tpu.memref_slice %arg8[%dma_wait3A_562, %dma_wait3A_563] : memref<100x128xf32, #tpu.memory_space<vmem>> -> memref<50x128xf32, #tpu.memory_space<vmem>>
      %dma_wait3A_565 = arith.constant 0 : i32
      %dma_wait3A_566 = arith.constant 0 : i32
      %dma_wait3A_567 = tpu.memref_slice %arg4[%dma_wait3A_561, %dma_wait3A_565, %dma_wait3A_566] : memref<4096x50x128xf32, #tpu.memory_space<hbm>> -> memref<1x50x128xf32, #tpu.memory_space<hbm>>
      %dma_wait3A_568 = tpu.memref_squeeze %dma_wait3A_567 : memref<1x50x128xf32, #tpu.memory_space<hbm>> -> memref<50x128xf32, #tpu.memory_space<hbm>>
      %dma_wait3A_569 = arith.constant 0 : i32
      %dma_wait3A_570 = arith.constant 0 : i32
      %dma_wait3A_571 = tpu.memref_slice %arg4[%dma_wait3A_561, %dma_wait3A_569, %dma_wait3A_570] : memref<4096x50x128xf32, #tpu.memory_space<hbm>> -> memref<1x50x128xf32, #tpu.memory_space<hbm>>
      %dma_wait3A_572 = tpu.memref_squeeze %dma_wait3A_571 : memref<1x50x128xf32, #tpu.memory_space<hbm>> -> memref<50x128xf32, #tpu.memory_space<hbm>>
      %dma_wait3A_573 = arith.constant 0 : i32
      %dma_wait3A_574 = arith.constant 0 : i32
      %dma_wait3A_575 = tpu.memref_slice %arg8[%dma_wait3A_573, %dma_wait3A_574] : memref<100x128xf32, #tpu.memory_space<vmem>> -> memref<50x128xf32, #tpu.memory_space<vmem>>
      tpu.wait_dma2 semaphore(%arg16 : memref<!tpu.dma_semaphore, #tpu.memory_space<semaphore_mem>>) src(%dma_wait3A_575 : memref<50x128xf32, #tpu.memory_space<vmem>>) dst(%dma_wait3A_572 : memref<50x128xf32, #tpu.memory_space<hbm>>)
      %dma_wait3A_576 = arith.constant 0 : i32
      %dma_wait3A_577 = arith.constant 0 : i32
      %dma_wait3A_578 = arith.constant 0 : i32
      %dma_wait3A_579 = tpu.memref_slice %arg8[%dma_wait3A_577, %dma_wait3A_578] : memref<100x128xf32, #tpu.memory_space<vmem>> -> memref<50x128xf32, #tpu.memory_space<vmem>>
      %dma_wait3A_580 = arith.constant 0 : i32
      %dma_wait3A_581 = arith.constant 0 : i32
      %dma_wait3A_582 = tpu.memref_slice %arg4[%dma_wait3A_576, %dma_wait3A_580, %dma_wait3A_581] : memref<4096x50x128xf32, #tpu.memory_space<hbm>> -> memref<1x50x128xf32, #tpu.memory_space<hbm>>
      %dma_wait3A_583 = tpu.memref_squeeze %dma_wait3A_582 : memref<1x50x128xf32, #tpu.memory_space<hbm>> -> memref<50x128xf32, #tpu.memory_space<hbm>>
      %dma_wait3A_584 = arith.constant 0 : i32
      %dma_wait3A_585 = arith.constant 0 : i32
      %dma_wait3A_586 = tpu.memref_slice %arg4[%dma_wait3A_576, %dma_wait3A_584, %dma_wait3A_585] : memref<4096x50x128xf32, #tpu.memory_space<hbm>> -> memref<1x50x128xf32, #tpu.memory_space<hbm>>
      %dma_wait3A_587 = tpu.memref_squeeze %dma_wait3A_586 : memref<1x50x128xf32, #tpu.memory_space<hbm>> -> memref<50x128xf32, #tpu.memory_space<hbm>>
      %dma_wait3A_588 = arith.constant 0 : i32
      %dma_wait3A_589 = arith.constant 0 : i32
      %dma_wait3A_590 = tpu.memref_slice %arg8[%dma_wait3A_588, %dma_wait3A_589] : memref<100x128xf32, #tpu.memory_space<vmem>> -> memref<50x128xf32, #tpu.memory_space<vmem>>
      tpu.wait_dma2 semaphore(%arg16 : memref<!tpu.dma_semaphore, #tpu.memory_space<semaphore_mem>>) src(%dma_wait3A_590 : memref<50x128xf32, #tpu.memory_space<vmem>>) dst(%dma_wait3A_587 : memref<50x128xf32, #tpu.memory_space<hbm>>)
      %add3A_591 = arith.constant 4 : i32
      %add3A_592 = arith.addi %mul3A_312, %add3A_591 : i32
      %add3A_593 = arith.constant 2 : i32
      %add3A_594 = arith.addi %add3A_592, %add3A_593 : i32
      %dma_start3A_595 = arith.constant 0 : i32
      %dma_start3A_596 = tpu.memref_slice %arg5[%add3A_594, %dma_start3A_595] : memref<64x100xi32, #tpu.memory_space<vmem>> -> memref<1x100xi32, #tpu.memory_space<vmem>>
      %dma_start3A_597 = tpu.memref_squeeze %dma_start3A_596 : memref<1x100xi32, #tpu.memory_space<vmem>> -> memref<100xi32, #tpu.memory_space<vmem>>
      %dma_start3A_598 = arith.constant 0 : i32
      %dma_start3A_599 = arith.constant 0 : i32
      %dma_start3A_600 = tpu.memref_slice %arg3[%dma_start3A_598, %dma_start3A_599] : memref<100000x128xf32, #tpu.memory_space<hbm>> -> memref<100000x128xf32, #tpu.memory_space<hbm>>
      tpu.enqueue_indirect_dma source(%dma_start3A_600 : memref<100000x128xf32, #tpu.memory_space<hbm>>) target(%arg8 : memref<100x128xf32, #tpu.memory_space<vmem>>) offsets(%dma_start3A_597 : memref<100xi32, #tpu.memory_space<vmem>>) semaphore(%arg12 : memref<!tpu.dma_semaphore, #tpu.memory_space<semaphore_mem>>)
      %dma_wait3A_601 = arith.constant 0 : i32
      %dma_wait3A_602 = arith.constant 0 : i32
      %dma_wait3A_603 = arith.constant 0 : i32
      %dma_wait3A_604 = tpu.memref_slice %arg9[%dma_wait3A_602, %dma_wait3A_603] : memref<100x128xf32, #tpu.memory_space<vmem>> -> memref<50x128xf32, #tpu.memory_space<vmem>>
      %dma_wait3A_605 = arith.constant 0 : i32
      %dma_wait3A_606 = arith.constant 0 : i32
      %dma_wait3A_607 = tpu.memref_slice %arg4[%dma_wait3A_601, %dma_wait3A_605, %dma_wait3A_606] : memref<4096x50x128xf32, #tpu.memory_space<hbm>> -> memref<1x50x128xf32, #tpu.memory_space<hbm>>
      %dma_wait3A_608 = tpu.memref_squeeze %dma_wait3A_607 : memref<1x50x128xf32, #tpu.memory_space<hbm>> -> memref<50x128xf32, #tpu.memory_space<hbm>>
      %dma_wait3A_609 = arith.constant 0 : i32
      %dma_wait3A_610 = arith.constant 0 : i32
      %dma_wait3A_611 = tpu.memref_slice %arg4[%dma_wait3A_601, %dma_wait3A_609, %dma_wait3A_610] : memref<4096x50x128xf32, #tpu.memory_space<hbm>> -> memref<1x50x128xf32, #tpu.memory_space<hbm>>
      %dma_wait3A_612 = tpu.memref_squeeze %dma_wait3A_611 : memref<1x50x128xf32, #tpu.memory_space<hbm>> -> memref<50x128xf32, #tpu.memory_space<hbm>>
      %dma_wait3A_613 = arith.constant 0 : i32
      %dma_wait3A_614 = arith.constant 0 : i32
      %dma_wait3A_615 = tpu.memref_slice %arg9[%dma_wait3A_613, %dma_wait3A_614] : memref<100x128xf32, #tpu.memory_space<vmem>> -> memref<50x128xf32, #tpu.memory_space<vmem>>
      tpu.wait_dma2 semaphore(%arg17 : memref<!tpu.dma_semaphore, #tpu.memory_space<semaphore_mem>>) src(%dma_wait3A_615 : memref<50x128xf32, #tpu.memory_space<vmem>>) dst(%dma_wait3A_612 : memref<50x128xf32, #tpu.memory_space<hbm>>)
      %dma_wait3A_616 = arith.constant 0 : i32
      %dma_wait3A_617 = arith.constant 0 : i32
      %dma_wait3A_618 = arith.constant 0 : i32
      %dma_wait3A_619 = tpu.memref_slice %arg9[%dma_wait3A_617, %dma_wait3A_618] : memref<100x128xf32, #tpu.memory_space<vmem>> -> memref<50x128xf32, #tpu.memory_space<vmem>>
      %dma_wait3A_620 = arith.constant 0 : i32
      %dma_wait3A_621 = arith.constant 0 : i32
      %dma_wait3A_622 = tpu.memref_slice %arg4[%dma_wait3A_616, %dma_wait3A_620, %dma_wait3A_621] : memref<4096x50x128xf32, #tpu.memory_space<hbm>> -> memref<1x50x128xf32, #tpu.memory_space<hbm>>
      %dma_wait3A_623 = tpu.memref_squeeze %dma_wait3A_622 : memref<1x50x128xf32, #tpu.memory_space<hbm>> -> memref<50x128xf32, #tpu.memory_space<hbm>>
      %dma_wait3A_624 = arith.constant 0 : i32
      %dma_wait3A_625 = arith.constant 0 : i32
      %dma_wait3A_626 = tpu.memref_slice %arg4[%dma_wait3A_616, %dma_wait3A_624, %dma_wait3A_625] : memref<4096x50x128xf32, #tpu.memory_space<hbm>> -> memref<1x50x128xf32, #tpu.memory_space<hbm>>
      %dma_wait3A_627 = tpu.memref_squeeze %dma_wait3A_626 : memref<1x50x128xf32, #tpu.memory_space<hbm>> -> memref<50x128xf32, #tpu.memory_space<hbm>>
      %dma_wait3A_628 = arith.constant 0 : i32
      %dma_wait3A_629 = arith.constant 0 : i32
      %dma_wait3A_630 = tpu.memref_slice %arg9[%dma_wait3A_628, %dma_wait3A_629] : memref<100x128xf32, #tpu.memory_space<vmem>> -> memref<50x128xf32, #tpu.memory_space<vmem>>
      tpu.wait_dma2 semaphore(%arg17 : memref<!tpu.dma_semaphore, #tpu.memory_space<semaphore_mem>>) src(%dma_wait3A_630 : memref<50x128xf32, #tpu.memory_space<vmem>>) dst(%dma_wait3A_627 : memref<50x128xf32, #tpu.memory_space<hbm>>)
      %add3A_631 = arith.constant 4 : i32
      %add3A_632 = arith.addi %mul3A_312, %add3A_631 : i32
      %add3A_633 = arith.constant 3 : i32
      %add3A_634 = arith.addi %add3A_632, %add3A_633 : i32
      %dma_start3A_635 = arith.constant 0 : i32
      %dma_start3A_636 = tpu.memref_slice %arg5[%add3A_634, %dma_start3A_635] : memref<64x100xi32, #tpu.memory_space<vmem>> -> memref<1x100xi32, #tpu.memory_space<vmem>>
      %dma_start3A_637 = tpu.memref_squeeze %dma_start3A_636 : memref<1x100xi32, #tpu.memory_space<vmem>> -> memref<100xi32, #tpu.memory_space<vmem>>
      %dma_start3A_638 = arith.constant 0 : i32
      %dma_start3A_639 = arith.constant 0 : i32
      %dma_start3A_640 = tpu.memref_slice %arg3[%dma_start3A_638, %dma_start3A_639] : memref<100000x128xf32, #tpu.memory_space<hbm>> -> memref<100000x128xf32, #tpu.memory_space<hbm>>
      tpu.enqueue_indirect_dma source(%dma_start3A_640 : memref<100000x128xf32, #tpu.memory_space<hbm>>) target(%arg9 : memref<100x128xf32, #tpu.memory_space<vmem>>) offsets(%dma_start3A_637 : memref<100xi32, #tpu.memory_space<vmem>>) semaphore(%arg13 : memref<!tpu.dma_semaphore, #tpu.memory_space<semaphore_mem>>)
    }
    %scan3A_34 = arith.constant 15 : i32
    %dma_wait3A = arith.constant 0 : i32
    %dma_wait3A_35 = arith.constant 0 : i32
    %dma_wait3A_36 = tpu.memref_slice %arg5[%dma_wait3A, %dma_wait3A_35] : memref<64x100xi32, #tpu.memory_space<vmem>> -> memref<1x100xi32, #tpu.memory_space<vmem>>
    %dma_wait3A_37 = tpu.memref_squeeze %dma_wait3A_36 : memref<1x100xi32, #tpu.memory_space<vmem>> -> memref<100xi32, #tpu.memory_space<vmem>>
    %dma_wait3A_38 = arith.constant 0 : i32
    %dma_wait3A_39 = arith.constant 0 : i32
    %dma_wait3A_40 = tpu.memref_slice %arg3[%dma_wait3A_38, %dma_wait3A_39] : memref<100000x128xf32, #tpu.memory_space<hbm>> -> memref<100000x128xf32, #tpu.memory_space<hbm>>
    tpu.wait_indirect_dma semaphore(%arg10 : memref<!tpu.dma_semaphore, #tpu.memory_space<semaphore_mem>>) src(%dma_wait3A_40 : memref<100000x128xf32, #tpu.memory_space<hbm>>) dst(%arg6 : memref<100x128xf32, #tpu.memory_space<vmem>>)
    %add3A_41 = arith.constant 120 : i32
    %add3A_42 = arith.addi %mul3A_2, %add3A_41 : i32
    %dma_start3A_43 = arith.constant 0 : i32
    %dma_start3A_44 = arith.constant 0 : i32
    %dma_start3A_45 = tpu.memref_slice %arg6[%dma_start3A_43, %dma_start3A_44] : memref<100x128xf32, #tpu.memory_space<vmem>> -> memref<50x128xf32, #tpu.memory_space<vmem>>
    %dma_start3A_46 = arith.constant 0 : i32
    %dma_start3A_47 = arith.constant 0 : i32
    %dma_start3A_48 = tpu.memref_slice %arg4[%add3A_42, %dma_start3A_46, %dma_start3A_47] : memref<4096x50x128xf32, #tpu.memory_space<hbm>> -> memref<1x50x128xf32, #tpu.memory_space<hbm>>
    %dma_start3A_49 = tpu.memref_squeeze %dma_start3A_48 : memref<1x50x128xf32, #tpu.memory_space<hbm>> -> memref<50x128xf32, #tpu.memory_space<hbm>>
    %dma_start3A_50 = arith.constant 0 : i32
    %dma_start3A_51 = arith.constant 0 : i32
    %dma_start3A_52 = tpu.memref_slice %arg4[%add3A_42, %dma_start3A_50, %dma_start3A_51] : memref<4096x50x128xf32, #tpu.memory_space<hbm>> -> memref<1x50x128xf32, #tpu.memory_space<hbm>>
    %dma_start3A_53 = tpu.memref_squeeze %dma_start3A_52 : memref<1x50x128xf32, #tpu.memory_space<hbm>> -> memref<50x128xf32, #tpu.memory_space<hbm>>
    %dma_start3A_54 = arith.constant 0 : i32
    %dma_start3A_55 = arith.constant 0 : i32
    %dma_start3A_56 = tpu.memref_slice %arg6[%dma_start3A_54, %dma_start3A_55] : memref<100x128xf32, #tpu.memory_space<vmem>> -> memref<50x128xf32, #tpu.memory_space<vmem>>
    tpu.enqueue_dma source(%dma_start3A_56 : memref<50x128xf32, #tpu.memory_space<vmem>>) target(%dma_start3A_53 : memref<50x128xf32, #tpu.memory_space<hbm>>) target_semaphore(%arg14 : memref<!tpu.dma_semaphore, #tpu.memory_space<semaphore_mem>>)
    %add3A_57 = arith.constant 1 : i32
    %add3A_58 = arith.addi %add3A_42, %add3A_57 : i32
    %dma_start3A_59 = arith.constant 50 : i32
    %dma_start3A_60 = arith.constant 0 : i32
    %dma_start3A_61 = tpu.memref_slice %arg6[%dma_start3A_59, %dma_start3A_60] : memref<100x128xf32, #tpu.memory_space<vmem>> -> memref<50x128xf32, #tpu.memory_space<vmem>>
    %dma_start3A_62 = arith.constant 0 : i32
    %dma_start3A_63 = arith.constant 0 : i32
    %dma_start3A_64 = tpu.memref_slice %arg4[%add3A_58, %dma_start3A_62, %dma_start3A_63] : memref<4096x50x128xf32, #tpu.memory_space<hbm>> -> memref<1x50x128xf32, #tpu.memory_space<hbm>>
    %dma_start3A_65 = tpu.memref_squeeze %dma_start3A_64 : memref<1x50x128xf32, #tpu.memory_space<hbm>> -> memref<50x128xf32, #tpu.memory_space<hbm>>
    %dma_start3A_66 = arith.constant 0 : i32
    %dma_start3A_67 = arith.constant 0 : i32
    %dma_start3A_68 = tpu.memref_slice %arg4[%add3A_58, %dma_start3A_66, %dma_start3A_67] : memref<4096x50x128xf32, #tpu.memory_space<hbm>> -> memref<1x50x128xf32, #tpu.memory_space<hbm>>
    %dma_start3A_69 = tpu.memref_squeeze %dma_start3A_68 : memref<1x50x128xf32, #tpu.memory_space<hbm>> -> memref<50x128xf32, #tpu.memory_space<hbm>>
    %dma_start3A_70 = arith.constant 50 : i32
    %dma_start3A_71 = arith.constant 0 : i32
    %dma_start3A_72 = tpu.memref_slice %arg6[%dma_start3A_70, %dma_start3A_71] : memref<100x128xf32, #tpu.memory_space<vmem>> -> memref<50x128xf32, #tpu.memory_space<vmem>>
    tpu.enqueue_dma source(%dma_start3A_72 : memref<50x128xf32, #tpu.memory_space<vmem>>) target(%dma_start3A_69 : memref<50x128xf32, #tpu.memory_space<hbm>>) target_semaphore(%arg14 : memref<!tpu.dma_semaphore, #tpu.memory_space<semaphore_mem>>)
    %dma_wait3A_73 = arith.constant 0 : i32
    %dma_wait3A_74 = arith.constant 0 : i32
    %dma_wait3A_75 = tpu.memref_slice %arg5[%dma_wait3A_73, %dma_wait3A_74] : memref<64x100xi32, #tpu.memory_space<vmem>> -> memref<1x100xi32, #tpu.memory_space<vmem>>
    %dma_wait3A_76 = tpu.memref_squeeze %dma_wait3A_75 : memref<1x100xi32, #tpu.memory_space<vmem>> -> memref<100xi32, #tpu.memory_space<vmem>>
    %dma_wait3A_77 = arith.constant 0 : i32
    %dma_wait3A_78 = arith.constant 0 : i32
    %dma_wait3A_79 = tpu.memref_slice %arg3[%dma_wait3A_77, %dma_wait3A_78] : memref<100000x128xf32, #tpu.memory_space<hbm>> -> memref<100000x128xf32, #tpu.memory_space<hbm>>
    tpu.wait_indirect_dma semaphore(%arg11 : memref<!tpu.dma_semaphore, #tpu.memory_space<semaphore_mem>>) src(%dma_wait3A_79 : memref<100000x128xf32, #tpu.memory_space<hbm>>) dst(%arg7 : memref<100x128xf32, #tpu.memory_space<vmem>>)
    %add3A_80 = arith.constant 122 : i32
    %add3A_81 = arith.addi %mul3A_2, %add3A_80 : i32
    %dma_start3A_82 = arith.constant 0 : i32
    %dma_start3A_83 = arith.constant 0 : i32
    %dma_start3A_84 = tpu.memref_slice %arg7[%dma_start3A_82, %dma_start3A_83] : memref<100x128xf32, #tpu.memory_space<vmem>> -> memref<50x128xf32, #tpu.memory_space<vmem>>
    %dma_start3A_85 = arith.constant 0 : i32
    %dma_start3A_86 = arith.constant 0 : i32
    %dma_start3A_87 = tpu.memref_slice %arg4[%add3A_81, %dma_start3A_85, %dma_start3A_86] : memref<4096x50x128xf32, #tpu.memory_space<hbm>> -> memref<1x50x128xf32, #tpu.memory_space<hbm>>
    %dma_start3A_88 = tpu.memref_squeeze %dma_start3A_87 : memref<1x50x128xf32, #tpu.memory_space<hbm>> -> memref<50x128xf32, #tpu.memory_space<hbm>>
    %dma_start3A_89 = arith.constant 0 : i32
    %dma_start3A_90 = arith.constant 0 : i32
    %dma_start3A_91 = tpu.memref_slice %arg4[%add3A_81, %dma_start3A_89, %dma_start3A_90] : memref<4096x50x128xf32, #tpu.memory_space<hbm>> -> memref<1x50x128xf32, #tpu.memory_space<hbm>>
    %dma_start3A_92 = tpu.memref_squeeze %dma_start3A_91 : memref<1x50x128xf32, #tpu.memory_space<hbm>> -> memref<50x128xf32, #tpu.memory_space<hbm>>
    %dma_start3A_93 = arith.constant 0 : i32
    %dma_start3A_94 = arith.constant 0 : i32
    %dma_start3A_95 = tpu.memref_slice %arg7[%dma_start3A_93, %dma_start3A_94] : memref<100x128xf32, #tpu.memory_space<vmem>> -> memref<50x128xf32, #tpu.memory_space<vmem>>
    tpu.enqueue_dma source(%dma_start3A_95 : memref<50x128xf32, #tpu.memory_space<vmem>>) target(%dma_start3A_92 : memref<50x128xf32, #tpu.memory_space<hbm>>) target_semaphore(%arg15 : memref<!tpu.dma_semaphore, #tpu.memory_space<semaphore_mem>>)
    %add3A_96 = arith.constant 1 : i32
    %add3A_97 = arith.addi %add3A_81, %add3A_96 : i32
    %dma_start3A_98 = arith.constant 50 : i32
    %dma_start3A_99 = arith.constant 0 : i32
    %dma_start3A_100 = tpu.memref_slice %arg7[%dma_start3A_98, %dma_start3A_99] : memref<100x128xf32, #tpu.memory_space<vmem>> -> memref<50x128xf32, #tpu.memory_space<vmem>>
    %dma_start3A_101 = arith.constant 0 : i32
    %dma_start3A_102 = arith.constant 0 : i32
    %dma_start3A_103 = tpu.memref_slice %arg4[%add3A_97, %dma_start3A_101, %dma_start3A_102] : memref<4096x50x128xf32, #tpu.memory_space<hbm>> -> memref<1x50x128xf32, #tpu.memory_space<hbm>>
    %dma_start3A_104 = tpu.memref_squeeze %dma_start3A_103 : memref<1x50x128xf32, #tpu.memory_space<hbm>> -> memref<50x128xf32, #tpu.memory_space<hbm>>
    %dma_start3A_105 = arith.constant 0 : i32
    %dma_start3A_106 = arith.constant 0 : i32
    %dma_start3A_107 = tpu.memref_slice %arg4[%add3A_97, %dma_start3A_105, %dma_start3A_106] : memref<4096x50x128xf32, #tpu.memory_space<hbm>> -> memref<1x50x128xf32, #tpu.memory_space<hbm>>
    %dma_start3A_108 = tpu.memref_squeeze %dma_start3A_107 : memref<1x50x128xf32, #tpu.memory_space<hbm>> -> memref<50x128xf32, #tpu.memory_space<hbm>>
    %dma_start3A_109 = arith.constant 50 : i32
    %dma_start3A_110 = arith.constant 0 : i32
    %dma_start3A_111 = tpu.memref_slice %arg7[%dma_start3A_109, %dma_start3A_110] : memref<100x128xf32, #tpu.memory_space<vmem>> -> memref<50x128xf32, #tpu.memory_space<vmem>>
    tpu.enqueue_dma source(%dma_start3A_111 : memref<50x128xf32, #tpu.memory_space<vmem>>) target(%dma_start3A_108 : memref<50x128xf32, #tpu.memory_space<hbm>>) target_semaphore(%arg15 : memref<!tpu.dma_semaphore, #tpu.memory_space<semaphore_mem>>)
    %dma_wait3A_112 = arith.constant 0 : i32
    %dma_wait3A_113 = arith.constant 0 : i32
    %dma_wait3A_114 = tpu.memref_slice %arg5[%dma_wait3A_112, %dma_wait3A_113] : memref<64x100xi32, #tpu.memory_space<vmem>> -> memref<1x100xi32, #tpu.memory_space<vmem>>
    %dma_wait3A_115 = tpu.memref_squeeze %dma_wait3A_114 : memref<1x100xi32, #tpu.memory_space<vmem>> -> memref<100xi32, #tpu.memory_space<vmem>>
    %dma_wait3A_116 = arith.constant 0 : i32
    %dma_wait3A_117 = arith.constant 0 : i32
    %dma_wait3A_118 = tpu.memref_slice %arg3[%dma_wait3A_116, %dma_wait3A_117] : memref<100000x128xf32, #tpu.memory_space<hbm>> -> memref<100000x128xf32, #tpu.memory_space<hbm>>
    tpu.wait_indirect_dma semaphore(%arg12 : memref<!tpu.dma_semaphore, #tpu.memory_space<semaphore_mem>>) src(%dma_wait3A_118 : memref<100000x128xf32, #tpu.memory_space<hbm>>) dst(%arg8 : memref<100x128xf32, #tpu.memory_space<vmem>>)
    %add3A_119 = arith.constant 124 : i32
    %add3A_120 = arith.addi %mul3A_2, %add3A_119 : i32
    %dma_start3A_121 = arith.constant 0 : i32
    %dma_start3A_122 = arith.constant 0 : i32
    %dma_start3A_123 = tpu.memref_slice %arg8[%dma_start3A_121, %dma_start3A_122] : memref<100x128xf32, #tpu.memory_space<vmem>> -> memref<50x128xf32, #tpu.memory_space<vmem>>
    %dma_start3A_124 = arith.constant 0 : i32
    %dma_start3A_125 = arith.constant 0 : i32
    %dma_start3A_126 = tpu.memref_slice %arg4[%add3A_120, %dma_start3A_124, %dma_start3A_125] : memref<4096x50x128xf32, #tpu.memory_space<hbm>> -> memref<1x50x128xf32, #tpu.memory_space<hbm>>
    %dma_start3A_127 = tpu.memref_squeeze %dma_start3A_126 : memref<1x50x128xf32, #tpu.memory_space<hbm>> -> memref<50x128xf32, #tpu.memory_space<hbm>>
    %dma_start3A_128 = arith.constant 0 : i32
    %dma_start3A_129 = arith.constant 0 : i32
    %dma_start3A_130 = tpu.memref_slice %arg4[%add3A_120, %dma_start3A_128, %dma_start3A_129] : memref<4096x50x128xf32, #tpu.memory_space<hbm>> -> memref<1x50x128xf32, #tpu.memory_space<hbm>>
    %dma_start3A_131 = tpu.memref_squeeze %dma_start3A_130 : memref<1x50x128xf32, #tpu.memory_space<hbm>> -> memref<50x128xf32, #tpu.memory_space<hbm>>
    %dma_start3A_132 = arith.constant 0 : i32
    %dma_start3A_133 = arith.constant 0 : i32
    %dma_start3A_134 = tpu.memref_slice %arg8[%dma_start3A_132, %dma_start3A_133] : memref<100x128xf32, #tpu.memory_space<vmem>> -> memref<50x128xf32, #tpu.memory_space<vmem>>
    tpu.enqueue_dma source(%dma_start3A_134 : memref<50x128xf32, #tpu.memory_space<vmem>>) target(%dma_start3A_131 : memref<50x128xf32, #tpu.memory_space<hbm>>) target_semaphore(%arg16 : memref<!tpu.dma_semaphore, #tpu.memory_space<semaphore_mem>>)
    %add3A_135 = arith.constant 1 : i32
    %add3A_136 = arith.addi %add3A_120, %add3A_135 : i32
    %dma_start3A_137 = arith.constant 50 : i32
    %dma_start3A_138 = arith.constant 0 : i32
    %dma_start3A_139 = tpu.memref_slice %arg8[%dma_start3A_137, %dma_start3A_138] : memref<100x128xf32, #tpu.memory_space<vmem>> -> memref<50x128xf32, #tpu.memory_space<vmem>>
    %dma_start3A_140 = arith.constant 0 : i32
    %dma_start3A_141 = arith.constant 0 : i32
    %dma_start3A_142 = tpu.memref_slice %arg4[%add3A_136, %dma_start3A_140, %dma_start3A_141] : memref<4096x50x128xf32, #tpu.memory_space<hbm>> -> memref<1x50x128xf32, #tpu.memory_space<hbm>>
    %dma_start3A_143 = tpu.memref_squeeze %dma_start3A_142 : memref<1x50x128xf32, #tpu.memory_space<hbm>> -> memref<50x128xf32, #tpu.memory_space<hbm>>
    %dma_start3A_144 = arith.constant 0 : i32
    %dma_start3A_145 = arith.constant 0 : i32
    %dma_start3A_146 = tpu.memref_slice %arg4[%add3A_136, %dma_start3A_144, %dma_start3A_145] : memref<4096x50x128xf32, #tpu.memory_space<hbm>> -> memref<1x50x128xf32, #tpu.memory_space<hbm>>
    %dma_start3A_147 = tpu.memref_squeeze %dma_start3A_146 : memref<1x50x128xf32, #tpu.memory_space<hbm>> -> memref<50x128xf32, #tpu.memory_space<hbm>>
    %dma_start3A_148 = arith.constant 50 : i32
    %dma_start3A_149 = arith.constant 0 : i32
    %dma_start3A_150 = tpu.memref_slice %arg8[%dma_start3A_148, %dma_start3A_149] : memref<100x128xf32, #tpu.memory_space<vmem>> -> memref<50x128xf32, #tpu.memory_space<vmem>>
    tpu.enqueue_dma source(%dma_start3A_150 : memref<50x128xf32, #tpu.memory_space<vmem>>) target(%dma_start3A_147 : memref<50x128xf32, #tpu.memory_space<hbm>>) target_semaphore(%arg16 : memref<!tpu.dma_semaphore, #tpu.memory_space<semaphore_mem>>)
    %dma_wait3A_151 = arith.constant 0 : i32
    %dma_wait3A_152 = arith.constant 0 : i32
    %dma_wait3A_153 = tpu.memref_slice %arg5[%dma_wait3A_151, %dma_wait3A_152] : memref<64x100xi32, #tpu.memory_space<vmem>> -> memref<1x100xi32, #tpu.memory_space<vmem>>
    %dma_wait3A_154 = tpu.memref_squeeze %dma_wait3A_153 : memref<1x100xi32, #tpu.memory_space<vmem>> -> memref<100xi32, #tpu.memory_space<vmem>>
    %dma_wait3A_155 = arith.constant 0 : i32
    %dma_wait3A_156 = arith.constant 0 : i32
    %dma_wait3A_157 = tpu.memref_slice %arg3[%dma_wait3A_155, %dma_wait3A_156] : memref<100000x128xf32, #tpu.memory_space<hbm>> -> memref<100000x128xf32, #tpu.memory_space<hbm>>
    tpu.wait_indirect_dma semaphore(%arg13 : memref<!tpu.dma_semaphore, #tpu.memory_space<semaphore_mem>>) src(%dma_wait3A_157 : memref<100000x128xf32, #tpu.memory_space<hbm>>) dst(%arg9 : memref<100x128xf32, #tpu.memory_space<vmem>>)
    %add3A_158 = arith.constant 126 : i32
    %add3A_159 = arith.addi %mul3A_2, %add3A_158 : i32
    %dma_start3A_160 = arith.constant 0 : i32
    %dma_start3A_161 = arith.constant 0 : i32
    %dma_start3A_162 = tpu.memref_slice %arg9[%dma_start3A_160, %dma_start3A_161] : memref<100x128xf32, #tpu.memory_space<vmem>> -> memref<50x128xf32, #tpu.memory_space<vmem>>
    %dma_start3A_163 = arith.constant 0 : i32
    %dma_start3A_164 = arith.constant 0 : i32
    %dma_start3A_165 = tpu.memref_slice %arg4[%add3A_159, %dma_start3A_163, %dma_start3A_164] : memref<4096x50x128xf32, #tpu.memory_space<hbm>> -> memref<1x50x128xf32, #tpu.memory_space<hbm>>
    %dma_start3A_166 = tpu.memref_squeeze %dma_start3A_165 : memref<1x50x128xf32, #tpu.memory_space<hbm>> -> memref<50x128xf32, #tpu.memory_space<hbm>>
    %dma_start3A_167 = arith.constant 0 : i32
    %dma_start3A_168 = arith.constant 0 : i32
    %dma_start3A_169 = tpu.memref_slice %arg4[%add3A_159, %dma_start3A_167, %dma_start3A_168] : memref<4096x50x128xf32, #tpu.memory_space<hbm>> -> memref<1x50x128xf32, #tpu.memory_space<hbm>>
    %dma_start3A_170 = tpu.memref_squeeze %dma_start3A_169 : memref<1x50x128xf32, #tpu.memory_space<hbm>> -> memref<50x128xf32, #tpu.memory_space<hbm>>
    %dma_start3A_171 = arith.constant 0 : i32
    %dma_start3A_172 = arith.constant 0 : i32
    %dma_start3A_173 = tpu.memref_slice %arg9[%dma_start3A_171, %dma_start3A_172] : memref<100x128xf32, #tpu.memory_space<vmem>> -> memref<50x128xf32, #tpu.memory_space<vmem>>
    tpu.enqueue_dma source(%dma_start3A_173 : memref<50x128xf32, #tpu.memory_space<vmem>>) target(%dma_start3A_170 : memref<50x128xf32, #tpu.memory_space<hbm>>) target_semaphore(%arg17 : memref<!tpu.dma_semaphore, #tpu.memory_space<semaphore_mem>>)
    %add3A_174 = arith.constant 1 : i32
    %add3A_175 = arith.addi %add3A_159, %add3A_174 : i32
    %dma_start3A_176 = arith.constant 50 : i32
    %dma_start3A_177 = arith.constant 0 : i32
    %dma_start3A_178 = tpu.memref_slice %arg9[%dma_start3A_176, %dma_start3A_177] : memref<100x128xf32, #tpu.memory_space<vmem>> -> memref<50x128xf32, #tpu.memory_space<vmem>>
    %dma_start3A_179 = arith.constant 0 : i32
    %dma_start3A_180 = arith.constant 0 : i32
    %dma_start3A_181 = tpu.memref_slice %arg4[%add3A_175, %dma_start3A_179, %dma_start3A_180] : memref<4096x50x128xf32, #tpu.memory_space<hbm>> -> memref<1x50x128xf32, #tpu.memory_space<hbm>>
    %dma_start3A_182 = tpu.memref_squeeze %dma_start3A_181 : memref<1x50x128xf32, #tpu.memory_space<hbm>> -> memref<50x128xf32, #tpu.memory_space<hbm>>
    %dma_start3A_183 = arith.constant 0 : i32
    %dma_start3A_184 = arith.constant 0 : i32
    %dma_start3A_185 = tpu.memref_slice %arg4[%add3A_175, %dma_start3A_183, %dma_start3A_184] : memref<4096x50x128xf32, #tpu.memory_space<hbm>> -> memref<1x50x128xf32, #tpu.memory_space<hbm>>
    %dma_start3A_186 = tpu.memref_squeeze %dma_start3A_185 : memref<1x50x128xf32, #tpu.memory_space<hbm>> -> memref<50x128xf32, #tpu.memory_space<hbm>>
    %dma_start3A_187 = arith.constant 50 : i32
    %dma_start3A_188 = arith.constant 0 : i32
    %dma_start3A_189 = tpu.memref_slice %arg9[%dma_start3A_187, %dma_start3A_188] : memref<100x128xf32, #tpu.memory_space<vmem>> -> memref<50x128xf32, #tpu.memory_space<vmem>>
    tpu.enqueue_dma source(%dma_start3A_189 : memref<50x128xf32, #tpu.memory_space<vmem>>) target(%dma_start3A_186 : memref<50x128xf32, #tpu.memory_space<hbm>>) target_semaphore(%arg17 : memref<!tpu.dma_semaphore, #tpu.memory_space<semaphore_mem>>)
    %dma_wait3A_190 = arith.constant 0 : i32
    %dma_wait3A_191 = arith.constant 0 : i32
    %dma_wait3A_192 = arith.constant 0 : i32
    %dma_wait3A_193 = tpu.memref_slice %arg6[%dma_wait3A_191, %dma_wait3A_192] : memref<100x128xf32, #tpu.memory_space<vmem>> -> memref<50x128xf32, #tpu.memory_space<vmem>>
    %dma_wait3A_194 = arith.constant 0 : i32
    %dma_wait3A_195 = arith.constant 0 : i32
    %dma_wait3A_196 = tpu.memref_slice %arg4[%dma_wait3A_190, %dma_wait3A_194, %dma_wait3A_195] : memref<4096x50x128xf32, #tpu.memory_space<hbm>> -> memref<1x50x128xf32, #tpu.memory_space<hbm>>
    %dma_wait3A_197 = tpu.memref_squeeze %dma_wait3A_196 : memref<1x50x128xf32, #tpu.memory_space<hbm>> -> memref<50x128xf32, #tpu.memory_space<hbm>>
    %dma_wait3A_198 = arith.constant 0 : i32
    %dma_wait3A_199 = arith.constant 0 : i32
    %dma_wait3A_200 = tpu.memref_slice %arg4[%dma_wait3A_190, %dma_wait3A_198, %dma_wait3A_199] : memref<4096x50x128xf32, #tpu.memory_space<hbm>> -> memref<1x50x128xf32, #tpu.memory_space<hbm>>
    %dma_wait3A_201 = tpu.memref_squeeze %dma_wait3A_200 : memref<1x50x128xf32, #tpu.memory_space<hbm>> -> memref<50x128xf32, #tpu.memory_space<hbm>>
    %dma_wait3A_202 = arith.constant 0 : i32
    %dma_wait3A_203 = arith.constant 0 : i32
    %dma_wait3A_204 = tpu.memref_slice %arg6[%dma_wait3A_202, %dma_wait3A_203] : memref<100x128xf32, #tpu.memory_space<vmem>> -> memref<50x128xf32, #tpu.memory_space<vmem>>
    tpu.wait_dma2 semaphore(%arg14 : memref<!tpu.dma_semaphore, #tpu.memory_space<semaphore_mem>>) src(%dma_wait3A_204 : memref<50x128xf32, #tpu.memory_space<vmem>>) dst(%dma_wait3A_201 : memref<50x128xf32, #tpu.memory_space<hbm>>)
    %dma_wait3A_205 = arith.constant 0 : i32
    %dma_wait3A_206 = arith.constant 0 : i32
    %dma_wait3A_207 = arith.constant 0 : i32
    %dma_wait3A_208 = tpu.memref_slice %arg6[%dma_wait3A_206, %dma_wait3A_207] : memref<100x128xf32, #tpu.memory_space<vmem>> -> memref<50x128xf32, #tpu.memory_space<vmem>>
    %dma_wait3A_209 = arith.constant 0 : i32
    %dma_wait3A_210 = arith.constant 0 : i32
    %dma_wait3A_211 = tpu.memref_slice %arg4[%dma_wait3A_205, %dma_wait3A_209, %dma_wait3A_210] : memref<4096x50x128xf32, #tpu.memory_space<hbm>> -> memref<1x50x128xf32, #tpu.memory_space<hbm>>
    %dma_wait3A_212 = tpu.memref_squeeze %dma_wait3A_211 : memref<1x50x128xf32, #tpu.memory_space<hbm>> -> memref<50x128xf32, #tpu.memory_space<hbm>>
    %dma_wait3A_213 = arith.constant 0 : i32
    %dma_wait3A_214 = arith.constant 0 : i32
    %dma_wait3A_215 = tpu.memref_slice %arg4[%dma_wait3A_205, %dma_wait3A_213, %dma_wait3A_214] : memref<4096x50x128xf32, #tpu.memory_space<hbm>> -> memref<1x50x128xf32, #tpu.memory_space<hbm>>
    %dma_wait3A_216 = tpu.memref_squeeze %dma_wait3A_215 : memref<1x50x128xf32, #tpu.memory_space<hbm>> -> memref<50x128xf32, #tpu.memory_space<hbm>>
    %dma_wait3A_217 = arith.constant 0 : i32
    %dma_wait3A_218 = arith.constant 0 : i32
    %dma_wait3A_219 = tpu.memref_slice %arg6[%dma_wait3A_217, %dma_wait3A_218] : memref<100x128xf32, #tpu.memory_space<vmem>> -> memref<50x128xf32, #tpu.memory_space<vmem>>
    tpu.wait_dma2 semaphore(%arg14 : memref<!tpu.dma_semaphore, #tpu.memory_space<semaphore_mem>>) src(%dma_wait3A_219 : memref<50x128xf32, #tpu.memory_space<vmem>>) dst(%dma_wait3A_216 : memref<50x128xf32, #tpu.memory_space<hbm>>)
    %dma_wait3A_220 = arith.constant 0 : i32
    %dma_wait3A_221 = arith.constant 0 : i32
    %dma_wait3A_222 = arith.constant 0 : i32
    %dma_wait3A_223 = tpu.memref_slice %arg7[%dma_wait3A_221, %dma_wait3A_222] : memref<100x128xf32, #tpu.memory_space<vmem>> -> memref<50x128xf32, #tpu.memory_space<vmem>>
    %dma_wait3A_224 = arith.constant 0 : i32
    %dma_wait3A_225 = arith.constant 0 : i32
    %dma_wait3A_226 = tpu.memref_slice %arg4[%dma_wait3A_220, %dma_wait3A_224, %dma_wait3A_225] : memref<4096x50x128xf32, #tpu.memory_space<hbm>> -> memref<1x50x128xf32, #tpu.memory_space<hbm>>
    %dma_wait3A_227 = tpu.memref_squeeze %dma_wait3A_226 : memref<1x50x128xf32, #tpu.memory_space<hbm>> -> memref<50x128xf32, #tpu.memory_space<hbm>>
    %dma_wait3A_228 = arith.constant 0 : i32
    %dma_wait3A_229 = arith.constant 0 : i32
    %dma_wait3A_230 = tpu.memref_slice %arg4[%dma_wait3A_220, %dma_wait3A_228, %dma_wait3A_229] : memref<4096x50x128xf32, #tpu.memory_space<hbm>> -> memref<1x50x128xf32, #tpu.memory_space<hbm>>
    %dma_wait3A_231 = tpu.memref_squeeze %dma_wait3A_230 : memref<1x50x128xf32, #tpu.memory_space<hbm>> -> memref<50x128xf32, #tpu.memory_space<hbm>>
    %dma_wait3A_232 = arith.constant 0 : i32
    %dma_wait3A_233 = arith.constant 0 : i32
    %dma_wait3A_234 = tpu.memref_slice %arg7[%dma_wait3A_232, %dma_wait3A_233] : memref<100x128xf32, #tpu.memory_space<vmem>> -> memref<50x128xf32, #tpu.memory_space<vmem>>
    tpu.wait_dma2 semaphore(%arg15 : memref<!tpu.dma_semaphore, #tpu.memory_space<semaphore_mem>>) src(%dma_wait3A_234 : memref<50x128xf32, #tpu.memory_space<vmem>>) dst(%dma_wait3A_231 : memref<50x128xf32, #tpu.memory_space<hbm>>)
    %dma_wait3A_235 = arith.constant 0 : i32
    %dma_wait3A_236 = arith.constant 0 : i32
    %dma_wait3A_237 = arith.constant 0 : i32
    %dma_wait3A_238 = tpu.memref_slice %arg7[%dma_wait3A_236, %dma_wait3A_237] : memref<100x128xf32, #tpu.memory_space<vmem>> -> memref<50x128xf32, #tpu.memory_space<vmem>>
    %dma_wait3A_239 = arith.constant 0 : i32
    %dma_wait3A_240 = arith.constant 0 : i32
    %dma_wait3A_241 = tpu.memref_slice %arg4[%dma_wait3A_235, %dma_wait3A_239, %dma_wait3A_240] : memref<4096x50x128xf32, #tpu.memory_space<hbm>> -> memref<1x50x128xf32, #tpu.memory_space<hbm>>
    %dma_wait3A_242 = tpu.memref_squeeze %dma_wait3A_241 : memref<1x50x128xf32, #tpu.memory_space<hbm>> -> memref<50x128xf32, #tpu.memory_space<hbm>>
    %dma_wait3A_243 = arith.constant 0 : i32
    %dma_wait3A_244 = arith.constant 0 : i32
    %dma_wait3A_245 = tpu.memref_slice %arg4[%dma_wait3A_235, %dma_wait3A_243, %dma_wait3A_244] : memref<4096x50x128xf32, #tpu.memory_space<hbm>> -> memref<1x50x128xf32, #tpu.memory_space<hbm>>
    %dma_wait3A_246 = tpu.memref_squeeze %dma_wait3A_245 : memref<1x50x128xf32, #tpu.memory_space<hbm>> -> memref<50x128xf32, #tpu.memory_space<hbm>>
    %dma_wait3A_247 = arith.constant 0 : i32
    %dma_wait3A_248 = arith.constant 0 : i32
    %dma_wait3A_249 = tpu.memref_slice %arg7[%dma_wait3A_247, %dma_wait3A_248] : memref<100x128xf32, #tpu.memory_space<vmem>> -> memref<50x128xf32, #tpu.memory_space<vmem>>
    tpu.wait_dma2 semaphore(%arg15 : memref<!tpu.dma_semaphore, #tpu.memory_space<semaphore_mem>>) src(%dma_wait3A_249 : memref<50x128xf32, #tpu.memory_space<vmem>>) dst(%dma_wait3A_246 : memref<50x128xf32, #tpu.memory_space<hbm>>)
    %dma_wait3A_250 = arith.constant 0 : i32
    %dma_wait3A_251 = arith.constant 0 : i32
    %dma_wait3A_252 = arith.constant 0 : i32
    %dma_wait3A_253 = tpu.memref_slice %arg8[%dma_wait3A_251, %dma_wait3A_252] : memref<100x128xf32, #tpu.memory_space<vmem>> -> memref<50x128xf32, #tpu.memory_space<vmem>>
    %dma_wait3A_254 = arith.constant 0 : i32
    %dma_wait3A_255 = arith.constant 0 : i32
    %dma_wait3A_256 = tpu.memref_slice %arg4[%dma_wait3A_250, %dma_wait3A_254, %dma_wait3A_255] : memref<4096x50x128xf32, #tpu.memory_space<hbm>> -> memref<1x50x128xf32, #tpu.memory_space<hbm>>
    %dma_wait3A_257 = tpu.memref_squeeze %dma_wait3A_256 : memref<1x50x128xf32, #tpu.memory_space<hbm>> -> memref<50x128xf32, #tpu.memory_space<hbm>>
    %dma_wait3A_258 = arith.constant 0 : i32
    %dma_wait3A_259 = arith.constant 0 : i32
    %dma_wait3A_260 = tpu.memref_slice %arg4[%dma_wait3A_250, %dma_wait3A_258, %dma_wait3A_259] : memref<4096x50x128xf32, #tpu.memory_space<hbm>> -> memref<1x50x128xf32, #tpu.memory_space<hbm>>
    %dma_wait3A_261 = tpu.memref_squeeze %dma_wait3A_260 : memref<1x50x128xf32, #tpu.memory_space<hbm>> -> memref<50x128xf32, #tpu.memory_space<hbm>>
    %dma_wait3A_262 = arith.constant 0 : i32
    %dma_wait3A_263 = arith.constant 0 : i32
    %dma_wait3A_264 = tpu.memref_slice %arg8[%dma_wait3A_262, %dma_wait3A_263] : memref<100x128xf32, #tpu.memory_space<vmem>> -> memref<50x128xf32, #tpu.memory_space<vmem>>
    tpu.wait_dma2 semaphore(%arg16 : memref<!tpu.dma_semaphore, #tpu.memory_space<semaphore_mem>>) src(%dma_wait3A_264 : memref<50x128xf32, #tpu.memory_space<vmem>>) dst(%dma_wait3A_261 : memref<50x128xf32, #tpu.memory_space<hbm>>)
    %dma_wait3A_265 = arith.constant 0 : i32
    %dma_wait3A_266 = arith.constant 0 : i32
    %dma_wait3A_267 = arith.constant 0 : i32
    %dma_wait3A_268 = tpu.memref_slice %arg8[%dma_wait3A_266, %dma_wait3A_267] : memref<100x128xf32, #tpu.memory_space<vmem>> -> memref<50x128xf32, #tpu.memory_space<vmem>>
    %dma_wait3A_269 = arith.constant 0 : i32
    %dma_wait3A_270 = arith.constant 0 : i32
    %dma_wait3A_271 = tpu.memref_slice %arg4[%dma_wait3A_265, %dma_wait3A_269, %dma_wait3A_270] : memref<4096x50x128xf32, #tpu.memory_space<hbm>> -> memref<1x50x128xf32, #tpu.memory_space<hbm>>
    %dma_wait3A_272 = tpu.memref_squeeze %dma_wait3A_271 : memref<1x50x128xf32, #tpu.memory_space<hbm>> -> memref<50x128xf32, #tpu.memory_space<hbm>>
    %dma_wait3A_273 = arith.constant 0 : i32
    %dma_wait3A_274 = arith.constant 0 : i32
    %dma_wait3A_275 = tpu.memref_slice %arg4[%dma_wait3A_265, %dma_wait3A_273, %dma_wait3A_274] : memref<4096x50x128xf32, #tpu.memory_space<hbm>> -> memref<1x50x128xf32, #tpu.memory_space<hbm>>
    %dma_wait3A_276 = tpu.memref_squeeze %dma_wait3A_275 : memref<1x50x128xf32, #tpu.memory_space<hbm>> -> memref<50x128xf32, #tpu.memory_space<hbm>>
    %dma_wait3A_277 = arith.constant 0 : i32
    %dma_wait3A_278 = arith.constant 0 : i32
    %dma_wait3A_279 = tpu.memref_slice %arg8[%dma_wait3A_277, %dma_wait3A_278] : memref<100x128xf32, #tpu.memory_space<vmem>> -> memref<50x128xf32, #tpu.memory_space<vmem>>
    tpu.wait_dma2 semaphore(%arg16 : memref<!tpu.dma_semaphore, #tpu.memory_space<semaphore_mem>>) src(%dma_wait3A_279 : memref<50x128xf32, #tpu.memory_space<vmem>>) dst(%dma_wait3A_276 : memref<50x128xf32, #tpu.memory_space<hbm>>)
    %dma_wait3A_280 = arith.constant 0 : i32
    %dma_wait3A_281 = arith.constant 0 : i32
    %dma_wait3A_282 = arith.constant 0 : i32
    %dma_wait3A_283 = tpu.memref_slice %arg9[%dma_wait3A_281, %dma_wait3A_282] : memref<100x128xf32, #tpu.memory_space<vmem>> -> memref<50x128xf32, #tpu.memory_space<vmem>>
    %dma_wait3A_284 = arith.constant 0 : i32
    %dma_wait3A_285 = arith.constant 0 : i32
    %dma_wait3A_286 = tpu.memref_slice %arg4[%dma_wait3A_280, %dma_wait3A_284, %dma_wait3A_285] : memref<4096x50x128xf32, #tpu.memory_space<hbm>> -> memref<1x50x128xf32, #tpu.memory_space<hbm>>
    %dma_wait3A_287 = tpu.memref_squeeze %dma_wait3A_286 : memref<1x50x128xf32, #tpu.memory_space<hbm>> -> memref<50x128xf32, #tpu.memory_space<hbm>>
    %dma_wait3A_288 = arith.constant 0 : i32
    %dma_wait3A_289 = arith.constant 0 : i32
    %dma_wait3A_290 = tpu.memref_slice %arg4[%dma_wait3A_280, %dma_wait3A_288, %dma_wait3A_289] : memref<4096x50x128xf32, #tpu.memory_space<hbm>> -> memref<1x50x128xf32, #tpu.memory_space<hbm>>
    %dma_wait3A_291 = tpu.memref_squeeze %dma_wait3A_290 : memref<1x50x128xf32, #tpu.memory_space<hbm>> -> memref<50x128xf32, #tpu.memory_space<hbm>>
    %dma_wait3A_292 = arith.constant 0 : i32
    %dma_wait3A_293 = arith.constant 0 : i32
    %dma_wait3A_294 = tpu.memref_slice %arg9[%dma_wait3A_292, %dma_wait3A_293] : memref<100x128xf32, #tpu.memory_space<vmem>> -> memref<50x128xf32, #tpu.memory_space<vmem>>
    tpu.wait_dma2 semaphore(%arg17 : memref<!tpu.dma_semaphore, #tpu.memory_space<semaphore_mem>>) src(%dma_wait3A_294 : memref<50x128xf32, #tpu.memory_space<vmem>>) dst(%dma_wait3A_291 : memref<50x128xf32, #tpu.memory_space<hbm>>)
    %dma_wait3A_295 = arith.constant 0 : i32
    %dma_wait3A_296 = arith.constant 0 : i32
    %dma_wait3A_297 = arith.constant 0 : i32
    %dma_wait3A_298 = tpu.memref_slice %arg9[%dma_wait3A_296, %dma_wait3A_297] : memref<100x128xf32, #tpu.memory_space<vmem>> -> memref<50x128xf32, #tpu.memory_space<vmem>>
    %dma_wait3A_299 = arith.constant 0 : i32
    %dma_wait3A_300 = arith.constant 0 : i32
    %dma_wait3A_301 = tpu.memref_slice %arg4[%dma_wait3A_295, %dma_wait3A_299, %dma_wait3A_300] : memref<4096x50x128xf32, #tpu.memory_space<hbm>> -> memref<1x50x128xf32, #tpu.memory_space<hbm>>
    %dma_wait3A_302 = tpu.memref_squeeze %dma_wait3A_301 : memref<1x50x128xf32, #tpu.memory_space<hbm>> -> memref<50x128xf32, #tpu.memory_space<hbm>>
    %dma_wait3A_303 = arith.constant 0 : i32
    %dma_wait3A_304 = arith.constant 0 : i32
    %dma_wait3A_305 = tpu.memref_slice %arg4[%dma_wait3A_295, %dma_wait3A_303, %dma_wait3A_304] : memref<4096x50x128xf32, #tpu.memory_space<hbm>> -> memref<1x50x128xf32, #tpu.memory_space<hbm>>
    %dma_wait3A_306 = tpu.memref_squeeze %dma_wait3A_305 : memref<1x50x128xf32, #tpu.memory_space<hbm>> -> memref<50x128xf32, #tpu.memory_space<hbm>>
    %dma_wait3A_307 = arith.constant 0 : i32
    %dma_wait3A_308 = arith.constant 0 : i32
    %dma_wait3A_309 = tpu.memref_slice %arg9[%dma_wait3A_307, %dma_wait3A_308] : memref<100x128xf32, #tpu.memory_space<vmem>> -> memref<50x128xf32, #tpu.memory_space<vmem>>
    tpu.wait_dma2 semaphore(%arg17 : memref<!tpu.dma_semaphore, #tpu.memory_space<semaphore_mem>>) src(%dma_wait3A_309 : memref<50x128xf32, #tpu.memory_space<vmem>>) dst(%dma_wait3A_306 : memref<50x128xf32, #tpu.memory_space<hbm>>)
    return
  }
}

#map = affine_map<(d0, d1) -> (0, 0, 0)>
#map1 = affine_map<(d0, d1) -> (0, 0)>
module attributes {stable_mosaic.version = 14 : i64} {
  func.func @gather_kernel(%arg0: i32, %arg1: i32, %arg2: memref<32x64x100xi32, #tpu.memory_space<hbm>>, %arg3: memref<100000x128xf32, #tpu.memory_space<hbm>>, %arg4: memref<4096x50x128xf32, #tpu.memory_space<hbm>>, %arg5: memref<64x100xi32, #tpu.memory_space<vmem>>, %arg6: memref<100x128xf32, #tpu.memory_space<vmem>>, %arg7: memref<100x128xf32, #tpu.memory_space<vmem>>, %arg8: memref<100x128xf32, #tpu.memory_space<vmem>>, %arg9: memref<100x128xf32, #tpu.memory_space<vmem>>, %arg10: memref<!tpu.dma_semaphore, #tpu.memory_space<semaphore_mem>>, %arg11: memref<!tpu.dma_semaphore, #tpu.memory_space<semaphore_mem>>, %arg12: memref<!tpu.dma_semaphore, #tpu.memory_space<semaphore_mem>>, %arg13: memref<!tpu.dma_semaphore, #tpu.memory_space<semaphore_mem>>, %arg14: memref<!tpu.dma_semaphore, #tpu.memory_space<semaphore_mem>>, %arg15: memref<!tpu.dma_semaphore, #tpu.memory_space<semaphore_mem>>, %arg16: memref<!tpu.dma_semaphore, #tpu.memory_space<semaphore_mem>>, %arg17: memref<!tpu.dma_semaphore, #tpu.memory_space<semaphore_mem>>) attributes {dimension_semantics = [#tpu.dimension_semantics<core_parallel>, #tpu.dimension_semantics<subcore_parallel>], iteration_bounds = array<i64: 2, 16>, scalar_prefetch = 0 : i64, scratch_operands = 13 : i64, tpu.core_type = #tpu.core_type<sc_vector_subcore>, window_params = [{transform_indices = #map}, {transform_indices = #map1}, {transform_indices = #map}]} {
    %mul3A = arith.constant 2 : i32
    %mul3A_0 = arith.muli %arg1, %mul3A : i32
    %add3A = arith.addi %mul3A_0, %arg0 : i32
    %mul3A_1 = arith.constant 128 : i32
    %mul3A_2 = arith.muli %add3A, %mul3A_1 : i32
    "tpu.region"() ({
      %run_scoped3A = tpu.sem_alloc : memref<!tpu.dma_semaphore, #tpu.memory_space<semaphore_mem>>
      %dma_start3A_310 = arith.constant 0 : i32
      %dma_start3A_311 = arith.constant 0 : i32
      %dma_start3A_312 = tpu.memref_slice %arg2[%add3A, %dma_start3A_310, %dma_start3A_311] : memref<32x64x100xi32, #tpu.memory_space<hbm>> -> memref<1x64x100xi32, #tpu.memory_space<hbm>>
      %dma_start3A_313 = tpu.memref_squeeze %dma_start3A_312 : memref<1x64x100xi32, #tpu.memory_space<hbm>> -> memref<64x100xi32, #tpu.memory_space<hbm>>
      %dma_start3A_314 = arith.constant 0 : i32
      %dma_start3A_315 = arith.constant 0 : i32
      %dma_start3A_316 = tpu.memref_slice %arg2[%add3A, %dma_start3A_314, %dma_start3A_315] : memref<32x64x100xi32, #tpu.memory_space<hbm>> -> memref<1x64x100xi32, #tpu.memory_space<hbm>>
      %dma_start3A_317 = tpu.memref_squeeze %dma_start3A_316 : memref<1x64x100xi32, #tpu.memory_space<hbm>> -> memref<64x100xi32, #tpu.memory_space<hbm>>
      tpu.enqueue_dma source(%dma_start3A_317 : memref<64x100xi32, #tpu.memory_space<hbm>>) target(%arg5 : memref<64x100xi32, #tpu.memory_space<vmem>>) target_semaphore(%run_scoped3A : memref<!tpu.dma_semaphore, #tpu.memory_space<semaphore_mem>>)
      %dma_wait3A_318 = arith.constant 0 : i32
      %dma_wait3A_319 = arith.constant 0 : i32
      %dma_wait3A_320 = tpu.memref_slice %arg2[%add3A, %dma_wait3A_318, %dma_wait3A_319] : memref<32x64x100xi32, #tpu.memory_space<hbm>> -> memref<1x64x100xi32, #tpu.memory_space<hbm>>
      %dma_wait3A_321 = tpu.memref_squeeze %dma_wait3A_320 : memref<1x64x100xi32, #tpu.memory_space<hbm>> -> memref<64x100xi32, #tpu.memory_space<hbm>>
      %dma_wait3A_322 = arith.constant 0 : i32
      %dma_wait3A_323 = arith.constant 0 : i32
      %dma_wait3A_324 = tpu.memref_slice %arg2[%add3A, %dma_wait3A_322, %dma_wait3A_323] : memref<32x64x100xi32, #tpu.memory_space<hbm>> -> memref<1x64x100xi32, #tpu.memory_space<hbm>>
      %dma_wait3A_325 = tpu.memref_squeeze %dma_wait3A_324 : memref<1x64x100xi32, #tpu.memory_space<hbm>> -> memref<64x100xi32, #tpu.memory_space<hbm>>
      tpu.wait_dma2 semaphore(%run_scoped3A : memref<!tpu.dma_semaphore, #tpu.memory_space<semaphore_mem>>) src(%dma_wait3A_325 : memref<64x100xi32, #tpu.memory_space<hbm>>) dst(%arg5 : memref<64x100xi32, #tpu.memory_space<vmem>>)
      tpu.yield
    }) : () -> ()
    %dma_start3A = arith.constant 0 : i32
    %dma_start3A_3 = arith.constant 0 : i32
    %dma_start3A_4 = tpu.memref_slice %arg5[%dma_start3A, %dma_start3A_3] : memref<64x100xi32, #tpu.memory_space<vmem>> -> memref<1x100xi32, #tpu.memory_space<vmem>>
    %dma_start3A_5 = tpu.memref_squeeze %dma_start3A_4 : memref<1x100xi32, #tpu.memory_space<vmem>> -> memref<100xi32, #tpu.memory_space<vmem>>
    %dma_start3A_6 = arith.constant 0 : i32
    %dma_start3A_7 = arith.constant 0 : i32
    %dma_start3A_8 = tpu.memref_slice %arg3[%dma_start3A_6, %dma_start3A_7] : memref<100000x128xf32, #tpu.memory_space<hbm>> -> memref<100000x128xf32, #tpu.memory_space<hbm>>
    tpu.enqueue_indirect_dma source(%dma_start3A_8 : memref<100000x128xf32, #tpu.memory_space<hbm>>) target(%arg6 : memref<100x128xf32, #tpu.memory_space<vmem>>) offsets(%dma_start3A_5 : memref<100xi32, #tpu.memory_space<vmem>>) semaphore(%arg10 : memref<!tpu.dma_semaphore, #tpu.memory_space<semaphore_mem>>)
    %dma_start3A_9 = arith.constant 1 : i32
    %dma_start3A_10 = arith.constant 0 : i32
    %dma_start3A_11 = tpu.memref_slice %arg5[%dma_start3A_9, %dma_start3A_10] : memref<64x100xi32, #tpu.memory_space<vmem>> -> memref<1x100xi32, #tpu.memory_space<vmem>>
    %dma_start3A_12 = tpu.memref_squeeze %dma_start3A_11 : memref<1x100xi32, #tpu.memory_space<vmem>> -> memref<100xi32, #tpu.memory_space<vmem>>
    %dma_start3A_13 = arith.constant 0 : i32
    %dma_start3A_14 = arith.constant 0 : i32
    %dma_start3A_15 = tpu.memref_slice %arg3[%dma_start3A_13, %dma_start3A_14] : memref<100000x128xf32, #tpu.memory_space<hbm>> -> memref<100000x128xf32, #tpu.memory_space<hbm>>
    tpu.enqueue_indirect_dma source(%dma_start3A_15 : memref<100000x128xf32, #tpu.memory_space<hbm>>) target(%arg7 : memref<100x128xf32, #tpu.memory_space<vmem>>) offsets(%dma_start3A_12 : memref<100xi32, #tpu.memory_space<vmem>>) semaphore(%arg11 : memref<!tpu.dma_semaphore, #tpu.memory_space<semaphore_mem>>)
    %dma_start3A_16 = arith.constant 2 : i32
    %dma_start3A_17 = arith.constant 0 : i32
    %dma_start3A_18 = tpu.memref_slice %arg5[%dma_start3A_16, %dma_start3A_17] : memref<64x100xi32, #tpu.memory_space<vmem>> -> memref<1x100xi32, #tpu.memory_space<vmem>>
    %dma_start3A_19 = tpu.memref_squeeze %dma_start3A_18 : memref<1x100xi32, #tpu.memory_space<vmem>> -> memref<100xi32, #tpu.memory_space<vmem>>
    %dma_start3A_20 = arith.constant 0 : i32
    %dma_start3A_21 = arith.constant 0 : i32
    %dma_start3A_22 = tpu.memref_slice %arg3[%dma_start3A_20, %dma_start3A_21] : memref<100000x128xf32, #tpu.memory_space<hbm>> -> memref<100000x128xf32, #tpu.memory_space<hbm>>
    tpu.enqueue_indirect_dma source(%dma_start3A_22 : memref<100000x128xf32, #tpu.memory_space<hbm>>) target(%arg8 : memref<100x128xf32, #tpu.memory_space<vmem>>) offsets(%dma_start3A_19 : memref<100xi32, #tpu.memory_space<vmem>>) semaphore(%arg12 : memref<!tpu.dma_semaphore, #tpu.memory_space<semaphore_mem>>)
    %dma_start3A_23 = arith.constant 3 : i32
    %dma_start3A_24 = arith.constant 0 : i32
    %dma_start3A_25 = tpu.memref_slice %arg5[%dma_start3A_23, %dma_start3A_24] : memref<64x100xi32, #tpu.memory_space<vmem>> -> memref<1x100xi32, #tpu.memory_space<vmem>>
    %dma_start3A_26 = tpu.memref_squeeze %dma_start3A_25 : memref<1x100xi32, #tpu.memory_space<vmem>> -> memref<100xi32, #tpu.memory_space<vmem>>
    %dma_start3A_27 = arith.constant 0 : i32
    %dma_start3A_28 = arith.constant 0 : i32
    %dma_start3A_29 = tpu.memref_slice %arg3[%dma_start3A_27, %dma_start3A_28] : memref<100000x128xf32, #tpu.memory_space<hbm>> -> memref<100000x128xf32, #tpu.memory_space<hbm>>
    tpu.enqueue_indirect_dma source(%dma_start3A_29 : memref<100000x128xf32, #tpu.memory_space<hbm>>) target(%arg9 : memref<100x128xf32, #tpu.memory_space<vmem>>) offsets(%dma_start3A_26 : memref<100xi32, #tpu.memory_space<vmem>>) semaphore(%arg13 : memref<!tpu.dma_semaphore, #tpu.memory_space<semaphore_mem>>)
    %scan3A = arith.constant 0 : i32
    %scan3A_30 = arith.constant 0 : i32
    %scan3A_31 = arith.constant 15 : i32
    %scan3A_32 = arith.addi %scan3A_30, %scan3A_31 : i32
    %scan3A_33 = arith.constant 1 : i32
    scf.for %scan3A_310 = %scan3A_30 to %scan3A_32 step %scan3A_33  : i32 {
      %mul3A_311 = arith.constant 4 : i32
      %mul3A_312 = arith.muli %scan3A_310, %mul3A_311 : i32
      %dma_wait3A_313 = arith.constant 0 : i32
      %dma_wait3A_314 = arith.constant 0 : i32
      %dma_wait3A_315 = tpu.memref_slice %arg5[%dma_wait3A_313, %dma_wait3A_314] : memref<64x100xi32, #tpu.memory_space<vmem>> -> memref<1x100xi32, #tpu.memory_space<vmem>>
      %dma_wait3A_316 = tpu.memref_squeeze %dma_wait3A_315 : memref<1x100xi32, #tpu.memory_space<vmem>> -> memref<100xi32, #tpu.memory_space<vmem>>
      %dma_wait3A_317 = arith.constant 0 : i32
      %dma_wait3A_318 = arith.constant 0 : i32
      %dma_wait3A_319 = tpu.memref_slice %arg3[%dma_wait3A_317, %dma_wait3A_318] : memref<100000x128xf32, #tpu.memory_space<hbm>> -> memref<100000x128xf32, #tpu.memory_space<hbm>>
      tpu.wait_indirect_dma semaphore(%arg10 : memref<!tpu.dma_semaphore, #tpu.memory_space<semaphore_mem>>) src(%dma_wait3A_319 : memref<100000x128xf32, #tpu.memory_space<hbm>>) dst(%arg6 : memref<100x128xf32, #tpu.memory_space<vmem>>)
      %add3A_320 = arith.constant 0 : i32
      %add3A_321 = arith.addi %mul3A_312, %add3A_320 : i32
      %mul3A_322 = arith.constant 2 : i32
      %mul3A_323 = arith.muli %add3A_321, %mul3A_322 : i32
      %add3A_324 = arith.addi %mul3A_2, %mul3A_323 : i32
      %dma_start3A_325 = arith.constant 0 : i32
      %dma_start3A_326 = arith.constant 0 : i32
      %dma_start3A_327 = tpu.memref_slice %arg6[%dma_start3A_325, %dma_start3A_326] : memref<100x128xf32, #tpu.memory_space<vmem>> -> memref<50x128xf32, #tpu.memory_space<vmem>>
      %dma_start3A_328 = arith.constant 0 : i32
      %dma_start3A_329 = arith.constant 0 : i32
      %dma_start3A_330 = tpu.memref_slice %arg4[%add3A_324, %dma_start3A_328, %dma_start3A_329] : memref<4096x50x128xf32, #tpu.memory_space<hbm>> -> memref<1x50x128xf32, #tpu.memory_space<hbm>>
      %dma_start3A_331 = tpu.memref_squeeze %dma_start3A_330 : memref<1x50x128xf32, #tpu.memory_space<hbm>> -> memref<50x128xf32, #tpu.memory_space<hbm>>
      %dma_start3A_332 = arith.constant 0 : i32
      %dma_start3A_333 = arith.constant 0 : i32
      %dma_start3A_334 = tpu.memref_slice %arg4[%add3A_324, %dma_start3A_332, %dma_start3A_333] : memref<4096x50x128xf32, #tpu.memory_space<hbm>> -> memref<1x50x128xf32, #tpu.memory_space<hbm>>
      %dma_start3A_335 = tpu.memref_squeeze %dma_start3A_334 : memref<1x50x128xf32, #tpu.memory_space<hbm>> -> memref<50x128xf32, #tpu.memory_space<hbm>>
      %dma_start3A_336 = arith.constant 0 : i32
      %dma_start3A_337 = arith.constant 0 : i32
      %dma_start3A_338 = tpu.memref_slice %arg6[%dma_start3A_336, %dma_start3A_337] : memref<100x128xf32, #tpu.memory_space<vmem>> -> memref<50x128xf32, #tpu.memory_space<vmem>>
      tpu.enqueue_dma source(%dma_start3A_338 : memref<50x128xf32, #tpu.memory_space<vmem>>) target(%dma_start3A_335 : memref<50x128xf32, #tpu.memory_space<hbm>>) target_semaphore(%arg14 : memref<!tpu.dma_semaphore, #tpu.memory_space<semaphore_mem>>)
      %add3A_339 = arith.constant 1 : i32
      %add3A_340 = arith.addi %add3A_324, %add3A_339 : i32
      %dma_start3A_341 = arith.constant 50 : i32
      %dma_start3A_342 = arith.constant 0 : i32
      %dma_start3A_343 = tpu.memref_slice %arg6[%dma_start3A_341, %dma_start3A_342] : memref<100x128xf32, #tpu.memory_space<vmem>> -> memref<50x128xf32, #tpu.memory_space<vmem>>
      %dma_start3A_344 = arith.constant 0 : i32
      %dma_start3A_345 = arith.constant 0 : i32
      %dma_start3A_346 = tpu.memref_slice %arg4[%add3A_340, %dma_start3A_344, %dma_start3A_345] : memref<4096x50x128xf32, #tpu.memory_space<hbm>> -> memref<1x50x128xf32, #tpu.memory_space<hbm>>
      %dma_start3A_347 = tpu.memref_squeeze %dma_start3A_346 : memref<1x50x128xf32, #tpu.memory_space<hbm>> -> memref<50x128xf32, #tpu.memory_space<hbm>>
      %dma_start3A_348 = arith.constant 0 : i32
      %dma_start3A_349 = arith.constant 0 : i32
      %dma_start3A_350 = tpu.memref_slice %arg4[%add3A_340, %dma_start3A_348, %dma_start3A_349] : memref<4096x50x128xf32, #tpu.memory_space<hbm>> -> memref<1x50x128xf32, #tpu.memory_space<hbm>>
      %dma_start3A_351 = tpu.memref_squeeze %dma_start3A_350 : memref<1x50x128xf32, #tpu.memory_space<hbm>> -> memref<50x128xf32, #tpu.memory_space<hbm>>
      %dma_start3A_352 = arith.constant 50 : i32
      %dma_start3A_353 = arith.constant 0 : i32
      %dma_start3A_354 = tpu.memref_slice %arg6[%dma_start3A_352, %dma_start3A_353] : memref<100x128xf32, #tpu.memory_space<vmem>> -> memref<50x128xf32, #tpu.memory_space<vmem>>
      tpu.enqueue_dma source(%dma_start3A_354 : memref<50x128xf32, #tpu.memory_space<vmem>>) target(%dma_start3A_351 : memref<50x128xf32, #tpu.memory_space<hbm>>) target_semaphore(%arg14 : memref<!tpu.dma_semaphore, #tpu.memory_space<semaphore_mem>>)
      %dma_wait3A_355 = arith.constant 0 : i32
      %dma_wait3A_356 = arith.constant 0 : i32
      %dma_wait3A_357 = tpu.memref_slice %arg5[%dma_wait3A_355, %dma_wait3A_356] : memref<64x100xi32, #tpu.memory_space<vmem>> -> memref<1x100xi32, #tpu.memory_space<vmem>>
      %dma_wait3A_358 = tpu.memref_squeeze %dma_wait3A_357 : memref<1x100xi32, #tpu.memory_space<vmem>> -> memref<100xi32, #tpu.memory_space<vmem>>
      %dma_wait3A_359 = arith.constant 0 : i32
      %dma_wait3A_360 = arith.constant 0 : i32
      %dma_wait3A_361 = tpu.memref_slice %arg3[%dma_wait3A_359, %dma_wait3A_360] : memref<100000x128xf32, #tpu.memory_space<hbm>> -> memref<100000x128xf32, #tpu.memory_space<hbm>>
      tpu.wait_indirect_dma semaphore(%arg11 : memref<!tpu.dma_semaphore, #tpu.memory_space<semaphore_mem>>) src(%dma_wait3A_361 : memref<100000x128xf32, #tpu.memory_space<hbm>>) dst(%arg7 : memref<100x128xf32, #tpu.memory_space<vmem>>)
      %add3A_362 = arith.constant 1 : i32
      %add3A_363 = arith.addi %mul3A_312, %add3A_362 : i32
      %mul3A_364 = arith.constant 2 : i32
      %mul3A_365 = arith.muli %add3A_363, %mul3A_364 : i32
      %add3A_366 = arith.addi %mul3A_2, %mul3A_365 : i32
      %dma_start3A_367 = arith.constant 0 : i32
      %dma_start3A_368 = arith.constant 0 : i32
      %dma_start3A_369 = tpu.memref_slice %arg7[%dma_start3A_367, %dma_start3A_368] : memref<100x128xf32, #tpu.memory_space<vmem>> -> memref<50x128xf32, #tpu.memory_space<vmem>>
      %dma_start3A_370 = arith.constant 0 : i32
      %dma_start3A_371 = arith.constant 0 : i32
      %dma_start3A_372 = tpu.memref_slice %arg4[%add3A_366, %dma_start3A_370, %dma_start3A_371] : memref<4096x50x128xf32, #tpu.memory_space<hbm>> -> memref<1x50x128xf32, #tpu.memory_space<hbm>>
      %dma_start3A_373 = tpu.memref_squeeze %dma_start3A_372 : memref<1x50x128xf32, #tpu.memory_space<hbm>> -> memref<50x128xf32, #tpu.memory_space<hbm>>
      %dma_start3A_374 = arith.constant 0 : i32
      %dma_start3A_375 = arith.constant 0 : i32
      %dma_start3A_376 = tpu.memref_slice %arg4[%add3A_366, %dma_start3A_374, %dma_start3A_375] : memref<4096x50x128xf32, #tpu.memory_space<hbm>> -> memref<1x50x128xf32, #tpu.memory_space<hbm>>
      %dma_start3A_377 = tpu.memref_squeeze %dma_start3A_376 : memref<1x50x128xf32, #tpu.memory_space<hbm>> -> memref<50x128xf32, #tpu.memory_space<hbm>>
      %dma_start3A_378 = arith.constant 0 : i32
      %dma_start3A_379 = arith.constant 0 : i32
      %dma_start3A_380 = tpu.memref_slice %arg7[%dma_start3A_378, %dma_start3A_379] : memref<100x128xf32, #tpu.memory_space<vmem>> -> memref<50x128xf32, #tpu.memory_space<vmem>>
      tpu.enqueue_dma source(%dma_start3A_380 : memref<50x128xf32, #tpu.memory_space<vmem>>) target(%dma_start3A_377 : memref<50x128xf32, #tpu.memory_space<hbm>>) target_semaphore(%arg15 : memref<!tpu.dma_semaphore, #tpu.memory_space<semaphore_mem>>)
      %add3A_381 = arith.constant 1 : i32
      %add3A_382 = arith.addi %add3A_366, %add3A_381 : i32
      %dma_start3A_383 = arith.constant 50 : i32
      %dma_start3A_384 = arith.constant 0 : i32
      %dma_start3A_385 = tpu.memref_slice %arg7[%dma_start3A_383, %dma_start3A_384] : memref<100x128xf32, #tpu.memory_space<vmem>> -> memref<50x128xf32, #tpu.memory_space<vmem>>
      %dma_start3A_386 = arith.constant 0 : i32
      %dma_start3A_387 = arith.constant 0 : i32
      %dma_start3A_388 = tpu.memref_slice %arg4[%add3A_382, %dma_start3A_386, %dma_start3A_387] : memref<4096x50x128xf32, #tpu.memory_space<hbm>> -> memref<1x50x128xf32, #tpu.memory_space<hbm>>
      %dma_start3A_389 = tpu.memref_squeeze %dma_start3A_388 : memref<1x50x128xf32, #tpu.memory_space<hbm>> -> memref<50x128xf32, #tpu.memory_space<hbm>>
      %dma_start3A_390 = arith.constant 0 : i32
      %dma_start3A_391 = arith.constant 0 : i32
      %dma_start3A_392 = tpu.memref_slice %arg4[%add3A_382, %dma_start3A_390, %dma_start3A_391] : memref<4096x50x128xf32, #tpu.memory_space<hbm>> -> memref<1x50x128xf32, #tpu.memory_space<hbm>>
      %dma_start3A_393 = tpu.memref_squeeze %dma_start3A_392 : memref<1x50x128xf32, #tpu.memory_space<hbm>> -> memref<50x128xf32, #tpu.memory_space<hbm>>
      %dma_start3A_394 = arith.constant 50 : i32
      %dma_start3A_395 = arith.constant 0 : i32
      %dma_start3A_396 = tpu.memref_slice %arg7[%dma_start3A_394, %dma_start3A_395] : memref<100x128xf32, #tpu.memory_space<vmem>> -> memref<50x128xf32, #tpu.memory_space<vmem>>
      tpu.enqueue_dma source(%dma_start3A_396 : memref<50x128xf32, #tpu.memory_space<vmem>>) target(%dma_start3A_393 : memref<50x128xf32, #tpu.memory_space<hbm>>) target_semaphore(%arg15 : memref<!tpu.dma_semaphore, #tpu.memory_space<semaphore_mem>>)
      %dma_wait3A_397 = arith.constant 0 : i32
      %dma_wait3A_398 = arith.constant 0 : i32
      %dma_wait3A_399 = tpu.memref_slice %arg5[%dma_wait3A_397, %dma_wait3A_398] : memref<64x100xi32, #tpu.memory_space<vmem>> -> memref<1x100xi32, #tpu.memory_space<vmem>>
      %dma_wait3A_400 = tpu.memref_squeeze %dma_wait3A_399 : memref<1x100xi32, #tpu.memory_space<vmem>> -> memref<100xi32, #tpu.memory_space<vmem>>
      %dma_wait3A_401 = arith.constant 0 : i32
      %dma_wait3A_402 = arith.constant 0 : i32
      %dma_wait3A_403 = tpu.memref_slice %arg3[%dma_wait3A_401, %dma_wait3A_402] : memref<100000x128xf32, #tpu.memory_space<hbm>> -> memref<100000x128xf32, #tpu.memory_space<hbm>>
      tpu.wait_indirect_dma semaphore(%arg12 : memref<!tpu.dma_semaphore, #tpu.memory_space<semaphore_mem>>) src(%dma_wait3A_403 : memref<100000x128xf32, #tpu.memory_space<hbm>>) dst(%arg8 : memref<100x128xf32, #tpu.memory_space<vmem>>)
      %add3A_404 = arith.constant 2 : i32
      %add3A_405 = arith.addi %mul3A_312, %add3A_404 : i32
      %mul3A_406 = arith.constant 2 : i32
      %mul3A_407 = arith.muli %add3A_405, %mul3A_406 : i32
      %add3A_408 = arith.addi %mul3A_2, %mul3A_407 : i32
      %dma_start3A_409 = arith.constant 0 : i32
      %dma_start3A_410 = arith.constant 0 : i32
      %dma_start3A_411 = tpu.memref_slice %arg8[%dma_start3A_409, %dma_start3A_410] : memref<100x128xf32, #tpu.memory_space<vmem>> -> memref<50x128xf32, #tpu.memory_space<vmem>>
      %dma_start3A_412 = arith.constant 0 : i32
      %dma_start3A_413 = arith.constant 0 : i32
      %dma_start3A_414 = tpu.memref_slice %arg4[%add3A_408, %dma_start3A_412, %dma_start3A_413] : memref<4096x50x128xf32, #tpu.memory_space<hbm>> -> memref<1x50x128xf32, #tpu.memory_space<hbm>>
      %dma_start3A_415 = tpu.memref_squeeze %dma_start3A_414 : memref<1x50x128xf32, #tpu.memory_space<hbm>> -> memref<50x128xf32, #tpu.memory_space<hbm>>
      %dma_start3A_416 = arith.constant 0 : i32
      %dma_start3A_417 = arith.constant 0 : i32
      %dma_start3A_418 = tpu.memref_slice %arg4[%add3A_408, %dma_start3A_416, %dma_start3A_417] : memref<4096x50x128xf32, #tpu.memory_space<hbm>> -> memref<1x50x128xf32, #tpu.memory_space<hbm>>
      %dma_start3A_419 = tpu.memref_squeeze %dma_start3A_418 : memref<1x50x128xf32, #tpu.memory_space<hbm>> -> memref<50x128xf32, #tpu.memory_space<hbm>>
      %dma_start3A_420 = arith.constant 0 : i32
      %dma_start3A_421 = arith.constant 0 : i32
      %dma_start3A_422 = tpu.memref_slice %arg8[%dma_start3A_420, %dma_start3A_421] : memref<100x128xf32, #tpu.memory_space<vmem>> -> memref<50x128xf32, #tpu.memory_space<vmem>>
      tpu.enqueue_dma source(%dma_start3A_422 : memref<50x128xf32, #tpu.memory_space<vmem>>) target(%dma_start3A_419 : memref<50x128xf32, #tpu.memory_space<hbm>>) target_semaphore(%arg16 : memref<!tpu.dma_semaphore, #tpu.memory_space<semaphore_mem>>)
      %add3A_423 = arith.constant 1 : i32
      %add3A_424 = arith.addi %add3A_408, %add3A_423 : i32
      %dma_start3A_425 = arith.constant 50 : i32
      %dma_start3A_426 = arith.constant 0 : i32
      %dma_start3A_427 = tpu.memref_slice %arg8[%dma_start3A_425, %dma_start3A_426] : memref<100x128xf32, #tpu.memory_space<vmem>> -> memref<50x128xf32, #tpu.memory_space<vmem>>
      %dma_start3A_428 = arith.constant 0 : i32
      %dma_start3A_429 = arith.constant 0 : i32
      %dma_start3A_430 = tpu.memref_slice %arg4[%add3A_424, %dma_start3A_428, %dma_start3A_429] : memref<4096x50x128xf32, #tpu.memory_space<hbm>> -> memref<1x50x128xf32, #tpu.memory_space<hbm>>
      %dma_start3A_431 = tpu.memref_squeeze %dma_start3A_430 : memref<1x50x128xf32, #tpu.memory_space<hbm>> -> memref<50x128xf32, #tpu.memory_space<hbm>>
      %dma_start3A_432 = arith.constant 0 : i32
      %dma_start3A_433 = arith.constant 0 : i32
      %dma_start3A_434 = tpu.memref_slice %arg4[%add3A_424, %dma_start3A_432, %dma_start3A_433] : memref<4096x50x128xf32, #tpu.memory_space<hbm>> -> memref<1x50x128xf32, #tpu.memory_space<hbm>>
      %dma_start3A_435 = tpu.memref_squeeze %dma_start3A_434 : memref<1x50x128xf32, #tpu.memory_space<hbm>> -> memref<50x128xf32, #tpu.memory_space<hbm>>
      %dma_start3A_436 = arith.constant 50 : i32
      %dma_start3A_437 = arith.constant 0 : i32
      %dma_start3A_438 = tpu.memref_slice %arg8[%dma_start3A_436, %dma_start3A_437] : memref<100x128xf32, #tpu.memory_space<vmem>> -> memref<50x128xf32, #tpu.memory_space<vmem>>
      tpu.enqueue_dma source(%dma_start3A_438 : memref<50x128xf32, #tpu.memory_space<vmem>>) target(%dma_start3A_435 : memref<50x128xf32, #tpu.memory_space<hbm>>) target_semaphore(%arg16 : memref<!tpu.dma_semaphore, #tpu.memory_space<semaphore_mem>>)
      %dma_wait3A_439 = arith.constant 0 : i32
      %dma_wait3A_440 = arith.constant 0 : i32
      %dma_wait3A_441 = tpu.memref_slice %arg5[%dma_wait3A_439, %dma_wait3A_440] : memref<64x100xi32, #tpu.memory_space<vmem>> -> memref<1x100xi32, #tpu.memory_space<vmem>>
      %dma_wait3A_442 = tpu.memref_squeeze %dma_wait3A_441 : memref<1x100xi32, #tpu.memory_space<vmem>> -> memref<100xi32, #tpu.memory_space<vmem>>
      %dma_wait3A_443 = arith.constant 0 : i32
      %dma_wait3A_444 = arith.constant 0 : i32
      %dma_wait3A_445 = tpu.memref_slice %arg3[%dma_wait3A_443, %dma_wait3A_444] : memref<100000x128xf32, #tpu.memory_space<hbm>> -> memref<100000x128xf32, #tpu.memory_space<hbm>>
      tpu.wait_indirect_dma semaphore(%arg13 : memref<!tpu.dma_semaphore, #tpu.memory_space<semaphore_mem>>) src(%dma_wait3A_445 : memref<100000x128xf32, #tpu.memory_space<hbm>>) dst(%arg9 : memref<100x128xf32, #tpu.memory_space<vmem>>)
      %add3A_446 = arith.constant 3 : i32
      %add3A_447 = arith.addi %mul3A_312, %add3A_446 : i32
      %mul3A_448 = arith.constant 2 : i32
      %mul3A_449 = arith.muli %add3A_447, %mul3A_448 : i32
      %add3A_450 = arith.addi %mul3A_2, %mul3A_449 : i32
      %dma_start3A_451 = arith.constant 0 : i32
      %dma_start3A_452 = arith.constant 0 : i32
      %dma_start3A_453 = tpu.memref_slice %arg9[%dma_start3A_451, %dma_start3A_452] : memref<100x128xf32, #tpu.memory_space<vmem>> -> memref<50x128xf32, #tpu.memory_space<vmem>>
      %dma_start3A_454 = arith.constant 0 : i32
      %dma_start3A_455 = arith.constant 0 : i32
      %dma_start3A_456 = tpu.memref_slice %arg4[%add3A_450, %dma_start3A_454, %dma_start3A_455] : memref<4096x50x128xf32, #tpu.memory_space<hbm>> -> memref<1x50x128xf32, #tpu.memory_space<hbm>>
      %dma_start3A_457 = tpu.memref_squeeze %dma_start3A_456 : memref<1x50x128xf32, #tpu.memory_space<hbm>> -> memref<50x128xf32, #tpu.memory_space<hbm>>
      %dma_start3A_458 = arith.constant 0 : i32
      %dma_start3A_459 = arith.constant 0 : i32
      %dma_start3A_460 = tpu.memref_slice %arg4[%add3A_450, %dma_start3A_458, %dma_start3A_459] : memref<4096x50x128xf32, #tpu.memory_space<hbm>> -> memref<1x50x128xf32, #tpu.memory_space<hbm>>
      %dma_start3A_461 = tpu.memref_squeeze %dma_start3A_460 : memref<1x50x128xf32, #tpu.memory_space<hbm>> -> memref<50x128xf32, #tpu.memory_space<hbm>>
      %dma_start3A_462 = arith.constant 0 : i32
      %dma_start3A_463 = arith.constant 0 : i32
      %dma_start3A_464 = tpu.memref_slice %arg9[%dma_start3A_462, %dma_start3A_463] : memref<100x128xf32, #tpu.memory_space<vmem>> -> memref<50x128xf32, #tpu.memory_space<vmem>>
      tpu.enqueue_dma source(%dma_start3A_464 : memref<50x128xf32, #tpu.memory_space<vmem>>) target(%dma_start3A_461 : memref<50x128xf32, #tpu.memory_space<hbm>>) target_semaphore(%arg17 : memref<!tpu.dma_semaphore, #tpu.memory_space<semaphore_mem>>)
      %add3A_465 = arith.constant 1 : i32
      %add3A_466 = arith.addi %add3A_450, %add3A_465 : i32
      %dma_start3A_467 = arith.constant 50 : i32
      %dma_start3A_468 = arith.constant 0 : i32
      %dma_start3A_469 = tpu.memref_slice %arg9[%dma_start3A_467, %dma_start3A_468] : memref<100x128xf32, #tpu.memory_space<vmem>> -> memref<50x128xf32, #tpu.memory_space<vmem>>
      %dma_start3A_470 = arith.constant 0 : i32
      %dma_start3A_471 = arith.constant 0 : i32
      %dma_start3A_472 = tpu.memref_slice %arg4[%add3A_466, %dma_start3A_470, %dma_start3A_471] : memref<4096x50x128xf32, #tpu.memory_space<hbm>> -> memref<1x50x128xf32, #tpu.memory_space<hbm>>
      %dma_start3A_473 = tpu.memref_squeeze %dma_start3A_472 : memref<1x50x128xf32, #tpu.memory_space<hbm>> -> memref<50x128xf32, #tpu.memory_space<hbm>>
      %dma_start3A_474 = arith.constant 0 : i32
      %dma_start3A_475 = arith.constant 0 : i32
      %dma_start3A_476 = tpu.memref_slice %arg4[%add3A_466, %dma_start3A_474, %dma_start3A_475] : memref<4096x50x128xf32, #tpu.memory_space<hbm>> -> memref<1x50x128xf32, #tpu.memory_space<hbm>>
      %dma_start3A_477 = tpu.memref_squeeze %dma_start3A_476 : memref<1x50x128xf32, #tpu.memory_space<hbm>> -> memref<50x128xf32, #tpu.memory_space<hbm>>
      %dma_start3A_478 = arith.constant 50 : i32
      %dma_start3A_479 = arith.constant 0 : i32
      %dma_start3A_480 = tpu.memref_slice %arg9[%dma_start3A_478, %dma_start3A_479] : memref<100x128xf32, #tpu.memory_space<vmem>> -> memref<50x128xf32, #tpu.memory_space<vmem>>
      tpu.enqueue_dma source(%dma_start3A_480 : memref<50x128xf32, #tpu.memory_space<vmem>>) target(%dma_start3A_477 : memref<50x128xf32, #tpu.memory_space<hbm>>) target_semaphore(%arg17 : memref<!tpu.dma_semaphore, #tpu.memory_space<semaphore_mem>>)
      %dma_wait3A_481 = arith.constant 0 : i32
      %dma_wait3A_482 = arith.constant 0 : i32
      %dma_wait3A_483 = arith.constant 0 : i32
      %dma_wait3A_484 = tpu.memref_slice %arg6[%dma_wait3A_482, %dma_wait3A_483] : memref<100x128xf32, #tpu.memory_space<vmem>> -> memref<50x128xf32, #tpu.memory_space<vmem>>
      %dma_wait3A_485 = arith.constant 0 : i32
      %dma_wait3A_486 = arith.constant 0 : i32
      %dma_wait3A_487 = tpu.memref_slice %arg4[%dma_wait3A_481, %dma_wait3A_485, %dma_wait3A_486] : memref<4096x50x128xf32, #tpu.memory_space<hbm>> -> memref<1x50x128xf32, #tpu.memory_space<hbm>>
      %dma_wait3A_488 = tpu.memref_squeeze %dma_wait3A_487 : memref<1x50x128xf32, #tpu.memory_space<hbm>> -> memref<50x128xf32, #tpu.memory_space<hbm>>
      %dma_wait3A_489 = arith.constant 0 : i32
      %dma_wait3A_490 = arith.constant 0 : i32
      %dma_wait3A_491 = tpu.memref_slice %arg4[%dma_wait3A_481, %dma_wait3A_489, %dma_wait3A_490] : memref<4096x50x128xf32, #tpu.memory_space<hbm>> -> memref<1x50x128xf32, #tpu.memory_space<hbm>>
      %dma_wait3A_492 = tpu.memref_squeeze %dma_wait3A_491 : memref<1x50x128xf32, #tpu.memory_space<hbm>> -> memref<50x128xf32, #tpu.memory_space<hbm>>
      %dma_wait3A_493 = arith.constant 0 : i32
      %dma_wait3A_494 = arith.constant 0 : i32
      %dma_wait3A_495 = tpu.memref_slice %arg6[%dma_wait3A_493, %dma_wait3A_494] : memref<100x128xf32, #tpu.memory_space<vmem>> -> memref<50x128xf32, #tpu.memory_space<vmem>>
      tpu.wait_dma2 semaphore(%arg14 : memref<!tpu.dma_semaphore, #tpu.memory_space<semaphore_mem>>) src(%dma_wait3A_495 : memref<50x128xf32, #tpu.memory_space<vmem>>) dst(%dma_wait3A_492 : memref<50x128xf32, #tpu.memory_space<hbm>>)
      %dma_wait3A_496 = arith.constant 0 : i32
      %dma_wait3A_497 = arith.constant 0 : i32
      %dma_wait3A_498 = arith.constant 0 : i32
      %dma_wait3A_499 = tpu.memref_slice %arg6[%dma_wait3A_497, %dma_wait3A_498] : memref<100x128xf32, #tpu.memory_space<vmem>> -> memref<50x128xf32, #tpu.memory_space<vmem>>
      %dma_wait3A_500 = arith.constant 0 : i32
      %dma_wait3A_501 = arith.constant 0 : i32
      %dma_wait3A_502 = tpu.memref_slice %arg4[%dma_wait3A_496, %dma_wait3A_500, %dma_wait3A_501] : memref<4096x50x128xf32, #tpu.memory_space<hbm>> -> memref<1x50x128xf32, #tpu.memory_space<hbm>>
      %dma_wait3A_503 = tpu.memref_squeeze %dma_wait3A_502 : memref<1x50x128xf32, #tpu.memory_space<hbm>> -> memref<50x128xf32, #tpu.memory_space<hbm>>
      %dma_wait3A_504 = arith.constant 0 : i32
      %dma_wait3A_505 = arith.constant 0 : i32
      %dma_wait3A_506 = tpu.memref_slice %arg4[%dma_wait3A_496, %dma_wait3A_504, %dma_wait3A_505] : memref<4096x50x128xf32, #tpu.memory_space<hbm>> -> memref<1x50x128xf32, #tpu.memory_space<hbm>>
      %dma_wait3A_507 = tpu.memref_squeeze %dma_wait3A_506 : memref<1x50x128xf32, #tpu.memory_space<hbm>> -> memref<50x128xf32, #tpu.memory_space<hbm>>
      %dma_wait3A_508 = arith.constant 0 : i32
      %dma_wait3A_509 = arith.constant 0 : i32
      %dma_wait3A_510 = tpu.memref_slice %arg6[%dma_wait3A_508, %dma_wait3A_509] : memref<100x128xf32, #tpu.memory_space<vmem>> -> memref<50x128xf32, #tpu.memory_space<vmem>>
      tpu.wait_dma2 semaphore(%arg14 : memref<!tpu.dma_semaphore, #tpu.memory_space<semaphore_mem>>) src(%dma_wait3A_510 : memref<50x128xf32, #tpu.memory_space<vmem>>) dst(%dma_wait3A_507 : memref<50x128xf32, #tpu.memory_space<hbm>>)
      %add3A_511 = arith.constant 4 : i32
      %add3A_512 = arith.addi %mul3A_312, %add3A_511 : i32
      %add3A_513 = arith.constant 0 : i32
      %add3A_514 = arith.addi %add3A_512, %add3A_513 : i32
      %dma_start3A_515 = arith.constant 0 : i32
      %dma_start3A_516 = tpu.memref_slice %arg5[%add3A_514, %dma_start3A_515] : memref<64x100xi32, #tpu.memory_space<vmem>> -> memref<1x100xi32, #tpu.memory_space<vmem>>
      %dma_start3A_517 = tpu.memref_squeeze %dma_start3A_516 : memref<1x100xi32, #tpu.memory_space<vmem>> -> memref<100xi32, #tpu.memory_space<vmem>>
      %dma_start3A_518 = arith.constant 0 : i32
      %dma_start3A_519 = arith.constant 0 : i32
      %dma_start3A_520 = tpu.memref_slice %arg3[%dma_start3A_518, %dma_start3A_519] : memref<100000x128xf32, #tpu.memory_space<hbm>> -> memref<100000x128xf32, #tpu.memory_space<hbm>>
      tpu.enqueue_indirect_dma source(%dma_start3A_520 : memref<100000x128xf32, #tpu.memory_space<hbm>>) target(%arg6 : memref<100x128xf32, #tpu.memory_space<vmem>>) offsets(%dma_start3A_517 : memref<100xi32, #tpu.memory_space<vmem>>) semaphore(%arg10 : memref<!tpu.dma_semaphore, #tpu.memory_space<semaphore_mem>>)
      %dma_wait3A_521 = arith.constant 0 : i32
      %dma_wait3A_522 = arith.constant 0 : i32
      %dma_wait3A_523 = arith.constant 0 : i32
      %dma_wait3A_524 = tpu.memref_slice %arg7[%dma_wait3A_522, %dma_wait3A_523] : memref<100x128xf32, #tpu.memory_space<vmem>> -> memref<50x128xf32, #tpu.memory_space<vmem>>
      %dma_wait3A_525 = arith.constant 0 : i32
      %dma_wait3A_526 = arith.constant 0 : i32
      %dma_wait3A_527 = tpu.memref_slice %arg4[%dma_wait3A_521, %dma_wait3A_525, %dma_wait3A_526] : memref<4096x50x128xf32, #tpu.memory_space<hbm>> -> memref<1x50x128xf32, #tpu.memory_space<hbm>>
      %dma_wait3A_528 = tpu.memref_squeeze %dma_wait3A_527 : memref<1x50x128xf32, #tpu.memory_space<hbm>> -> memref<50x128xf32, #tpu.memory_space<hbm>>
      %dma_wait3A_529 = arith.constant 0 : i32
      %dma_wait3A_530 = arith.constant 0 : i32
      %dma_wait3A_531 = tpu.memref_slice %arg4[%dma_wait3A_521, %dma_wait3A_529, %dma_wait3A_530] : memref<4096x50x128xf32, #tpu.memory_space<hbm>> -> memref<1x50x128xf32, #tpu.memory_space<hbm>>
      %dma_wait3A_532 = tpu.memref_squeeze %dma_wait3A_531 : memref<1x50x128xf32, #tpu.memory_space<hbm>> -> memref<50x128xf32, #tpu.memory_space<hbm>>
      %dma_wait3A_533 = arith.constant 0 : i32
      %dma_wait3A_534 = arith.constant 0 : i32
      %dma_wait3A_535 = tpu.memref_slice %arg7[%dma_wait3A_533, %dma_wait3A_534] : memref<100x128xf32, #tpu.memory_space<vmem>> -> memref<50x128xf32, #tpu.memory_space<vmem>>
      tpu.wait_dma2 semaphore(%arg15 : memref<!tpu.dma_semaphore, #tpu.memory_space<semaphore_mem>>) src(%dma_wait3A_535 : memref<50x128xf32, #tpu.memory_space<vmem>>) dst(%dma_wait3A_532 : memref<50x128xf32, #tpu.memory_space<hbm>>)
      %dma_wait3A_536 = arith.constant 0 : i32
      %dma_wait3A_537 = arith.constant 0 : i32
      %dma_wait3A_538 = arith.constant 0 : i32
      %dma_wait3A_539 = tpu.memref_slice %arg7[%dma_wait3A_537, %dma_wait3A_538] : memref<100x128xf32, #tpu.memory_space<vmem>> -> memref<50x128xf32, #tpu.memory_space<vmem>>
      %dma_wait3A_540 = arith.constant 0 : i32
      %dma_wait3A_541 = arith.constant 0 : i32
      %dma_wait3A_542 = tpu.memref_slice %arg4[%dma_wait3A_536, %dma_wait3A_540, %dma_wait3A_541] : memref<4096x50x128xf32, #tpu.memory_space<hbm>> -> memref<1x50x128xf32, #tpu.memory_space<hbm>>
      %dma_wait3A_543 = tpu.memref_squeeze %dma_wait3A_542 : memref<1x50x128xf32, #tpu.memory_space<hbm>> -> memref<50x128xf32, #tpu.memory_space<hbm>>
      %dma_wait3A_544 = arith.constant 0 : i32
      %dma_wait3A_545 = arith.constant 0 : i32
      %dma_wait3A_546 = tpu.memref_slice %arg4[%dma_wait3A_536, %dma_wait3A_544, %dma_wait3A_545] : memref<4096x50x128xf32, #tpu.memory_space<hbm>> -> memref<1x50x128xf32, #tpu.memory_space<hbm>>
      %dma_wait3A_547 = tpu.memref_squeeze %dma_wait3A_546 : memref<1x50x128xf32, #tpu.memory_space<hbm>> -> memref<50x128xf32, #tpu.memory_space<hbm>>
      %dma_wait3A_548 = arith.constant 0 : i32
      %dma_wait3A_549 = arith.constant 0 : i32
      %dma_wait3A_550 = tpu.memref_slice %arg7[%dma_wait3A_548, %dma_wait3A_549] : memref<100x128xf32, #tpu.memory_space<vmem>> -> memref<50x128xf32, #tpu.memory_space<vmem>>
      tpu.wait_dma2 semaphore(%arg15 : memref<!tpu.dma_semaphore, #tpu.memory_space<semaphore_mem>>) src(%dma_wait3A_550 : memref<50x128xf32, #tpu.memory_space<vmem>>) dst(%dma_wait3A_547 : memref<50x128xf32, #tpu.memory_space<hbm>>)
      %add3A_551 = arith.constant 4 : i32
      %add3A_552 = arith.addi %mul3A_312, %add3A_551 : i32
      %add3A_553 = arith.constant 1 : i32
      %add3A_554 = arith.addi %add3A_552, %add3A_553 : i32
      %dma_start3A_555 = arith.constant 0 : i32
      %dma_start3A_556 = tpu.memref_slice %arg5[%add3A_554, %dma_start3A_555] : memref<64x100xi32, #tpu.memory_space<vmem>> -> memref<1x100xi32, #tpu.memory_space<vmem>>
      %dma_start3A_557 = tpu.memref_squeeze %dma_start3A_556 : memref<1x100xi32, #tpu.memory_space<vmem>> -> memref<100xi32, #tpu.memory_space<vmem>>
      %dma_start3A_558 = arith.constant 0 : i32
      %dma_start3A_559 = arith.constant 0 : i32
      %dma_start3A_560 = tpu.memref_slice %arg3[%dma_start3A_558, %dma_start3A_559] : memref<100000x128xf32, #tpu.memory_space<hbm>> -> memref<100000x128xf32, #tpu.memory_space<hbm>>
      tpu.enqueue_indirect_dma source(%dma_start3A_560 : memref<100000x128xf32, #tpu.memory_space<hbm>>) target(%arg7 : memref<100x128xf32, #tpu.memory_space<vmem>>) offsets(%dma_start3A_557 : memref<100xi32, #tpu.memory_space<vmem>>) semaphore(%arg11 : memref<!tpu.dma_semaphore, #tpu.memory_space<semaphore_mem>>)
      %dma_wait3A_561 = arith.constant 0 : i32
      %dma_wait3A_562 = arith.constant 0 : i32
      %dma_wait3A_563 = arith.constant 0 : i32
      %dma_wait3A_564 = tpu.memref_slice %arg8[%dma_wait3A_562, %dma_wait3A_563] : memref<100x128xf32, #tpu.memory_space<vmem>> -> memref<50x128xf32, #tpu.memory_space<vmem>>
      %dma_wait3A_565 = arith.constant 0 : i32
      %dma_wait3A_566 = arith.constant 0 : i32
      %dma_wait3A_567 = tpu.memref_slice %arg4[%dma_wait3A_561, %dma_wait3A_565, %dma_wait3A_566] : memref<4096x50x128xf32, #tpu.memory_space<hbm>> -> memref<1x50x128xf32, #tpu.memory_space<hbm>>
      %dma_wait3A_568 = tpu.memref_squeeze %dma_wait3A_567 : memref<1x50x128xf32, #tpu.memory_space<hbm>> -> memref<50x128xf32, #tpu.memory_space<hbm>>
      %dma_wait3A_569 = arith.constant 0 : i32
      %dma_wait3A_570 = arith.constant 0 : i32
      %dma_wait3A_571 = tpu.memref_slice %arg4[%dma_wait3A_561, %dma_wait3A_569, %dma_wait3A_570] : memref<4096x50x128xf32, #tpu.memory_space<hbm>> -> memref<1x50x128xf32, #tpu.memory_space<hbm>>
      %dma_wait3A_572 = tpu.memref_squeeze %dma_wait3A_571 : memref<1x50x128xf32, #tpu.memory_space<hbm>> -> memref<50x128xf32, #tpu.memory_space<hbm>>
      %dma_wait3A_573 = arith.constant 0 : i32
      %dma_wait3A_574 = arith.constant 0 : i32
      %dma_wait3A_575 = tpu.memref_slice %arg8[%dma_wait3A_573, %dma_wait3A_574] : memref<100x128xf32, #tpu.memory_space<vmem>> -> memref<50x128xf32, #tpu.memory_space<vmem>>
      tpu.wait_dma2 semaphore(%arg16 : memref<!tpu.dma_semaphore, #tpu.memory_space<semaphore_mem>>) src(%dma_wait3A_575 : memref<50x128xf32, #tpu.memory_space<vmem>>) dst(%dma_wait3A_572 : memref<50x128xf32, #tpu.memory_space<hbm>>)
      %dma_wait3A_576 = arith.constant 0 : i32
      %dma_wait3A_577 = arith.constant 0 : i32
      %dma_wait3A_578 = arith.constant 0 : i32
      %dma_wait3A_579 = tpu.memref_slice %arg8[%dma_wait3A_577, %dma_wait3A_578] : memref<100x128xf32, #tpu.memory_space<vmem>> -> memref<50x128xf32, #tpu.memory_space<vmem>>
      %dma_wait3A_580 = arith.constant 0 : i32
      %dma_wait3A_581 = arith.constant 0 : i32
      %dma_wait3A_582 = tpu.memref_slice %arg4[%dma_wait3A_576, %dma_wait3A_580, %dma_wait3A_581] : memref<4096x50x128xf32, #tpu.memory_space<hbm>> -> memref<1x50x128xf32, #tpu.memory_space<hbm>>
      %dma_wait3A_583 = tpu.memref_squeeze %dma_wait3A_582 : memref<1x50x128xf32, #tpu.memory_space<hbm>> -> memref<50x128xf32, #tpu.memory_space<hbm>>
      %dma_wait3A_584 = arith.constant 0 : i32
      %dma_wait3A_585 = arith.constant 0 : i32
      %dma_wait3A_586 = tpu.memref_slice %arg4[%dma_wait3A_576, %dma_wait3A_584, %dma_wait3A_585] : memref<4096x50x128xf32, #tpu.memory_space<hbm>> -> memref<1x50x128xf32, #tpu.memory_space<hbm>>
      %dma_wait3A_587 = tpu.memref_squeeze %dma_wait3A_586 : memref<1x50x128xf32, #tpu.memory_space<hbm>> -> memref<50x128xf32, #tpu.memory_space<hbm>>
      %dma_wait3A_588 = arith.constant 0 : i32
      %dma_wait3A_589 = arith.constant 0 : i32
      %dma_wait3A_590 = tpu.memref_slice %arg8[%dma_wait3A_588, %dma_wait3A_589] : memref<100x128xf32, #tpu.memory_space<vmem>> -> memref<50x128xf32, #tpu.memory_space<vmem>>
      tpu.wait_dma2 semaphore(%arg16 : memref<!tpu.dma_semaphore, #tpu.memory_space<semaphore_mem>>) src(%dma_wait3A_590 : memref<50x128xf32, #tpu.memory_space<vmem>>) dst(%dma_wait3A_587 : memref<50x128xf32, #tpu.memory_space<hbm>>)
      %add3A_591 = arith.constant 4 : i32
      %add3A_592 = arith.addi %mul3A_312, %add3A_591 : i32
      %add3A_593 = arith.constant 2 : i32
      %add3A_594 = arith.addi %add3A_592, %add3A_593 : i32
      %dma_start3A_595 = arith.constant 0 : i32
      %dma_start3A_596 = tpu.memref_slice %arg5[%add3A_594, %dma_start3A_595] : memref<64x100xi32, #tpu.memory_space<vmem>> -> memref<1x100xi32, #tpu.memory_space<vmem>>
      %dma_start3A_597 = tpu.memref_squeeze %dma_start3A_596 : memref<1x100xi32, #tpu.memory_space<vmem>> -> memref<100xi32, #tpu.memory_space<vmem>>
      %dma_start3A_598 = arith.constant 0 : i32
      %dma_start3A_599 = arith.constant 0 : i32
      %dma_start3A_600 = tpu.memref_slice %arg3[%dma_start3A_598, %dma_start3A_599] : memref<100000x128xf32, #tpu.memory_space<hbm>> -> memref<100000x128xf32, #tpu.memory_space<hbm>>
      tpu.enqueue_indirect_dma source(%dma_start3A_600 : memref<100000x128xf32, #tpu.memory_space<hbm>>) target(%arg8 : memref<100x128xf32, #tpu.memory_space<vmem>>) offsets(%dma_start3A_597 : memref<100xi32, #tpu.memory_space<vmem>>) semaphore(%arg12 : memref<!tpu.dma_semaphore, #tpu.memory_space<semaphore_mem>>)
      %dma_wait3A_601 = arith.constant 0 : i32
      %dma_wait3A_602 = arith.constant 0 : i32
      %dma_wait3A_603 = arith.constant 0 : i32
      %dma_wait3A_604 = tpu.memref_slice %arg9[%dma_wait3A_602, %dma_wait3A_603] : memref<100x128xf32, #tpu.memory_space<vmem>> -> memref<50x128xf32, #tpu.memory_space<vmem>>
      %dma_wait3A_605 = arith.constant 0 : i32
      %dma_wait3A_606 = arith.constant 0 : i32
      %dma_wait3A_607 = tpu.memref_slice %arg4[%dma_wait3A_601, %dma_wait3A_605, %dma_wait3A_606] : memref<4096x50x128xf32, #tpu.memory_space<hbm>> -> memref<1x50x128xf32, #tpu.memory_space<hbm>>
      %dma_wait3A_608 = tpu.memref_squeeze %dma_wait3A_607 : memref<1x50x128xf32, #tpu.memory_space<hbm>> -> memref<50x128xf32, #tpu.memory_space<hbm>>
      %dma_wait3A_609 = arith.constant 0 : i32
      %dma_wait3A_610 = arith.constant 0 : i32
      %dma_wait3A_611 = tpu.memref_slice %arg4[%dma_wait3A_601, %dma_wait3A_609, %dma_wait3A_610] : memref<4096x50x128xf32, #tpu.memory_space<hbm>> -> memref<1x50x128xf32, #tpu.memory_space<hbm>>
      %dma_wait3A_612 = tpu.memref_squeeze %dma_wait3A_611 : memref<1x50x128xf32, #tpu.memory_space<hbm>> -> memref<50x128xf32, #tpu.memory_space<hbm>>
      %dma_wait3A_613 = arith.constant 0 : i32
      %dma_wait3A_614 = arith.constant 0 : i32
      %dma_wait3A_615 = tpu.memref_slice %arg9[%dma_wait3A_613, %dma_wait3A_614] : memref<100x128xf32, #tpu.memory_space<vmem>> -> memref<50x128xf32, #tpu.memory_space<vmem>>
      tpu.wait_dma2 semaphore(%arg17 : memref<!tpu.dma_semaphore, #tpu.memory_space<semaphore_mem>>) src(%dma_wait3A_615 : memref<50x128xf32, #tpu.memory_space<vmem>>) dst(%dma_wait3A_612 : memref<50x128xf32, #tpu.memory_space<hbm>>)
      %dma_wait3A_616 = arith.constant 0 : i32
      %dma_wait3A_617 = arith.constant 0 : i32
      %dma_wait3A_618 = arith.constant 0 : i32
      %dma_wait3A_619 = tpu.memref_slice %arg9[%dma_wait3A_617, %dma_wait3A_618] : memref<100x128xf32, #tpu.memory_space<vmem>> -> memref<50x128xf32, #tpu.memory_space<vmem>>
      %dma_wait3A_620 = arith.constant 0 : i32
      %dma_wait3A_621 = arith.constant 0 : i32
      %dma_wait3A_622 = tpu.memref_slice %arg4[%dma_wait3A_616, %dma_wait3A_620, %dma_wait3A_621] : memref<4096x50x128xf32, #tpu.memory_space<hbm>> -> memref<1x50x128xf32, #tpu.memory_space<hbm>>
      %dma_wait3A_623 = tpu.memref_squeeze %dma_wait3A_622 : memref<1x50x128xf32, #tpu.memory_space<hbm>> -> memref<50x128xf32, #tpu.memory_space<hbm>>
      %dma_wait3A_624 = arith.constant 0 : i32
      %dma_wait3A_625 = arith.constant 0 : i32
      %dma_wait3A_626 = tpu.memref_slice %arg4[%dma_wait3A_616, %dma_wait3A_624, %dma_wait3A_625] : memref<4096x50x128xf32, #tpu.memory_space<hbm>> -> memref<1x50x128xf32, #tpu.memory_space<hbm>>
      %dma_wait3A_627 = tpu.memref_squeeze %dma_wait3A_626 : memref<1x50x128xf32, #tpu.memory_space<hbm>> -> memref<50x128xf32, #tpu.memory_space<hbm>>
      %dma_wait3A_628 = arith.constant 0 : i32
      %dma_wait3A_629 = arith.constant 0 : i32
      %dma_wait3A_630 = tpu.memref_slice %arg9[%dma_wait3A_628, %dma_wait3A_629] : memref<100x128xf32, #tpu.memory_space<vmem>> -> memref<50x128xf32, #tpu.memory_space<vmem>>
      tpu.wait_dma2 semaphore(%arg17 : memref<!tpu.dma_semaphore, #tpu.memory_space<semaphore_mem>>) src(%dma_wait3A_630 : memref<50x128xf32, #tpu.memory_space<vmem>>) dst(%dma_wait3A_627 : memref<50x128xf32, #tpu.memory_space<hbm>>)
      %add3A_631 = arith.constant 4 : i32
      %add3A_632 = arith.addi %mul3A_312, %add3A_631 : i32
      %add3A_633 = arith.constant 3 : i32
      %add3A_634 = arith.addi %add3A_632, %add3A_633 : i32
      %dma_start3A_635 = arith.constant 0 : i32
      %dma_start3A_636 = tpu.memref_slice %arg5[%add3A_634, %dma_start3A_635] : memref<64x100xi32, #tpu.memory_space<vmem>> -> memref<1x100xi32, #tpu.memory_space<vmem>>
      %dma_start3A_637 = tpu.memref_squeeze %dma_start3A_636 : memref<1x100xi32, #tpu.memory_space<vmem>> -> memref<100xi32, #tpu.memory_space<vmem>>
      %dma_start3A_638 = arith.constant 0 : i32
      %dma_start3A_639 = arith.constant 0 : i32
      %dma_start3A_640 = tpu.memref_slice %arg3[%dma_start3A_638, %dma_start3A_639] : memref<100000x128xf32, #tpu.memory_space<hbm>> -> memref<100000x128xf32, #tpu.memory_space<hbm>>
      tpu.enqueue_indirect_dma source(%dma_start3A_640 : memref<100000x128xf32, #tpu.memory_space<hbm>>) target(%arg9 : memref<100x128xf32, #tpu.memory_space<vmem>>) offsets(%dma_start3A_637 : memref<100xi32, #tpu.memory_space<vmem>>) semaphore(%arg13 : memref<!tpu.dma_semaphore, #tpu.memory_space<semaphore_mem>>)
    }
    %scan3A_34 = arith.constant 15 : i32
    %dma_wait3A = arith.constant 0 : i32
    %dma_wait3A_35 = arith.constant 0 : i32
    %dma_wait3A_36 = tpu.memref_slice %arg5[%dma_wait3A, %dma_wait3A_35] : memref<64x100xi32, #tpu.memory_space<vmem>> -> memref<1x100xi32, #tpu.memory_space<vmem>>
    %dma_wait3A_37 = tpu.memref_squeeze %dma_wait3A_36 : memref<1x100xi32, #tpu.memory_space<vmem>> -> memref<100xi32, #tpu.memory_space<vmem>>
    %dma_wait3A_38 = arith.constant 0 : i32
    %dma_wait3A_39 = arith.constant 0 : i32
    %dma_wait3A_40 = tpu.memref_slice %arg3[%dma_wait3A_38, %dma_wait3A_39] : memref<100000x128xf32, #tpu.memory_space<hbm>> -> memref<100000x128xf32, #tpu.memory_space<hbm>>
    tpu.wait_indirect_dma semaphore(%arg10 : memref<!tpu.dma_semaphore, #tpu.memory_space<semaphore_mem>>) src(%dma_wait3A_40 : memref<100000x128xf32, #tpu.memory_space<hbm>>) dst(%arg6 : memref<100x128xf32, #tpu.memory_space<vmem>>)
    %add3A_41 = arith.constant 120 : i32
    %add3A_42 = arith.addi %mul3A_2, %add3A_41 : i32
    %dma_start3A_43 = arith.constant 0 : i32
    %dma_start3A_44 = arith.constant 0 : i32
    %dma_start3A_45 = tpu.memref_slice %arg6[%dma_start3A_43, %dma_start3A_44] : memref<100x128xf32, #tpu.memory_space<vmem>> -> memref<50x128xf32, #tpu.memory_space<vmem>>
    %dma_start3A_46 = arith.constant 0 : i32
    %dma_start3A_47 = arith.constant 0 : i32
    %dma_start3A_48 = tpu.memref_slice %arg4[%add3A_42, %dma_start3A_46, %dma_start3A_47] : memref<4096x50x128xf32, #tpu.memory_space<hbm>> -> memref<1x50x128xf32, #tpu.memory_space<hbm>>
    %dma_start3A_49 = tpu.memref_squeeze %dma_start3A_48 : memref<1x50x128xf32, #tpu.memory_space<hbm>> -> memref<50x128xf32, #tpu.memory_space<hbm>>
    %dma_start3A_50 = arith.constant 0 : i32
    %dma_start3A_51 = arith.constant 0 : i32
    %dma_start3A_52 = tpu.memref_slice %arg4[%add3A_42, %dma_start3A_50, %dma_start3A_51] : memref<4096x50x128xf32, #tpu.memory_space<hbm>> -> memref<1x50x128xf32, #tpu.memory_space<hbm>>
    %dma_start3A_53 = tpu.memref_squeeze %dma_start3A_52 : memref<1x50x128xf32, #tpu.memory_space<hbm>> -> memref<50x128xf32, #tpu.memory_space<hbm>>
    %dma_start3A_54 = arith.constant 0 : i32
    %dma_start3A_55 = arith.constant 0 : i32
    %dma_start3A_56 = tpu.memref_slice %arg6[%dma_start3A_54, %dma_start3A_55] : memref<100x128xf32, #tpu.memory_space<vmem>> -> memref<50x128xf32, #tpu.memory_space<vmem>>
    tpu.enqueue_dma source(%dma_start3A_56 : memref<50x128xf32, #tpu.memory_space<vmem>>) target(%dma_start3A_53 : memref<50x128xf32, #tpu.memory_space<hbm>>) target_semaphore(%arg14 : memref<!tpu.dma_semaphore, #tpu.memory_space<semaphore_mem>>)
    %add3A_57 = arith.constant 1 : i32
    %add3A_58 = arith.addi %add3A_42, %add3A_57 : i32
    %dma_start3A_59 = arith.constant 50 : i32
    %dma_start3A_60 = arith.constant 0 : i32
    %dma_start3A_61 = tpu.memref_slice %arg6[%dma_start3A_59, %dma_start3A_60] : memref<100x128xf32, #tpu.memory_space<vmem>> -> memref<50x128xf32, #tpu.memory_space<vmem>>
    %dma_start3A_62 = arith.constant 0 : i32
    %dma_start3A_63 = arith.constant 0 : i32
    %dma_start3A_64 = tpu.memref_slice %arg4[%add3A_58, %dma_start3A_62, %dma_start3A_63] : memref<4096x50x128xf32, #tpu.memory_space<hbm>> -> memref<1x50x128xf32, #tpu.memory_space<hbm>>
    %dma_start3A_65 = tpu.memref_squeeze %dma_start3A_64 : memref<1x50x128xf32, #tpu.memory_space<hbm>> -> memref<50x128xf32, #tpu.memory_space<hbm>>
    %dma_start3A_66 = arith.constant 0 : i32
    %dma_start3A_67 = arith.constant 0 : i32
    %dma_start3A_68 = tpu.memref_slice %arg4[%add3A_58, %dma_start3A_66, %dma_start3A_67] : memref<4096x50x128xf32, #tpu.memory_space<hbm>> -> memref<1x50x128xf32, #tpu.memory_space<hbm>>
    %dma_start3A_69 = tpu.memref_squeeze %dma_start3A_68 : memref<1x50x128xf32, #tpu.memory_space<hbm>> -> memref<50x128xf32, #tpu.memory_space<hbm>>
    %dma_start3A_70 = arith.constant 50 : i32
    %dma_start3A_71 = arith.constant 0 : i32
    %dma_start3A_72 = tpu.memref_slice %arg6[%dma_start3A_70, %dma_start3A_71] : memref<100x128xf32, #tpu.memory_space<vmem>> -> memref<50x128xf32, #tpu.memory_space<vmem>>
    tpu.enqueue_dma source(%dma_start3A_72 : memref<50x128xf32, #tpu.memory_space<vmem>>) target(%dma_start3A_69 : memref<50x128xf32, #tpu.memory_space<hbm>>) target_semaphore(%arg14 : memref<!tpu.dma_semaphore, #tpu.memory_space<semaphore_mem>>)
    %dma_wait3A_73 = arith.constant 0 : i32
    %dma_wait3A_74 = arith.constant 0 : i32
    %dma_wait3A_75 = tpu.memref_slice %arg5[%dma_wait3A_73, %dma_wait3A_74] : memref<64x100xi32, #tpu.memory_space<vmem>> -> memref<1x100xi32, #tpu.memory_space<vmem>>
    %dma_wait3A_76 = tpu.memref_squeeze %dma_wait3A_75 : memref<1x100xi32, #tpu.memory_space<vmem>> -> memref<100xi32, #tpu.memory_space<vmem>>
    %dma_wait3A_77 = arith.constant 0 : i32
    %dma_wait3A_78 = arith.constant 0 : i32
    %dma_wait3A_79 = tpu.memref_slice %arg3[%dma_wait3A_77, %dma_wait3A_78] : memref<100000x128xf32, #tpu.memory_space<hbm>> -> memref<100000x128xf32, #tpu.memory_space<hbm>>
    tpu.wait_indirect_dma semaphore(%arg11 : memref<!tpu.dma_semaphore, #tpu.memory_space<semaphore_mem>>) src(%dma_wait3A_79 : memref<100000x128xf32, #tpu.memory_space<hbm>>) dst(%arg7 : memref<100x128xf32, #tpu.memory_space<vmem>>)
    %add3A_80 = arith.constant 122 : i32
    %add3A_81 = arith.addi %mul3A_2, %add3A_80 : i32
    %dma_start3A_82 = arith.constant 0 : i32
    %dma_start3A_83 = arith.constant 0 : i32
    %dma_start3A_84 = tpu.memref_slice %arg7[%dma_start3A_82, %dma_start3A_83] : memref<100x128xf32, #tpu.memory_space<vmem>> -> memref<50x128xf32, #tpu.memory_space<vmem>>
    %dma_start3A_85 = arith.constant 0 : i32
    %dma_start3A_86 = arith.constant 0 : i32
    %dma_start3A_87 = tpu.memref_slice %arg4[%add3A_81, %dma_start3A_85, %dma_start3A_86] : memref<4096x50x128xf32, #tpu.memory_space<hbm>> -> memref<1x50x128xf32, #tpu.memory_space<hbm>>
    %dma_start3A_88 = tpu.memref_squeeze %dma_start3A_87 : memref<1x50x128xf32, #tpu.memory_space<hbm>> -> memref<50x128xf32, #tpu.memory_space<hbm>>
    %dma_start3A_89 = arith.constant 0 : i32
    %dma_start3A_90 = arith.constant 0 : i32
    %dma_start3A_91 = tpu.memref_slice %arg4[%add3A_81, %dma_start3A_89, %dma_start3A_90] : memref<4096x50x128xf32, #tpu.memory_space<hbm>> -> memref<1x50x128xf32, #tpu.memory_space<hbm>>
    %dma_start3A_92 = tpu.memref_squeeze %dma_start3A_91 : memref<1x50x128xf32, #tpu.memory_space<hbm>> -> memref<50x128xf32, #tpu.memory_space<hbm>>
    %dma_start3A_93 = arith.constant 0 : i32
    %dma_start3A_94 = arith.constant 0 : i32
    %dma_start3A_95 = tpu.memref_slice %arg7[%dma_start3A_93, %dma_start3A_94] : memref<100x128xf32, #tpu.memory_space<vmem>> -> memref<50x128xf32, #tpu.memory_space<vmem>>
    tpu.enqueue_dma source(%dma_start3A_95 : memref<50x128xf32, #tpu.memory_space<vmem>>) target(%dma_start3A_92 : memref<50x128xf32, #tpu.memory_space<hbm>>) target_semaphore(%arg15 : memref<!tpu.dma_semaphore, #tpu.memory_space<semaphore_mem>>)
    %add3A_96 = arith.constant 1 : i32
    %add3A_97 = arith.addi %add3A_81, %add3A_96 : i32
    %dma_start3A_98 = arith.constant 50 : i32
    %dma_start3A_99 = arith.constant 0 : i32
    %dma_start3A_100 = tpu.memref_slice %arg7[%dma_start3A_98, %dma_start3A_99] : memref<100x128xf32, #tpu.memory_space<vmem>> -> memref<50x128xf32, #tpu.memory_space<vmem>>
    %dma_start3A_101 = arith.constant 0 : i32
    %dma_start3A_102 = arith.constant 0 : i32
    %dma_start3A_103 = tpu.memref_slice %arg4[%add3A_97, %dma_start3A_101, %dma_start3A_102] : memref<4096x50x128xf32, #tpu.memory_space<hbm>> -> memref<1x50x128xf32, #tpu.memory_space<hbm>>
    %dma_start3A_104 = tpu.memref_squeeze %dma_start3A_103 : memref<1x50x128xf32, #tpu.memory_space<hbm>> -> memref<50x128xf32, #tpu.memory_space<hbm>>
    %dma_start3A_105 = arith.constant 0 : i32
    %dma_start3A_106 = arith.constant 0 : i32
    %dma_start3A_107 = tpu.memref_slice %arg4[%add3A_97, %dma_start3A_105, %dma_start3A_106] : memref<4096x50x128xf32, #tpu.memory_space<hbm>> -> memref<1x50x128xf32, #tpu.memory_space<hbm>>
    %dma_start3A_108 = tpu.memref_squeeze %dma_start3A_107 : memref<1x50x128xf32, #tpu.memory_space<hbm>> -> memref<50x128xf32, #tpu.memory_space<hbm>>
    %dma_start3A_109 = arith.constant 50 : i32
    %dma_start3A_110 = arith.constant 0 : i32
    %dma_start3A_111 = tpu.memref_slice %arg7[%dma_start3A_109, %dma_start3A_110] : memref<100x128xf32, #tpu.memory_space<vmem>> -> memref<50x128xf32, #tpu.memory_space<vmem>>
    tpu.enqueue_dma source(%dma_start3A_111 : memref<50x128xf32, #tpu.memory_space<vmem>>) target(%dma_start3A_108 : memref<50x128xf32, #tpu.memory_space<hbm>>) target_semaphore(%arg15 : memref<!tpu.dma_semaphore, #tpu.memory_space<semaphore_mem>>)
    %dma_wait3A_112 = arith.constant 0 : i32
    %dma_wait3A_113 = arith.constant 0 : i32
    %dma_wait3A_114 = tpu.memref_slice %arg5[%dma_wait3A_112, %dma_wait3A_113] : memref<64x100xi32, #tpu.memory_space<vmem>> -> memref<1x100xi32, #tpu.memory_space<vmem>>
    %dma_wait3A_115 = tpu.memref_squeeze %dma_wait3A_114 : memref<1x100xi32, #tpu.memory_space<vmem>> -> memref<100xi32, #tpu.memory_space<vmem>>
    %dma_wait3A_116 = arith.constant 0 : i32
    %dma_wait3A_117 = arith.constant 0 : i32
    %dma_wait3A_118 = tpu.memref_slice %arg3[%dma_wait3A_116, %dma_wait3A_117] : memref<100000x128xf32, #tpu.memory_space<hbm>> -> memref<100000x128xf32, #tpu.memory_space<hbm>>
    tpu.wait_indirect_dma semaphore(%arg12 : memref<!tpu.dma_semaphore, #tpu.memory_space<semaphore_mem>>) src(%dma_wait3A_118 : memref<100000x128xf32, #tpu.memory_space<hbm>>) dst(%arg8 : memref<100x128xf32, #tpu.memory_space<vmem>>)
    %add3A_119 = arith.constant 124 : i32
    %add3A_120 = arith.addi %mul3A_2, %add3A_119 : i32
    %dma_start3A_121 = arith.constant 0 : i32
    %dma_start3A_122 = arith.constant 0 : i32
    %dma_start3A_123 = tpu.memref_slice %arg8[%dma_start3A_121, %dma_start3A_122] : memref<100x128xf32, #tpu.memory_space<vmem>> -> memref<50x128xf32, #tpu.memory_space<vmem>>
    %dma_start3A_124 = arith.constant 0 : i32
    %dma_start3A_125 = arith.constant 0 : i32
    %dma_start3A_126 = tpu.memref_slice %arg4[%add3A_120, %dma_start3A_124, %dma_start3A_125] : memref<4096x50x128xf32, #tpu.memory_space<hbm>> -> memref<1x50x128xf32, #tpu.memory_space<hbm>>
    %dma_start3A_127 = tpu.memref_squeeze %dma_start3A_126 : memref<1x50x128xf32, #tpu.memory_space<hbm>> -> memref<50x128xf32, #tpu.memory_space<hbm>>
    %dma_start3A_128 = arith.constant 0 : i32
    %dma_start3A_129 = arith.constant 0 : i32
    %dma_start3A_130 = tpu.memref_slice %arg4[%add3A_120, %dma_start3A_128, %dma_start3A_129] : memref<4096x50x128xf32, #tpu.memory_space<hbm>> -> memref<1x50x128xf32, #tpu.memory_space<hbm>>
    %dma_start3A_131 = tpu.memref_squeeze %dma_start3A_130 : memref<1x50x128xf32, #tpu.memory_space<hbm>> -> memref<50x128xf32, #tpu.memory_space<hbm>>
    %dma_start3A_132 = arith.constant 0 : i32
    %dma_start3A_133 = arith.constant 0 : i32
    %dma_start3A_134 = tpu.memref_slice %arg8[%dma_start3A_132, %dma_start3A_133] : memref<100x128xf32, #tpu.memory_space<vmem>> -> memref<50x128xf32, #tpu.memory_space<vmem>>
    tpu.enqueue_dma source(%dma_start3A_134 : memref<50x128xf32, #tpu.memory_space<vmem>>) target(%dma_start3A_131 : memref<50x128xf32, #tpu.memory_space<hbm>>) target_semaphore(%arg16 : memref<!tpu.dma_semaphore, #tpu.memory_space<semaphore_mem>>)
    %add3A_135 = arith.constant 1 : i32
    %add3A_136 = arith.addi %add3A_120, %add3A_135 : i32
    %dma_start3A_137 = arith.constant 50 : i32
    %dma_start3A_138 = arith.constant 0 : i32
    %dma_start3A_139 = tpu.memref_slice %arg8[%dma_start3A_137, %dma_start3A_138] : memref<100x128xf32, #tpu.memory_space<vmem>> -> memref<50x128xf32, #tpu.memory_space<vmem>>
    %dma_start3A_140 = arith.constant 0 : i32
    %dma_start3A_141 = arith.constant 0 : i32
    %dma_start3A_142 = tpu.memref_slice %arg4[%add3A_136, %dma_start3A_140, %dma_start3A_141] : memref<4096x50x128xf32, #tpu.memory_space<hbm>> -> memref<1x50x128xf32, #tpu.memory_space<hbm>>
    %dma_start3A_143 = tpu.memref_squeeze %dma_start3A_142 : memref<1x50x128xf32, #tpu.memory_space<hbm>> -> memref<50x128xf32, #tpu.memory_space<hbm>>
    %dma_start3A_144 = arith.constant 0 : i32
    %dma_start3A_145 = arith.constant 0 : i32
    %dma_start3A_146 = tpu.memref_slice %arg4[%add3A_136, %dma_start3A_144, %dma_start3A_145] : memref<4096x50x128xf32, #tpu.memory_space<hbm>> -> memref<1x50x128xf32, #tpu.memory_space<hbm>>
    %dma_start3A_147 = tpu.memref_squeeze %dma_start3A_146 : memref<1x50x128xf32, #tpu.memory_space<hbm>> -> memref<50x128xf32, #tpu.memory_space<hbm>>
    %dma_start3A_148 = arith.constant 50 : i32
    %dma_start3A_149 = arith.constant 0 : i32
    %dma_start3A_150 = tpu.memref_slice %arg8[%dma_start3A_148, %dma_start3A_149] : memref<100x128xf32, #tpu.memory_space<vmem>> -> memref<50x128xf32, #tpu.memory_space<vmem>>
    tpu.enqueue_dma source(%dma_start3A_150 : memref<50x128xf32, #tpu.memory_space<vmem>>) target(%dma_start3A_147 : memref<50x128xf32, #tpu.memory_space<hbm>>) target_semaphore(%arg16 : memref<!tpu.dma_semaphore, #tpu.memory_space<semaphore_mem>>)
    %dma_wait3A_151 = arith.constant 0 : i32
    %dma_wait3A_152 = arith.constant 0 : i32
    %dma_wait3A_153 = tpu.memref_slice %arg5[%dma_wait3A_151, %dma_wait3A_152] : memref<64x100xi32, #tpu.memory_space<vmem>> -> memref<1x100xi32, #tpu.memory_space<vmem>>
    %dma_wait3A_154 = tpu.memref_squeeze %dma_wait3A_153 : memref<1x100xi32, #tpu.memory_space<vmem>> -> memref<100xi32, #tpu.memory_space<vmem>>
    %dma_wait3A_155 = arith.constant 0 : i32
    %dma_wait3A_156 = arith.constant 0 : i32
    %dma_wait3A_157 = tpu.memref_slice %arg3[%dma_wait3A_155, %dma_wait3A_156] : memref<100000x128xf32, #tpu.memory_space<hbm>> -> memref<100000x128xf32, #tpu.memory_space<hbm>>
    tpu.wait_indirect_dma semaphore(%arg13 : memref<!tpu.dma_semaphore, #tpu.memory_space<semaphore_mem>>) src(%dma_wait3A_157 : memref<100000x128xf32, #tpu.memory_space<hbm>>) dst(%arg9 : memref<100x128xf32, #tpu.memory_space<vmem>>)
    %add3A_158 = arith.constant 126 : i32
    %add3A_159 = arith.addi %mul3A_2, %add3A_158 : i32
    %dma_start3A_160 = arith.constant 0 : i32
    %dma_start3A_161 = arith.constant 0 : i32
    %dma_start3A_162 = tpu.memref_slice %arg9[%dma_start3A_160, %dma_start3A_161] : memref<100x128xf32, #tpu.memory_space<vmem>> -> memref<50x128xf32, #tpu.memory_space<vmem>>
    %dma_start3A_163 = arith.constant 0 : i32
    %dma_start3A_164 = arith.constant 0 : i32
    %dma_start3A_165 = tpu.memref_slice %arg4[%add3A_159, %dma_start3A_163, %dma_start3A_164] : memref<4096x50x128xf32, #tpu.memory_space<hbm>> -> memref<1x50x128xf32, #tpu.memory_space<hbm>>
    %dma_start3A_166 = tpu.memref_squeeze %dma_start3A_165 : memref<1x50x128xf32, #tpu.memory_space<hbm>> -> memref<50x128xf32, #tpu.memory_space<hbm>>
    %dma_start3A_167 = arith.constant 0 : i32
    %dma_start3A_168 = arith.constant 0 : i32
    %dma_start3A_169 = tpu.memref_slice %arg4[%add3A_159, %dma_start3A_167, %dma_start3A_168] : memref<4096x50x128xf32, #tpu.memory_space<hbm>> -> memref<1x50x128xf32, #tpu.memory_space<hbm>>
    %dma_start3A_170 = tpu.memref_squeeze %dma_start3A_169 : memref<1x50x128xf32, #tpu.memory_space<hbm>> -> memref<50x128xf32, #tpu.memory_space<hbm>>
    %dma_start3A_171 = arith.constant 0 : i32
    %dma_start3A_172 = arith.constant 0 : i32
    %dma_start3A_173 = tpu.memref_slice %arg9[%dma_start3A_171, %dma_start3A_172] : memref<100x128xf32, #tpu.memory_space<vmem>> -> memref<50x128xf32, #tpu.memory_space<vmem>>
    tpu.enqueue_dma source(%dma_start3A_173 : memref<50x128xf32, #tpu.memory_space<vmem>>) target(%dma_start3A_170 : memref<50x128xf32, #tpu.memory_space<hbm>>) target_semaphore(%arg17 : memref<!tpu.dma_semaphore, #tpu.memory_space<semaphore_mem>>)
    %add3A_174 = arith.constant 1 : i32
    %add3A_175 = arith.addi %add3A_159, %add3A_174 : i32
    %dma_start3A_176 = arith.constant 50 : i32
    %dma_start3A_177 = arith.constant 0 : i32
    %dma_start3A_178 = tpu.memref_slice %arg9[%dma_start3A_176, %dma_start3A_177] : memref<100x128xf32, #tpu.memory_space<vmem>> -> memref<50x128xf32, #tpu.memory_space<vmem>>
    %dma_start3A_179 = arith.constant 0 : i32
    %dma_start3A_180 = arith.constant 0 : i32
    %dma_start3A_181 = tpu.memref_slice %arg4[%add3A_175, %dma_start3A_179, %dma_start3A_180] : memref<4096x50x128xf32, #tpu.memory_space<hbm>> -> memref<1x50x128xf32, #tpu.memory_space<hbm>>
    %dma_start3A_182 = tpu.memref_squeeze %dma_start3A_181 : memref<1x50x128xf32, #tpu.memory_space<hbm>> -> memref<50x128xf32, #tpu.memory_space<hbm>>
    %dma_start3A_183 = arith.constant 0 : i32
    %dma_start3A_184 = arith.constant 0 : i32
    %dma_start3A_185 = tpu.memref_slice %arg4[%add3A_175, %dma_start3A_183, %dma_start3A_184] : memref<4096x50x128xf32, #tpu.memory_space<hbm>> -> memref<1x50x128xf32, #tpu.memory_space<hbm>>
    %dma_start3A_186 = tpu.memref_squeeze %dma_start3A_185 : memref<1x50x128xf32, #tpu.memory_space<hbm>> -> memref<50x128xf32, #tpu.memory_space<hbm>>
    %dma_start3A_187 = arith.constant 50 : i32
    %dma_start3A_188 = arith.constant 0 : i32
    %dma_start3A_189 = tpu.memref_slice %arg9[%dma_start3A_187, %dma_start3A_188] : memref<100x128xf32, #tpu.memory_space<vmem>> -> memref<50x128xf32, #tpu.memory_space<vmem>>
    tpu.enqueue_dma source(%dma_start3A_189 : memref<50x128xf32, #tpu.memory_space<vmem>>) target(%dma_start3A_186 : memref<50x128xf32, #tpu.memory_space<hbm>>) target_semaphore(%arg17 : memref<!tpu.dma_semaphore, #tpu.memory_space<semaphore_mem>>)
    %dma_wait3A_190 = arith.constant 0 : i32
    %dma_wait3A_191 = arith.constant 0 : i32
    %dma_wait3A_192 = arith.constant 0 : i32
    %dma_wait3A_193 = tpu.memref_slice %arg6[%dma_wait3A_191, %dma_wait3A_192] : memref<100x128xf32, #tpu.memory_space<vmem>> -> memref<50x128xf32, #tpu.memory_space<vmem>>
    %dma_wait3A_194 = arith.constant 0 : i32
    %dma_wait3A_195 = arith.constant 0 : i32
    %dma_wait3A_196 = tpu.memref_slice %arg4[%dma_wait3A_190, %dma_wait3A_194, %dma_wait3A_195] : memref<4096x50x128xf32, #tpu.memory_space<hbm>> -> memref<1x50x128xf32, #tpu.memory_space<hbm>>
    %dma_wait3A_197 = tpu.memref_squeeze %dma_wait3A_196 : memref<1x50x128xf32, #tpu.memory_space<hbm>> -> memref<50x128xf32, #tpu.memory_space<hbm>>
    %dma_wait3A_198 = arith.constant 0 : i32
    %dma_wait3A_199 = arith.constant 0 : i32
    %dma_wait3A_200 = tpu.memref_slice %arg4[%dma_wait3A_190, %dma_wait3A_198, %dma_wait3A_199] : memref<4096x50x128xf32, #tpu.memory_space<hbm>> -> memref<1x50x128xf32, #tpu.memory_space<hbm>>
    %dma_wait3A_201 = tpu.memref_squeeze %dma_wait3A_200 : memref<1x50x128xf32, #tpu.memory_space<hbm>> -> memref<50x128xf32, #tpu.memory_space<hbm>>
    %dma_wait3A_202 = arith.constant 0 : i32
    %dma_wait3A_203 = arith.constant 0 : i32
    %dma_wait3A_204 = tpu.memref_slice %arg6[%dma_wait3A_202, %dma_wait3A_203] : memref<100x128xf32, #tpu.memory_space<vmem>> -> memref<50x128xf32, #tpu.memory_space<vmem>>
    tpu.wait_dma2 semaphore(%arg14 : memref<!tpu.dma_semaphore, #tpu.memory_space<semaphore_mem>>) src(%dma_wait3A_204 : memref<50x128xf32, #tpu.memory_space<vmem>>) dst(%dma_wait3A_201 : memref<50x128xf32, #tpu.memory_space<hbm>>)
    %dma_wait3A_205 = arith.constant 0 : i32
    %dma_wait3A_206 = arith.constant 0 : i32
    %dma_wait3A_207 = arith.constant 0 : i32
    %dma_wait3A_208 = tpu.memref_slice %arg6[%dma_wait3A_206, %dma_wait3A_207] : memref<100x128xf32, #tpu.memory_space<vmem>> -> memref<50x128xf32, #tpu.memory_space<vmem>>
    %dma_wait3A_209 = arith.constant 0 : i32
    %dma_wait3A_210 = arith.constant 0 : i32
    %dma_wait3A_211 = tpu.memref_slice %arg4[%dma_wait3A_205, %dma_wait3A_209, %dma_wait3A_210] : memref<4096x50x128xf32, #tpu.memory_space<hbm>> -> memref<1x50x128xf32, #tpu.memory_space<hbm>>
    %dma_wait3A_212 = tpu.memref_squeeze %dma_wait3A_211 : memref<1x50x128xf32, #tpu.memory_space<hbm>> -> memref<50x128xf32, #tpu.memory_space<hbm>>
    %dma_wait3A_213 = arith.constant 0 : i32
    %dma_wait3A_214 = arith.constant 0 : i32
    %dma_wait3A_215 = tpu.memref_slice %arg4[%dma_wait3A_205, %dma_wait3A_213, %dma_wait3A_214] : memref<4096x50x128xf32, #tpu.memory_space<hbm>> -> memref<1x50x128xf32, #tpu.memory_space<hbm>>
    %dma_wait3A_216 = tpu.memref_squeeze %dma_wait3A_215 : memref<1x50x128xf32, #tpu.memory_space<hbm>> -> memref<50x128xf32, #tpu.memory_space<hbm>>
    %dma_wait3A_217 = arith.constant 0 : i32
    %dma_wait3A_218 = arith.constant 0 : i32
    %dma_wait3A_219 = tpu.memref_slice %arg6[%dma_wait3A_217, %dma_wait3A_218] : memref<100x128xf32, #tpu.memory_space<vmem>> -> memref<50x128xf32, #tpu.memory_space<vmem>>
    tpu.wait_dma2 semaphore(%arg14 : memref<!tpu.dma_semaphore, #tpu.memory_space<semaphore_mem>>) src(%dma_wait3A_219 : memref<50x128xf32, #tpu.memory_space<vmem>>) dst(%dma_wait3A_216 : memref<50x128xf32, #tpu.memory_space<hbm>>)
    %dma_wait3A_220 = arith.constant 0 : i32
    %dma_wait3A_221 = arith.constant 0 : i32
    %dma_wait3A_222 = arith.constant 0 : i32
    %dma_wait3A_223 = tpu.memref_slice %arg7[%dma_wait3A_221, %dma_wait3A_222] : memref<100x128xf32, #tpu.memory_space<vmem>> -> memref<50x128xf32, #tpu.memory_space<vmem>>
    %dma_wait3A_224 = arith.constant 0 : i32
    %dma_wait3A_225 = arith.constant 0 : i32
    %dma_wait3A_226 = tpu.memref_slice %arg4[%dma_wait3A_220, %dma_wait3A_224, %dma_wait3A_225] : memref<4096x50x128xf32, #tpu.memory_space<hbm>> -> memref<1x50x128xf32, #tpu.memory_space<hbm>>
    %dma_wait3A_227 = tpu.memref_squeeze %dma_wait3A_226 : memref<1x50x128xf32, #tpu.memory_space<hbm>> -> memref<50x128xf32, #tpu.memory_space<hbm>>
    %dma_wait3A_228 = arith.constant 0 : i32
    %dma_wait3A_229 = arith.constant 0 : i32
    %dma_wait3A_230 = tpu.memref_slice %arg4[%dma_wait3A_220, %dma_wait3A_228, %dma_wait3A_229] : memref<4096x50x128xf32, #tpu.memory_space<hbm>> -> memref<1x50x128xf32, #tpu.memory_space<hbm>>
    %dma_wait3A_231 = tpu.memref_squeeze %dma_wait3A_230 : memref<1x50x128xf32, #tpu.memory_space<hbm>> -> memref<50x128xf32, #tpu.memory_space<hbm>>
    %dma_wait3A_232 = arith.constant 0 : i32
    %dma_wait3A_233 = arith.constant 0 : i32
    %dma_wait3A_234 = tpu.memref_slice %arg7[%dma_wait3A_232, %dma_wait3A_233] : memref<100x128xf32, #tpu.memory_space<vmem>> -> memref<50x128xf32, #tpu.memory_space<vmem>>
    tpu.wait_dma2 semaphore(%arg15 : memref<!tpu.dma_semaphore, #tpu.memory_space<semaphore_mem>>) src(%dma_wait3A_234 : memref<50x128xf32, #tpu.memory_space<vmem>>) dst(%dma_wait3A_231 : memref<50x128xf32, #tpu.memory_space<hbm>>)
    %dma_wait3A_235 = arith.constant 0 : i32
    %dma_wait3A_236 = arith.constant 0 : i32
    %dma_wait3A_237 = arith.constant 0 : i32
    %dma_wait3A_238 = tpu.memref_slice %arg7[%dma_wait3A_236, %dma_wait3A_237] : memref<100x128xf32, #tpu.memory_space<vmem>> -> memref<50x128xf32, #tpu.memory_space<vmem>>
    %dma_wait3A_239 = arith.constant 0 : i32
    %dma_wait3A_240 = arith.constant 0 : i32
    %dma_wait3A_241 = tpu.memref_slice %arg4[%dma_wait3A_235, %dma_wait3A_239, %dma_wait3A_240] : memref<4096x50x128xf32, #tpu.memory_space<hbm>> -> memref<1x50x128xf32, #tpu.memory_space<hbm>>
    %dma_wait3A_242 = tpu.memref_squeeze %dma_wait3A_241 : memref<1x50x128xf32, #tpu.memory_space<hbm>> -> memref<50x128xf32, #tpu.memory_space<hbm>>
    %dma_wait3A_243 = arith.constant 0 : i32
    %dma_wait3A_244 = arith.constant 0 : i32
    %dma_wait3A_245 = tpu.memref_slice %arg4[%dma_wait3A_235, %dma_wait3A_243, %dma_wait3A_244] : memref<4096x50x128xf32, #tpu.memory_space<hbm>> -> memref<1x50x128xf32, #tpu.memory_space<hbm>>
    %dma_wait3A_246 = tpu.memref_squeeze %dma_wait3A_245 : memref<1x50x128xf32, #tpu.memory_space<hbm>> -> memref<50x128xf32, #tpu.memory_space<hbm>>
    %dma_wait3A_247 = arith.constant 0 : i32
    %dma_wait3A_248 = arith.constant 0 : i32
    %dma_wait3A_249 = tpu.memref_slice %arg7[%dma_wait3A_247, %dma_wait3A_248] : memref<100x128xf32, #tpu.memory_space<vmem>> -> memref<50x128xf32, #tpu.memory_space<vmem>>
    tpu.wait_dma2 semaphore(%arg15 : memref<!tpu.dma_semaphore, #tpu.memory_space<semaphore_mem>>) src(%dma_wait3A_249 : memref<50x128xf32, #tpu.memory_space<vmem>>) dst(%dma_wait3A_246 : memref<50x128xf32, #tpu.memory_space<hbm>>)
    %dma_wait3A_250 = arith.constant 0 : i32
    %dma_wait3A_251 = arith.constant 0 : i32
    %dma_wait3A_252 = arith.constant 0 : i32
    %dma_wait3A_253 = tpu.memref_slice %arg8[%dma_wait3A_251, %dma_wait3A_252] : memref<100x128xf32, #tpu.memory_space<vmem>> -> memref<50x128xf32, #tpu.memory_space<vmem>>
    %dma_wait3A_254 = arith.constant 0 : i32
    %dma_wait3A_255 = arith.constant 0 : i32
    %dma_wait3A_256 = tpu.memref_slice %arg4[%dma_wait3A_250, %dma_wait3A_254, %dma_wait3A_255] : memref<4096x50x128xf32, #tpu.memory_space<hbm>> -> memref<1x50x128xf32, #tpu.memory_space<hbm>>
    %dma_wait3A_257 = tpu.memref_squeeze %dma_wait3A_256 : memref<1x50x128xf32, #tpu.memory_space<hbm>> -> memref<50x128xf32, #tpu.memory_space<hbm>>
    %dma_wait3A_258 = arith.constant 0 : i32
    %dma_wait3A_259 = arith.constant 0 : i32
    %dma_wait3A_260 = tpu.memref_slice %arg4[%dma_wait3A_250, %dma_wait3A_258, %dma_wait3A_259] : memref<4096x50x128xf32, #tpu.memory_space<hbm>> -> memref<1x50x128xf32, #tpu.memory_space<hbm>>
    %dma_wait3A_261 = tpu.memref_squeeze %dma_wait3A_260 : memref<1x50x128xf32, #tpu.memory_space<hbm>> -> memref<50x128xf32, #tpu.memory_space<hbm>>
    %dma_wait3A_262 = arith.constant 0 : i32
    %dma_wait3A_263 = arith.constant 0 : i32
    %dma_wait3A_264 = tpu.memref_slice %arg8[%dma_wait3A_262, %dma_wait3A_263] : memref<100x128xf32, #tpu.memory_space<vmem>> -> memref<50x128xf32, #tpu.memory_space<vmem>>
    tpu.wait_dma2 semaphore(%arg16 : memref<!tpu.dma_semaphore, #tpu.memory_space<semaphore_mem>>) src(%dma_wait3A_264 : memref<50x128xf32, #tpu.memory_space<vmem>>) dst(%dma_wait3A_261 : memref<50x128xf32, #tpu.memory_space<hbm>>)
    %dma_wait3A_265 = arith.constant 0 : i32
    %dma_wait3A_266 = arith.constant 0 : i32
    %dma_wait3A_267 = arith.constant 0 : i32
    %dma_wait3A_268 = tpu.memref_slice %arg8[%dma_wait3A_266, %dma_wait3A_267] : memref<100x128xf32, #tpu.memory_space<vmem>> -> memref<50x128xf32, #tpu.memory_space<vmem>>
    %dma_wait3A_269 = arith.constant 0 : i32
    %dma_wait3A_270 = arith.constant 0 : i32
    %dma_wait3A_271 = tpu.memref_slice %arg4[%dma_wait3A_265, %dma_wait3A_269, %dma_wait3A_270] : memref<4096x50x128xf32, #tpu.memory_space<hbm>> -> memref<1x50x128xf32, #tpu.memory_space<hbm>>
    %dma_wait3A_272 = tpu.memref_squeeze %dma_wait3A_271 : memref<1x50x128xf32, #tpu.memory_space<hbm>> -> memref<50x128xf32, #tpu.memory_space<hbm>>
    %dma_wait3A_273 = arith.constant 0 : i32
    %dma_wait3A_274 = arith.constant 0 : i32
    %dma_wait3A_275 = tpu.memref_slice %arg4[%dma_wait3A_265, %dma_wait3A_273, %dma_wait3A_274] : memref<4096x50x128xf32, #tpu.memory_space<hbm>> -> memref<1x50x128xf32, #tpu.memory_space<hbm>>
    %dma_wait3A_276 = tpu.memref_squeeze %dma_wait3A_275 : memref<1x50x128xf32, #tpu.memory_space<hbm>> -> memref<50x128xf32, #tpu.memory_space<hbm>>
    %dma_wait3A_277 = arith.constant 0 : i32
    %dma_wait3A_278 = arith.constant 0 : i32
    %dma_wait3A_279 = tpu.memref_slice %arg8[%dma_wait3A_277, %dma_wait3A_278] : memref<100x128xf32, #tpu.memory_space<vmem>> -> memref<50x128xf32, #tpu.memory_space<vmem>>
    tpu.wait_dma2 semaphore(%arg16 : memref<!tpu.dma_semaphore, #tpu.memory_space<semaphore_mem>>) src(%dma_wait3A_279 : memref<50x128xf32, #tpu.memory_space<vmem>>) dst(%dma_wait3A_276 : memref<50x128xf32, #tpu.memory_space<hbm>>)
    %dma_wait3A_280 = arith.constant 0 : i32
    %dma_wait3A_281 = arith.constant 0 : i32
    %dma_wait3A_282 = arith.constant 0 : i32
    %dma_wait3A_283 = tpu.memref_slice %arg9[%dma_wait3A_281, %dma_wait3A_282] : memref<100x128xf32, #tpu.memory_space<vmem>> -> memref<50x128xf32, #tpu.memory_space<vmem>>
    %dma_wait3A_284 = arith.constant 0 : i32
    %dma_wait3A_285 = arith.constant 0 : i32
    %dma_wait3A_286 = tpu.memref_slice %arg4[%dma_wait3A_280, %dma_wait3A_284, %dma_wait3A_285] : memref<4096x50x128xf32, #tpu.memory_space<hbm>> -> memref<1x50x128xf32, #tpu.memory_space<hbm>>
    %dma_wait3A_287 = tpu.memref_squeeze %dma_wait3A_286 : memref<1x50x128xf32, #tpu.memory_space<hbm>> -> memref<50x128xf32, #tpu.memory_space<hbm>>
    %dma_wait3A_288 = arith.constant 0 : i32
    %dma_wait3A_289 = arith.constant 0 : i32
    %dma_wait3A_290 = tpu.memref_slice %arg4[%dma_wait3A_280, %dma_wait3A_288, %dma_wait3A_289] : memref<4096x50x128xf32, #tpu.memory_space<hbm>> -> memref<1x50x128xf32, #tpu.memory_space<hbm>>
    %dma_wait3A_291 = tpu.memref_squeeze %dma_wait3A_290 : memref<1x50x128xf32, #tpu.memory_space<hbm>> -> memref<50x128xf32, #tpu.memory_space<hbm>>
    %dma_wait3A_292 = arith.constant 0 : i32
    %dma_wait3A_293 = arith.constant 0 : i32
    %dma_wait3A_294 = tpu.memref_slice %arg9[%dma_wait3A_292, %dma_wait3A_293] : memref<100x128xf32, #tpu.memory_space<vmem>> -> memref<50x128xf32, #tpu.memory_space<vmem>>
    tpu.wait_dma2 semaphore(%arg17 : memref<!tpu.dma_semaphore, #tpu.memory_space<semaphore_mem>>) src(%dma_wait3A_294 : memref<50x128xf32, #tpu.memory_space<vmem>>) dst(%dma_wait3A_291 : memref<50x128xf32, #tpu.memory_space<hbm>>)
    %dma_wait3A_295 = arith.constant 0 : i32
    %dma_wait3A_296 = arith.constant 0 : i32
    %dma_wait3A_297 = arith.constant 0 : i32
    %dma_wait3A_298 = tpu.memref_slice %arg9[%dma_wait3A_296, %dma_wait3A_297] : memref<100x128xf32, #tpu.memory_space<vmem>> -> memref<50x128xf32, #tpu.memory_space<vmem>>
    %dma_wait3A_299 = arith.constant 0 : i32
    %dma_wait3A_300 = arith.constant 0 : i32
    %dma_wait3A_301 = tpu.memref_slice %arg4[%dma_wait3A_295, %dma_wait3A_299, %dma_wait3A_300] : memref<4096x50x128xf32, #tpu.memory_space<hbm>> -> memref<1x50x128xf32, #tpu.memory_space<hbm>>
    %dma_wait3A_302 = tpu.memref_squeeze %dma_wait3A_301 : memref<1x50x128xf32, #tpu.memory_space<hbm>> -> memref<50x128xf32, #tpu.memory_space<hbm>>
    %dma_wait3A_303 = arith.constant 0 : i32
    %dma_wait3A_304 = arith.constant 0 : i32
    %dma_wait3A_305 = tpu.memref_slice %arg4[%dma_wait3A_295, %dma_wait3A_303, %dma_wait3A_304] : memref<4096x50x128xf32, #tpu.memory_space<hbm>> -> memref<1x50x128xf32, #tpu.memory_space<hbm>>
    %dma_wait3A_306 = tpu.memref_squeeze %dma_wait3A_305 : memref<1x50x128xf32, #tpu.memory_space<hbm>> -> memref<50x128xf32, #tpu.memory_space<hbm>>
    %dma_wait3A_307 = arith.constant 0 : i32
    %dma_wait3A_308 = arith.constant 0 : i32
    %dma_wait3A_309 = tpu.memref_slice %arg9[%dma_wait3A_307, %dma_wait3A_308] : memref<100x128xf32, #tpu.memory_space<vmem>> -> memref<50x128xf32, #tpu.memory_space<vmem>>
    tpu.wait_dma2 semaphore(%arg17 : memref<!tpu.dma_semaphore, #tpu.memory_space<semaphore_mem>>) src(%dma_wait3A_309 : memref<50x128xf32, #tpu.memory_space<vmem>>) dst(%dma_wait3A_306 : memref<50x128xf32, #tpu.memory_space<hbm>>)
    return
  }
}

#map = affine_map<(d0, d1) -> (0, 0, 0)>
#map1 = affine_map<(d0, d1) -> (0, 0)>
module attributes {stable_mosaic.version = 14 : i64} {
  func.func @gather_kernel(%arg0: i32, %arg1: i32, %arg2: memref<32x64x100xi32, #tpu.memory_space<hbm>>, %arg3: memref<100000x128xf32, #tpu.memory_space<hbm>>, %arg4: memref<4096x50x128xf32, #tpu.memory_space<hbm>>, %arg5: memref<64x100xi32, #tpu.memory_space<vmem>>, %arg6: memref<100x128xf32, #tpu.memory_space<vmem>>, %arg7: memref<100x128xf32, #tpu.memory_space<vmem>>, %arg8: memref<100x128xf32, #tpu.memory_space<vmem>>, %arg9: memref<100x128xf32, #tpu.memory_space<vmem>>, %arg10: memref<!tpu.dma_semaphore, #tpu.memory_space<semaphore_mem>>, %arg11: memref<!tpu.dma_semaphore, #tpu.memory_space<semaphore_mem>>, %arg12: memref<!tpu.dma_semaphore, #tpu.memory_space<semaphore_mem>>, %arg13: memref<!tpu.dma_semaphore, #tpu.memory_space<semaphore_mem>>, %arg14: memref<!tpu.dma_semaphore, #tpu.memory_space<semaphore_mem>>, %arg15: memref<!tpu.dma_semaphore, #tpu.memory_space<semaphore_mem>>, %arg16: memref<!tpu.dma_semaphore, #tpu.memory_space<semaphore_mem>>, %arg17: memref<!tpu.dma_semaphore, #tpu.memory_space<semaphore_mem>>) attributes {dimension_semantics = [#tpu.dimension_semantics<core_parallel>, #tpu.dimension_semantics<subcore_parallel>], iteration_bounds = array<i64: 2, 16>, scalar_prefetch = 0 : i64, scratch_operands = 13 : i64, tpu.core_type = #tpu.core_type<sc_vector_subcore>, window_params = [{transform_indices = #map}, {transform_indices = #map1}, {transform_indices = #map}]} {
    %mul3A = arith.constant 2 : i32
    %mul3A_0 = arith.muli %arg1, %mul3A : i32
    %add3A = arith.addi %mul3A_0, %arg0 : i32
    %mul3A_1 = arith.constant 128 : i32
    %mul3A_2 = arith.muli %add3A, %mul3A_1 : i32
    "tpu.region"() ({
      %run_scoped3A = tpu.sem_alloc : memref<!tpu.dma_semaphore, #tpu.memory_space<semaphore_mem>>
      %dma_start3A_310 = arith.constant 0 : i32
      %dma_start3A_311 = arith.constant 0 : i32
      %dma_start3A_312 = tpu.memref_slice %arg2[%add3A, %dma_start3A_310, %dma_start3A_311] : memref<32x64x100xi32, #tpu.memory_space<hbm>> -> memref<1x64x100xi32, #tpu.memory_space<hbm>>
      %dma_start3A_313 = tpu.memref_squeeze %dma_start3A_312 : memref<1x64x100xi32, #tpu.memory_space<hbm>> -> memref<64x100xi32, #tpu.memory_space<hbm>>
      %dma_start3A_314 = arith.constant 0 : i32
      %dma_start3A_315 = arith.constant 0 : i32
      %dma_start3A_316 = tpu.memref_slice %arg2[%add3A, %dma_start3A_314, %dma_start3A_315] : memref<32x64x100xi32, #tpu.memory_space<hbm>> -> memref<1x64x100xi32, #tpu.memory_space<hbm>>
      %dma_start3A_317 = tpu.memref_squeeze %dma_start3A_316 : memref<1x64x100xi32, #tpu.memory_space<hbm>> -> memref<64x100xi32, #tpu.memory_space<hbm>>
      tpu.enqueue_dma source(%dma_start3A_317 : memref<64x100xi32, #tpu.memory_space<hbm>>) target(%arg5 : memref<64x100xi32, #tpu.memory_space<vmem>>) target_semaphore(%run_scoped3A : memref<!tpu.dma_semaphore, #tpu.memory_space<semaphore_mem>>)
      %dma_wait3A_318 = arith.constant 0 : i32
      %dma_wait3A_319 = arith.constant 0 : i32
      %dma_wait3A_320 = tpu.memref_slice %arg2[%add3A, %dma_wait3A_318, %dma_wait3A_319] : memref<32x64x100xi32, #tpu.memory_space<hbm>> -> memref<1x64x100xi32, #tpu.memory_space<hbm>>
      %dma_wait3A_321 = tpu.memref_squeeze %dma_wait3A_320 : memref<1x64x100xi32, #tpu.memory_space<hbm>> -> memref<64x100xi32, #tpu.memory_space<hbm>>
      %dma_wait3A_322 = arith.constant 0 : i32
      %dma_wait3A_323 = arith.constant 0 : i32
      %dma_wait3A_324 = tpu.memref_slice %arg2[%add3A, %dma_wait3A_322, %dma_wait3A_323] : memref<32x64x100xi32, #tpu.memory_space<hbm>> -> memref<1x64x100xi32, #tpu.memory_space<hbm>>
      %dma_wait3A_325 = tpu.memref_squeeze %dma_wait3A_324 : memref<1x64x100xi32, #tpu.memory_space<hbm>> -> memref<64x100xi32, #tpu.memory_space<hbm>>
      tpu.wait_dma2 semaphore(%run_scoped3A : memref<!tpu.dma_semaphore, #tpu.memory_space<semaphore_mem>>) src(%dma_wait3A_325 : memref<64x100xi32, #tpu.memory_space<hbm>>) dst(%arg5 : memref<64x100xi32, #tpu.memory_space<vmem>>)
      tpu.yield
    }) : () -> ()
    %dma_start3A = arith.constant 0 : i32
    %dma_start3A_3 = arith.constant 0 : i32
    %dma_start3A_4 = tpu.memref_slice %arg5[%dma_start3A, %dma_start3A_3] : memref<64x100xi32, #tpu.memory_space<vmem>> -> memref<1x100xi32, #tpu.memory_space<vmem>>
    %dma_start3A_5 = tpu.memref_squeeze %dma_start3A_4 : memref<1x100xi32, #tpu.memory_space<vmem>> -> memref<100xi32, #tpu.memory_space<vmem>>
    %dma_start3A_6 = arith.constant 0 : i32
    %dma_start3A_7 = arith.constant 0 : i32
    %dma_start3A_8 = tpu.memref_slice %arg3[%dma_start3A_6, %dma_start3A_7] : memref<100000x128xf32, #tpu.memory_space<hbm>> -> memref<100000x128xf32, #tpu.memory_space<hbm>>
    tpu.enqueue_indirect_dma source(%dma_start3A_8 : memref<100000x128xf32, #tpu.memory_space<hbm>>) target(%arg6 : memref<100x128xf32, #tpu.memory_space<vmem>>) offsets(%dma_start3A_5 : memref<100xi32, #tpu.memory_space<vmem>>) semaphore(%arg10 : memref<!tpu.dma_semaphore, #tpu.memory_space<semaphore_mem>>)
    %dma_start3A_9 = arith.constant 1 : i32
    %dma_start3A_10 = arith.constant 0 : i32
    %dma_start3A_11 = tpu.memref_slice %arg5[%dma_start3A_9, %dma_start3A_10] : memref<64x100xi32, #tpu.memory_space<vmem>> -> memref<1x100xi32, #tpu.memory_space<vmem>>
    %dma_start3A_12 = tpu.memref_squeeze %dma_start3A_11 : memref<1x100xi32, #tpu.memory_space<vmem>> -> memref<100xi32, #tpu.memory_space<vmem>>
    %dma_start3A_13 = arith.constant 0 : i32
    %dma_start3A_14 = arith.constant 0 : i32
    %dma_start3A_15 = tpu.memref_slice %arg3[%dma_start3A_13, %dma_start3A_14] : memref<100000x128xf32, #tpu.memory_space<hbm>> -> memref<100000x128xf32, #tpu.memory_space<hbm>>
    tpu.enqueue_indirect_dma source(%dma_start3A_15 : memref<100000x128xf32, #tpu.memory_space<hbm>>) target(%arg7 : memref<100x128xf32, #tpu.memory_space<vmem>>) offsets(%dma_start3A_12 : memref<100xi32, #tpu.memory_space<vmem>>) semaphore(%arg11 : memref<!tpu.dma_semaphore, #tpu.memory_space<semaphore_mem>>)
    %dma_start3A_16 = arith.constant 2 : i32
    %dma_start3A_17 = arith.constant 0 : i32
    %dma_start3A_18 = tpu.memref_slice %arg5[%dma_start3A_16, %dma_start3A_17] : memref<64x100xi32, #tpu.memory_space<vmem>> -> memref<1x100xi32, #tpu.memory_space<vmem>>
    %dma_start3A_19 = tpu.memref_squeeze %dma_start3A_18 : memref<1x100xi32, #tpu.memory_space<vmem>> -> memref<100xi32, #tpu.memory_space<vmem>>
    %dma_start3A_20 = arith.constant 0 : i32
    %dma_start3A_21 = arith.constant 0 : i32
    %dma_start3A_22 = tpu.memref_slice %arg3[%dma_start3A_20, %dma_start3A_21] : memref<100000x128xf32, #tpu.memory_space<hbm>> -> memref<100000x128xf32, #tpu.memory_space<hbm>>
    tpu.enqueue_indirect_dma source(%dma_start3A_22 : memref<100000x128xf32, #tpu.memory_space<hbm>>) target(%arg8 : memref<100x128xf32, #tpu.memory_space<vmem>>) offsets(%dma_start3A_19 : memref<100xi32, #tpu.memory_space<vmem>>) semaphore(%arg12 : memref<!tpu.dma_semaphore, #tpu.memory_space<semaphore_mem>>)
    %dma_start3A_23 = arith.constant 3 : i32
    %dma_start3A_24 = arith.constant 0 : i32
    %dma_start3A_25 = tpu.memref_slice %arg5[%dma_start3A_23, %dma_start3A_24] : memref<64x100xi32, #tpu.memory_space<vmem>> -> memref<1x100xi32, #tpu.memory_space<vmem>>
    %dma_start3A_26 = tpu.memref_squeeze %dma_start3A_25 : memref<1x100xi32, #tpu.memory_space<vmem>> -> memref<100xi32, #tpu.memory_space<vmem>>
    %dma_start3A_27 = arith.constant 0 : i32
    %dma_start3A_28 = arith.constant 0 : i32
    %dma_start3A_29 = tpu.memref_slice %arg3[%dma_start3A_27, %dma_start3A_28] : memref<100000x128xf32, #tpu.memory_space<hbm>> -> memref<100000x128xf32, #tpu.memory_space<hbm>>
    tpu.enqueue_indirect_dma source(%dma_start3A_29 : memref<100000x128xf32, #tpu.memory_space<hbm>>) target(%arg9 : memref<100x128xf32, #tpu.memory_space<vmem>>) offsets(%dma_start3A_26 : memref<100xi32, #tpu.memory_space<vmem>>) semaphore(%arg13 : memref<!tpu.dma_semaphore, #tpu.memory_space<semaphore_mem>>)
    %scan3A = arith.constant 0 : i32
    %scan3A_30 = arith.constant 0 : i32
    %scan3A_31 = arith.constant 15 : i32
    %scan3A_32 = arith.addi %scan3A_30, %scan3A_31 : i32
    %scan3A_33 = arith.constant 1 : i32
    scf.for %scan3A_310 = %scan3A_30 to %scan3A_32 step %scan3A_33  : i32 {
      %mul3A_311 = arith.constant 4 : i32
      %mul3A_312 = arith.muli %scan3A_310, %mul3A_311 : i32
      %dma_wait3A_313 = arith.constant 0 : i32
      %dma_wait3A_314 = arith.constant 0 : i32
      %dma_wait3A_315 = tpu.memref_slice %arg5[%dma_wait3A_313, %dma_wait3A_314] : memref<64x100xi32, #tpu.memory_space<vmem>> -> memref<1x100xi32, #tpu.memory_space<vmem>>
      %dma_wait3A_316 = tpu.memref_squeeze %dma_wait3A_315 : memref<1x100xi32, #tpu.memory_space<vmem>> -> memref<100xi32, #tpu.memory_space<vmem>>
      %dma_wait3A_317 = arith.constant 0 : i32
      %dma_wait3A_318 = arith.constant 0 : i32
      %dma_wait3A_319 = tpu.memref_slice %arg3[%dma_wait3A_317, %dma_wait3A_318] : memref<100000x128xf32, #tpu.memory_space<hbm>> -> memref<100000x128xf32, #tpu.memory_space<hbm>>
      tpu.wait_indirect_dma semaphore(%arg10 : memref<!tpu.dma_semaphore, #tpu.memory_space<semaphore_mem>>) src(%dma_wait3A_319 : memref<100000x128xf32, #tpu.memory_space<hbm>>) dst(%arg6 : memref<100x128xf32, #tpu.memory_space<vmem>>)
      %add3A_320 = arith.constant 0 : i32
      %add3A_321 = arith.addi %mul3A_312, %add3A_320 : i32
      %mul3A_322 = arith.constant 2 : i32
      %mul3A_323 = arith.muli %add3A_321, %mul3A_322 : i32
      %add3A_324 = arith.addi %mul3A_2, %mul3A_323 : i32
      %dma_start3A_325 = arith.constant 0 : i32
      %dma_start3A_326 = arith.constant 0 : i32
      %dma_start3A_327 = tpu.memref_slice %arg6[%dma_start3A_325, %dma_start3A_326] : memref<100x128xf32, #tpu.memory_space<vmem>> -> memref<50x128xf32, #tpu.memory_space<vmem>>
      %dma_start3A_328 = arith.constant 0 : i32
      %dma_start3A_329 = arith.constant 0 : i32
      %dma_start3A_330 = tpu.memref_slice %arg4[%add3A_324, %dma_start3A_328, %dma_start3A_329] : memref<4096x50x128xf32, #tpu.memory_space<hbm>> -> memref<1x50x128xf32, #tpu.memory_space<hbm>>
      %dma_start3A_331 = tpu.memref_squeeze %dma_start3A_330 : memref<1x50x128xf32, #tpu.memory_space<hbm>> -> memref<50x128xf32, #tpu.memory_space<hbm>>
      %dma_start3A_332 = arith.constant 0 : i32
      %dma_start3A_333 = arith.constant 0 : i32
      %dma_start3A_334 = tpu.memref_slice %arg4[%add3A_324, %dma_start3A_332, %dma_start3A_333] : memref<4096x50x128xf32, #tpu.memory_space<hbm>> -> memref<1x50x128xf32, #tpu.memory_space<hbm>>
      %dma_start3A_335 = tpu.memref_squeeze %dma_start3A_334 : memref<1x50x128xf32, #tpu.memory_space<hbm>> -> memref<50x128xf32, #tpu.memory_space<hbm>>
      %dma_start3A_336 = arith.constant 0 : i32
      %dma_start3A_337 = arith.constant 0 : i32
      %dma_start3A_338 = tpu.memref_slice %arg6[%dma_start3A_336, %dma_start3A_337] : memref<100x128xf32, #tpu.memory_space<vmem>> -> memref<50x128xf32, #tpu.memory_space<vmem>>
      tpu.enqueue_dma source(%dma_start3A_338 : memref<50x128xf32, #tpu.memory_space<vmem>>) target(%dma_start3A_335 : memref<50x128xf32, #tpu.memory_space<hbm>>) target_semaphore(%arg14 : memref<!tpu.dma_semaphore, #tpu.memory_space<semaphore_mem>>)
      %add3A_339 = arith.constant 1 : i32
      %add3A_340 = arith.addi %add3A_324, %add3A_339 : i32
      %dma_start3A_341 = arith.constant 50 : i32
      %dma_start3A_342 = arith.constant 0 : i32
      %dma_start3A_343 = tpu.memref_slice %arg6[%dma_start3A_341, %dma_start3A_342] : memref<100x128xf32, #tpu.memory_space<vmem>> -> memref<50x128xf32, #tpu.memory_space<vmem>>
      %dma_start3A_344 = arith.constant 0 : i32
      %dma_start3A_345 = arith.constant 0 : i32
      %dma_start3A_346 = tpu.memref_slice %arg4[%add3A_340, %dma_start3A_344, %dma_start3A_345] : memref<4096x50x128xf32, #tpu.memory_space<hbm>> -> memref<1x50x128xf32, #tpu.memory_space<hbm>>
      %dma_start3A_347 = tpu.memref_squeeze %dma_start3A_346 : memref<1x50x128xf32, #tpu.memory_space<hbm>> -> memref<50x128xf32, #tpu.memory_space<hbm>>
      %dma_start3A_348 = arith.constant 0 : i32
      %dma_start3A_349 = arith.constant 0 : i32
      %dma_start3A_350 = tpu.memref_slice %arg4[%add3A_340, %dma_start3A_348, %dma_start3A_349] : memref<4096x50x128xf32, #tpu.memory_space<hbm>> -> memref<1x50x128xf32, #tpu.memory_space<hbm>>
      %dma_start3A_351 = tpu.memref_squeeze %dma_start3A_350 : memref<1x50x128xf32, #tpu.memory_space<hbm>> -> memref<50x128xf32, #tpu.memory_space<hbm>>
      %dma_start3A_352 = arith.constant 50 : i32
      %dma_start3A_353 = arith.constant 0 : i32
      %dma_start3A_354 = tpu.memref_slice %arg6[%dma_start3A_352, %dma_start3A_353] : memref<100x128xf32, #tpu.memory_space<vmem>> -> memref<50x128xf32, #tpu.memory_space<vmem>>
      tpu.enqueue_dma source(%dma_start3A_354 : memref<50x128xf32, #tpu.memory_space<vmem>>) target(%dma_start3A_351 : memref<50x128xf32, #tpu.memory_space<hbm>>) target_semaphore(%arg14 : memref<!tpu.dma_semaphore, #tpu.memory_space<semaphore_mem>>)
      %dma_wait3A_355 = arith.constant 0 : i32
      %dma_wait3A_356 = arith.constant 0 : i32
      %dma_wait3A_357 = tpu.memref_slice %arg5[%dma_wait3A_355, %dma_wait3A_356] : memref<64x100xi32, #tpu.memory_space<vmem>> -> memref<1x100xi32, #tpu.memory_space<vmem>>
      %dma_wait3A_358 = tpu.memref_squeeze %dma_wait3A_357 : memref<1x100xi32, #tpu.memory_space<vmem>> -> memref<100xi32, #tpu.memory_space<vmem>>
      %dma_wait3A_359 = arith.constant 0 : i32
      %dma_wait3A_360 = arith.constant 0 : i32
      %dma_wait3A_361 = tpu.memref_slice %arg3[%dma_wait3A_359, %dma_wait3A_360] : memref<100000x128xf32, #tpu.memory_space<hbm>> -> memref<100000x128xf32, #tpu.memory_space<hbm>>
      tpu.wait_indirect_dma semaphore(%arg11 : memref<!tpu.dma_semaphore, #tpu.memory_space<semaphore_mem>>) src(%dma_wait3A_361 : memref<100000x128xf32, #tpu.memory_space<hbm>>) dst(%arg7 : memref<100x128xf32, #tpu.memory_space<vmem>>)
      %add3A_362 = arith.constant 1 : i32
      %add3A_363 = arith.addi %mul3A_312, %add3A_362 : i32
      %mul3A_364 = arith.constant 2 : i32
      %mul3A_365 = arith.muli %add3A_363, %mul3A_364 : i32
      %add3A_366 = arith.addi %mul3A_2, %mul3A_365 : i32
      %dma_start3A_367 = arith.constant 0 : i32
      %dma_start3A_368 = arith.constant 0 : i32
      %dma_start3A_369 = tpu.memref_slice %arg7[%dma_start3A_367, %dma_start3A_368] : memref<100x128xf32, #tpu.memory_space<vmem>> -> memref<50x128xf32, #tpu.memory_space<vmem>>
      %dma_start3A_370 = arith.constant 0 : i32
      %dma_start3A_371 = arith.constant 0 : i32
      %dma_start3A_372 = tpu.memref_slice %arg4[%add3A_366, %dma_start3A_370, %dma_start3A_371] : memref<4096x50x128xf32, #tpu.memory_space<hbm>> -> memref<1x50x128xf32, #tpu.memory_space<hbm>>
      %dma_start3A_373 = tpu.memref_squeeze %dma_start3A_372 : memref<1x50x128xf32, #tpu.memory_space<hbm>> -> memref<50x128xf32, #tpu.memory_space<hbm>>
      %dma_start3A_374 = arith.constant 0 : i32
      %dma_start3A_375 = arith.constant 0 : i32
      %dma_start3A_376 = tpu.memref_slice %arg4[%add3A_366, %dma_start3A_374, %dma_start3A_375] : memref<4096x50x128xf32, #tpu.memory_space<hbm>> -> memref<1x50x128xf32, #tpu.memory_space<hbm>>
      %dma_start3A_377 = tpu.memref_squeeze %dma_start3A_376 : memref<1x50x128xf32, #tpu.memory_space<hbm>> -> memref<50x128xf32, #tpu.memory_space<hbm>>
      %dma_start3A_378 = arith.constant 0 : i32
      %dma_start3A_379 = arith.constant 0 : i32
      %dma_start3A_380 = tpu.memref_slice %arg7[%dma_start3A_378, %dma_start3A_379] : memref<100x128xf32, #tpu.memory_space<vmem>> -> memref<50x128xf32, #tpu.memory_space<vmem>>
      tpu.enqueue_dma source(%dma_start3A_380 : memref<50x128xf32, #tpu.memory_space<vmem>>) target(%dma_start3A_377 : memref<50x128xf32, #tpu.memory_space<hbm>>) target_semaphore(%arg15 : memref<!tpu.dma_semaphore, #tpu.memory_space<semaphore_mem>>)
      %add3A_381 = arith.constant 1 : i32
      %add3A_382 = arith.addi %add3A_366, %add3A_381 : i32
      %dma_start3A_383 = arith.constant 50 : i32
      %dma_start3A_384 = arith.constant 0 : i32
      %dma_start3A_385 = tpu.memref_slice %arg7[%dma_start3A_383, %dma_start3A_384] : memref<100x128xf32, #tpu.memory_space<vmem>> -> memref<50x128xf32, #tpu.memory_space<vmem>>
      %dma_start3A_386 = arith.constant 0 : i32
      %dma_start3A_387 = arith.constant 0 : i32
      %dma_start3A_388 = tpu.memref_slice %arg4[%add3A_382, %dma_start3A_386, %dma_start3A_387] : memref<4096x50x128xf32, #tpu.memory_space<hbm>> -> memref<1x50x128xf32, #tpu.memory_space<hbm>>
      %dma_start3A_389 = tpu.memref_squeeze %dma_start3A_388 : memref<1x50x128xf32, #tpu.memory_space<hbm>> -> memref<50x128xf32, #tpu.memory_space<hbm>>
      %dma_start3A_390 = arith.constant 0 : i32
      %dma_start3A_391 = arith.constant 0 : i32
      %dma_start3A_392 = tpu.memref_slice %arg4[%add3A_382, %dma_start3A_390, %dma_start3A_391] : memref<4096x50x128xf32, #tpu.memory_space<hbm>> -> memref<1x50x128xf32, #tpu.memory_space<hbm>>
      %dma_start3A_393 = tpu.memref_squeeze %dma_start3A_392 : memref<1x50x128xf32, #tpu.memory_space<hbm>> -> memref<50x128xf32, #tpu.memory_space<hbm>>
      %dma_start3A_394 = arith.constant 50 : i32
      %dma_start3A_395 = arith.constant 0 : i32
      %dma_start3A_396 = tpu.memref_slice %arg7[%dma_start3A_394, %dma_start3A_395] : memref<100x128xf32, #tpu.memory_space<vmem>> -> memref<50x128xf32, #tpu.memory_space<vmem>>
      tpu.enqueue_dma source(%dma_start3A_396 : memref<50x128xf32, #tpu.memory_space<vmem>>) target(%dma_start3A_393 : memref<50x128xf32, #tpu.memory_space<hbm>>) target_semaphore(%arg15 : memref<!tpu.dma_semaphore, #tpu.memory_space<semaphore_mem>>)
      %dma_wait3A_397 = arith.constant 0 : i32
      %dma_wait3A_398 = arith.constant 0 : i32
      %dma_wait3A_399 = tpu.memref_slice %arg5[%dma_wait3A_397, %dma_wait3A_398] : memref<64x100xi32, #tpu.memory_space<vmem>> -> memref<1x100xi32, #tpu.memory_space<vmem>>
      %dma_wait3A_400 = tpu.memref_squeeze %dma_wait3A_399 : memref<1x100xi32, #tpu.memory_space<vmem>> -> memref<100xi32, #tpu.memory_space<vmem>>
      %dma_wait3A_401 = arith.constant 0 : i32
      %dma_wait3A_402 = arith.constant 0 : i32
      %dma_wait3A_403 = tpu.memref_slice %arg3[%dma_wait3A_401, %dma_wait3A_402] : memref<100000x128xf32, #tpu.memory_space<hbm>> -> memref<100000x128xf32, #tpu.memory_space<hbm>>
      tpu.wait_indirect_dma semaphore(%arg12 : memref<!tpu.dma_semaphore, #tpu.memory_space<semaphore_mem>>) src(%dma_wait3A_403 : memref<100000x128xf32, #tpu.memory_space<hbm>>) dst(%arg8 : memref<100x128xf32, #tpu.memory_space<vmem>>)
      %add3A_404 = arith.constant 2 : i32
      %add3A_405 = arith.addi %mul3A_312, %add3A_404 : i32
      %mul3A_406 = arith.constant 2 : i32
      %mul3A_407 = arith.muli %add3A_405, %mul3A_406 : i32
      %add3A_408 = arith.addi %mul3A_2, %mul3A_407 : i32
      %dma_start3A_409 = arith.constant 0 : i32
      %dma_start3A_410 = arith.constant 0 : i32
      %dma_start3A_411 = tpu.memref_slice %arg8[%dma_start3A_409, %dma_start3A_410] : memref<100x128xf32, #tpu.memory_space<vmem>> -> memref<50x128xf32, #tpu.memory_space<vmem>>
      %dma_start3A_412 = arith.constant 0 : i32
      %dma_start3A_413 = arith.constant 0 : i32
      %dma_start3A_414 = tpu.memref_slice %arg4[%add3A_408, %dma_start3A_412, %dma_start3A_413] : memref<4096x50x128xf32, #tpu.memory_space<hbm>> -> memref<1x50x128xf32, #tpu.memory_space<hbm>>
      %dma_start3A_415 = tpu.memref_squeeze %dma_start3A_414 : memref<1x50x128xf32, #tpu.memory_space<hbm>> -> memref<50x128xf32, #tpu.memory_space<hbm>>
      %dma_start3A_416 = arith.constant 0 : i32
      %dma_start3A_417 = arith.constant 0 : i32
      %dma_start3A_418 = tpu.memref_slice %arg4[%add3A_408, %dma_start3A_416, %dma_start3A_417] : memref<4096x50x128xf32, #tpu.memory_space<hbm>> -> memref<1x50x128xf32, #tpu.memory_space<hbm>>
      %dma_start3A_419 = tpu.memref_squeeze %dma_start3A_418 : memref<1x50x128xf32, #tpu.memory_space<hbm>> -> memref<50x128xf32, #tpu.memory_space<hbm>>
      %dma_start3A_420 = arith.constant 0 : i32
      %dma_start3A_421 = arith.constant 0 : i32
      %dma_start3A_422 = tpu.memref_slice %arg8[%dma_start3A_420, %dma_start3A_421] : memref<100x128xf32, #tpu.memory_space<vmem>> -> memref<50x128xf32, #tpu.memory_space<vmem>>
      tpu.enqueue_dma source(%dma_start3A_422 : memref<50x128xf32, #tpu.memory_space<vmem>>) target(%dma_start3A_419 : memref<50x128xf32, #tpu.memory_space<hbm>>) target_semaphore(%arg16 : memref<!tpu.dma_semaphore, #tpu.memory_space<semaphore_mem>>)
      %add3A_423 = arith.constant 1 : i32
      %add3A_424 = arith.addi %add3A_408, %add3A_423 : i32
      %dma_start3A_425 = arith.constant 50 : i32
      %dma_start3A_426 = arith.constant 0 : i32
      %dma_start3A_427 = tpu.memref_slice %arg8[%dma_start3A_425, %dma_start3A_426] : memref<100x128xf32, #tpu.memory_space<vmem>> -> memref<50x128xf32, #tpu.memory_space<vmem>>
      %dma_start3A_428 = arith.constant 0 : i32
      %dma_start3A_429 = arith.constant 0 : i32
      %dma_start3A_430 = tpu.memref_slice %arg4[%add3A_424, %dma_start3A_428, %dma_start3A_429] : memref<4096x50x128xf32, #tpu.memory_space<hbm>> -> memref<1x50x128xf32, #tpu.memory_space<hbm>>
      %dma_start3A_431 = tpu.memref_squeeze %dma_start3A_430 : memref<1x50x128xf32, #tpu.memory_space<hbm>> -> memref<50x128xf32, #tpu.memory_space<hbm>>
      %dma_start3A_432 = arith.constant 0 : i32
      %dma_start3A_433 = arith.constant 0 : i32
      %dma_start3A_434 = tpu.memref_slice %arg4[%add3A_424, %dma_start3A_432, %dma_start3A_433] : memref<4096x50x128xf32, #tpu.memory_space<hbm>> -> memref<1x50x128xf32, #tpu.memory_space<hbm>>
      %dma_start3A_435 = tpu.memref_squeeze %dma_start3A_434 : memref<1x50x128xf32, #tpu.memory_space<hbm>> -> memref<50x128xf32, #tpu.memory_space<hbm>>
      %dma_start3A_436 = arith.constant 50 : i32
      %dma_start3A_437 = arith.constant 0 : i32
      %dma_start3A_438 = tpu.memref_slice %arg8[%dma_start3A_436, %dma_start3A_437] : memref<100x128xf32, #tpu.memory_space<vmem>> -> memref<50x128xf32, #tpu.memory_space<vmem>>
      tpu.enqueue_dma source(%dma_start3A_438 : memref<50x128xf32, #tpu.memory_space<vmem>>) target(%dma_start3A_435 : memref<50x128xf32, #tpu.memory_space<hbm>>) target_semaphore(%arg16 : memref<!tpu.dma_semaphore, #tpu.memory_space<semaphore_mem>>)
      %dma_wait3A_439 = arith.constant 0 : i32
      %dma_wait3A_440 = arith.constant 0 : i32
      %dma_wait3A_441 = tpu.memref_slice %arg5[%dma_wait3A_439, %dma_wait3A_440] : memref<64x100xi32, #tpu.memory_space<vmem>> -> memref<1x100xi32, #tpu.memory_space<vmem>>
      %dma_wait3A_442 = tpu.memref_squeeze %dma_wait3A_441 : memref<1x100xi32, #tpu.memory_space<vmem>> -> memref<100xi32, #tpu.memory_space<vmem>>
      %dma_wait3A_443 = arith.constant 0 : i32
      %dma_wait3A_444 = arith.constant 0 : i32
      %dma_wait3A_445 = tpu.memref_slice %arg3[%dma_wait3A_443, %dma_wait3A_444] : memref<100000x128xf32, #tpu.memory_space<hbm>> -> memref<100000x128xf32, #tpu.memory_space<hbm>>
      tpu.wait_indirect_dma semaphore(%arg13 : memref<!tpu.dma_semaphore, #tpu.memory_space<semaphore_mem>>) src(%dma_wait3A_445 : memref<100000x128xf32, #tpu.memory_space<hbm>>) dst(%arg9 : memref<100x128xf32, #tpu.memory_space<vmem>>)
      %add3A_446 = arith.constant 3 : i32
      %add3A_447 = arith.addi %mul3A_312, %add3A_446 : i32
      %mul3A_448 = arith.constant 2 : i32
      %mul3A_449 = arith.muli %add3A_447, %mul3A_448 : i32
      %add3A_450 = arith.addi %mul3A_2, %mul3A_449 : i32
      %dma_start3A_451 = arith.constant 0 : i32
      %dma_start3A_452 = arith.constant 0 : i32
      %dma_start3A_453 = tpu.memref_slice %arg9[%dma_start3A_451, %dma_start3A_452] : memref<100x128xf32, #tpu.memory_space<vmem>> -> memref<50x128xf32, #tpu.memory_space<vmem>>
      %dma_start3A_454 = arith.constant 0 : i32
      %dma_start3A_455 = arith.constant 0 : i32
      %dma_start3A_456 = tpu.memref_slice %arg4[%add3A_450, %dma_start3A_454, %dma_start3A_455] : memref<4096x50x128xf32, #tpu.memory_space<hbm>> -> memref<1x50x128xf32, #tpu.memory_space<hbm>>
      %dma_start3A_457 = tpu.memref_squeeze %dma_start3A_456 : memref<1x50x128xf32, #tpu.memory_space<hbm>> -> memref<50x128xf32, #tpu.memory_space<hbm>>
      %dma_start3A_458 = arith.constant 0 : i32
      %dma_start3A_459 = arith.constant 0 : i32
      %dma_start3A_460 = tpu.memref_slice %arg4[%add3A_450, %dma_start3A_458, %dma_start3A_459] : memref<4096x50x128xf32, #tpu.memory_space<hbm>> -> memref<1x50x128xf32, #tpu.memory_space<hbm>>
      %dma_start3A_461 = tpu.memref_squeeze %dma_start3A_460 : memref<1x50x128xf32, #tpu.memory_space<hbm>> -> memref<50x128xf32, #tpu.memory_space<hbm>>
      %dma_start3A_462 = arith.constant 0 : i32
      %dma_start3A_463 = arith.constant 0 : i32
      %dma_start3A_464 = tpu.memref_slice %arg9[%dma_start3A_462, %dma_start3A_463] : memref<100x128xf32, #tpu.memory_space<vmem>> -> memref<50x128xf32, #tpu.memory_space<vmem>>
      tpu.enqueue_dma source(%dma_start3A_464 : memref<50x128xf32, #tpu.memory_space<vmem>>) target(%dma_start3A_461 : memref<50x128xf32, #tpu.memory_space<hbm>>) target_semaphore(%arg17 : memref<!tpu.dma_semaphore, #tpu.memory_space<semaphore_mem>>)
      %add3A_465 = arith.constant 1 : i32
      %add3A_466 = arith.addi %add3A_450, %add3A_465 : i32
      %dma_start3A_467 = arith.constant 50 : i32
      %dma_start3A_468 = arith.constant 0 : i32
      %dma_start3A_469 = tpu.memref_slice %arg9[%dma_start3A_467, %dma_start3A_468] : memref<100x128xf32, #tpu.memory_space<vmem>> -> memref<50x128xf32, #tpu.memory_space<vmem>>
      %dma_start3A_470 = arith.constant 0 : i32
      %dma_start3A_471 = arith.constant 0 : i32
      %dma_start3A_472 = tpu.memref_slice %arg4[%add3A_466, %dma_start3A_470, %dma_start3A_471] : memref<4096x50x128xf32, #tpu.memory_space<hbm>> -> memref<1x50x128xf32, #tpu.memory_space<hbm>>
      %dma_start3A_473 = tpu.memref_squeeze %dma_start3A_472 : memref<1x50x128xf32, #tpu.memory_space<hbm>> -> memref<50x128xf32, #tpu.memory_space<hbm>>
      %dma_start3A_474 = arith.constant 0 : i32
      %dma_start3A_475 = arith.constant 0 : i32
      %dma_start3A_476 = tpu.memref_slice %arg4[%add3A_466, %dma_start3A_474, %dma_start3A_475] : memref<4096x50x128xf32, #tpu.memory_space<hbm>> -> memref<1x50x128xf32, #tpu.memory_space<hbm>>
      %dma_start3A_477 = tpu.memref_squeeze %dma_start3A_476 : memref<1x50x128xf32, #tpu.memory_space<hbm>> -> memref<50x128xf32, #tpu.memory_space<hbm>>
      %dma_start3A_478 = arith.constant 50 : i32
      %dma_start3A_479 = arith.constant 0 : i32
      %dma_start3A_480 = tpu.memref_slice %arg9[%dma_start3A_478, %dma_start3A_479] : memref<100x128xf32, #tpu.memory_space<vmem>> -> memref<50x128xf32, #tpu.memory_space<vmem>>
      tpu.enqueue_dma source(%dma_start3A_480 : memref<50x128xf32, #tpu.memory_space<vmem>>) target(%dma_start3A_477 : memref<50x128xf32, #tpu.memory_space<hbm>>) target_semaphore(%arg17 : memref<!tpu.dma_semaphore, #tpu.memory_space<semaphore_mem>>)
      %dma_wait3A_481 = arith.constant 0 : i32
      %dma_wait3A_482 = arith.constant 0 : i32
      %dma_wait3A_483 = arith.constant 0 : i32
      %dma_wait3A_484 = tpu.memref_slice %arg6[%dma_wait3A_482, %dma_wait3A_483] : memref<100x128xf32, #tpu.memory_space<vmem>> -> memref<50x128xf32, #tpu.memory_space<vmem>>
      %dma_wait3A_485 = arith.constant 0 : i32
      %dma_wait3A_486 = arith.constant 0 : i32
      %dma_wait3A_487 = tpu.memref_slice %arg4[%dma_wait3A_481, %dma_wait3A_485, %dma_wait3A_486] : memref<4096x50x128xf32, #tpu.memory_space<hbm>> -> memref<1x50x128xf32, #tpu.memory_space<hbm>>
      %dma_wait3A_488 = tpu.memref_squeeze %dma_wait3A_487 : memref<1x50x128xf32, #tpu.memory_space<hbm>> -> memref<50x128xf32, #tpu.memory_space<hbm>>
      %dma_wait3A_489 = arith.constant 0 : i32
      %dma_wait3A_490 = arith.constant 0 : i32
      %dma_wait3A_491 = tpu.memref_slice %arg4[%dma_wait3A_481, %dma_wait3A_489, %dma_wait3A_490] : memref<4096x50x128xf32, #tpu.memory_space<hbm>> -> memref<1x50x128xf32, #tpu.memory_space<hbm>>
      %dma_wait3A_492 = tpu.memref_squeeze %dma_wait3A_491 : memref<1x50x128xf32, #tpu.memory_space<hbm>> -> memref<50x128xf32, #tpu.memory_space<hbm>>
      %dma_wait3A_493 = arith.constant 0 : i32
      %dma_wait3A_494 = arith.constant 0 : i32
      %dma_wait3A_495 = tpu.memref_slice %arg6[%dma_wait3A_493, %dma_wait3A_494] : memref<100x128xf32, #tpu.memory_space<vmem>> -> memref<50x128xf32, #tpu.memory_space<vmem>>
      tpu.wait_dma2 semaphore(%arg14 : memref<!tpu.dma_semaphore, #tpu.memory_space<semaphore_mem>>) src(%dma_wait3A_495 : memref<50x128xf32, #tpu.memory_space<vmem>>) dst(%dma_wait3A_492 : memref<50x128xf32, #tpu.memory_space<hbm>>)
      %dma_wait3A_496 = arith.constant 0 : i32
      %dma_wait3A_497 = arith.constant 0 : i32
      %dma_wait3A_498 = arith.constant 0 : i32
      %dma_wait3A_499 = tpu.memref_slice %arg6[%dma_wait3A_497, %dma_wait3A_498] : memref<100x128xf32, #tpu.memory_space<vmem>> -> memref<50x128xf32, #tpu.memory_space<vmem>>
      %dma_wait3A_500 = arith.constant 0 : i32
      %dma_wait3A_501 = arith.constant 0 : i32
      %dma_wait3A_502 = tpu.memref_slice %arg4[%dma_wait3A_496, %dma_wait3A_500, %dma_wait3A_501] : memref<4096x50x128xf32, #tpu.memory_space<hbm>> -> memref<1x50x128xf32, #tpu.memory_space<hbm>>
      %dma_wait3A_503 = tpu.memref_squeeze %dma_wait3A_502 : memref<1x50x128xf32, #tpu.memory_space<hbm>> -> memref<50x128xf32, #tpu.memory_space<hbm>>
      %dma_wait3A_504 = arith.constant 0 : i32
      %dma_wait3A_505 = arith.constant 0 : i32
      %dma_wait3A_506 = tpu.memref_slice %arg4[%dma_wait3A_496, %dma_wait3A_504, %dma_wait3A_505] : memref<4096x50x128xf32, #tpu.memory_space<hbm>> -> memref<1x50x128xf32, #tpu.memory_space<hbm>>
      %dma_wait3A_507 = tpu.memref_squeeze %dma_wait3A_506 : memref<1x50x128xf32, #tpu.memory_space<hbm>> -> memref<50x128xf32, #tpu.memory_space<hbm>>
      %dma_wait3A_508 = arith.constant 0 : i32
      %dma_wait3A_509 = arith.constant 0 : i32
      %dma_wait3A_510 = tpu.memref_slice %arg6[%dma_wait3A_508, %dma_wait3A_509] : memref<100x128xf32, #tpu.memory_space<vmem>> -> memref<50x128xf32, #tpu.memory_space<vmem>>
      tpu.wait_dma2 semaphore(%arg14 : memref<!tpu.dma_semaphore, #tpu.memory_space<semaphore_mem>>) src(%dma_wait3A_510 : memref<50x128xf32, #tpu.memory_space<vmem>>) dst(%dma_wait3A_507 : memref<50x128xf32, #tpu.memory_space<hbm>>)
      %add3A_511 = arith.constant 4 : i32
      %add3A_512 = arith.addi %mul3A_312, %add3A_511 : i32
      %add3A_513 = arith.constant 0 : i32
      %add3A_514 = arith.addi %add3A_512, %add3A_513 : i32
      %dma_start3A_515 = arith.constant 0 : i32
      %dma_start3A_516 = tpu.memref_slice %arg5[%add3A_514, %dma_start3A_515] : memref<64x100xi32, #tpu.memory_space<vmem>> -> memref<1x100xi32, #tpu.memory_space<vmem>>
      %dma_start3A_517 = tpu.memref_squeeze %dma_start3A_516 : memref<1x100xi32, #tpu.memory_space<vmem>> -> memref<100xi32, #tpu.memory_space<vmem>>
      %dma_start3A_518 = arith.constant 0 : i32
      %dma_start3A_519 = arith.constant 0 : i32
      %dma_start3A_520 = tpu.memref_slice %arg3[%dma_start3A_518, %dma_start3A_519] : memref<100000x128xf32, #tpu.memory_space<hbm>> -> memref<100000x128xf32, #tpu.memory_space<hbm>>
      tpu.enqueue_indirect_dma source(%dma_start3A_520 : memref<100000x128xf32, #tpu.memory_space<hbm>>) target(%arg6 : memref<100x128xf32, #tpu.memory_space<vmem>>) offsets(%dma_start3A_517 : memref<100xi32, #tpu.memory_space<vmem>>) semaphore(%arg10 : memref<!tpu.dma_semaphore, #tpu.memory_space<semaphore_mem>>)
      %dma_wait3A_521 = arith.constant 0 : i32
      %dma_wait3A_522 = arith.constant 0 : i32
      %dma_wait3A_523 = arith.constant 0 : i32
      %dma_wait3A_524 = tpu.memref_slice %arg7[%dma_wait3A_522, %dma_wait3A_523] : memref<100x128xf32, #tpu.memory_space<vmem>> -> memref<50x128xf32, #tpu.memory_space<vmem>>
      %dma_wait3A_525 = arith.constant 0 : i32
      %dma_wait3A_526 = arith.constant 0 : i32
      %dma_wait3A_527 = tpu.memref_slice %arg4[%dma_wait3A_521, %dma_wait3A_525, %dma_wait3A_526] : memref<4096x50x128xf32, #tpu.memory_space<hbm>> -> memref<1x50x128xf32, #tpu.memory_space<hbm>>
      %dma_wait3A_528 = tpu.memref_squeeze %dma_wait3A_527 : memref<1x50x128xf32, #tpu.memory_space<hbm>> -> memref<50x128xf32, #tpu.memory_space<hbm>>
      %dma_wait3A_529 = arith.constant 0 : i32
      %dma_wait3A_530 = arith.constant 0 : i32
      %dma_wait3A_531 = tpu.memref_slice %arg4[%dma_wait3A_521, %dma_wait3A_529, %dma_wait3A_530] : memref<4096x50x128xf32, #tpu.memory_space<hbm>> -> memref<1x50x128xf32, #tpu.memory_space<hbm>>
      %dma_wait3A_532 = tpu.memref_squeeze %dma_wait3A_531 : memref<1x50x128xf32, #tpu.memory_space<hbm>> -> memref<50x128xf32, #tpu.memory_space<hbm>>
      %dma_wait3A_533 = arith.constant 0 : i32
      %dma_wait3A_534 = arith.constant 0 : i32
      %dma_wait3A_535 = tpu.memref_slice %arg7[%dma_wait3A_533, %dma_wait3A_534] : memref<100x128xf32, #tpu.memory_space<vmem>> -> memref<50x128xf32, #tpu.memory_space<vmem>>
      tpu.wait_dma2 semaphore(%arg15 : memref<!tpu.dma_semaphore, #tpu.memory_space<semaphore_mem>>) src(%dma_wait3A_535 : memref<50x128xf32, #tpu.memory_space<vmem>>) dst(%dma_wait3A_532 : memref<50x128xf32, #tpu.memory_space<hbm>>)
      %dma_wait3A_536 = arith.constant 0 : i32
      %dma_wait3A_537 = arith.constant 0 : i32
      %dma_wait3A_538 = arith.constant 0 : i32
      %dma_wait3A_539 = tpu.memref_slice %arg7[%dma_wait3A_537, %dma_wait3A_538] : memref<100x128xf32, #tpu.memory_space<vmem>> -> memref<50x128xf32, #tpu.memory_space<vmem>>
      %dma_wait3A_540 = arith.constant 0 : i32
      %dma_wait3A_541 = arith.constant 0 : i32
      %dma_wait3A_542 = tpu.memref_slice %arg4[%dma_wait3A_536, %dma_wait3A_540, %dma_wait3A_541] : memref<4096x50x128xf32, #tpu.memory_space<hbm>> -> memref<1x50x128xf32, #tpu.memory_space<hbm>>
      %dma_wait3A_543 = tpu.memref_squeeze %dma_wait3A_542 : memref<1x50x128xf32, #tpu.memory_space<hbm>> -> memref<50x128xf32, #tpu.memory_space<hbm>>
      %dma_wait3A_544 = arith.constant 0 : i32
      %dma_wait3A_545 = arith.constant 0 : i32
      %dma_wait3A_546 = tpu.memref_slice %arg4[%dma_wait3A_536, %dma_wait3A_544, %dma_wait3A_545] : memref<4096x50x128xf32, #tpu.memory_space<hbm>> -> memref<1x50x128xf32, #tpu.memory_space<hbm>>
      %dma_wait3A_547 = tpu.memref_squeeze %dma_wait3A_546 : memref<1x50x128xf32, #tpu.memory_space<hbm>> -> memref<50x128xf32, #tpu.memory_space<hbm>>
      %dma_wait3A_548 = arith.constant 0 : i32
      %dma_wait3A_549 = arith.constant 0 : i32
      %dma_wait3A_550 = tpu.memref_slice %arg7[%dma_wait3A_548, %dma_wait3A_549] : memref<100x128xf32, #tpu.memory_space<vmem>> -> memref<50x128xf32, #tpu.memory_space<vmem>>
      tpu.wait_dma2 semaphore(%arg15 : memref<!tpu.dma_semaphore, #tpu.memory_space<semaphore_mem>>) src(%dma_wait3A_550 : memref<50x128xf32, #tpu.memory_space<vmem>>) dst(%dma_wait3A_547 : memref<50x128xf32, #tpu.memory_space<hbm>>)
      %add3A_551 = arith.constant 4 : i32
      %add3A_552 = arith.addi %mul3A_312, %add3A_551 : i32
      %add3A_553 = arith.constant 1 : i32
      %add3A_554 = arith.addi %add3A_552, %add3A_553 : i32
      %dma_start3A_555 = arith.constant 0 : i32
      %dma_start3A_556 = tpu.memref_slice %arg5[%add3A_554, %dma_start3A_555] : memref<64x100xi32, #tpu.memory_space<vmem>> -> memref<1x100xi32, #tpu.memory_space<vmem>>
      %dma_start3A_557 = tpu.memref_squeeze %dma_start3A_556 : memref<1x100xi32, #tpu.memory_space<vmem>> -> memref<100xi32, #tpu.memory_space<vmem>>
      %dma_start3A_558 = arith.constant 0 : i32
      %dma_start3A_559 = arith.constant 0 : i32
      %dma_start3A_560 = tpu.memref_slice %arg3[%dma_start3A_558, %dma_start3A_559] : memref<100000x128xf32, #tpu.memory_space<hbm>> -> memref<100000x128xf32, #tpu.memory_space<hbm>>
      tpu.enqueue_indirect_dma source(%dma_start3A_560 : memref<100000x128xf32, #tpu.memory_space<hbm>>) target(%arg7 : memref<100x128xf32, #tpu.memory_space<vmem>>) offsets(%dma_start3A_557 : memref<100xi32, #tpu.memory_space<vmem>>) semaphore(%arg11 : memref<!tpu.dma_semaphore, #tpu.memory_space<semaphore_mem>>)
      %dma_wait3A_561 = arith.constant 0 : i32
      %dma_wait3A_562 = arith.constant 0 : i32
      %dma_wait3A_563 = arith.constant 0 : i32
      %dma_wait3A_564 = tpu.memref_slice %arg8[%dma_wait3A_562, %dma_wait3A_563] : memref<100x128xf32, #tpu.memory_space<vmem>> -> memref<50x128xf32, #tpu.memory_space<vmem>>
      %dma_wait3A_565 = arith.constant 0 : i32
      %dma_wait3A_566 = arith.constant 0 : i32
      %dma_wait3A_567 = tpu.memref_slice %arg4[%dma_wait3A_561, %dma_wait3A_565, %dma_wait3A_566] : memref<4096x50x128xf32, #tpu.memory_space<hbm>> -> memref<1x50x128xf32, #tpu.memory_space<hbm>>
      %dma_wait3A_568 = tpu.memref_squeeze %dma_wait3A_567 : memref<1x50x128xf32, #tpu.memory_space<hbm>> -> memref<50x128xf32, #tpu.memory_space<hbm>>
      %dma_wait3A_569 = arith.constant 0 : i32
      %dma_wait3A_570 = arith.constant 0 : i32
      %dma_wait3A_571 = tpu.memref_slice %arg4[%dma_wait3A_561, %dma_wait3A_569, %dma_wait3A_570] : memref<4096x50x128xf32, #tpu.memory_space<hbm>> -> memref<1x50x128xf32, #tpu.memory_space<hbm>>
      %dma_wait3A_572 = tpu.memref_squeeze %dma_wait3A_571 : memref<1x50x128xf32, #tpu.memory_space<hbm>> -> memref<50x128xf32, #tpu.memory_space<hbm>>
      %dma_wait3A_573 = arith.constant 0 : i32
      %dma_wait3A_574 = arith.constant 0 : i32
      %dma_wait3A_575 = tpu.memref_slice %arg8[%dma_wait3A_573, %dma_wait3A_574] : memref<100x128xf32, #tpu.memory_space<vmem>> -> memref<50x128xf32, #tpu.memory_space<vmem>>
      tpu.wait_dma2 semaphore(%arg16 : memref<!tpu.dma_semaphore, #tpu.memory_space<semaphore_mem>>) src(%dma_wait3A_575 : memref<50x128xf32, #tpu.memory_space<vmem>>) dst(%dma_wait3A_572 : memref<50x128xf32, #tpu.memory_space<hbm>>)
      %dma_wait3A_576 = arith.constant 0 : i32
      %dma_wait3A_577 = arith.constant 0 : i32
      %dma_wait3A_578 = arith.constant 0 : i32
      %dma_wait3A_579 = tpu.memref_slice %arg8[%dma_wait3A_577, %dma_wait3A_578] : memref<100x128xf32, #tpu.memory_space<vmem>> -> memref<50x128xf32, #tpu.memory_space<vmem>>
      %dma_wait3A_580 = arith.constant 0 : i32
      %dma_wait3A_581 = arith.constant 0 : i32
      %dma_wait3A_582 = tpu.memref_slice %arg4[%dma_wait3A_576, %dma_wait3A_580, %dma_wait3A_581] : memref<4096x50x128xf32, #tpu.memory_space<hbm>> -> memref<1x50x128xf32, #tpu.memory_space<hbm>>
      %dma_wait3A_583 = tpu.memref_squeeze %dma_wait3A_582 : memref<1x50x128xf32, #tpu.memory_space<hbm>> -> memref<50x128xf32, #tpu.memory_space<hbm>>
      %dma_wait3A_584 = arith.constant 0 : i32
      %dma_wait3A_585 = arith.constant 0 : i32
      %dma_wait3A_586 = tpu.memref_slice %arg4[%dma_wait3A_576, %dma_wait3A_584, %dma_wait3A_585] : memref<4096x50x128xf32, #tpu.memory_space<hbm>> -> memref<1x50x128xf32, #tpu.memory_space<hbm>>
      %dma_wait3A_587 = tpu.memref_squeeze %dma_wait3A_586 : memref<1x50x128xf32, #tpu.memory_space<hbm>> -> memref<50x128xf32, #tpu.memory_space<hbm>>
      %dma_wait3A_588 = arith.constant 0 : i32
      %dma_wait3A_589 = arith.constant 0 : i32
      %dma_wait3A_590 = tpu.memref_slice %arg8[%dma_wait3A_588, %dma_wait3A_589] : memref<100x128xf32, #tpu.memory_space<vmem>> -> memref<50x128xf32, #tpu.memory_space<vmem>>
      tpu.wait_dma2 semaphore(%arg16 : memref<!tpu.dma_semaphore, #tpu.memory_space<semaphore_mem>>) src(%dma_wait3A_590 : memref<50x128xf32, #tpu.memory_space<vmem>>) dst(%dma_wait3A_587 : memref<50x128xf32, #tpu.memory_space<hbm>>)
      %add3A_591 = arith.constant 4 : i32
      %add3A_592 = arith.addi %mul3A_312, %add3A_591 : i32
      %add3A_593 = arith.constant 2 : i32
      %add3A_594 = arith.addi %add3A_592, %add3A_593 : i32
      %dma_start3A_595 = arith.constant 0 : i32
      %dma_start3A_596 = tpu.memref_slice %arg5[%add3A_594, %dma_start3A_595] : memref<64x100xi32, #tpu.memory_space<vmem>> -> memref<1x100xi32, #tpu.memory_space<vmem>>
      %dma_start3A_597 = tpu.memref_squeeze %dma_start3A_596 : memref<1x100xi32, #tpu.memory_space<vmem>> -> memref<100xi32, #tpu.memory_space<vmem>>
      %dma_start3A_598 = arith.constant 0 : i32
      %dma_start3A_599 = arith.constant 0 : i32
      %dma_start3A_600 = tpu.memref_slice %arg3[%dma_start3A_598, %dma_start3A_599] : memref<100000x128xf32, #tpu.memory_space<hbm>> -> memref<100000x128xf32, #tpu.memory_space<hbm>>
      tpu.enqueue_indirect_dma source(%dma_start3A_600 : memref<100000x128xf32, #tpu.memory_space<hbm>>) target(%arg8 : memref<100x128xf32, #tpu.memory_space<vmem>>) offsets(%dma_start3A_597 : memref<100xi32, #tpu.memory_space<vmem>>) semaphore(%arg12 : memref<!tpu.dma_semaphore, #tpu.memory_space<semaphore_mem>>)
      %dma_wait3A_601 = arith.constant 0 : i32
      %dma_wait3A_602 = arith.constant 0 : i32
      %dma_wait3A_603 = arith.constant 0 : i32
      %dma_wait3A_604 = tpu.memref_slice %arg9[%dma_wait3A_602, %dma_wait3A_603] : memref<100x128xf32, #tpu.memory_space<vmem>> -> memref<50x128xf32, #tpu.memory_space<vmem>>
      %dma_wait3A_605 = arith.constant 0 : i32
      %dma_wait3A_606 = arith.constant 0 : i32
      %dma_wait3A_607 = tpu.memref_slice %arg4[%dma_wait3A_601, %dma_wait3A_605, %dma_wait3A_606] : memref<4096x50x128xf32, #tpu.memory_space<hbm>> -> memref<1x50x128xf32, #tpu.memory_space<hbm>>
      %dma_wait3A_608 = tpu.memref_squeeze %dma_wait3A_607 : memref<1x50x128xf32, #tpu.memory_space<hbm>> -> memref<50x128xf32, #tpu.memory_space<hbm>>
      %dma_wait3A_609 = arith.constant 0 : i32
      %dma_wait3A_610 = arith.constant 0 : i32
      %dma_wait3A_611 = tpu.memref_slice %arg4[%dma_wait3A_601, %dma_wait3A_609, %dma_wait3A_610] : memref<4096x50x128xf32, #tpu.memory_space<hbm>> -> memref<1x50x128xf32, #tpu.memory_space<hbm>>
      %dma_wait3A_612 = tpu.memref_squeeze %dma_wait3A_611 : memref<1x50x128xf32, #tpu.memory_space<hbm>> -> memref<50x128xf32, #tpu.memory_space<hbm>>
      %dma_wait3A_613 = arith.constant 0 : i32
      %dma_wait3A_614 = arith.constant 0 : i32
      %dma_wait3A_615 = tpu.memref_slice %arg9[%dma_wait3A_613, %dma_wait3A_614] : memref<100x128xf32, #tpu.memory_space<vmem>> -> memref<50x128xf32, #tpu.memory_space<vmem>>
      tpu.wait_dma2 semaphore(%arg17 : memref<!tpu.dma_semaphore, #tpu.memory_space<semaphore_mem>>) src(%dma_wait3A_615 : memref<50x128xf32, #tpu.memory_space<vmem>>) dst(%dma_wait3A_612 : memref<50x128xf32, #tpu.memory_space<hbm>>)
      %dma_wait3A_616 = arith.constant 0 : i32
      %dma_wait3A_617 = arith.constant 0 : i32
      %dma_wait3A_618 = arith.constant 0 : i32
      %dma_wait3A_619 = tpu.memref_slice %arg9[%dma_wait3A_617, %dma_wait3A_618] : memref<100x128xf32, #tpu.memory_space<vmem>> -> memref<50x128xf32, #tpu.memory_space<vmem>>
      %dma_wait3A_620 = arith.constant 0 : i32
      %dma_wait3A_621 = arith.constant 0 : i32
      %dma_wait3A_622 = tpu.memref_slice %arg4[%dma_wait3A_616, %dma_wait3A_620, %dma_wait3A_621] : memref<4096x50x128xf32, #tpu.memory_space<hbm>> -> memref<1x50x128xf32, #tpu.memory_space<hbm>>
      %dma_wait3A_623 = tpu.memref_squeeze %dma_wait3A_622 : memref<1x50x128xf32, #tpu.memory_space<hbm>> -> memref<50x128xf32, #tpu.memory_space<hbm>>
      %dma_wait3A_624 = arith.constant 0 : i32
      %dma_wait3A_625 = arith.constant 0 : i32
      %dma_wait3A_626 = tpu.memref_slice %arg4[%dma_wait3A_616, %dma_wait3A_624, %dma_wait3A_625] : memref<4096x50x128xf32, #tpu.memory_space<hbm>> -> memref<1x50x128xf32, #tpu.memory_space<hbm>>
      %dma_wait3A_627 = tpu.memref_squeeze %dma_wait3A_626 : memref<1x50x128xf32, #tpu.memory_space<hbm>> -> memref<50x128xf32, #tpu.memory_space<hbm>>
      %dma_wait3A_628 = arith.constant 0 : i32
      %dma_wait3A_629 = arith.constant 0 : i32
      %dma_wait3A_630 = tpu.memref_slice %arg9[%dma_wait3A_628, %dma_wait3A_629] : memref<100x128xf32, #tpu.memory_space<vmem>> -> memref<50x128xf32, #tpu.memory_space<vmem>>
      tpu.wait_dma2 semaphore(%arg17 : memref<!tpu.dma_semaphore, #tpu.memory_space<semaphore_mem>>) src(%dma_wait3A_630 : memref<50x128xf32, #tpu.memory_space<vmem>>) dst(%dma_wait3A_627 : memref<50x128xf32, #tpu.memory_space<hbm>>)
      %add3A_631 = arith.constant 4 : i32
      %add3A_632 = arith.addi %mul3A_312, %add3A_631 : i32
      %add3A_633 = arith.constant 3 : i32
      %add3A_634 = arith.addi %add3A_632, %add3A_633 : i32
      %dma_start3A_635 = arith.constant 0 : i32
      %dma_start3A_636 = tpu.memref_slice %arg5[%add3A_634, %dma_start3A_635] : memref<64x100xi32, #tpu.memory_space<vmem>> -> memref<1x100xi32, #tpu.memory_space<vmem>>
      %dma_start3A_637 = tpu.memref_squeeze %dma_start3A_636 : memref<1x100xi32, #tpu.memory_space<vmem>> -> memref<100xi32, #tpu.memory_space<vmem>>
      %dma_start3A_638 = arith.constant 0 : i32
      %dma_start3A_639 = arith.constant 0 : i32
      %dma_start3A_640 = tpu.memref_slice %arg3[%dma_start3A_638, %dma_start3A_639] : memref<100000x128xf32, #tpu.memory_space<hbm>> -> memref<100000x128xf32, #tpu.memory_space<hbm>>
      tpu.enqueue_indirect_dma source(%dma_start3A_640 : memref<100000x128xf32, #tpu.memory_space<hbm>>) target(%arg9 : memref<100x128xf32, #tpu.memory_space<vmem>>) offsets(%dma_start3A_637 : memref<100xi32, #tpu.memory_space<vmem>>) semaphore(%arg13 : memref<!tpu.dma_semaphore, #tpu.memory_space<semaphore_mem>>)
    }
    %scan3A_34 = arith.constant 15 : i32
    %dma_wait3A = arith.constant 0 : i32
    %dma_wait3A_35 = arith.constant 0 : i32
    %dma_wait3A_36 = tpu.memref_slice %arg5[%dma_wait3A, %dma_wait3A_35] : memref<64x100xi32, #tpu.memory_space<vmem>> -> memref<1x100xi32, #tpu.memory_space<vmem>>
    %dma_wait3A_37 = tpu.memref_squeeze %dma_wait3A_36 : memref<1x100xi32, #tpu.memory_space<vmem>> -> memref<100xi32, #tpu.memory_space<vmem>>
    %dma_wait3A_38 = arith.constant 0 : i32
    %dma_wait3A_39 = arith.constant 0 : i32
    %dma_wait3A_40 = tpu.memref_slice %arg3[%dma_wait3A_38, %dma_wait3A_39] : memref<100000x128xf32, #tpu.memory_space<hbm>> -> memref<100000x128xf32, #tpu.memory_space<hbm>>
    tpu.wait_indirect_dma semaphore(%arg10 : memref<!tpu.dma_semaphore, #tpu.memory_space<semaphore_mem>>) src(%dma_wait3A_40 : memref<100000x128xf32, #tpu.memory_space<hbm>>) dst(%arg6 : memref<100x128xf32, #tpu.memory_space<vmem>>)
    %add3A_41 = arith.constant 120 : i32
    %add3A_42 = arith.addi %mul3A_2, %add3A_41 : i32
    %dma_start3A_43 = arith.constant 0 : i32
    %dma_start3A_44 = arith.constant 0 : i32
    %dma_start3A_45 = tpu.memref_slice %arg6[%dma_start3A_43, %dma_start3A_44] : memref<100x128xf32, #tpu.memory_space<vmem>> -> memref<50x128xf32, #tpu.memory_space<vmem>>
    %dma_start3A_46 = arith.constant 0 : i32
    %dma_start3A_47 = arith.constant 0 : i32
    %dma_start3A_48 = tpu.memref_slice %arg4[%add3A_42, %dma_start3A_46, %dma_start3A_47] : memref<4096x50x128xf32, #tpu.memory_space<hbm>> -> memref<1x50x128xf32, #tpu.memory_space<hbm>>
    %dma_start3A_49 = tpu.memref_squeeze %dma_start3A_48 : memref<1x50x128xf32, #tpu.memory_space<hbm>> -> memref<50x128xf32, #tpu.memory_space<hbm>>
    %dma_start3A_50 = arith.constant 0 : i32
    %dma_start3A_51 = arith.constant 0 : i32
    %dma_start3A_52 = tpu.memref_slice %arg4[%add3A_42, %dma_start3A_50, %dma_start3A_51] : memref<4096x50x128xf32, #tpu.memory_space<hbm>> -> memref<1x50x128xf32, #tpu.memory_space<hbm>>
    %dma_start3A_53 = tpu.memref_squeeze %dma_start3A_52 : memref<1x50x128xf32, #tpu.memory_space<hbm>> -> memref<50x128xf32, #tpu.memory_space<hbm>>
    %dma_start3A_54 = arith.constant 0 : i32
    %dma_start3A_55 = arith.constant 0 : i32
    %dma_start3A_56 = tpu.memref_slice %arg6[%dma_start3A_54, %dma_start3A_55] : memref<100x128xf32, #tpu.memory_space<vmem>> -> memref<50x128xf32, #tpu.memory_space<vmem>>
    tpu.enqueue_dma source(%dma_start3A_56 : memref<50x128xf32, #tpu.memory_space<vmem>>) target(%dma_start3A_53 : memref<50x128xf32, #tpu.memory_space<hbm>>) target_semaphore(%arg14 : memref<!tpu.dma_semaphore, #tpu.memory_space<semaphore_mem>>)
    %add3A_57 = arith.constant 1 : i32
    %add3A_58 = arith.addi %add3A_42, %add3A_57 : i32
    %dma_start3A_59 = arith.constant 50 : i32
    %dma_start3A_60 = arith.constant 0 : i32
    %dma_start3A_61 = tpu.memref_slice %arg6[%dma_start3A_59, %dma_start3A_60] : memref<100x128xf32, #tpu.memory_space<vmem>> -> memref<50x128xf32, #tpu.memory_space<vmem>>
    %dma_start3A_62 = arith.constant 0 : i32
    %dma_start3A_63 = arith.constant 0 : i32
    %dma_start3A_64 = tpu.memref_slice %arg4[%add3A_58, %dma_start3A_62, %dma_start3A_63] : memref<4096x50x128xf32, #tpu.memory_space<hbm>> -> memref<1x50x128xf32, #tpu.memory_space<hbm>>
    %dma_start3A_65 = tpu.memref_squeeze %dma_start3A_64 : memref<1x50x128xf32, #tpu.memory_space<hbm>> -> memref<50x128xf32, #tpu.memory_space<hbm>>
    %dma_start3A_66 = arith.constant 0 : i32
    %dma_start3A_67 = arith.constant 0 : i32
    %dma_start3A_68 = tpu.memref_slice %arg4[%add3A_58, %dma_start3A_66, %dma_start3A_67] : memref<4096x50x128xf32, #tpu.memory_space<hbm>> -> memref<1x50x128xf32, #tpu.memory_space<hbm>>
    %dma_start3A_69 = tpu.memref_squeeze %dma_start3A_68 : memref<1x50x128xf32, #tpu.memory_space<hbm>> -> memref<50x128xf32, #tpu.memory_space<hbm>>
    %dma_start3A_70 = arith.constant 50 : i32
    %dma_start3A_71 = arith.constant 0 : i32
    %dma_start3A_72 = tpu.memref_slice %arg6[%dma_start3A_70, %dma_start3A_71] : memref<100x128xf32, #tpu.memory_space<vmem>> -> memref<50x128xf32, #tpu.memory_space<vmem>>
    tpu.enqueue_dma source(%dma_start3A_72 : memref<50x128xf32, #tpu.memory_space<vmem>>) target(%dma_start3A_69 : memref<50x128xf32, #tpu.memory_space<hbm>>) target_semaphore(%arg14 : memref<!tpu.dma_semaphore, #tpu.memory_space<semaphore_mem>>)
    %dma_wait3A_73 = arith.constant 0 : i32
    %dma_wait3A_74 = arith.constant 0 : i32
    %dma_wait3A_75 = tpu.memref_slice %arg5[%dma_wait3A_73, %dma_wait3A_74] : memref<64x100xi32, #tpu.memory_space<vmem>> -> memref<1x100xi32, #tpu.memory_space<vmem>>
    %dma_wait3A_76 = tpu.memref_squeeze %dma_wait3A_75 : memref<1x100xi32, #tpu.memory_space<vmem>> -> memref<100xi32, #tpu.memory_space<vmem>>
    %dma_wait3A_77 = arith.constant 0 : i32
    %dma_wait3A_78 = arith.constant 0 : i32
    %dma_wait3A_79 = tpu.memref_slice %arg3[%dma_wait3A_77, %dma_wait3A_78] : memref<100000x128xf32, #tpu.memory_space<hbm>> -> memref<100000x128xf32, #tpu.memory_space<hbm>>
    tpu.wait_indirect_dma semaphore(%arg11 : memref<!tpu.dma_semaphore, #tpu.memory_space<semaphore_mem>>) src(%dma_wait3A_79 : memref<100000x128xf32, #tpu.memory_space<hbm>>) dst(%arg7 : memref<100x128xf32, #tpu.memory_space<vmem>>)
    %add3A_80 = arith.constant 122 : i32
    %add3A_81 = arith.addi %mul3A_2, %add3A_80 : i32
    %dma_start3A_82 = arith.constant 0 : i32
    %dma_start3A_83 = arith.constant 0 : i32
    %dma_start3A_84 = tpu.memref_slice %arg7[%dma_start3A_82, %dma_start3A_83] : memref<100x128xf32, #tpu.memory_space<vmem>> -> memref<50x128xf32, #tpu.memory_space<vmem>>
    %dma_start3A_85 = arith.constant 0 : i32
    %dma_start3A_86 = arith.constant 0 : i32
    %dma_start3A_87 = tpu.memref_slice %arg4[%add3A_81, %dma_start3A_85, %dma_start3A_86] : memref<4096x50x128xf32, #tpu.memory_space<hbm>> -> memref<1x50x128xf32, #tpu.memory_space<hbm>>
    %dma_start3A_88 = tpu.memref_squeeze %dma_start3A_87 : memref<1x50x128xf32, #tpu.memory_space<hbm>> -> memref<50x128xf32, #tpu.memory_space<hbm>>
    %dma_start3A_89 = arith.constant 0 : i32
    %dma_start3A_90 = arith.constant 0 : i32
    %dma_start3A_91 = tpu.memref_slice %arg4[%add3A_81, %dma_start3A_89, %dma_start3A_90] : memref<4096x50x128xf32, #tpu.memory_space<hbm>> -> memref<1x50x128xf32, #tpu.memory_space<hbm>>
    %dma_start3A_92 = tpu.memref_squeeze %dma_start3A_91 : memref<1x50x128xf32, #tpu.memory_space<hbm>> -> memref<50x128xf32, #tpu.memory_space<hbm>>
    %dma_start3A_93 = arith.constant 0 : i32
    %dma_start3A_94 = arith.constant 0 : i32
    %dma_start3A_95 = tpu.memref_slice %arg7[%dma_start3A_93, %dma_start3A_94] : memref<100x128xf32, #tpu.memory_space<vmem>> -> memref<50x128xf32, #tpu.memory_space<vmem>>
    tpu.enqueue_dma source(%dma_start3A_95 : memref<50x128xf32, #tpu.memory_space<vmem>>) target(%dma_start3A_92 : memref<50x128xf32, #tpu.memory_space<hbm>>) target_semaphore(%arg15 : memref<!tpu.dma_semaphore, #tpu.memory_space<semaphore_mem>>)
    %add3A_96 = arith.constant 1 : i32
    %add3A_97 = arith.addi %add3A_81, %add3A_96 : i32
    %dma_start3A_98 = arith.constant 50 : i32
    %dma_start3A_99 = arith.constant 0 : i32
    %dma_start3A_100 = tpu.memref_slice %arg7[%dma_start3A_98, %dma_start3A_99] : memref<100x128xf32, #tpu.memory_space<vmem>> -> memref<50x128xf32, #tpu.memory_space<vmem>>
    %dma_start3A_101 = arith.constant 0 : i32
    %dma_start3A_102 = arith.constant 0 : i32
    %dma_start3A_103 = tpu.memref_slice %arg4[%add3A_97, %dma_start3A_101, %dma_start3A_102] : memref<4096x50x128xf32, #tpu.memory_space<hbm>> -> memref<1x50x128xf32, #tpu.memory_space<hbm>>
    %dma_start3A_104 = tpu.memref_squeeze %dma_start3A_103 : memref<1x50x128xf32, #tpu.memory_space<hbm>> -> memref<50x128xf32, #tpu.memory_space<hbm>>
    %dma_start3A_105 = arith.constant 0 : i32
    %dma_start3A_106 = arith.constant 0 : i32
    %dma_start3A_107 = tpu.memref_slice %arg4[%add3A_97, %dma_start3A_105, %dma_start3A_106] : memref<4096x50x128xf32, #tpu.memory_space<hbm>> -> memref<1x50x128xf32, #tpu.memory_space<hbm>>
    %dma_start3A_108 = tpu.memref_squeeze %dma_start3A_107 : memref<1x50x128xf32, #tpu.memory_space<hbm>> -> memref<50x128xf32, #tpu.memory_space<hbm>>
    %dma_start3A_109 = arith.constant 50 : i32
    %dma_start3A_110 = arith.constant 0 : i32
    %dma_start3A_111 = tpu.memref_slice %arg7[%dma_start3A_109, %dma_start3A_110] : memref<100x128xf32, #tpu.memory_space<vmem>> -> memref<50x128xf32, #tpu.memory_space<vmem>>
    tpu.enqueue_dma source(%dma_start3A_111 : memref<50x128xf32, #tpu.memory_space<vmem>>) target(%dma_start3A_108 : memref<50x128xf32, #tpu.memory_space<hbm>>) target_semaphore(%arg15 : memref<!tpu.dma_semaphore, #tpu.memory_space<semaphore_mem>>)
    %dma_wait3A_112 = arith.constant 0 : i32
    %dma_wait3A_113 = arith.constant 0 : i32
    %dma_wait3A_114 = tpu.memref_slice %arg5[%dma_wait3A_112, %dma_wait3A_113] : memref<64x100xi32, #tpu.memory_space<vmem>> -> memref<1x100xi32, #tpu.memory_space<vmem>>
    %dma_wait3A_115 = tpu.memref_squeeze %dma_wait3A_114 : memref<1x100xi32, #tpu.memory_space<vmem>> -> memref<100xi32, #tpu.memory_space<vmem>>
    %dma_wait3A_116 = arith.constant 0 : i32
    %dma_wait3A_117 = arith.constant 0 : i32
    %dma_wait3A_118 = tpu.memref_slice %arg3[%dma_wait3A_116, %dma_wait3A_117] : memref<100000x128xf32, #tpu.memory_space<hbm>> -> memref<100000x128xf32, #tpu.memory_space<hbm>>
    tpu.wait_indirect_dma semaphore(%arg12 : memref<!tpu.dma_semaphore, #tpu.memory_space<semaphore_mem>>) src(%dma_wait3A_118 : memref<100000x128xf32, #tpu.memory_space<hbm>>) dst(%arg8 : memref<100x128xf32, #tpu.memory_space<vmem>>)
    %add3A_119 = arith.constant 124 : i32
    %add3A_120 = arith.addi %mul3A_2, %add3A_119 : i32
    %dma_start3A_121 = arith.constant 0 : i32
    %dma_start3A_122 = arith.constant 0 : i32
    %dma_start3A_123 = tpu.memref_slice %arg8[%dma_start3A_121, %dma_start3A_122] : memref<100x128xf32, #tpu.memory_space<vmem>> -> memref<50x128xf32, #tpu.memory_space<vmem>>
    %dma_start3A_124 = arith.constant 0 : i32
    %dma_start3A_125 = arith.constant 0 : i32
    %dma_start3A_126 = tpu.memref_slice %arg4[%add3A_120, %dma_start3A_124, %dma_start3A_125] : memref<4096x50x128xf32, #tpu.memory_space<hbm>> -> memref<1x50x128xf32, #tpu.memory_space<hbm>>
    %dma_start3A_127 = tpu.memref_squeeze %dma_start3A_126 : memref<1x50x128xf32, #tpu.memory_space<hbm>> -> memref<50x128xf32, #tpu.memory_space<hbm>>
    %dma_start3A_128 = arith.constant 0 : i32
    %dma_start3A_129 = arith.constant 0 : i32
    %dma_start3A_130 = tpu.memref_slice %arg4[%add3A_120, %dma_start3A_128, %dma_start3A_129] : memref<4096x50x128xf32, #tpu.memory_space<hbm>> -> memref<1x50x128xf32, #tpu.memory_space<hbm>>
    %dma_start3A_131 = tpu.memref_squeeze %dma_start3A_130 : memref<1x50x128xf32, #tpu.memory_space<hbm>> -> memref<50x128xf32, #tpu.memory_space<hbm>>
    %dma_start3A_132 = arith.constant 0 : i32
    %dma_start3A_133 = arith.constant 0 : i32
    %dma_start3A_134 = tpu.memref_slice %arg8[%dma_start3A_132, %dma_start3A_133] : memref<100x128xf32, #tpu.memory_space<vmem>> -> memref<50x128xf32, #tpu.memory_space<vmem>>
    tpu.enqueue_dma source(%dma_start3A_134 : memref<50x128xf32, #tpu.memory_space<vmem>>) target(%dma_start3A_131 : memref<50x128xf32, #tpu.memory_space<hbm>>) target_semaphore(%arg16 : memref<!tpu.dma_semaphore, #tpu.memory_space<semaphore_mem>>)
    %add3A_135 = arith.constant 1 : i32
    %add3A_136 = arith.addi %add3A_120, %add3A_135 : i32
    %dma_start3A_137 = arith.constant 50 : i32
    %dma_start3A_138 = arith.constant 0 : i32
    %dma_start3A_139 = tpu.memref_slice %arg8[%dma_start3A_137, %dma_start3A_138] : memref<100x128xf32, #tpu.memory_space<vmem>> -> memref<50x128xf32, #tpu.memory_space<vmem>>
    %dma_start3A_140 = arith.constant 0 : i32
    %dma_start3A_141 = arith.constant 0 : i32
    %dma_start3A_142 = tpu.memref_slice %arg4[%add3A_136, %dma_start3A_140, %dma_start3A_141] : memref<4096x50x128xf32, #tpu.memory_space<hbm>> -> memref<1x50x128xf32, #tpu.memory_space<hbm>>
    %dma_start3A_143 = tpu.memref_squeeze %dma_start3A_142 : memref<1x50x128xf32, #tpu.memory_space<hbm>> -> memref<50x128xf32, #tpu.memory_space<hbm>>
    %dma_start3A_144 = arith.constant 0 : i32
    %dma_start3A_145 = arith.constant 0 : i32
    %dma_start3A_146 = tpu.memref_slice %arg4[%add3A_136, %dma_start3A_144, %dma_start3A_145] : memref<4096x50x128xf32, #tpu.memory_space<hbm>> -> memref<1x50x128xf32, #tpu.memory_space<hbm>>
    %dma_start3A_147 = tpu.memref_squeeze %dma_start3A_146 : memref<1x50x128xf32, #tpu.memory_space<hbm>> -> memref<50x128xf32, #tpu.memory_space<hbm>>
    %dma_start3A_148 = arith.constant 50 : i32
    %dma_start3A_149 = arith.constant 0 : i32
    %dma_start3A_150 = tpu.memref_slice %arg8[%dma_start3A_148, %dma_start3A_149] : memref<100x128xf32, #tpu.memory_space<vmem>> -> memref<50x128xf32, #tpu.memory_space<vmem>>
    tpu.enqueue_dma source(%dma_start3A_150 : memref<50x128xf32, #tpu.memory_space<vmem>>) target(%dma_start3A_147 : memref<50x128xf32, #tpu.memory_space<hbm>>) target_semaphore(%arg16 : memref<!tpu.dma_semaphore, #tpu.memory_space<semaphore_mem>>)
    %dma_wait3A_151 = arith.constant 0 : i32
    %dma_wait3A_152 = arith.constant 0 : i32
    %dma_wait3A_153 = tpu.memref_slice %arg5[%dma_wait3A_151, %dma_wait3A_152] : memref<64x100xi32, #tpu.memory_space<vmem>> -> memref<1x100xi32, #tpu.memory_space<vmem>>
    %dma_wait3A_154 = tpu.memref_squeeze %dma_wait3A_153 : memref<1x100xi32, #tpu.memory_space<vmem>> -> memref<100xi32, #tpu.memory_space<vmem>>
    %dma_wait3A_155 = arith.constant 0 : i32
    %dma_wait3A_156 = arith.constant 0 : i32
    %dma_wait3A_157 = tpu.memref_slice %arg3[%dma_wait3A_155, %dma_wait3A_156] : memref<100000x128xf32, #tpu.memory_space<hbm>> -> memref<100000x128xf32, #tpu.memory_space<hbm>>
    tpu.wait_indirect_dma semaphore(%arg13 : memref<!tpu.dma_semaphore, #tpu.memory_space<semaphore_mem>>) src(%dma_wait3A_157 : memref<100000x128xf32, #tpu.memory_space<hbm>>) dst(%arg9 : memref<100x128xf32, #tpu.memory_space<vmem>>)
    %add3A_158 = arith.constant 126 : i32
    %add3A_159 = arith.addi %mul3A_2, %add3A_158 : i32
    %dma_start3A_160 = arith.constant 0 : i32
    %dma_start3A_161 = arith.constant 0 : i32
    %dma_start3A_162 = tpu.memref_slice %arg9[%dma_start3A_160, %dma_start3A_161] : memref<100x128xf32, #tpu.memory_space<vmem>> -> memref<50x128xf32, #tpu.memory_space<vmem>>
    %dma_start3A_163 = arith.constant 0 : i32
    %dma_start3A_164 = arith.constant 0 : i32
    %dma_start3A_165 = tpu.memref_slice %arg4[%add3A_159, %dma_start3A_163, %dma_start3A_164] : memref<4096x50x128xf32, #tpu.memory_space<hbm>> -> memref<1x50x128xf32, #tpu.memory_space<hbm>>
    %dma_start3A_166 = tpu.memref_squeeze %dma_start3A_165 : memref<1x50x128xf32, #tpu.memory_space<hbm>> -> memref<50x128xf32, #tpu.memory_space<hbm>>
    %dma_start3A_167 = arith.constant 0 : i32
    %dma_start3A_168 = arith.constant 0 : i32
    %dma_start3A_169 = tpu.memref_slice %arg4[%add3A_159, %dma_start3A_167, %dma_start3A_168] : memref<4096x50x128xf32, #tpu.memory_space<hbm>> -> memref<1x50x128xf32, #tpu.memory_space<hbm>>
    %dma_start3A_170 = tpu.memref_squeeze %dma_start3A_169 : memref<1x50x128xf32, #tpu.memory_space<hbm>> -> memref<50x128xf32, #tpu.memory_space<hbm>>
    %dma_start3A_171 = arith.constant 0 : i32
    %dma_start3A_172 = arith.constant 0 : i32
    %dma_start3A_173 = tpu.memref_slice %arg9[%dma_start3A_171, %dma_start3A_172] : memref<100x128xf32, #tpu.memory_space<vmem>> -> memref<50x128xf32, #tpu.memory_space<vmem>>
    tpu.enqueue_dma source(%dma_start3A_173 : memref<50x128xf32, #tpu.memory_space<vmem>>) target(%dma_start3A_170 : memref<50x128xf32, #tpu.memory_space<hbm>>) target_semaphore(%arg17 : memref<!tpu.dma_semaphore, #tpu.memory_space<semaphore_mem>>)
    %add3A_174 = arith.constant 1 : i32
    %add3A_175 = arith.addi %add3A_159, %add3A_174 : i32
    %dma_start3A_176 = arith.constant 50 : i32
    %dma_start3A_177 = arith.constant 0 : i32
    %dma_start3A_178 = tpu.memref_slice %arg9[%dma_start3A_176, %dma_start3A_177] : memref<100x128xf32, #tpu.memory_space<vmem>> -> memref<50x128xf32, #tpu.memory_space<vmem>>
    %dma_start3A_179 = arith.constant 0 : i32
    %dma_start3A_180 = arith.constant 0 : i32
    %dma_start3A_181 = tpu.memref_slice %arg4[%add3A_175, %dma_start3A_179, %dma_start3A_180] : memref<4096x50x128xf32, #tpu.memory_space<hbm>> -> memref<1x50x128xf32, #tpu.memory_space<hbm>>
    %dma_start3A_182 = tpu.memref_squeeze %dma_start3A_181 : memref<1x50x128xf32, #tpu.memory_space<hbm>> -> memref<50x128xf32, #tpu.memory_space<hbm>>
    %dma_start3A_183 = arith.constant 0 : i32
    %dma_start3A_184 = arith.constant 0 : i32
    %dma_start3A_185 = tpu.memref_slice %arg4[%add3A_175, %dma_start3A_183, %dma_start3A_184] : memref<4096x50x128xf32, #tpu.memory_space<hbm>> -> memref<1x50x128xf32, #tpu.memory_space<hbm>>
    %dma_start3A_186 = tpu.memref_squeeze %dma_start3A_185 : memref<1x50x128xf32, #tpu.memory_space<hbm>> -> memref<50x128xf32, #tpu.memory_space<hbm>>
    %dma_start3A_187 = arith.constant 50 : i32
    %dma_start3A_188 = arith.constant 0 : i32
    %dma_start3A_189 = tpu.memref_slice %arg9[%dma_start3A_187, %dma_start3A_188] : memref<100x128xf32, #tpu.memory_space<vmem>> -> memref<50x128xf32, #tpu.memory_space<vmem>>
    tpu.enqueue_dma source(%dma_start3A_189 : memref<50x128xf32, #tpu.memory_space<vmem>>) target(%dma_start3A_186 : memref<50x128xf32, #tpu.memory_space<hbm>>) target_semaphore(%arg17 : memref<!tpu.dma_semaphore, #tpu.memory_space<semaphore_mem>>)
    %dma_wait3A_190 = arith.constant 0 : i32
    %dma_wait3A_191 = arith.constant 0 : i32
    %dma_wait3A_192 = arith.constant 0 : i32
    %dma_wait3A_193 = tpu.memref_slice %arg6[%dma_wait3A_191, %dma_wait3A_192] : memref<100x128xf32, #tpu.memory_space<vmem>> -> memref<50x128xf32, #tpu.memory_space<vmem>>
    %dma_wait3A_194 = arith.constant 0 : i32
    %dma_wait3A_195 = arith.constant 0 : i32
    %dma_wait3A_196 = tpu.memref_slice %arg4[%dma_wait3A_190, %dma_wait3A_194, %dma_wait3A_195] : memref<4096x50x128xf32, #tpu.memory_space<hbm>> -> memref<1x50x128xf32, #tpu.memory_space<hbm>>
    %dma_wait3A_197 = tpu.memref_squeeze %dma_wait3A_196 : memref<1x50x128xf32, #tpu.memory_space<hbm>> -> memref<50x128xf32, #tpu.memory_space<hbm>>
    %dma_wait3A_198 = arith.constant 0 : i32
    %dma_wait3A_199 = arith.constant 0 : i32
    %dma_wait3A_200 = tpu.memref_slice %arg4[%dma_wait3A_190, %dma_wait3A_198, %dma_wait3A_199] : memref<4096x50x128xf32, #tpu.memory_space<hbm>> -> memref<1x50x128xf32, #tpu.memory_space<hbm>>
    %dma_wait3A_201 = tpu.memref_squeeze %dma_wait3A_200 : memref<1x50x128xf32, #tpu.memory_space<hbm>> -> memref<50x128xf32, #tpu.memory_space<hbm>>
    %dma_wait3A_202 = arith.constant 0 : i32
    %dma_wait3A_203 = arith.constant 0 : i32
    %dma_wait3A_204 = tpu.memref_slice %arg6[%dma_wait3A_202, %dma_wait3A_203] : memref<100x128xf32, #tpu.memory_space<vmem>> -> memref<50x128xf32, #tpu.memory_space<vmem>>
    tpu.wait_dma2 semaphore(%arg14 : memref<!tpu.dma_semaphore, #tpu.memory_space<semaphore_mem>>) src(%dma_wait3A_204 : memref<50x128xf32, #tpu.memory_space<vmem>>) dst(%dma_wait3A_201 : memref<50x128xf32, #tpu.memory_space<hbm>>)
    %dma_wait3A_205 = arith.constant 0 : i32
    %dma_wait3A_206 = arith.constant 0 : i32
    %dma_wait3A_207 = arith.constant 0 : i32
    %dma_wait3A_208 = tpu.memref_slice %arg6[%dma_wait3A_206, %dma_wait3A_207] : memref<100x128xf32, #tpu.memory_space<vmem>> -> memref<50x128xf32, #tpu.memory_space<vmem>>
    %dma_wait3A_209 = arith.constant 0 : i32
    %dma_wait3A_210 = arith.constant 0 : i32
    %dma_wait3A_211 = tpu.memref_slice %arg4[%dma_wait3A_205, %dma_wait3A_209, %dma_wait3A_210] : memref<4096x50x128xf32, #tpu.memory_space<hbm>> -> memref<1x50x128xf32, #tpu.memory_space<hbm>>
    %dma_wait3A_212 = tpu.memref_squeeze %dma_wait3A_211 : memref<1x50x128xf32, #tpu.memory_space<hbm>> -> memref<50x128xf32, #tpu.memory_space<hbm>>
    %dma_wait3A_213 = arith.constant 0 : i32
    %dma_wait3A_214 = arith.constant 0 : i32
    %dma_wait3A_215 = tpu.memref_slice %arg4[%dma_wait3A_205, %dma_wait3A_213, %dma_wait3A_214] : memref<4096x50x128xf32, #tpu.memory_space<hbm>> -> memref<1x50x128xf32, #tpu.memory_space<hbm>>
    %dma_wait3A_216 = tpu.memref_squeeze %dma_wait3A_215 : memref<1x50x128xf32, #tpu.memory_space<hbm>> -> memref<50x128xf32, #tpu.memory_space<hbm>>
    %dma_wait3A_217 = arith.constant 0 : i32
    %dma_wait3A_218 = arith.constant 0 : i32
    %dma_wait3A_219 = tpu.memref_slice %arg6[%dma_wait3A_217, %dma_wait3A_218] : memref<100x128xf32, #tpu.memory_space<vmem>> -> memref<50x128xf32, #tpu.memory_space<vmem>>
    tpu.wait_dma2 semaphore(%arg14 : memref<!tpu.dma_semaphore, #tpu.memory_space<semaphore_mem>>) src(%dma_wait3A_219 : memref<50x128xf32, #tpu.memory_space<vmem>>) dst(%dma_wait3A_216 : memref<50x128xf32, #tpu.memory_space<hbm>>)
    %dma_wait3A_220 = arith.constant 0 : i32
    %dma_wait3A_221 = arith.constant 0 : i32
    %dma_wait3A_222 = arith.constant 0 : i32
    %dma_wait3A_223 = tpu.memref_slice %arg7[%dma_wait3A_221, %dma_wait3A_222] : memref<100x128xf32, #tpu.memory_space<vmem>> -> memref<50x128xf32, #tpu.memory_space<vmem>>
    %dma_wait3A_224 = arith.constant 0 : i32
    %dma_wait3A_225 = arith.constant 0 : i32
    %dma_wait3A_226 = tpu.memref_slice %arg4[%dma_wait3A_220, %dma_wait3A_224, %dma_wait3A_225] : memref<4096x50x128xf32, #tpu.memory_space<hbm>> -> memref<1x50x128xf32, #tpu.memory_space<hbm>>
    %dma_wait3A_227 = tpu.memref_squeeze %dma_wait3A_226 : memref<1x50x128xf32, #tpu.memory_space<hbm>> -> memref<50x128xf32, #tpu.memory_space<hbm>>
    %dma_wait3A_228 = arith.constant 0 : i32
    %dma_wait3A_229 = arith.constant 0 : i32
    %dma_wait3A_230 = tpu.memref_slice %arg4[%dma_wait3A_220, %dma_wait3A_228, %dma_wait3A_229] : memref<4096x50x128xf32, #tpu.memory_space<hbm>> -> memref<1x50x128xf32, #tpu.memory_space<hbm>>
    %dma_wait3A_231 = tpu.memref_squeeze %dma_wait3A_230 : memref<1x50x128xf32, #tpu.memory_space<hbm>> -> memref<50x128xf32, #tpu.memory_space<hbm>>
    %dma_wait3A_232 = arith.constant 0 : i32
    %dma_wait3A_233 = arith.constant 0 : i32
    %dma_wait3A_234 = tpu.memref_slice %arg7[%dma_wait3A_232, %dma_wait3A_233] : memref<100x128xf32, #tpu.memory_space<vmem>> -> memref<50x128xf32, #tpu.memory_space<vmem>>
    tpu.wait_dma2 semaphore(%arg15 : memref<!tpu.dma_semaphore, #tpu.memory_space<semaphore_mem>>) src(%dma_wait3A_234 : memref<50x128xf32, #tpu.memory_space<vmem>>) dst(%dma_wait3A_231 : memref<50x128xf32, #tpu.memory_space<hbm>>)
    %dma_wait3A_235 = arith.constant 0 : i32
    %dma_wait3A_236 = arith.constant 0 : i32
    %dma_wait3A_237 = arith.constant 0 : i32
    %dma_wait3A_238 = tpu.memref_slice %arg7[%dma_wait3A_236, %dma_wait3A_237] : memref<100x128xf32, #tpu.memory_space<vmem>> -> memref<50x128xf32, #tpu.memory_space<vmem>>
    %dma_wait3A_239 = arith.constant 0 : i32
    %dma_wait3A_240 = arith.constant 0 : i32
    %dma_wait3A_241 = tpu.memref_slice %arg4[%dma_wait3A_235, %dma_wait3A_239, %dma_wait3A_240] : memref<4096x50x128xf32, #tpu.memory_space<hbm>> -> memref<1x50x128xf32, #tpu.memory_space<hbm>>
    %dma_wait3A_242 = tpu.memref_squeeze %dma_wait3A_241 : memref<1x50x128xf32, #tpu.memory_space<hbm>> -> memref<50x128xf32, #tpu.memory_space<hbm>>
    %dma_wait3A_243 = arith.constant 0 : i32
    %dma_wait3A_244 = arith.constant 0 : i32
    %dma_wait3A_245 = tpu.memref_slice %arg4[%dma_wait3A_235, %dma_wait3A_243, %dma_wait3A_244] : memref<4096x50x128xf32, #tpu.memory_space<hbm>> -> memref<1x50x128xf32, #tpu.memory_space<hbm>>
    %dma_wait3A_246 = tpu.memref_squeeze %dma_wait3A_245 : memref<1x50x128xf32, #tpu.memory_space<hbm>> -> memref<50x128xf32, #tpu.memory_space<hbm>>
    %dma_wait3A_247 = arith.constant 0 : i32
    %dma_wait3A_248 = arith.constant 0 : i32
    %dma_wait3A_249 = tpu.memref_slice %arg7[%dma_wait3A_247, %dma_wait3A_248] : memref<100x128xf32, #tpu.memory_space<vmem>> -> memref<50x128xf32, #tpu.memory_space<vmem>>
    tpu.wait_dma2 semaphore(%arg15 : memref<!tpu.dma_semaphore, #tpu.memory_space<semaphore_mem>>) src(%dma_wait3A_249 : memref<50x128xf32, #tpu.memory_space<vmem>>) dst(%dma_wait3A_246 : memref<50x128xf32, #tpu.memory_space<hbm>>)
    %dma_wait3A_250 = arith.constant 0 : i32
    %dma_wait3A_251 = arith.constant 0 : i32
    %dma_wait3A_252 = arith.constant 0 : i32
    %dma_wait3A_253 = tpu.memref_slice %arg8[%dma_wait3A_251, %dma_wait3A_252] : memref<100x128xf32, #tpu.memory_space<vmem>> -> memref<50x128xf32, #tpu.memory_space<vmem>>
    %dma_wait3A_254 = arith.constant 0 : i32
    %dma_wait3A_255 = arith.constant 0 : i32
    %dma_wait3A_256 = tpu.memref_slice %arg4[%dma_wait3A_250, %dma_wait3A_254, %dma_wait3A_255] : memref<4096x50x128xf32, #tpu.memory_space<hbm>> -> memref<1x50x128xf32, #tpu.memory_space<hbm>>
    %dma_wait3A_257 = tpu.memref_squeeze %dma_wait3A_256 : memref<1x50x128xf32, #tpu.memory_space<hbm>> -> memref<50x128xf32, #tpu.memory_space<hbm>>
    %dma_wait3A_258 = arith.constant 0 : i32
    %dma_wait3A_259 = arith.constant 0 : i32
    %dma_wait3A_260 = tpu.memref_slice %arg4[%dma_wait3A_250, %dma_wait3A_258, %dma_wait3A_259] : memref<4096x50x128xf32, #tpu.memory_space<hbm>> -> memref<1x50x128xf32, #tpu.memory_space<hbm>>
    %dma_wait3A_261 = tpu.memref_squeeze %dma_wait3A_260 : memref<1x50x128xf32, #tpu.memory_space<hbm>> -> memref<50x128xf32, #tpu.memory_space<hbm>>
    %dma_wait3A_262 = arith.constant 0 : i32
    %dma_wait3A_263 = arith.constant 0 : i32
    %dma_wait3A_264 = tpu.memref_slice %arg8[%dma_wait3A_262, %dma_wait3A_263] : memref<100x128xf32, #tpu.memory_space<vmem>> -> memref<50x128xf32, #tpu.memory_space<vmem>>
    tpu.wait_dma2 semaphore(%arg16 : memref<!tpu.dma_semaphore, #tpu.memory_space<semaphore_mem>>) src(%dma_wait3A_264 : memref<50x128xf32, #tpu.memory_space<vmem>>) dst(%dma_wait3A_261 : memref<50x128xf32, #tpu.memory_space<hbm>>)
    %dma_wait3A_265 = arith.constant 0 : i32
    %dma_wait3A_266 = arith.constant 0 : i32
    %dma_wait3A_267 = arith.constant 0 : i32
    %dma_wait3A_268 = tpu.memref_slice %arg8[%dma_wait3A_266, %dma_wait3A_267] : memref<100x128xf32, #tpu.memory_space<vmem>> -> memref<50x128xf32, #tpu.memory_space<vmem>>
    %dma_wait3A_269 = arith.constant 0 : i32
    %dma_wait3A_270 = arith.constant 0 : i32
    %dma_wait3A_271 = tpu.memref_slice %arg4[%dma_wait3A_265, %dma_wait3A_269, %dma_wait3A_270] : memref<4096x50x128xf32, #tpu.memory_space<hbm>> -> memref<1x50x128xf32, #tpu.memory_space<hbm>>
    %dma_wait3A_272 = tpu.memref_squeeze %dma_wait3A_271 : memref<1x50x128xf32, #tpu.memory_space<hbm>> -> memref<50x128xf32, #tpu.memory_space<hbm>>
    %dma_wait3A_273 = arith.constant 0 : i32
    %dma_wait3A_274 = arith.constant 0 : i32
    %dma_wait3A_275 = tpu.memref_slice %arg4[%dma_wait3A_265, %dma_wait3A_273, %dma_wait3A_274] : memref<4096x50x128xf32, #tpu.memory_space<hbm>> -> memref<1x50x128xf32, #tpu.memory_space<hbm>>
    %dma_wait3A_276 = tpu.memref_squeeze %dma_wait3A_275 : memref<1x50x128xf32, #tpu.memory_space<hbm>> -> memref<50x128xf32, #tpu.memory_space<hbm>>
    %dma_wait3A_277 = arith.constant 0 : i32
    %dma_wait3A_278 = arith.constant 0 : i32
    %dma_wait3A_279 = tpu.memref_slice %arg8[%dma_wait3A_277, %dma_wait3A_278] : memref<100x128xf32, #tpu.memory_space<vmem>> -> memref<50x128xf32, #tpu.memory_space<vmem>>
    tpu.wait_dma2 semaphore(%arg16 : memref<!tpu.dma_semaphore, #tpu.memory_space<semaphore_mem>>) src(%dma_wait3A_279 : memref<50x128xf32, #tpu.memory_space<vmem>>) dst(%dma_wait3A_276 : memref<50x128xf32, #tpu.memory_space<hbm>>)
    %dma_wait3A_280 = arith.constant 0 : i32
    %dma_wait3A_281 = arith.constant 0 : i32
    %dma_wait3A_282 = arith.constant 0 : i32
    %dma_wait3A_283 = tpu.memref_slice %arg9[%dma_wait3A_281, %dma_wait3A_282] : memref<100x128xf32, #tpu.memory_space<vmem>> -> memref<50x128xf32, #tpu.memory_space<vmem>>
    %dma_wait3A_284 = arith.constant 0 : i32
    %dma_wait3A_285 = arith.constant 0 : i32
    %dma_wait3A_286 = tpu.memref_slice %arg4[%dma_wait3A_280, %dma_wait3A_284, %dma_wait3A_285] : memref<4096x50x128xf32, #tpu.memory_space<hbm>> -> memref<1x50x128xf32, #tpu.memory_space<hbm>>
    %dma_wait3A_287 = tpu.memref_squeeze %dma_wait3A_286 : memref<1x50x128xf32, #tpu.memory_space<hbm>> -> memref<50x128xf32, #tpu.memory_space<hbm>>
    %dma_wait3A_288 = arith.constant 0 : i32
    %dma_wait3A_289 = arith.constant 0 : i32
    %dma_wait3A_290 = tpu.memref_slice %arg4[%dma_wait3A_280, %dma_wait3A_288, %dma_wait3A_289] : memref<4096x50x128xf32, #tpu.memory_space<hbm>> -> memref<1x50x128xf32, #tpu.memory_space<hbm>>
    %dma_wait3A_291 = tpu.memref_squeeze %dma_wait3A_290 : memref<1x50x128xf32, #tpu.memory_space<hbm>> -> memref<50x128xf32, #tpu.memory_space<hbm>>
    %dma_wait3A_292 = arith.constant 0 : i32
    %dma_wait3A_293 = arith.constant 0 : i32
    %dma_wait3A_294 = tpu.memref_slice %arg9[%dma_wait3A_292, %dma_wait3A_293] : memref<100x128xf32, #tpu.memory_space<vmem>> -> memref<50x128xf32, #tpu.memory_space<vmem>>
    tpu.wait_dma2 semaphore(%arg17 : memref<!tpu.dma_semaphore, #tpu.memory_space<semaphore_mem>>) src(%dma_wait3A_294 : memref<50x128xf32, #tpu.memory_space<vmem>>) dst(%dma_wait3A_291 : memref<50x128xf32, #tpu.memory_space<hbm>>)
    %dma_wait3A_295 = arith.constant 0 : i32
    %dma_wait3A_296 = arith.constant 0 : i32
    %dma_wait3A_297 = arith.constant 0 : i32
    %dma_wait3A_298 = tpu.memref_slice %arg9[%dma_wait3A_296, %dma_wait3A_297] : memref<100x128xf32, #tpu.memory_space<vmem>> -> memref<50x128xf32, #tpu.memory_space<vmem>>
    %dma_wait3A_299 = arith.constant 0 : i32
    %dma_wait3A_300 = arith.constant 0 : i32
    %dma_wait3A_301 = tpu.memref_slice %arg4[%dma_wait3A_295, %dma_wait3A_299, %dma_wait3A_300] : memref<4096x50x128xf32, #tpu.memory_space<hbm>> -> memref<1x50x128xf32, #tpu.memory_space<hbm>>
    %dma_wait3A_302 = tpu.memref_squeeze %dma_wait3A_301 : memref<1x50x128xf32, #tpu.memory_space<hbm>> -> memref<50x128xf32, #tpu.memory_space<hbm>>
    %dma_wait3A_303 = arith.constant 0 : i32
    %dma_wait3A_304 = arith.constant 0 : i32
    %dma_wait3A_305 = tpu.memref_slice %arg4[%dma_wait3A_295, %dma_wait3A_303, %dma_wait3A_304] : memref<4096x50x128xf32, #tpu.memory_space<hbm>> -> memref<1x50x128xf32, #tpu.memory_space<hbm>>
    %dma_wait3A_306 = tpu.memref_squeeze %dma_wait3A_305 : memref<1x50x128xf32, #tpu.memory_space<hbm>> -> memref<50x128xf32, #tpu.memory_space<hbm>>
    %dma_wait3A_307 = arith.constant 0 : i32
    %dma_wait3A_308 = arith.constant 0 : i32
    %dma_wait3A_309 = tpu.memref_slice %arg9[%dma_wait3A_307, %dma_wait3A_308] : memref<100x128xf32, #tpu.memory_space<vmem>> -> memref<50x128xf32, #tpu.memory_space<vmem>>
    tpu.wait_dma2 semaphore(%arg17 : memref<!tpu.dma_semaphore, #tpu.memory_space<semaphore_mem>>) src(%dma_wait3A_309 : memref<50x128xf32, #tpu.memory_space<vmem>>) dst(%dma_wait3A_306 : memref<50x128xf32, #tpu.memory_space<hbm>>)
    return
  }
}

#map = affine_map<(d0, d1) -> (0, 0, 0)>
#map1 = affine_map<(d0, d1) -> (0, 0)>
module attributes {stable_mosaic.version = 14 : i64} {
  func.func @gather_kernel(%arg0: i32, %arg1: i32, %arg2: memref<32x64x100xi32, #tpu.memory_space<hbm>>, %arg3: memref<100000x128xf32, #tpu.memory_space<hbm>>, %arg4: memref<4096x50x128xf32, #tpu.memory_space<hbm>>, %arg5: memref<64x100xi32, #tpu.memory_space<vmem>>, %arg6: memref<100x128xf32, #tpu.memory_space<vmem>>, %arg7: memref<100x128xf32, #tpu.memory_space<vmem>>, %arg8: memref<100x128xf32, #tpu.memory_space<vmem>>, %arg9: memref<100x128xf32, #tpu.memory_space<vmem>>, %arg10: memref<!tpu.dma_semaphore, #tpu.memory_space<semaphore_mem>>, %arg11: memref<!tpu.dma_semaphore, #tpu.memory_space<semaphore_mem>>, %arg12: memref<!tpu.dma_semaphore, #tpu.memory_space<semaphore_mem>>, %arg13: memref<!tpu.dma_semaphore, #tpu.memory_space<semaphore_mem>>, %arg14: memref<!tpu.dma_semaphore, #tpu.memory_space<semaphore_mem>>, %arg15: memref<!tpu.dma_semaphore, #tpu.memory_space<semaphore_mem>>, %arg16: memref<!tpu.dma_semaphore, #tpu.memory_space<semaphore_mem>>, %arg17: memref<!tpu.dma_semaphore, #tpu.memory_space<semaphore_mem>>) attributes {dimension_semantics = [#tpu.dimension_semantics<core_parallel>, #tpu.dimension_semantics<subcore_parallel>], iteration_bounds = array<i64: 2, 16>, scalar_prefetch = 0 : i64, scratch_operands = 13 : i64, tpu.core_type = #tpu.core_type<sc_vector_subcore>, window_params = [{transform_indices = #map}, {transform_indices = #map1}, {transform_indices = #map}]} {
    %mul3A = arith.constant 2 : i32
    %mul3A_0 = arith.muli %arg1, %mul3A : i32
    %add3A = arith.addi %mul3A_0, %arg0 : i32
    %mul3A_1 = arith.constant 128 : i32
    %mul3A_2 = arith.muli %add3A, %mul3A_1 : i32
    "tpu.region"() ({
      %run_scoped3A = tpu.sem_alloc : memref<!tpu.dma_semaphore, #tpu.memory_space<semaphore_mem>>
      %dma_start3A_310 = arith.constant 0 : i32
      %dma_start3A_311 = arith.constant 0 : i32
      %dma_start3A_312 = tpu.memref_slice %arg2[%add3A, %dma_start3A_310, %dma_start3A_311] : memref<32x64x100xi32, #tpu.memory_space<hbm>> -> memref<1x64x100xi32, #tpu.memory_space<hbm>>
      %dma_start3A_313 = tpu.memref_squeeze %dma_start3A_312 : memref<1x64x100xi32, #tpu.memory_space<hbm>> -> memref<64x100xi32, #tpu.memory_space<hbm>>
      %dma_start3A_314 = arith.constant 0 : i32
      %dma_start3A_315 = arith.constant 0 : i32
      %dma_start3A_316 = tpu.memref_slice %arg2[%add3A, %dma_start3A_314, %dma_start3A_315] : memref<32x64x100xi32, #tpu.memory_space<hbm>> -> memref<1x64x100xi32, #tpu.memory_space<hbm>>
      %dma_start3A_317 = tpu.memref_squeeze %dma_start3A_316 : memref<1x64x100xi32, #tpu.memory_space<hbm>> -> memref<64x100xi32, #tpu.memory_space<hbm>>
      tpu.enqueue_dma source(%dma_start3A_317 : memref<64x100xi32, #tpu.memory_space<hbm>>) target(%arg5 : memref<64x100xi32, #tpu.memory_space<vmem>>) target_semaphore(%run_scoped3A : memref<!tpu.dma_semaphore, #tpu.memory_space<semaphore_mem>>)
      %dma_wait3A_318 = arith.constant 0 : i32
      %dma_wait3A_319 = arith.constant 0 : i32
      %dma_wait3A_320 = tpu.memref_slice %arg2[%add3A, %dma_wait3A_318, %dma_wait3A_319] : memref<32x64x100xi32, #tpu.memory_space<hbm>> -> memref<1x64x100xi32, #tpu.memory_space<hbm>>
      %dma_wait3A_321 = tpu.memref_squeeze %dma_wait3A_320 : memref<1x64x100xi32, #tpu.memory_space<hbm>> -> memref<64x100xi32, #tpu.memory_space<hbm>>
      %dma_wait3A_322 = arith.constant 0 : i32
      %dma_wait3A_323 = arith.constant 0 : i32
      %dma_wait3A_324 = tpu.memref_slice %arg2[%add3A, %dma_wait3A_322, %dma_wait3A_323] : memref<32x64x100xi32, #tpu.memory_space<hbm>> -> memref<1x64x100xi32, #tpu.memory_space<hbm>>
      %dma_wait3A_325 = tpu.memref_squeeze %dma_wait3A_324 : memref<1x64x100xi32, #tpu.memory_space<hbm>> -> memref<64x100xi32, #tpu.memory_space<hbm>>
      tpu.wait_dma2 semaphore(%run_scoped3A : memref<!tpu.dma_semaphore, #tpu.memory_space<semaphore_mem>>) src(%dma_wait3A_325 : memref<64x100xi32, #tpu.memory_space<hbm>>) dst(%arg5 : memref<64x100xi32, #tpu.memory_space<vmem>>)
      tpu.yield
    }) : () -> ()
    %dma_start3A = arith.constant 0 : i32
    %dma_start3A_3 = arith.constant 0 : i32
    %dma_start3A_4 = tpu.memref_slice %arg5[%dma_start3A, %dma_start3A_3] : memref<64x100xi32, #tpu.memory_space<vmem>> -> memref<1x100xi32, #tpu.memory_space<vmem>>
    %dma_start3A_5 = tpu.memref_squeeze %dma_start3A_4 : memref<1x100xi32, #tpu.memory_space<vmem>> -> memref<100xi32, #tpu.memory_space<vmem>>
    %dma_start3A_6 = arith.constant 0 : i32
    %dma_start3A_7 = arith.constant 0 : i32
    %dma_start3A_8 = tpu.memref_slice %arg3[%dma_start3A_6, %dma_start3A_7] : memref<100000x128xf32, #tpu.memory_space<hbm>> -> memref<100000x128xf32, #tpu.memory_space<hbm>>
    tpu.enqueue_indirect_dma source(%dma_start3A_8 : memref<100000x128xf32, #tpu.memory_space<hbm>>) target(%arg6 : memref<100x128xf32, #tpu.memory_space<vmem>>) offsets(%dma_start3A_5 : memref<100xi32, #tpu.memory_space<vmem>>) semaphore(%arg10 : memref<!tpu.dma_semaphore, #tpu.memory_space<semaphore_mem>>)
    %dma_start3A_9 = arith.constant 1 : i32
    %dma_start3A_10 = arith.constant 0 : i32
    %dma_start3A_11 = tpu.memref_slice %arg5[%dma_start3A_9, %dma_start3A_10] : memref<64x100xi32, #tpu.memory_space<vmem>> -> memref<1x100xi32, #tpu.memory_space<vmem>>
    %dma_start3A_12 = tpu.memref_squeeze %dma_start3A_11 : memref<1x100xi32, #tpu.memory_space<vmem>> -> memref<100xi32, #tpu.memory_space<vmem>>
    %dma_start3A_13 = arith.constant 0 : i32
    %dma_start3A_14 = arith.constant 0 : i32
    %dma_start3A_15 = tpu.memref_slice %arg3[%dma_start3A_13, %dma_start3A_14] : memref<100000x128xf32, #tpu.memory_space<hbm>> -> memref<100000x128xf32, #tpu.memory_space<hbm>>
    tpu.enqueue_indirect_dma source(%dma_start3A_15 : memref<100000x128xf32, #tpu.memory_space<hbm>>) target(%arg7 : memref<100x128xf32, #tpu.memory_space<vmem>>) offsets(%dma_start3A_12 : memref<100xi32, #tpu.memory_space<vmem>>) semaphore(%arg11 : memref<!tpu.dma_semaphore, #tpu.memory_space<semaphore_mem>>)
    %dma_start3A_16 = arith.constant 2 : i32
    %dma_start3A_17 = arith.constant 0 : i32
    %dma_start3A_18 = tpu.memref_slice %arg5[%dma_start3A_16, %dma_start3A_17] : memref<64x100xi32, #tpu.memory_space<vmem>> -> memref<1x100xi32, #tpu.memory_space<vmem>>
    %dma_start3A_19 = tpu.memref_squeeze %dma_start3A_18 : memref<1x100xi32, #tpu.memory_space<vmem>> -> memref<100xi32, #tpu.memory_space<vmem>>
    %dma_start3A_20 = arith.constant 0 : i32
    %dma_start3A_21 = arith.constant 0 : i32
    %dma_start3A_22 = tpu.memref_slice %arg3[%dma_start3A_20, %dma_start3A_21] : memref<100000x128xf32, #tpu.memory_space<hbm>> -> memref<100000x128xf32, #tpu.memory_space<hbm>>
    tpu.enqueue_indirect_dma source(%dma_start3A_22 : memref<100000x128xf32, #tpu.memory_space<hbm>>) target(%arg8 : memref<100x128xf32, #tpu.memory_space<vmem>>) offsets(%dma_start3A_19 : memref<100xi32, #tpu.memory_space<vmem>>) semaphore(%arg12 : memref<!tpu.dma_semaphore, #tpu.memory_space<semaphore_mem>>)
    %dma_start3A_23 = arith.constant 3 : i32
    %dma_start3A_24 = arith.constant 0 : i32
    %dma_start3A_25 = tpu.memref_slice %arg5[%dma_start3A_23, %dma_start3A_24] : memref<64x100xi32, #tpu.memory_space<vmem>> -> memref<1x100xi32, #tpu.memory_space<vmem>>
    %dma_start3A_26 = tpu.memref_squeeze %dma_start3A_25 : memref<1x100xi32, #tpu.memory_space<vmem>> -> memref<100xi32, #tpu.memory_space<vmem>>
    %dma_start3A_27 = arith.constant 0 : i32
    %dma_start3A_28 = arith.constant 0 : i32
    %dma_start3A_29 = tpu.memref_slice %arg3[%dma_start3A_27, %dma_start3A_28] : memref<100000x128xf32, #tpu.memory_space<hbm>> -> memref<100000x128xf32, #tpu.memory_space<hbm>>
    tpu.enqueue_indirect_dma source(%dma_start3A_29 : memref<100000x128xf32, #tpu.memory_space<hbm>>) target(%arg9 : memref<100x128xf32, #tpu.memory_space<vmem>>) offsets(%dma_start3A_26 : memref<100xi32, #tpu.memory_space<vmem>>) semaphore(%arg13 : memref<!tpu.dma_semaphore, #tpu.memory_space<semaphore_mem>>)
    %scan3A = arith.constant 0 : i32
    %scan3A_30 = arith.constant 0 : i32
    %scan3A_31 = arith.constant 15 : i32
    %scan3A_32 = arith.addi %scan3A_30, %scan3A_31 : i32
    %scan3A_33 = arith.constant 1 : i32
    scf.for %scan3A_310 = %scan3A_30 to %scan3A_32 step %scan3A_33  : i32 {
      %mul3A_311 = arith.constant 4 : i32
      %mul3A_312 = arith.muli %scan3A_310, %mul3A_311 : i32
      %dma_wait3A_313 = arith.constant 0 : i32
      %dma_wait3A_314 = arith.constant 0 : i32
      %dma_wait3A_315 = tpu.memref_slice %arg5[%dma_wait3A_313, %dma_wait3A_314] : memref<64x100xi32, #tpu.memory_space<vmem>> -> memref<1x100xi32, #tpu.memory_space<vmem>>
      %dma_wait3A_316 = tpu.memref_squeeze %dma_wait3A_315 : memref<1x100xi32, #tpu.memory_space<vmem>> -> memref<100xi32, #tpu.memory_space<vmem>>
      %dma_wait3A_317 = arith.constant 0 : i32
      %dma_wait3A_318 = arith.constant 0 : i32
      %dma_wait3A_319 = tpu.memref_slice %arg3[%dma_wait3A_317, %dma_wait3A_318] : memref<100000x128xf32, #tpu.memory_space<hbm>> -> memref<100000x128xf32, #tpu.memory_space<hbm>>
      tpu.wait_indirect_dma semaphore(%arg10 : memref<!tpu.dma_semaphore, #tpu.memory_space<semaphore_mem>>) src(%dma_wait3A_319 : memref<100000x128xf32, #tpu.memory_space<hbm>>) dst(%arg6 : memref<100x128xf32, #tpu.memory_space<vmem>>)
      %add3A_320 = arith.constant 0 : i32
      %add3A_321 = arith.addi %mul3A_312, %add3A_320 : i32
      %mul3A_322 = arith.constant 2 : i32
      %mul3A_323 = arith.muli %add3A_321, %mul3A_322 : i32
      %add3A_324 = arith.addi %mul3A_2, %mul3A_323 : i32
      %dma_start3A_325 = arith.constant 0 : i32
      %dma_start3A_326 = arith.constant 0 : i32
      %dma_start3A_327 = tpu.memref_slice %arg6[%dma_start3A_325, %dma_start3A_326] : memref<100x128xf32, #tpu.memory_space<vmem>> -> memref<50x128xf32, #tpu.memory_space<vmem>>
      %dma_start3A_328 = arith.constant 0 : i32
      %dma_start3A_329 = arith.constant 0 : i32
      %dma_start3A_330 = tpu.memref_slice %arg4[%add3A_324, %dma_start3A_328, %dma_start3A_329] : memref<4096x50x128xf32, #tpu.memory_space<hbm>> -> memref<1x50x128xf32, #tpu.memory_space<hbm>>
      %dma_start3A_331 = tpu.memref_squeeze %dma_start3A_330 : memref<1x50x128xf32, #tpu.memory_space<hbm>> -> memref<50x128xf32, #tpu.memory_space<hbm>>
      %dma_start3A_332 = arith.constant 0 : i32
      %dma_start3A_333 = arith.constant 0 : i32
      %dma_start3A_334 = tpu.memref_slice %arg4[%add3A_324, %dma_start3A_332, %dma_start3A_333] : memref<4096x50x128xf32, #tpu.memory_space<hbm>> -> memref<1x50x128xf32, #tpu.memory_space<hbm>>
      %dma_start3A_335 = tpu.memref_squeeze %dma_start3A_334 : memref<1x50x128xf32, #tpu.memory_space<hbm>> -> memref<50x128xf32, #tpu.memory_space<hbm>>
      %dma_start3A_336 = arith.constant 0 : i32
      %dma_start3A_337 = arith.constant 0 : i32
      %dma_start3A_338 = tpu.memref_slice %arg6[%dma_start3A_336, %dma_start3A_337] : memref<100x128xf32, #tpu.memory_space<vmem>> -> memref<50x128xf32, #tpu.memory_space<vmem>>
      tpu.enqueue_dma source(%dma_start3A_338 : memref<50x128xf32, #tpu.memory_space<vmem>>) target(%dma_start3A_335 : memref<50x128xf32, #tpu.memory_space<hbm>>) target_semaphore(%arg14 : memref<!tpu.dma_semaphore, #tpu.memory_space<semaphore_mem>>)
      %add3A_339 = arith.constant 1 : i32
      %add3A_340 = arith.addi %add3A_324, %add3A_339 : i32
      %dma_start3A_341 = arith.constant 50 : i32
      %dma_start3A_342 = arith.constant 0 : i32
      %dma_start3A_343 = tpu.memref_slice %arg6[%dma_start3A_341, %dma_start3A_342] : memref<100x128xf32, #tpu.memory_space<vmem>> -> memref<50x128xf32, #tpu.memory_space<vmem>>
      %dma_start3A_344 = arith.constant 0 : i32
      %dma_start3A_345 = arith.constant 0 : i32
      %dma_start3A_346 = tpu.memref_slice %arg4[%add3A_340, %dma_start3A_344, %dma_start3A_345] : memref<4096x50x128xf32, #tpu.memory_space<hbm>> -> memref<1x50x128xf32, #tpu.memory_space<hbm>>
      %dma_start3A_347 = tpu.memref_squeeze %dma_start3A_346 : memref<1x50x128xf32, #tpu.memory_space<hbm>> -> memref<50x128xf32, #tpu.memory_space<hbm>>
      %dma_start3A_348 = arith.constant 0 : i32
      %dma_start3A_349 = arith.constant 0 : i32
      %dma_start3A_350 = tpu.memref_slice %arg4[%add3A_340, %dma_start3A_348, %dma_start3A_349] : memref<4096x50x128xf32, #tpu.memory_space<hbm>> -> memref<1x50x128xf32, #tpu.memory_space<hbm>>
      %dma_start3A_351 = tpu.memref_squeeze %dma_start3A_350 : memref<1x50x128xf32, #tpu.memory_space<hbm>> -> memref<50x128xf32, #tpu.memory_space<hbm>>
      %dma_start3A_352 = arith.constant 50 : i32
      %dma_start3A_353 = arith.constant 0 : i32
      %dma_start3A_354 = tpu.memref_slice %arg6[%dma_start3A_352, %dma_start3A_353] : memref<100x128xf32, #tpu.memory_space<vmem>> -> memref<50x128xf32, #tpu.memory_space<vmem>>
      tpu.enqueue_dma source(%dma_start3A_354 : memref<50x128xf32, #tpu.memory_space<vmem>>) target(%dma_start3A_351 : memref<50x128xf32, #tpu.memory_space<hbm>>) target_semaphore(%arg14 : memref<!tpu.dma_semaphore, #tpu.memory_space<semaphore_mem>>)
      %dma_wait3A_355 = arith.constant 0 : i32
      %dma_wait3A_356 = arith.constant 0 : i32
      %dma_wait3A_357 = tpu.memref_slice %arg5[%dma_wait3A_355, %dma_wait3A_356] : memref<64x100xi32, #tpu.memory_space<vmem>> -> memref<1x100xi32, #tpu.memory_space<vmem>>
      %dma_wait3A_358 = tpu.memref_squeeze %dma_wait3A_357 : memref<1x100xi32, #tpu.memory_space<vmem>> -> memref<100xi32, #tpu.memory_space<vmem>>
      %dma_wait3A_359 = arith.constant 0 : i32
      %dma_wait3A_360 = arith.constant 0 : i32
      %dma_wait3A_361 = tpu.memref_slice %arg3[%dma_wait3A_359, %dma_wait3A_360] : memref<100000x128xf32, #tpu.memory_space<hbm>> -> memref<100000x128xf32, #tpu.memory_space<hbm>>
      tpu.wait_indirect_dma semaphore(%arg11 : memref<!tpu.dma_semaphore, #tpu.memory_space<semaphore_mem>>) src(%dma_wait3A_361 : memref<100000x128xf32, #tpu.memory_space<hbm>>) dst(%arg7 : memref<100x128xf32, #tpu.memory_space<vmem>>)
      %add3A_362 = arith.constant 1 : i32
      %add3A_363 = arith.addi %mul3A_312, %add3A_362 : i32
      %mul3A_364 = arith.constant 2 : i32
      %mul3A_365 = arith.muli %add3A_363, %mul3A_364 : i32
      %add3A_366 = arith.addi %mul3A_2, %mul3A_365 : i32
      %dma_start3A_367 = arith.constant 0 : i32
      %dma_start3A_368 = arith.constant 0 : i32
      %dma_start3A_369 = tpu.memref_slice %arg7[%dma_start3A_367, %dma_start3A_368] : memref<100x128xf32, #tpu.memory_space<vmem>> -> memref<50x128xf32, #tpu.memory_space<vmem>>
      %dma_start3A_370 = arith.constant 0 : i32
      %dma_start3A_371 = arith.constant 0 : i32
      %dma_start3A_372 = tpu.memref_slice %arg4[%add3A_366, %dma_start3A_370, %dma_start3A_371] : memref<4096x50x128xf32, #tpu.memory_space<hbm>> -> memref<1x50x128xf32, #tpu.memory_space<hbm>>
      %dma_start3A_373 = tpu.memref_squeeze %dma_start3A_372 : memref<1x50x128xf32, #tpu.memory_space<hbm>> -> memref<50x128xf32, #tpu.memory_space<hbm>>
      %dma_start3A_374 = arith.constant 0 : i32
      %dma_start3A_375 = arith.constant 0 : i32
      %dma_start3A_376 = tpu.memref_slice %arg4[%add3A_366, %dma_start3A_374, %dma_start3A_375] : memref<4096x50x128xf32, #tpu.memory_space<hbm>> -> memref<1x50x128xf32, #tpu.memory_space<hbm>>
      %dma_start3A_377 = tpu.memref_squeeze %dma_start3A_376 : memref<1x50x128xf32, #tpu.memory_space<hbm>> -> memref<50x128xf32, #tpu.memory_space<hbm>>
      %dma_start3A_378 = arith.constant 0 : i32
      %dma_start3A_379 = arith.constant 0 : i32
      %dma_start3A_380 = tpu.memref_slice %arg7[%dma_start3A_378, %dma_start3A_379] : memref<100x128xf32, #tpu.memory_space<vmem>> -> memref<50x128xf32, #tpu.memory_space<vmem>>
      tpu.enqueue_dma source(%dma_start3A_380 : memref<50x128xf32, #tpu.memory_space<vmem>>) target(%dma_start3A_377 : memref<50x128xf32, #tpu.memory_space<hbm>>) target_semaphore(%arg15 : memref<!tpu.dma_semaphore, #tpu.memory_space<semaphore_mem>>)
      %add3A_381 = arith.constant 1 : i32
      %add3A_382 = arith.addi %add3A_366, %add3A_381 : i32
      %dma_start3A_383 = arith.constant 50 : i32
      %dma_start3A_384 = arith.constant 0 : i32
      %dma_start3A_385 = tpu.memref_slice %arg7[%dma_start3A_383, %dma_start3A_384] : memref<100x128xf32, #tpu.memory_space<vmem>> -> memref<50x128xf32, #tpu.memory_space<vmem>>
      %dma_start3A_386 = arith.constant 0 : i32
      %dma_start3A_387 = arith.constant 0 : i32
      %dma_start3A_388 = tpu.memref_slice %arg4[%add3A_382, %dma_start3A_386, %dma_start3A_387] : memref<4096x50x128xf32, #tpu.memory_space<hbm>> -> memref<1x50x128xf32, #tpu.memory_space<hbm>>
      %dma_start3A_389 = tpu.memref_squeeze %dma_start3A_388 : memref<1x50x128xf32, #tpu.memory_space<hbm>> -> memref<50x128xf32, #tpu.memory_space<hbm>>
      %dma_start3A_390 = arith.constant 0 : i32
      %dma_start3A_391 = arith.constant 0 : i32
      %dma_start3A_392 = tpu.memref_slice %arg4[%add3A_382, %dma_start3A_390, %dma_start3A_391] : memref<4096x50x128xf32, #tpu.memory_space<hbm>> -> memref<1x50x128xf32, #tpu.memory_space<hbm>>
      %dma_start3A_393 = tpu.memref_squeeze %dma_start3A_392 : memref<1x50x128xf32, #tpu.memory_space<hbm>> -> memref<50x128xf32, #tpu.memory_space<hbm>>
      %dma_start3A_394 = arith.constant 50 : i32
      %dma_start3A_395 = arith.constant 0 : i32
      %dma_start3A_396 = tpu.memref_slice %arg7[%dma_start3A_394, %dma_start3A_395] : memref<100x128xf32, #tpu.memory_space<vmem>> -> memref<50x128xf32, #tpu.memory_space<vmem>>
      tpu.enqueue_dma source(%dma_start3A_396 : memref<50x128xf32, #tpu.memory_space<vmem>>) target(%dma_start3A_393 : memref<50x128xf32, #tpu.memory_space<hbm>>) target_semaphore(%arg15 : memref<!tpu.dma_semaphore, #tpu.memory_space<semaphore_mem>>)
      %dma_wait3A_397 = arith.constant 0 : i32
      %dma_wait3A_398 = arith.constant 0 : i32
      %dma_wait3A_399 = tpu.memref_slice %arg5[%dma_wait3A_397, %dma_wait3A_398] : memref<64x100xi32, #tpu.memory_space<vmem>> -> memref<1x100xi32, #tpu.memory_space<vmem>>
      %dma_wait3A_400 = tpu.memref_squeeze %dma_wait3A_399 : memref<1x100xi32, #tpu.memory_space<vmem>> -> memref<100xi32, #tpu.memory_space<vmem>>
      %dma_wait3A_401 = arith.constant 0 : i32
      %dma_wait3A_402 = arith.constant 0 : i32
      %dma_wait3A_403 = tpu.memref_slice %arg3[%dma_wait3A_401, %dma_wait3A_402] : memref<100000x128xf32, #tpu.memory_space<hbm>> -> memref<100000x128xf32, #tpu.memory_space<hbm>>
      tpu.wait_indirect_dma semaphore(%arg12 : memref<!tpu.dma_semaphore, #tpu.memory_space<semaphore_mem>>) src(%dma_wait3A_403 : memref<100000x128xf32, #tpu.memory_space<hbm>>) dst(%arg8 : memref<100x128xf32, #tpu.memory_space<vmem>>)
      %add3A_404 = arith.constant 2 : i32
      %add3A_405 = arith.addi %mul3A_312, %add3A_404 : i32
      %mul3A_406 = arith.constant 2 : i32
      %mul3A_407 = arith.muli %add3A_405, %mul3A_406 : i32
      %add3A_408 = arith.addi %mul3A_2, %mul3A_407 : i32
      %dma_start3A_409 = arith.constant 0 : i32
      %dma_start3A_410 = arith.constant 0 : i32
      %dma_start3A_411 = tpu.memref_slice %arg8[%dma_start3A_409, %dma_start3A_410] : memref<100x128xf32, #tpu.memory_space<vmem>> -> memref<50x128xf32, #tpu.memory_space<vmem>>
      %dma_start3A_412 = arith.constant 0 : i32
      %dma_start3A_413 = arith.constant 0 : i32
      %dma_start3A_414 = tpu.memref_slice %arg4[%add3A_408, %dma_start3A_412, %dma_start3A_413] : memref<4096x50x128xf32, #tpu.memory_space<hbm>> -> memref<1x50x128xf32, #tpu.memory_space<hbm>>
      %dma_start3A_415 = tpu.memref_squeeze %dma_start3A_414 : memref<1x50x128xf32, #tpu.memory_space<hbm>> -> memref<50x128xf32, #tpu.memory_space<hbm>>
      %dma_start3A_416 = arith.constant 0 : i32
      %dma_start3A_417 = arith.constant 0 : i32
      %dma_start3A_418 = tpu.memref_slice %arg4[%add3A_408, %dma_start3A_416, %dma_start3A_417] : memref<4096x50x128xf32, #tpu.memory_space<hbm>> -> memref<1x50x128xf32, #tpu.memory_space<hbm>>
      %dma_start3A_419 = tpu.memref_squeeze %dma_start3A_418 : memref<1x50x128xf32, #tpu.memory_space<hbm>> -> memref<50x128xf32, #tpu.memory_space<hbm>>
      %dma_start3A_420 = arith.constant 0 : i32
      %dma_start3A_421 = arith.constant 0 : i32
      %dma_start3A_422 = tpu.memref_slice %arg8[%dma_start3A_420, %dma_start3A_421] : memref<100x128xf32, #tpu.memory_space<vmem>> -> memref<50x128xf32, #tpu.memory_space<vmem>>
      tpu.enqueue_dma source(%dma_start3A_422 : memref<50x128xf32, #tpu.memory_space<vmem>>) target(%dma_start3A_419 : memref<50x128xf32, #tpu.memory_space<hbm>>) target_semaphore(%arg16 : memref<!tpu.dma_semaphore, #tpu.memory_space<semaphore_mem>>)
      %add3A_423 = arith.constant 1 : i32
      %add3A_424 = arith.addi %add3A_408, %add3A_423 : i32
      %dma_start3A_425 = arith.constant 50 : i32
      %dma_start3A_426 = arith.constant 0 : i32
      %dma_start3A_427 = tpu.memref_slice %arg8[%dma_start3A_425, %dma_start3A_426] : memref<100x128xf32, #tpu.memory_space<vmem>> -> memref<50x128xf32, #tpu.memory_space<vmem>>
      %dma_start3A_428 = arith.constant 0 : i32
      %dma_start3A_429 = arith.constant 0 : i32
      %dma_start3A_430 = tpu.memref_slice %arg4[%add3A_424, %dma_start3A_428, %dma_start3A_429] : memref<4096x50x128xf32, #tpu.memory_space<hbm>> -> memref<1x50x128xf32, #tpu.memory_space<hbm>>
      %dma_start3A_431 = tpu.memref_squeeze %dma_start3A_430 : memref<1x50x128xf32, #tpu.memory_space<hbm>> -> memref<50x128xf32, #tpu.memory_space<hbm>>
      %dma_start3A_432 = arith.constant 0 : i32
      %dma_start3A_433 = arith.constant 0 : i32
      %dma_start3A_434 = tpu.memref_slice %arg4[%add3A_424, %dma_start3A_432, %dma_start3A_433] : memref<4096x50x128xf32, #tpu.memory_space<hbm>> -> memref<1x50x128xf32, #tpu.memory_space<hbm>>
      %dma_start3A_435 = tpu.memref_squeeze %dma_start3A_434 : memref<1x50x128xf32, #tpu.memory_space<hbm>> -> memref<50x128xf32, #tpu.memory_space<hbm>>
      %dma_start3A_436 = arith.constant 50 : i32
      %dma_start3A_437 = arith.constant 0 : i32
      %dma_start3A_438 = tpu.memref_slice %arg8[%dma_start3A_436, %dma_start3A_437] : memref<100x128xf32, #tpu.memory_space<vmem>> -> memref<50x128xf32, #tpu.memory_space<vmem>>
      tpu.enqueue_dma source(%dma_start3A_438 : memref<50x128xf32, #tpu.memory_space<vmem>>) target(%dma_start3A_435 : memref<50x128xf32, #tpu.memory_space<hbm>>) target_semaphore(%arg16 : memref<!tpu.dma_semaphore, #tpu.memory_space<semaphore_mem>>)
      %dma_wait3A_439 = arith.constant 0 : i32
      %dma_wait3A_440 = arith.constant 0 : i32
      %dma_wait3A_441 = tpu.memref_slice %arg5[%dma_wait3A_439, %dma_wait3A_440] : memref<64x100xi32, #tpu.memory_space<vmem>> -> memref<1x100xi32, #tpu.memory_space<vmem>>
      %dma_wait3A_442 = tpu.memref_squeeze %dma_wait3A_441 : memref<1x100xi32, #tpu.memory_space<vmem>> -> memref<100xi32, #tpu.memory_space<vmem>>
      %dma_wait3A_443 = arith.constant 0 : i32
      %dma_wait3A_444 = arith.constant 0 : i32
      %dma_wait3A_445 = tpu.memref_slice %arg3[%dma_wait3A_443, %dma_wait3A_444] : memref<100000x128xf32, #tpu.memory_space<hbm>> -> memref<100000x128xf32, #tpu.memory_space<hbm>>
      tpu.wait_indirect_dma semaphore(%arg13 : memref<!tpu.dma_semaphore, #tpu.memory_space<semaphore_mem>>) src(%dma_wait3A_445 : memref<100000x128xf32, #tpu.memory_space<hbm>>) dst(%arg9 : memref<100x128xf32, #tpu.memory_space<vmem>>)
      %add3A_446 = arith.constant 3 : i32
      %add3A_447 = arith.addi %mul3A_312, %add3A_446 : i32
      %mul3A_448 = arith.constant 2 : i32
      %mul3A_449 = arith.muli %add3A_447, %mul3A_448 : i32
      %add3A_450 = arith.addi %mul3A_2, %mul3A_449 : i32
      %dma_start3A_451 = arith.constant 0 : i32
      %dma_start3A_452 = arith.constant 0 : i32
      %dma_start3A_453 = tpu.memref_slice %arg9[%dma_start3A_451, %dma_start3A_452] : memref<100x128xf32, #tpu.memory_space<vmem>> -> memref<50x128xf32, #tpu.memory_space<vmem>>
      %dma_start3A_454 = arith.constant 0 : i32
      %dma_start3A_455 = arith.constant 0 : i32
      %dma_start3A_456 = tpu.memref_slice %arg4[%add3A_450, %dma_start3A_454, %dma_start3A_455] : memref<4096x50x128xf32, #tpu.memory_space<hbm>> -> memref<1x50x128xf32, #tpu.memory_space<hbm>>
      %dma_start3A_457 = tpu.memref_squeeze %dma_start3A_456 : memref<1x50x128xf32, #tpu.memory_space<hbm>> -> memref<50x128xf32, #tpu.memory_space<hbm>>
      %dma_start3A_458 = arith.constant 0 : i32
      %dma_start3A_459 = arith.constant 0 : i32
      %dma_start3A_460 = tpu.memref_slice %arg4[%add3A_450, %dma_start3A_458, %dma_start3A_459] : memref<4096x50x128xf32, #tpu.memory_space<hbm>> -> memref<1x50x128xf32, #tpu.memory_space<hbm>>
      %dma_start3A_461 = tpu.memref_squeeze %dma_start3A_460 : memref<1x50x128xf32, #tpu.memory_space<hbm>> -> memref<50x128xf32, #tpu.memory_space<hbm>>
      %dma_start3A_462 = arith.constant 0 : i32
      %dma_start3A_463 = arith.constant 0 : i32
      %dma_start3A_464 = tpu.memref_slice %arg9[%dma_start3A_462, %dma_start3A_463] : memref<100x128xf32, #tpu.memory_space<vmem>> -> memref<50x128xf32, #tpu.memory_space<vmem>>
      tpu.enqueue_dma source(%dma_start3A_464 : memref<50x128xf32, #tpu.memory_space<vmem>>) target(%dma_start3A_461 : memref<50x128xf32, #tpu.memory_space<hbm>>) target_semaphore(%arg17 : memref<!tpu.dma_semaphore, #tpu.memory_space<semaphore_mem>>)
      %add3A_465 = arith.constant 1 : i32
      %add3A_466 = arith.addi %add3A_450, %add3A_465 : i32
      %dma_start3A_467 = arith.constant 50 : i32
      %dma_start3A_468 = arith.constant 0 : i32
      %dma_start3A_469 = tpu.memref_slice %arg9[%dma_start3A_467, %dma_start3A_468] : memref<100x128xf32, #tpu.memory_space<vmem>> -> memref<50x128xf32, #tpu.memory_space<vmem>>
      %dma_start3A_470 = arith.constant 0 : i32
      %dma_start3A_471 = arith.constant 0 : i32
      %dma_start3A_472 = tpu.memref_slice %arg4[%add3A_466, %dma_start3A_470, %dma_start3A_471] : memref<4096x50x128xf32, #tpu.memory_space<hbm>> -> memref<1x50x128xf32, #tpu.memory_space<hbm>>
      %dma_start3A_473 = tpu.memref_squeeze %dma_start3A_472 : memref<1x50x128xf32, #tpu.memory_space<hbm>> -> memref<50x128xf32, #tpu.memory_space<hbm>>
      %dma_start3A_474 = arith.constant 0 : i32
      %dma_start3A_475 = arith.constant 0 : i32
      %dma_start3A_476 = tpu.memref_slice %arg4[%add3A_466, %dma_start3A_474, %dma_start3A_475] : memref<4096x50x128xf32, #tpu.memory_space<hbm>> -> memref<1x50x128xf32, #tpu.memory_space<hbm>>
      %dma_start3A_477 = tpu.memref_squeeze %dma_start3A_476 : memref<1x50x128xf32, #tpu.memory_space<hbm>> -> memref<50x128xf32, #tpu.memory_space<hbm>>
      %dma_start3A_478 = arith.constant 50 : i32
      %dma_start3A_479 = arith.constant 0 : i32
      %dma_start3A_480 = tpu.memref_slice %arg9[%dma_start3A_478, %dma_start3A_479] : memref<100x128xf32, #tpu.memory_space<vmem>> -> memref<50x128xf32, #tpu.memory_space<vmem>>
      tpu.enqueue_dma source(%dma_start3A_480 : memref<50x128xf32, #tpu.memory_space<vmem>>) target(%dma_start3A_477 : memref<50x128xf32, #tpu.memory_space<hbm>>) target_semaphore(%arg17 : memref<!tpu.dma_semaphore, #tpu.memory_space<semaphore_mem>>)
      %dma_wait3A_481 = arith.constant 0 : i32
      %dma_wait3A_482 = arith.constant 0 : i32
      %dma_wait3A_483 = arith.constant 0 : i32
      %dma_wait3A_484 = tpu.memref_slice %arg6[%dma_wait3A_482, %dma_wait3A_483] : memref<100x128xf32, #tpu.memory_space<vmem>> -> memref<50x128xf32, #tpu.memory_space<vmem>>
      %dma_wait3A_485 = arith.constant 0 : i32
      %dma_wait3A_486 = arith.constant 0 : i32
      %dma_wait3A_487 = tpu.memref_slice %arg4[%dma_wait3A_481, %dma_wait3A_485, %dma_wait3A_486] : memref<4096x50x128xf32, #tpu.memory_space<hbm>> -> memref<1x50x128xf32, #tpu.memory_space<hbm>>
      %dma_wait3A_488 = tpu.memref_squeeze %dma_wait3A_487 : memref<1x50x128xf32, #tpu.memory_space<hbm>> -> memref<50x128xf32, #tpu.memory_space<hbm>>
      %dma_wait3A_489 = arith.constant 0 : i32
      %dma_wait3A_490 = arith.constant 0 : i32
      %dma_wait3A_491 = tpu.memref_slice %arg4[%dma_wait3A_481, %dma_wait3A_489, %dma_wait3A_490] : memref<4096x50x128xf32, #tpu.memory_space<hbm>> -> memref<1x50x128xf32, #tpu.memory_space<hbm>>
      %dma_wait3A_492 = tpu.memref_squeeze %dma_wait3A_491 : memref<1x50x128xf32, #tpu.memory_space<hbm>> -> memref<50x128xf32, #tpu.memory_space<hbm>>
      %dma_wait3A_493 = arith.constant 0 : i32
      %dma_wait3A_494 = arith.constant 0 : i32
      %dma_wait3A_495 = tpu.memref_slice %arg6[%dma_wait3A_493, %dma_wait3A_494] : memref<100x128xf32, #tpu.memory_space<vmem>> -> memref<50x128xf32, #tpu.memory_space<vmem>>
      tpu.wait_dma2 semaphore(%arg14 : memref<!tpu.dma_semaphore, #tpu.memory_space<semaphore_mem>>) src(%dma_wait3A_495 : memref<50x128xf32, #tpu.memory_space<vmem>>) dst(%dma_wait3A_492 : memref<50x128xf32, #tpu.memory_space<hbm>>)
      %dma_wait3A_496 = arith.constant 0 : i32
      %dma_wait3A_497 = arith.constant 0 : i32
      %dma_wait3A_498 = arith.constant 0 : i32
      %dma_wait3A_499 = tpu.memref_slice %arg6[%dma_wait3A_497, %dma_wait3A_498] : memref<100x128xf32, #tpu.memory_space<vmem>> -> memref<50x128xf32, #tpu.memory_space<vmem>>
      %dma_wait3A_500 = arith.constant 0 : i32
      %dma_wait3A_501 = arith.constant 0 : i32
      %dma_wait3A_502 = tpu.memref_slice %arg4[%dma_wait3A_496, %dma_wait3A_500, %dma_wait3A_501] : memref<4096x50x128xf32, #tpu.memory_space<hbm>> -> memref<1x50x128xf32, #tpu.memory_space<hbm>>
      %dma_wait3A_503 = tpu.memref_squeeze %dma_wait3A_502 : memref<1x50x128xf32, #tpu.memory_space<hbm>> -> memref<50x128xf32, #tpu.memory_space<hbm>>
      %dma_wait3A_504 = arith.constant 0 : i32
      %dma_wait3A_505 = arith.constant 0 : i32
      %dma_wait3A_506 = tpu.memref_slice %arg4[%dma_wait3A_496, %dma_wait3A_504, %dma_wait3A_505] : memref<4096x50x128xf32, #tpu.memory_space<hbm>> -> memref<1x50x128xf32, #tpu.memory_space<hbm>>
      %dma_wait3A_507 = tpu.memref_squeeze %dma_wait3A_506 : memref<1x50x128xf32, #tpu.memory_space<hbm>> -> memref<50x128xf32, #tpu.memory_space<hbm>>
      %dma_wait3A_508 = arith.constant 0 : i32
      %dma_wait3A_509 = arith.constant 0 : i32
      %dma_wait3A_510 = tpu.memref_slice %arg6[%dma_wait3A_508, %dma_wait3A_509] : memref<100x128xf32, #tpu.memory_space<vmem>> -> memref<50x128xf32, #tpu.memory_space<vmem>>
      tpu.wait_dma2 semaphore(%arg14 : memref<!tpu.dma_semaphore, #tpu.memory_space<semaphore_mem>>) src(%dma_wait3A_510 : memref<50x128xf32, #tpu.memory_space<vmem>>) dst(%dma_wait3A_507 : memref<50x128xf32, #tpu.memory_space<hbm>>)
      %add3A_511 = arith.constant 4 : i32
      %add3A_512 = arith.addi %mul3A_312, %add3A_511 : i32
      %add3A_513 = arith.constant 0 : i32
      %add3A_514 = arith.addi %add3A_512, %add3A_513 : i32
      %dma_start3A_515 = arith.constant 0 : i32
      %dma_start3A_516 = tpu.memref_slice %arg5[%add3A_514, %dma_start3A_515] : memref<64x100xi32, #tpu.memory_space<vmem>> -> memref<1x100xi32, #tpu.memory_space<vmem>>
      %dma_start3A_517 = tpu.memref_squeeze %dma_start3A_516 : memref<1x100xi32, #tpu.memory_space<vmem>> -> memref<100xi32, #tpu.memory_space<vmem>>
      %dma_start3A_518 = arith.constant 0 : i32
      %dma_start3A_519 = arith.constant 0 : i32
      %dma_start3A_520 = tpu.memref_slice %arg3[%dma_start3A_518, %dma_start3A_519] : memref<100000x128xf32, #tpu.memory_space<hbm>> -> memref<100000x128xf32, #tpu.memory_space<hbm>>
      tpu.enqueue_indirect_dma source(%dma_start3A_520 : memref<100000x128xf32, #tpu.memory_space<hbm>>) target(%arg6 : memref<100x128xf32, #tpu.memory_space<vmem>>) offsets(%dma_start3A_517 : memref<100xi32, #tpu.memory_space<vmem>>) semaphore(%arg10 : memref<!tpu.dma_semaphore, #tpu.memory_space<semaphore_mem>>)
      %dma_wait3A_521 = arith.constant 0 : i32
      %dma_wait3A_522 = arith.constant 0 : i32
      %dma_wait3A_523 = arith.constant 0 : i32
      %dma_wait3A_524 = tpu.memref_slice %arg7[%dma_wait3A_522, %dma_wait3A_523] : memref<100x128xf32, #tpu.memory_space<vmem>> -> memref<50x128xf32, #tpu.memory_space<vmem>>
      %dma_wait3A_525 = arith.constant 0 : i32
      %dma_wait3A_526 = arith.constant 0 : i32
      %dma_wait3A_527 = tpu.memref_slice %arg4[%dma_wait3A_521, %dma_wait3A_525, %dma_wait3A_526] : memref<4096x50x128xf32, #tpu.memory_space<hbm>> -> memref<1x50x128xf32, #tpu.memory_space<hbm>>
      %dma_wait3A_528 = tpu.memref_squeeze %dma_wait3A_527 : memref<1x50x128xf32, #tpu.memory_space<hbm>> -> memref<50x128xf32, #tpu.memory_space<hbm>>
      %dma_wait3A_529 = arith.constant 0 : i32
      %dma_wait3A_530 = arith.constant 0 : i32
      %dma_wait3A_531 = tpu.memref_slice %arg4[%dma_wait3A_521, %dma_wait3A_529, %dma_wait3A_530] : memref<4096x50x128xf32, #tpu.memory_space<hbm>> -> memref<1x50x128xf32, #tpu.memory_space<hbm>>
      %dma_wait3A_532 = tpu.memref_squeeze %dma_wait3A_531 : memref<1x50x128xf32, #tpu.memory_space<hbm>> -> memref<50x128xf32, #tpu.memory_space<hbm>>
      %dma_wait3A_533 = arith.constant 0 : i32
      %dma_wait3A_534 = arith.constant 0 : i32
      %dma_wait3A_535 = tpu.memref_slice %arg7[%dma_wait3A_533, %dma_wait3A_534] : memref<100x128xf32, #tpu.memory_space<vmem>> -> memref<50x128xf32, #tpu.memory_space<vmem>>
      tpu.wait_dma2 semaphore(%arg15 : memref<!tpu.dma_semaphore, #tpu.memory_space<semaphore_mem>>) src(%dma_wait3A_535 : memref<50x128xf32, #tpu.memory_space<vmem>>) dst(%dma_wait3A_532 : memref<50x128xf32, #tpu.memory_space<hbm>>)
      %dma_wait3A_536 = arith.constant 0 : i32
      %dma_wait3A_537 = arith.constant 0 : i32
      %dma_wait3A_538 = arith.constant 0 : i32
      %dma_wait3A_539 = tpu.memref_slice %arg7[%dma_wait3A_537, %dma_wait3A_538] : memref<100x128xf32, #tpu.memory_space<vmem>> -> memref<50x128xf32, #tpu.memory_space<vmem>>
      %dma_wait3A_540 = arith.constant 0 : i32
      %dma_wait3A_541 = arith.constant 0 : i32
      %dma_wait3A_542 = tpu.memref_slice %arg4[%dma_wait3A_536, %dma_wait3A_540, %dma_wait3A_541] : memref<4096x50x128xf32, #tpu.memory_space<hbm>> -> memref<1x50x128xf32, #tpu.memory_space<hbm>>
      %dma_wait3A_543 = tpu.memref_squeeze %dma_wait3A_542 : memref<1x50x128xf32, #tpu.memory_space<hbm>> -> memref<50x128xf32, #tpu.memory_space<hbm>>
      %dma_wait3A_544 = arith.constant 0 : i32
      %dma_wait3A_545 = arith.constant 0 : i32
      %dma_wait3A_546 = tpu.memref_slice %arg4[%dma_wait3A_536, %dma_wait3A_544, %dma_wait3A_545] : memref<4096x50x128xf32, #tpu.memory_space<hbm>> -> memref<1x50x128xf32, #tpu.memory_space<hbm>>
      %dma_wait3A_547 = tpu.memref_squeeze %dma_wait3A_546 : memref<1x50x128xf32, #tpu.memory_space<hbm>> -> memref<50x128xf32, #tpu.memory_space<hbm>>
      %dma_wait3A_548 = arith.constant 0 : i32
      %dma_wait3A_549 = arith.constant 0 : i32
      %dma_wait3A_550 = tpu.memref_slice %arg7[%dma_wait3A_548, %dma_wait3A_549] : memref<100x128xf32, #tpu.memory_space<vmem>> -> memref<50x128xf32, #tpu.memory_space<vmem>>
      tpu.wait_dma2 semaphore(%arg15 : memref<!tpu.dma_semaphore, #tpu.memory_space<semaphore_mem>>) src(%dma_wait3A_550 : memref<50x128xf32, #tpu.memory_space<vmem>>) dst(%dma_wait3A_547 : memref<50x128xf32, #tpu.memory_space<hbm>>)
      %add3A_551 = arith.constant 4 : i32
      %add3A_552 = arith.addi %mul3A_312, %add3A_551 : i32
      %add3A_553 = arith.constant 1 : i32
      %add3A_554 = arith.addi %add3A_552, %add3A_553 : i32
      %dma_start3A_555 = arith.constant 0 : i32
      %dma_start3A_556 = tpu.memref_slice %arg5[%add3A_554, %dma_start3A_555] : memref<64x100xi32, #tpu.memory_space<vmem>> -> memref<1x100xi32, #tpu.memory_space<vmem>>
      %dma_start3A_557 = tpu.memref_squeeze %dma_start3A_556 : memref<1x100xi32, #tpu.memory_space<vmem>> -> memref<100xi32, #tpu.memory_space<vmem>>
      %dma_start3A_558 = arith.constant 0 : i32
      %dma_start3A_559 = arith.constant 0 : i32
      %dma_start3A_560 = tpu.memref_slice %arg3[%dma_start3A_558, %dma_start3A_559] : memref<100000x128xf32, #tpu.memory_space<hbm>> -> memref<100000x128xf32, #tpu.memory_space<hbm>>
      tpu.enqueue_indirect_dma source(%dma_start3A_560 : memref<100000x128xf32, #tpu.memory_space<hbm>>) target(%arg7 : memref<100x128xf32, #tpu.memory_space<vmem>>) offsets(%dma_start3A_557 : memref<100xi32, #tpu.memory_space<vmem>>) semaphore(%arg11 : memref<!tpu.dma_semaphore, #tpu.memory_space<semaphore_mem>>)
      %dma_wait3A_561 = arith.constant 0 : i32
      %dma_wait3A_562 = arith.constant 0 : i32
      %dma_wait3A_563 = arith.constant 0 : i32
      %dma_wait3A_564 = tpu.memref_slice %arg8[%dma_wait3A_562, %dma_wait3A_563] : memref<100x128xf32, #tpu.memory_space<vmem>> -> memref<50x128xf32, #tpu.memory_space<vmem>>
      %dma_wait3A_565 = arith.constant 0 : i32
      %dma_wait3A_566 = arith.constant 0 : i32
      %dma_wait3A_567 = tpu.memref_slice %arg4[%dma_wait3A_561, %dma_wait3A_565, %dma_wait3A_566] : memref<4096x50x128xf32, #tpu.memory_space<hbm>> -> memref<1x50x128xf32, #tpu.memory_space<hbm>>
      %dma_wait3A_568 = tpu.memref_squeeze %dma_wait3A_567 : memref<1x50x128xf32, #tpu.memory_space<hbm>> -> memref<50x128xf32, #tpu.memory_space<hbm>>
      %dma_wait3A_569 = arith.constant 0 : i32
      %dma_wait3A_570 = arith.constant 0 : i32
      %dma_wait3A_571 = tpu.memref_slice %arg4[%dma_wait3A_561, %dma_wait3A_569, %dma_wait3A_570] : memref<4096x50x128xf32, #tpu.memory_space<hbm>> -> memref<1x50x128xf32, #tpu.memory_space<hbm>>
      %dma_wait3A_572 = tpu.memref_squeeze %dma_wait3A_571 : memref<1x50x128xf32, #tpu.memory_space<hbm>> -> memref<50x128xf32, #tpu.memory_space<hbm>>
      %dma_wait3A_573 = arith.constant 0 : i32
      %dma_wait3A_574 = arith.constant 0 : i32
      %dma_wait3A_575 = tpu.memref_slice %arg8[%dma_wait3A_573, %dma_wait3A_574] : memref<100x128xf32, #tpu.memory_space<vmem>> -> memref<50x128xf32, #tpu.memory_space<vmem>>
      tpu.wait_dma2 semaphore(%arg16 : memref<!tpu.dma_semaphore, #tpu.memory_space<semaphore_mem>>) src(%dma_wait3A_575 : memref<50x128xf32, #tpu.memory_space<vmem>>) dst(%dma_wait3A_572 : memref<50x128xf32, #tpu.memory_space<hbm>>)
      %dma_wait3A_576 = arith.constant 0 : i32
      %dma_wait3A_577 = arith.constant 0 : i32
      %dma_wait3A_578 = arith.constant 0 : i32
      %dma_wait3A_579 = tpu.memref_slice %arg8[%dma_wait3A_577, %dma_wait3A_578] : memref<100x128xf32, #tpu.memory_space<vmem>> -> memref<50x128xf32, #tpu.memory_space<vmem>>
      %dma_wait3A_580 = arith.constant 0 : i32
      %dma_wait3A_581 = arith.constant 0 : i32
      %dma_wait3A_582 = tpu.memref_slice %arg4[%dma_wait3A_576, %dma_wait3A_580, %dma_wait3A_581] : memref<4096x50x128xf32, #tpu.memory_space<hbm>> -> memref<1x50x128xf32, #tpu.memory_space<hbm>>
      %dma_wait3A_583 = tpu.memref_squeeze %dma_wait3A_582 : memref<1x50x128xf32, #tpu.memory_space<hbm>> -> memref<50x128xf32, #tpu.memory_space<hbm>>
      %dma_wait3A_584 = arith.constant 0 : i32
      %dma_wait3A_585 = arith.constant 0 : i32
      %dma_wait3A_586 = tpu.memref_slice %arg4[%dma_wait3A_576, %dma_wait3A_584, %dma_wait3A_585] : memref<4096x50x128xf32, #tpu.memory_space<hbm>> -> memref<1x50x128xf32, #tpu.memory_space<hbm>>
      %dma_wait3A_587 = tpu.memref_squeeze %dma_wait3A_586 : memref<1x50x128xf32, #tpu.memory_space<hbm>> -> memref<50x128xf32, #tpu.memory_space<hbm>>
      %dma_wait3A_588 = arith.constant 0 : i32
      %dma_wait3A_589 = arith.constant 0 : i32
      %dma_wait3A_590 = tpu.memref_slice %arg8[%dma_wait3A_588, %dma_wait3A_589] : memref<100x128xf32, #tpu.memory_space<vmem>> -> memref<50x128xf32, #tpu.memory_space<vmem>>
      tpu.wait_dma2 semaphore(%arg16 : memref<!tpu.dma_semaphore, #tpu.memory_space<semaphore_mem>>) src(%dma_wait3A_590 : memref<50x128xf32, #tpu.memory_space<vmem>>) dst(%dma_wait3A_587 : memref<50x128xf32, #tpu.memory_space<hbm>>)
      %add3A_591 = arith.constant 4 : i32
      %add3A_592 = arith.addi %mul3A_312, %add3A_591 : i32
      %add3A_593 = arith.constant 2 : i32
      %add3A_594 = arith.addi %add3A_592, %add3A_593 : i32
      %dma_start3A_595 = arith.constant 0 : i32
      %dma_start3A_596 = tpu.memref_slice %arg5[%add3A_594, %dma_start3A_595] : memref<64x100xi32, #tpu.memory_space<vmem>> -> memref<1x100xi32, #tpu.memory_space<vmem>>
      %dma_start3A_597 = tpu.memref_squeeze %dma_start3A_596 : memref<1x100xi32, #tpu.memory_space<vmem>> -> memref<100xi32, #tpu.memory_space<vmem>>
      %dma_start3A_598 = arith.constant 0 : i32
      %dma_start3A_599 = arith.constant 0 : i32
      %dma_start3A_600 = tpu.memref_slice %arg3[%dma_start3A_598, %dma_start3A_599] : memref<100000x128xf32, #tpu.memory_space<hbm>> -> memref<100000x128xf32, #tpu.memory_space<hbm>>
      tpu.enqueue_indirect_dma source(%dma_start3A_600 : memref<100000x128xf32, #tpu.memory_space<hbm>>) target(%arg8 : memref<100x128xf32, #tpu.memory_space<vmem>>) offsets(%dma_start3A_597 : memref<100xi32, #tpu.memory_space<vmem>>) semaphore(%arg12 : memref<!tpu.dma_semaphore, #tpu.memory_space<semaphore_mem>>)
      %dma_wait3A_601 = arith.constant 0 : i32
      %dma_wait3A_602 = arith.constant 0 : i32
      %dma_wait3A_603 = arith.constant 0 : i32
      %dma_wait3A_604 = tpu.memref_slice %arg9[%dma_wait3A_602, %dma_wait3A_603] : memref<100x128xf32, #tpu.memory_space<vmem>> -> memref<50x128xf32, #tpu.memory_space<vmem>>
      %dma_wait3A_605 = arith.constant 0 : i32
      %dma_wait3A_606 = arith.constant 0 : i32
      %dma_wait3A_607 = tpu.memref_slice %arg4[%dma_wait3A_601, %dma_wait3A_605, %dma_wait3A_606] : memref<4096x50x128xf32, #tpu.memory_space<hbm>> -> memref<1x50x128xf32, #tpu.memory_space<hbm>>
      %dma_wait3A_608 = tpu.memref_squeeze %dma_wait3A_607 : memref<1x50x128xf32, #tpu.memory_space<hbm>> -> memref<50x128xf32, #tpu.memory_space<hbm>>
      %dma_wait3A_609 = arith.constant 0 : i32
      %dma_wait3A_610 = arith.constant 0 : i32
      %dma_wait3A_611 = tpu.memref_slice %arg4[%dma_wait3A_601, %dma_wait3A_609, %dma_wait3A_610] : memref<4096x50x128xf32, #tpu.memory_space<hbm>> -> memref<1x50x128xf32, #tpu.memory_space<hbm>>
      %dma_wait3A_612 = tpu.memref_squeeze %dma_wait3A_611 : memref<1x50x128xf32, #tpu.memory_space<hbm>> -> memref<50x128xf32, #tpu.memory_space<hbm>>
      %dma_wait3A_613 = arith.constant 0 : i32
      %dma_wait3A_614 = arith.constant 0 : i32
      %dma_wait3A_615 = tpu.memref_slice %arg9[%dma_wait3A_613, %dma_wait3A_614] : memref<100x128xf32, #tpu.memory_space<vmem>> -> memref<50x128xf32, #tpu.memory_space<vmem>>
      tpu.wait_dma2 semaphore(%arg17 : memref<!tpu.dma_semaphore, #tpu.memory_space<semaphore_mem>>) src(%dma_wait3A_615 : memref<50x128xf32, #tpu.memory_space<vmem>>) dst(%dma_wait3A_612 : memref<50x128xf32, #tpu.memory_space<hbm>>)
      %dma_wait3A_616 = arith.constant 0 : i32
      %dma_wait3A_617 = arith.constant 0 : i32
      %dma_wait3A_618 = arith.constant 0 : i32
      %dma_wait3A_619 = tpu.memref_slice %arg9[%dma_wait3A_617, %dma_wait3A_618] : memref<100x128xf32, #tpu.memory_space<vmem>> -> memref<50x128xf32, #tpu.memory_space<vmem>>
      %dma_wait3A_620 = arith.constant 0 : i32
      %dma_wait3A_621 = arith.constant 0 : i32
      %dma_wait3A_622 = tpu.memref_slice %arg4[%dma_wait3A_616, %dma_wait3A_620, %dma_wait3A_621] : memref<4096x50x128xf32, #tpu.memory_space<hbm>> -> memref<1x50x128xf32, #tpu.memory_space<hbm>>
      %dma_wait3A_623 = tpu.memref_squeeze %dma_wait3A_622 : memref<1x50x128xf32, #tpu.memory_space<hbm>> -> memref<50x128xf32, #tpu.memory_space<hbm>>
      %dma_wait3A_624 = arith.constant 0 : i32
      %dma_wait3A_625 = arith.constant 0 : i32
      %dma_wait3A_626 = tpu.memref_slice %arg4[%dma_wait3A_616, %dma_wait3A_624, %dma_wait3A_625] : memref<4096x50x128xf32, #tpu.memory_space<hbm>> -> memref<1x50x128xf32, #tpu.memory_space<hbm>>
      %dma_wait3A_627 = tpu.memref_squeeze %dma_wait3A_626 : memref<1x50x128xf32, #tpu.memory_space<hbm>> -> memref<50x128xf32, #tpu.memory_space<hbm>>
      %dma_wait3A_628 = arith.constant 0 : i32
      %dma_wait3A_629 = arith.constant 0 : i32
      %dma_wait3A_630 = tpu.memref_slice %arg9[%dma_wait3A_628, %dma_wait3A_629] : memref<100x128xf32, #tpu.memory_space<vmem>> -> memref<50x128xf32, #tpu.memory_space<vmem>>
      tpu.wait_dma2 semaphore(%arg17 : memref<!tpu.dma_semaphore, #tpu.memory_space<semaphore_mem>>) src(%dma_wait3A_630 : memref<50x128xf32, #tpu.memory_space<vmem>>) dst(%dma_wait3A_627 : memref<50x128xf32, #tpu.memory_space<hbm>>)
      %add3A_631 = arith.constant 4 : i32
      %add3A_632 = arith.addi %mul3A_312, %add3A_631 : i32
      %add3A_633 = arith.constant 3 : i32
      %add3A_634 = arith.addi %add3A_632, %add3A_633 : i32
      %dma_start3A_635 = arith.constant 0 : i32
      %dma_start3A_636 = tpu.memref_slice %arg5[%add3A_634, %dma_start3A_635] : memref<64x100xi32, #tpu.memory_space<vmem>> -> memref<1x100xi32, #tpu.memory_space<vmem>>
      %dma_start3A_637 = tpu.memref_squeeze %dma_start3A_636 : memref<1x100xi32, #tpu.memory_space<vmem>> -> memref<100xi32, #tpu.memory_space<vmem>>
      %dma_start3A_638 = arith.constant 0 : i32
      %dma_start3A_639 = arith.constant 0 : i32
      %dma_start3A_640 = tpu.memref_slice %arg3[%dma_start3A_638, %dma_start3A_639] : memref<100000x128xf32, #tpu.memory_space<hbm>> -> memref<100000x128xf32, #tpu.memory_space<hbm>>
      tpu.enqueue_indirect_dma source(%dma_start3A_640 : memref<100000x128xf32, #tpu.memory_space<hbm>>) target(%arg9 : memref<100x128xf32, #tpu.memory_space<vmem>>) offsets(%dma_start3A_637 : memref<100xi32, #tpu.memory_space<vmem>>) semaphore(%arg13 : memref<!tpu.dma_semaphore, #tpu.memory_space<semaphore_mem>>)
    }
    %scan3A_34 = arith.constant 15 : i32
    %dma_wait3A = arith.constant 0 : i32
    %dma_wait3A_35 = arith.constant 0 : i32
    %dma_wait3A_36 = tpu.memref_slice %arg5[%dma_wait3A, %dma_wait3A_35] : memref<64x100xi32, #tpu.memory_space<vmem>> -> memref<1x100xi32, #tpu.memory_space<vmem>>
    %dma_wait3A_37 = tpu.memref_squeeze %dma_wait3A_36 : memref<1x100xi32, #tpu.memory_space<vmem>> -> memref<100xi32, #tpu.memory_space<vmem>>
    %dma_wait3A_38 = arith.constant 0 : i32
    %dma_wait3A_39 = arith.constant 0 : i32
    %dma_wait3A_40 = tpu.memref_slice %arg3[%dma_wait3A_38, %dma_wait3A_39] : memref<100000x128xf32, #tpu.memory_space<hbm>> -> memref<100000x128xf32, #tpu.memory_space<hbm>>
    tpu.wait_indirect_dma semaphore(%arg10 : memref<!tpu.dma_semaphore, #tpu.memory_space<semaphore_mem>>) src(%dma_wait3A_40 : memref<100000x128xf32, #tpu.memory_space<hbm>>) dst(%arg6 : memref<100x128xf32, #tpu.memory_space<vmem>>)
    %add3A_41 = arith.constant 120 : i32
    %add3A_42 = arith.addi %mul3A_2, %add3A_41 : i32
    %dma_start3A_43 = arith.constant 0 : i32
    %dma_start3A_44 = arith.constant 0 : i32
    %dma_start3A_45 = tpu.memref_slice %arg6[%dma_start3A_43, %dma_start3A_44] : memref<100x128xf32, #tpu.memory_space<vmem>> -> memref<50x128xf32, #tpu.memory_space<vmem>>
    %dma_start3A_46 = arith.constant 0 : i32
    %dma_start3A_47 = arith.constant 0 : i32
    %dma_start3A_48 = tpu.memref_slice %arg4[%add3A_42, %dma_start3A_46, %dma_start3A_47] : memref<4096x50x128xf32, #tpu.memory_space<hbm>> -> memref<1x50x128xf32, #tpu.memory_space<hbm>>
    %dma_start3A_49 = tpu.memref_squeeze %dma_start3A_48 : memref<1x50x128xf32, #tpu.memory_space<hbm>> -> memref<50x128xf32, #tpu.memory_space<hbm>>
    %dma_start3A_50 = arith.constant 0 : i32
    %dma_start3A_51 = arith.constant 0 : i32
    %dma_start3A_52 = tpu.memref_slice %arg4[%add3A_42, %dma_start3A_50, %dma_start3A_51] : memref<4096x50x128xf32, #tpu.memory_space<hbm>> -> memref<1x50x128xf32, #tpu.memory_space<hbm>>
    %dma_start3A_53 = tpu.memref_squeeze %dma_start3A_52 : memref<1x50x128xf32, #tpu.memory_space<hbm>> -> memref<50x128xf32, #tpu.memory_space<hbm>>
    %dma_start3A_54 = arith.constant 0 : i32
    %dma_start3A_55 = arith.constant 0 : i32
    %dma_start3A_56 = tpu.memref_slice %arg6[%dma_start3A_54, %dma_start3A_55] : memref<100x128xf32, #tpu.memory_space<vmem>> -> memref<50x128xf32, #tpu.memory_space<vmem>>
    tpu.enqueue_dma source(%dma_start3A_56 : memref<50x128xf32, #tpu.memory_space<vmem>>) target(%dma_start3A_53 : memref<50x128xf32, #tpu.memory_space<hbm>>) target_semaphore(%arg14 : memref<!tpu.dma_semaphore, #tpu.memory_space<semaphore_mem>>)
    %add3A_57 = arith.constant 1 : i32
    %add3A_58 = arith.addi %add3A_42, %add3A_57 : i32
    %dma_start3A_59 = arith.constant 50 : i32
    %dma_start3A_60 = arith.constant 0 : i32
    %dma_start3A_61 = tpu.memref_slice %arg6[%dma_start3A_59, %dma_start3A_60] : memref<100x128xf32, #tpu.memory_space<vmem>> -> memref<50x128xf32, #tpu.memory_space<vmem>>
    %dma_start3A_62 = arith.constant 0 : i32
    %dma_start3A_63 = arith.constant 0 : i32
    %dma_start3A_64 = tpu.memref_slice %arg4[%add3A_58, %dma_start3A_62, %dma_start3A_63] : memref<4096x50x128xf32, #tpu.memory_space<hbm>> -> memref<1x50x128xf32, #tpu.memory_space<hbm>>
    %dma_start3A_65 = tpu.memref_squeeze %dma_start3A_64 : memref<1x50x128xf32, #tpu.memory_space<hbm>> -> memref<50x128xf32, #tpu.memory_space<hbm>>
    %dma_start3A_66 = arith.constant 0 : i32
    %dma_start3A_67 = arith.constant 0 : i32
    %dma_start3A_68 = tpu.memref_slice %arg4[%add3A_58, %dma_start3A_66, %dma_start3A_67] : memref<4096x50x128xf32, #tpu.memory_space<hbm>> -> memref<1x50x128xf32, #tpu.memory_space<hbm>>
    %dma_start3A_69 = tpu.memref_squeeze %dma_start3A_68 : memref<1x50x128xf32, #tpu.memory_space<hbm>> -> memref<50x128xf32, #tpu.memory_space<hbm>>
    %dma_start3A_70 = arith.constant 50 : i32
    %dma_start3A_71 = arith.constant 0 : i32
    %dma_start3A_72 = tpu.memref_slice %arg6[%dma_start3A_70, %dma_start3A_71] : memref<100x128xf32, #tpu.memory_space<vmem>> -> memref<50x128xf32, #tpu.memory_space<vmem>>
    tpu.enqueue_dma source(%dma_start3A_72 : memref<50x128xf32, #tpu.memory_space<vmem>>) target(%dma_start3A_69 : memref<50x128xf32, #tpu.memory_space<hbm>>) target_semaphore(%arg14 : memref<!tpu.dma_semaphore, #tpu.memory_space<semaphore_mem>>)
    %dma_wait3A_73 = arith.constant 0 : i32
    %dma_wait3A_74 = arith.constant 0 : i32
    %dma_wait3A_75 = tpu.memref_slice %arg5[%dma_wait3A_73, %dma_wait3A_74] : memref<64x100xi32, #tpu.memory_space<vmem>> -> memref<1x100xi32, #tpu.memory_space<vmem>>
    %dma_wait3A_76 = tpu.memref_squeeze %dma_wait3A_75 : memref<1x100xi32, #tpu.memory_space<vmem>> -> memref<100xi32, #tpu.memory_space<vmem>>
    %dma_wait3A_77 = arith.constant 0 : i32
    %dma_wait3A_78 = arith.constant 0 : i32
    %dma_wait3A_79 = tpu.memref_slice %arg3[%dma_wait3A_77, %dma_wait3A_78] : memref<100000x128xf32, #tpu.memory_space<hbm>> -> memref<100000x128xf32, #tpu.memory_space<hbm>>
    tpu.wait_indirect_dma semaphore(%arg11 : memref<!tpu.dma_semaphore, #tpu.memory_space<semaphore_mem>>) src(%dma_wait3A_79 : memref<100000x128xf32, #tpu.memory_space<hbm>>) dst(%arg7 : memref<100x128xf32, #tpu.memory_space<vmem>>)
    %add3A_80 = arith.constant 122 : i32
    %add3A_81 = arith.addi %mul3A_2, %add3A_80 : i32
    %dma_start3A_82 = arith.constant 0 : i32
    %dma_start3A_83 = arith.constant 0 : i32
    %dma_start3A_84 = tpu.memref_slice %arg7[%dma_start3A_82, %dma_start3A_83] : memref<100x128xf32, #tpu.memory_space<vmem>> -> memref<50x128xf32, #tpu.memory_space<vmem>>
    %dma_start3A_85 = arith.constant 0 : i32
    %dma_start3A_86 = arith.constant 0 : i32
    %dma_start3A_87 = tpu.memref_slice %arg4[%add3A_81, %dma_start3A_85, %dma_start3A_86] : memref<4096x50x128xf32, #tpu.memory_space<hbm>> -> memref<1x50x128xf32, #tpu.memory_space<hbm>>
    %dma_start3A_88 = tpu.memref_squeeze %dma_start3A_87 : memref<1x50x128xf32, #tpu.memory_space<hbm>> -> memref<50x128xf32, #tpu.memory_space<hbm>>
    %dma_start3A_89 = arith.constant 0 : i32
    %dma_start3A_90 = arith.constant 0 : i32
    %dma_start3A_91 = tpu.memref_slice %arg4[%add3A_81, %dma_start3A_89, %dma_start3A_90] : memref<4096x50x128xf32, #tpu.memory_space<hbm>> -> memref<1x50x128xf32, #tpu.memory_space<hbm>>
    %dma_start3A_92 = tpu.memref_squeeze %dma_start3A_91 : memref<1x50x128xf32, #tpu.memory_space<hbm>> -> memref<50x128xf32, #tpu.memory_space<hbm>>
    %dma_start3A_93 = arith.constant 0 : i32
    %dma_start3A_94 = arith.constant 0 : i32
    %dma_start3A_95 = tpu.memref_slice %arg7[%dma_start3A_93, %dma_start3A_94] : memref<100x128xf32, #tpu.memory_space<vmem>> -> memref<50x128xf32, #tpu.memory_space<vmem>>
    tpu.enqueue_dma source(%dma_start3A_95 : memref<50x128xf32, #tpu.memory_space<vmem>>) target(%dma_start3A_92 : memref<50x128xf32, #tpu.memory_space<hbm>>) target_semaphore(%arg15 : memref<!tpu.dma_semaphore, #tpu.memory_space<semaphore_mem>>)
    %add3A_96 = arith.constant 1 : i32
    %add3A_97 = arith.addi %add3A_81, %add3A_96 : i32
    %dma_start3A_98 = arith.constant 50 : i32
    %dma_start3A_99 = arith.constant 0 : i32
    %dma_start3A_100 = tpu.memref_slice %arg7[%dma_start3A_98, %dma_start3A_99] : memref<100x128xf32, #tpu.memory_space<vmem>> -> memref<50x128xf32, #tpu.memory_space<vmem>>
    %dma_start3A_101 = arith.constant 0 : i32
    %dma_start3A_102 = arith.constant 0 : i32
    %dma_start3A_103 = tpu.memref_slice %arg4[%add3A_97, %dma_start3A_101, %dma_start3A_102] : memref<4096x50x128xf32, #tpu.memory_space<hbm>> -> memref<1x50x128xf32, #tpu.memory_space<hbm>>
    %dma_start3A_104 = tpu.memref_squeeze %dma_start3A_103 : memref<1x50x128xf32, #tpu.memory_space<hbm>> -> memref<50x128xf32, #tpu.memory_space<hbm>>
    %dma_start3A_105 = arith.constant 0 : i32
    %dma_start3A_106 = arith.constant 0 : i32
    %dma_start3A_107 = tpu.memref_slice %arg4[%add3A_97, %dma_start3A_105, %dma_start3A_106] : memref<4096x50x128xf32, #tpu.memory_space<hbm>> -> memref<1x50x128xf32, #tpu.memory_space<hbm>>
    %dma_start3A_108 = tpu.memref_squeeze %dma_start3A_107 : memref<1x50x128xf32, #tpu.memory_space<hbm>> -> memref<50x128xf32, #tpu.memory_space<hbm>>
    %dma_start3A_109 = arith.constant 50 : i32
    %dma_start3A_110 = arith.constant 0 : i32
    %dma_start3A_111 = tpu.memref_slice %arg7[%dma_start3A_109, %dma_start3A_110] : memref<100x128xf32, #tpu.memory_space<vmem>> -> memref<50x128xf32, #tpu.memory_space<vmem>>
    tpu.enqueue_dma source(%dma_start3A_111 : memref<50x128xf32, #tpu.memory_space<vmem>>) target(%dma_start3A_108 : memref<50x128xf32, #tpu.memory_space<hbm>>) target_semaphore(%arg15 : memref<!tpu.dma_semaphore, #tpu.memory_space<semaphore_mem>>)
    %dma_wait3A_112 = arith.constant 0 : i32
    %dma_wait3A_113 = arith.constant 0 : i32
    %dma_wait3A_114 = tpu.memref_slice %arg5[%dma_wait3A_112, %dma_wait3A_113] : memref<64x100xi32, #tpu.memory_space<vmem>> -> memref<1x100xi32, #tpu.memory_space<vmem>>
    %dma_wait3A_115 = tpu.memref_squeeze %dma_wait3A_114 : memref<1x100xi32, #tpu.memory_space<vmem>> -> memref<100xi32, #tpu.memory_space<vmem>>
    %dma_wait3A_116 = arith.constant 0 : i32
    %dma_wait3A_117 = arith.constant 0 : i32
    %dma_wait3A_118 = tpu.memref_slice %arg3[%dma_wait3A_116, %dma_wait3A_117] : memref<100000x128xf32, #tpu.memory_space<hbm>> -> memref<100000x128xf32, #tpu.memory_space<hbm>>
    tpu.wait_indirect_dma semaphore(%arg12 : memref<!tpu.dma_semaphore, #tpu.memory_space<semaphore_mem>>) src(%dma_wait3A_118 : memref<100000x128xf32, #tpu.memory_space<hbm>>) dst(%arg8 : memref<100x128xf32, #tpu.memory_space<vmem>>)
    %add3A_119 = arith.constant 124 : i32
    %add3A_120 = arith.addi %mul3A_2, %add3A_119 : i32
    %dma_start3A_121 = arith.constant 0 : i32
    %dma_start3A_122 = arith.constant 0 : i32
    %dma_start3A_123 = tpu.memref_slice %arg8[%dma_start3A_121, %dma_start3A_122] : memref<100x128xf32, #tpu.memory_space<vmem>> -> memref<50x128xf32, #tpu.memory_space<vmem>>
    %dma_start3A_124 = arith.constant 0 : i32
    %dma_start3A_125 = arith.constant 0 : i32
    %dma_start3A_126 = tpu.memref_slice %arg4[%add3A_120, %dma_start3A_124, %dma_start3A_125] : memref<4096x50x128xf32, #tpu.memory_space<hbm>> -> memref<1x50x128xf32, #tpu.memory_space<hbm>>
    %dma_start3A_127 = tpu.memref_squeeze %dma_start3A_126 : memref<1x50x128xf32, #tpu.memory_space<hbm>> -> memref<50x128xf32, #tpu.memory_space<hbm>>
    %dma_start3A_128 = arith.constant 0 : i32
    %dma_start3A_129 = arith.constant 0 : i32
    %dma_start3A_130 = tpu.memref_slice %arg4[%add3A_120, %dma_start3A_128, %dma_start3A_129] : memref<4096x50x128xf32, #tpu.memory_space<hbm>> -> memref<1x50x128xf32, #tpu.memory_space<hbm>>
    %dma_start3A_131 = tpu.memref_squeeze %dma_start3A_130 : memref<1x50x128xf32, #tpu.memory_space<hbm>> -> memref<50x128xf32, #tpu.memory_space<hbm>>
    %dma_start3A_132 = arith.constant 0 : i32
    %dma_start3A_133 = arith.constant 0 : i32
    %dma_start3A_134 = tpu.memref_slice %arg8[%dma_start3A_132, %dma_start3A_133] : memref<100x128xf32, #tpu.memory_space<vmem>> -> memref<50x128xf32, #tpu.memory_space<vmem>>
    tpu.enqueue_dma source(%dma_start3A_134 : memref<50x128xf32, #tpu.memory_space<vmem>>) target(%dma_start3A_131 : memref<50x128xf32, #tpu.memory_space<hbm>>) target_semaphore(%arg16 : memref<!tpu.dma_semaphore, #tpu.memory_space<semaphore_mem>>)
    %add3A_135 = arith.constant 1 : i32
    %add3A_136 = arith.addi %add3A_120, %add3A_135 : i32
    %dma_start3A_137 = arith.constant 50 : i32
    %dma_start3A_138 = arith.constant 0 : i32
    %dma_start3A_139 = tpu.memref_slice %arg8[%dma_start3A_137, %dma_start3A_138] : memref<100x128xf32, #tpu.memory_space<vmem>> -> memref<50x128xf32, #tpu.memory_space<vmem>>
    %dma_start3A_140 = arith.constant 0 : i32
    %dma_start3A_141 = arith.constant 0 : i32
    %dma_start3A_142 = tpu.memref_slice %arg4[%add3A_136, %dma_start3A_140, %dma_start3A_141] : memref<4096x50x128xf32, #tpu.memory_space<hbm>> -> memref<1x50x128xf32, #tpu.memory_space<hbm>>
    %dma_start3A_143 = tpu.memref_squeeze %dma_start3A_142 : memref<1x50x128xf32, #tpu.memory_space<hbm>> -> memref<50x128xf32, #tpu.memory_space<hbm>>
    %dma_start3A_144 = arith.constant 0 : i32
    %dma_start3A_145 = arith.constant 0 : i32
    %dma_start3A_146 = tpu.memref_slice %arg4[%add3A_136, %dma_start3A_144, %dma_start3A_145] : memref<4096x50x128xf32, #tpu.memory_space<hbm>> -> memref<1x50x128xf32, #tpu.memory_space<hbm>>
    %dma_start3A_147 = tpu.memref_squeeze %dma_start3A_146 : memref<1x50x128xf32, #tpu.memory_space<hbm>> -> memref<50x128xf32, #tpu.memory_space<hbm>>
    %dma_start3A_148 = arith.constant 50 : i32
    %dma_start3A_149 = arith.constant 0 : i32
    %dma_start3A_150 = tpu.memref_slice %arg8[%dma_start3A_148, %dma_start3A_149] : memref<100x128xf32, #tpu.memory_space<vmem>> -> memref<50x128xf32, #tpu.memory_space<vmem>>
    tpu.enqueue_dma source(%dma_start3A_150 : memref<50x128xf32, #tpu.memory_space<vmem>>) target(%dma_start3A_147 : memref<50x128xf32, #tpu.memory_space<hbm>>) target_semaphore(%arg16 : memref<!tpu.dma_semaphore, #tpu.memory_space<semaphore_mem>>)
    %dma_wait3A_151 = arith.constant 0 : i32
    %dma_wait3A_152 = arith.constant 0 : i32
    %dma_wait3A_153 = tpu.memref_slice %arg5[%dma_wait3A_151, %dma_wait3A_152] : memref<64x100xi32, #tpu.memory_space<vmem>> -> memref<1x100xi32, #tpu.memory_space<vmem>>
    %dma_wait3A_154 = tpu.memref_squeeze %dma_wait3A_153 : memref<1x100xi32, #tpu.memory_space<vmem>> -> memref<100xi32, #tpu.memory_space<vmem>>
    %dma_wait3A_155 = arith.constant 0 : i32
    %dma_wait3A_156 = arith.constant 0 : i32
    %dma_wait3A_157 = tpu.memref_slice %arg3[%dma_wait3A_155, %dma_wait3A_156] : memref<100000x128xf32, #tpu.memory_space<hbm>> -> memref<100000x128xf32, #tpu.memory_space<hbm>>
    tpu.wait_indirect_dma semaphore(%arg13 : memref<!tpu.dma_semaphore, #tpu.memory_space<semaphore_mem>>) src(%dma_wait3A_157 : memref<100000x128xf32, #tpu.memory_space<hbm>>) dst(%arg9 : memref<100x128xf32, #tpu.memory_space<vmem>>)
    %add3A_158 = arith.constant 126 : i32
    %add3A_159 = arith.addi %mul3A_2, %add3A_158 : i32
    %dma_start3A_160 = arith.constant 0 : i32
    %dma_start3A_161 = arith.constant 0 : i32
    %dma_start3A_162 = tpu.memref_slice %arg9[%dma_start3A_160, %dma_start3A_161] : memref<100x128xf32, #tpu.memory_space<vmem>> -> memref<50x128xf32, #tpu.memory_space<vmem>>
    %dma_start3A_163 = arith.constant 0 : i32
    %dma_start3A_164 = arith.constant 0 : i32
    %dma_start3A_165 = tpu.memref_slice %arg4[%add3A_159, %dma_start3A_163, %dma_start3A_164] : memref<4096x50x128xf32, #tpu.memory_space<hbm>> -> memref<1x50x128xf32, #tpu.memory_space<hbm>>
    %dma_start3A_166 = tpu.memref_squeeze %dma_start3A_165 : memref<1x50x128xf32, #tpu.memory_space<hbm>> -> memref<50x128xf32, #tpu.memory_space<hbm>>
    %dma_start3A_167 = arith.constant 0 : i32
    %dma_start3A_168 = arith.constant 0 : i32
    %dma_start3A_169 = tpu.memref_slice %arg4[%add3A_159, %dma_start3A_167, %dma_start3A_168] : memref<4096x50x128xf32, #tpu.memory_space<hbm>> -> memref<1x50x128xf32, #tpu.memory_space<hbm>>
    %dma_start3A_170 = tpu.memref_squeeze %dma_start3A_169 : memref<1x50x128xf32, #tpu.memory_space<hbm>> -> memref<50x128xf32, #tpu.memory_space<hbm>>
    %dma_start3A_171 = arith.constant 0 : i32
    %dma_start3A_172 = arith.constant 0 : i32
    %dma_start3A_173 = tpu.memref_slice %arg9[%dma_start3A_171, %dma_start3A_172] : memref<100x128xf32, #tpu.memory_space<vmem>> -> memref<50x128xf32, #tpu.memory_space<vmem>>
    tpu.enqueue_dma source(%dma_start3A_173 : memref<50x128xf32, #tpu.memory_space<vmem>>) target(%dma_start3A_170 : memref<50x128xf32, #tpu.memory_space<hbm>>) target_semaphore(%arg17 : memref<!tpu.dma_semaphore, #tpu.memory_space<semaphore_mem>>)
    %add3A_174 = arith.constant 1 : i32
    %add3A_175 = arith.addi %add3A_159, %add3A_174 : i32
    %dma_start3A_176 = arith.constant 50 : i32
    %dma_start3A_177 = arith.constant 0 : i32
    %dma_start3A_178 = tpu.memref_slice %arg9[%dma_start3A_176, %dma_start3A_177] : memref<100x128xf32, #tpu.memory_space<vmem>> -> memref<50x128xf32, #tpu.memory_space<vmem>>
    %dma_start3A_179 = arith.constant 0 : i32
    %dma_start3A_180 = arith.constant 0 : i32
    %dma_start3A_181 = tpu.memref_slice %arg4[%add3A_175, %dma_start3A_179, %dma_start3A_180] : memref<4096x50x128xf32, #tpu.memory_space<hbm>> -> memref<1x50x128xf32, #tpu.memory_space<hbm>>
    %dma_start3A_182 = tpu.memref_squeeze %dma_start3A_181 : memref<1x50x128xf32, #tpu.memory_space<hbm>> -> memref<50x128xf32, #tpu.memory_space<hbm>>
    %dma_start3A_183 = arith.constant 0 : i32
    %dma_start3A_184 = arith.constant 0 : i32
    %dma_start3A_185 = tpu.memref_slice %arg4[%add3A_175, %dma_start3A_183, %dma_start3A_184] : memref<4096x50x128xf32, #tpu.memory_space<hbm>> -> memref<1x50x128xf32, #tpu.memory_space<hbm>>
    %dma_start3A_186 = tpu.memref_squeeze %dma_start3A_185 : memref<1x50x128xf32, #tpu.memory_space<hbm>> -> memref<50x128xf32, #tpu.memory_space<hbm>>
    %dma_start3A_187 = arith.constant 50 : i32
    %dma_start3A_188 = arith.constant 0 : i32
    %dma_start3A_189 = tpu.memref_slice %arg9[%dma_start3A_187, %dma_start3A_188] : memref<100x128xf32, #tpu.memory_space<vmem>> -> memref<50x128xf32, #tpu.memory_space<vmem>>
    tpu.enqueue_dma source(%dma_start3A_189 : memref<50x128xf32, #tpu.memory_space<vmem>>) target(%dma_start3A_186 : memref<50x128xf32, #tpu.memory_space<hbm>>) target_semaphore(%arg17 : memref<!tpu.dma_semaphore, #tpu.memory_space<semaphore_mem>>)
    %dma_wait3A_190 = arith.constant 0 : i32
    %dma_wait3A_191 = arith.constant 0 : i32
    %dma_wait3A_192 = arith.constant 0 : i32
    %dma_wait3A_193 = tpu.memref_slice %arg6[%dma_wait3A_191, %dma_wait3A_192] : memref<100x128xf32, #tpu.memory_space<vmem>> -> memref<50x128xf32, #tpu.memory_space<vmem>>
    %dma_wait3A_194 = arith.constant 0 : i32
    %dma_wait3A_195 = arith.constant 0 : i32
    %dma_wait3A_196 = tpu.memref_slice %arg4[%dma_wait3A_190, %dma_wait3A_194, %dma_wait3A_195] : memref<4096x50x128xf32, #tpu.memory_space<hbm>> -> memref<1x50x128xf32, #tpu.memory_space<hbm>>
    %dma_wait3A_197 = tpu.memref_squeeze %dma_wait3A_196 : memref<1x50x128xf32, #tpu.memory_space<hbm>> -> memref<50x128xf32, #tpu.memory_space<hbm>>
    %dma_wait3A_198 = arith.constant 0 : i32
    %dma_wait3A_199 = arith.constant 0 : i32
    %dma_wait3A_200 = tpu.memref_slice %arg4[%dma_wait3A_190, %dma_wait3A_198, %dma_wait3A_199] : memref<4096x50x128xf32, #tpu.memory_space<hbm>> -> memref<1x50x128xf32, #tpu.memory_space<hbm>>
    %dma_wait3A_201 = tpu.memref_squeeze %dma_wait3A_200 : memref<1x50x128xf32, #tpu.memory_space<hbm>> -> memref<50x128xf32, #tpu.memory_space<hbm>>
    %dma_wait3A_202 = arith.constant 0 : i32
    %dma_wait3A_203 = arith.constant 0 : i32
    %dma_wait3A_204 = tpu.memref_slice %arg6[%dma_wait3A_202, %dma_wait3A_203] : memref<100x128xf32, #tpu.memory_space<vmem>> -> memref<50x128xf32, #tpu.memory_space<vmem>>
    tpu.wait_dma2 semaphore(%arg14 : memref<!tpu.dma_semaphore, #tpu.memory_space<semaphore_mem>>) src(%dma_wait3A_204 : memref<50x128xf32, #tpu.memory_space<vmem>>) dst(%dma_wait3A_201 : memref<50x128xf32, #tpu.memory_space<hbm>>)
    %dma_wait3A_205 = arith.constant 0 : i32
    %dma_wait3A_206 = arith.constant 0 : i32
    %dma_wait3A_207 = arith.constant 0 : i32
    %dma_wait3A_208 = tpu.memref_slice %arg6[%dma_wait3A_206, %dma_wait3A_207] : memref<100x128xf32, #tpu.memory_space<vmem>> -> memref<50x128xf32, #tpu.memory_space<vmem>>
    %dma_wait3A_209 = arith.constant 0 : i32
    %dma_wait3A_210 = arith.constant 0 : i32
    %dma_wait3A_211 = tpu.memref_slice %arg4[%dma_wait3A_205, %dma_wait3A_209, %dma_wait3A_210] : memref<4096x50x128xf32, #tpu.memory_space<hbm>> -> memref<1x50x128xf32, #tpu.memory_space<hbm>>
    %dma_wait3A_212 = tpu.memref_squeeze %dma_wait3A_211 : memref<1x50x128xf32, #tpu.memory_space<hbm>> -> memref<50x128xf32, #tpu.memory_space<hbm>>
    %dma_wait3A_213 = arith.constant 0 : i32
    %dma_wait3A_214 = arith.constant 0 : i32
    %dma_wait3A_215 = tpu.memref_slice %arg4[%dma_wait3A_205, %dma_wait3A_213, %dma_wait3A_214] : memref<4096x50x128xf32, #tpu.memory_space<hbm>> -> memref<1x50x128xf32, #tpu.memory_space<hbm>>
    %dma_wait3A_216 = tpu.memref_squeeze %dma_wait3A_215 : memref<1x50x128xf32, #tpu.memory_space<hbm>> -> memref<50x128xf32, #tpu.memory_space<hbm>>
    %dma_wait3A_217 = arith.constant 0 : i32
    %dma_wait3A_218 = arith.constant 0 : i32
    %dma_wait3A_219 = tpu.memref_slice %arg6[%dma_wait3A_217, %dma_wait3A_218] : memref<100x128xf32, #tpu.memory_space<vmem>> -> memref<50x128xf32, #tpu.memory_space<vmem>>
    tpu.wait_dma2 semaphore(%arg14 : memref<!tpu.dma_semaphore, #tpu.memory_space<semaphore_mem>>) src(%dma_wait3A_219 : memref<50x128xf32, #tpu.memory_space<vmem>>) dst(%dma_wait3A_216 : memref<50x128xf32, #tpu.memory_space<hbm>>)
    %dma_wait3A_220 = arith.constant 0 : i32
    %dma_wait3A_221 = arith.constant 0 : i32
    %dma_wait3A_222 = arith.constant 0 : i32
    %dma_wait3A_223 = tpu.memref_slice %arg7[%dma_wait3A_221, %dma_wait3A_222] : memref<100x128xf32, #tpu.memory_space<vmem>> -> memref<50x128xf32, #tpu.memory_space<vmem>>
    %dma_wait3A_224 = arith.constant 0 : i32
    %dma_wait3A_225 = arith.constant 0 : i32
    %dma_wait3A_226 = tpu.memref_slice %arg4[%dma_wait3A_220, %dma_wait3A_224, %dma_wait3A_225] : memref<4096x50x128xf32, #tpu.memory_space<hbm>> -> memref<1x50x128xf32, #tpu.memory_space<hbm>>
    %dma_wait3A_227 = tpu.memref_squeeze %dma_wait3A_226 : memref<1x50x128xf32, #tpu.memory_space<hbm>> -> memref<50x128xf32, #tpu.memory_space<hbm>>
    %dma_wait3A_228 = arith.constant 0 : i32
    %dma_wait3A_229 = arith.constant 0 : i32
    %dma_wait3A_230 = tpu.memref_slice %arg4[%dma_wait3A_220, %dma_wait3A_228, %dma_wait3A_229] : memref<4096x50x128xf32, #tpu.memory_space<hbm>> -> memref<1x50x128xf32, #tpu.memory_space<hbm>>
    %dma_wait3A_231 = tpu.memref_squeeze %dma_wait3A_230 : memref<1x50x128xf32, #tpu.memory_space<hbm>> -> memref<50x128xf32, #tpu.memory_space<hbm>>
    %dma_wait3A_232 = arith.constant 0 : i32
    %dma_wait3A_233 = arith.constant 0 : i32
    %dma_wait3A_234 = tpu.memref_slice %arg7[%dma_wait3A_232, %dma_wait3A_233] : memref<100x128xf32, #tpu.memory_space<vmem>> -> memref<50x128xf32, #tpu.memory_space<vmem>>
    tpu.wait_dma2 semaphore(%arg15 : memref<!tpu.dma_semaphore, #tpu.memory_space<semaphore_mem>>) src(%dma_wait3A_234 : memref<50x128xf32, #tpu.memory_space<vmem>>) dst(%dma_wait3A_231 : memref<50x128xf32, #tpu.memory_space<hbm>>)
    %dma_wait3A_235 = arith.constant 0 : i32
    %dma_wait3A_236 = arith.constant 0 : i32
    %dma_wait3A_237 = arith.constant 0 : i32
    %dma_wait3A_238 = tpu.memref_slice %arg7[%dma_wait3A_236, %dma_wait3A_237] : memref<100x128xf32, #tpu.memory_space<vmem>> -> memref<50x128xf32, #tpu.memory_space<vmem>>
    %dma_wait3A_239 = arith.constant 0 : i32
    %dma_wait3A_240 = arith.constant 0 : i32
    %dma_wait3A_241 = tpu.memref_slice %arg4[%dma_wait3A_235, %dma_wait3A_239, %dma_wait3A_240] : memref<4096x50x128xf32, #tpu.memory_space<hbm>> -> memref<1x50x128xf32, #tpu.memory_space<hbm>>
    %dma_wait3A_242 = tpu.memref_squeeze %dma_wait3A_241 : memref<1x50x128xf32, #tpu.memory_space<hbm>> -> memref<50x128xf32, #tpu.memory_space<hbm>>
    %dma_wait3A_243 = arith.constant 0 : i32
    %dma_wait3A_244 = arith.constant 0 : i32
    %dma_wait3A_245 = tpu.memref_slice %arg4[%dma_wait3A_235, %dma_wait3A_243, %dma_wait3A_244] : memref<4096x50x128xf32, #tpu.memory_space<hbm>> -> memref<1x50x128xf32, #tpu.memory_space<hbm>>
    %dma_wait3A_246 = tpu.memref_squeeze %dma_wait3A_245 : memref<1x50x128xf32, #tpu.memory_space<hbm>> -> memref<50x128xf32, #tpu.memory_space<hbm>>
    %dma_wait3A_247 = arith.constant 0 : i32
    %dma_wait3A_248 = arith.constant 0 : i32
    %dma_wait3A_249 = tpu.memref_slice %arg7[%dma_wait3A_247, %dma_wait3A_248] : memref<100x128xf32, #tpu.memory_space<vmem>> -> memref<50x128xf32, #tpu.memory_space<vmem>>
    tpu.wait_dma2 semaphore(%arg15 : memref<!tpu.dma_semaphore, #tpu.memory_space<semaphore_mem>>) src(%dma_wait3A_249 : memref<50x128xf32, #tpu.memory_space<vmem>>) dst(%dma_wait3A_246 : memref<50x128xf32, #tpu.memory_space<hbm>>)
    %dma_wait3A_250 = arith.constant 0 : i32
    %dma_wait3A_251 = arith.constant 0 : i32
    %dma_wait3A_252 = arith.constant 0 : i32
    %dma_wait3A_253 = tpu.memref_slice %arg8[%dma_wait3A_251, %dma_wait3A_252] : memref<100x128xf32, #tpu.memory_space<vmem>> -> memref<50x128xf32, #tpu.memory_space<vmem>>
    %dma_wait3A_254 = arith.constant 0 : i32
    %dma_wait3A_255 = arith.constant 0 : i32
    %dma_wait3A_256 = tpu.memref_slice %arg4[%dma_wait3A_250, %dma_wait3A_254, %dma_wait3A_255] : memref<4096x50x128xf32, #tpu.memory_space<hbm>> -> memref<1x50x128xf32, #tpu.memory_space<hbm>>
    %dma_wait3A_257 = tpu.memref_squeeze %dma_wait3A_256 : memref<1x50x128xf32, #tpu.memory_space<hbm>> -> memref<50x128xf32, #tpu.memory_space<hbm>>
    %dma_wait3A_258 = arith.constant 0 : i32
    %dma_wait3A_259 = arith.constant 0 : i32
    %dma_wait3A_260 = tpu.memref_slice %arg4[%dma_wait3A_250, %dma_wait3A_258, %dma_wait3A_259] : memref<4096x50x128xf32, #tpu.memory_space<hbm>> -> memref<1x50x128xf32, #tpu.memory_space<hbm>>
    %dma_wait3A_261 = tpu.memref_squeeze %dma_wait3A_260 : memref<1x50x128xf32, #tpu.memory_space<hbm>> -> memref<50x128xf32, #tpu.memory_space<hbm>>
    %dma_wait3A_262 = arith.constant 0 : i32
    %dma_wait3A_263 = arith.constant 0 : i32
    %dma_wait3A_264 = tpu.memref_slice %arg8[%dma_wait3A_262, %dma_wait3A_263] : memref<100x128xf32, #tpu.memory_space<vmem>> -> memref<50x128xf32, #tpu.memory_space<vmem>>
    tpu.wait_dma2 semaphore(%arg16 : memref<!tpu.dma_semaphore, #tpu.memory_space<semaphore_mem>>) src(%dma_wait3A_264 : memref<50x128xf32, #tpu.memory_space<vmem>>) dst(%dma_wait3A_261 : memref<50x128xf32, #tpu.memory_space<hbm>>)
    %dma_wait3A_265 = arith.constant 0 : i32
    %dma_wait3A_266 = arith.constant 0 : i32
    %dma_wait3A_267 = arith.constant 0 : i32
    %dma_wait3A_268 = tpu.memref_slice %arg8[%dma_wait3A_266, %dma_wait3A_267] : memref<100x128xf32, #tpu.memory_space<vmem>> -> memref<50x128xf32, #tpu.memory_space<vmem>>
    %dma_wait3A_269 = arith.constant 0 : i32
    %dma_wait3A_270 = arith.constant 0 : i32
    %dma_wait3A_271 = tpu.memref_slice %arg4[%dma_wait3A_265, %dma_wait3A_269, %dma_wait3A_270] : memref<4096x50x128xf32, #tpu.memory_space<hbm>> -> memref<1x50x128xf32, #tpu.memory_space<hbm>>
    %dma_wait3A_272 = tpu.memref_squeeze %dma_wait3A_271 : memref<1x50x128xf32, #tpu.memory_space<hbm>> -> memref<50x128xf32, #tpu.memory_space<hbm>>
    %dma_wait3A_273 = arith.constant 0 : i32
    %dma_wait3A_274 = arith.constant 0 : i32
    %dma_wait3A_275 = tpu.memref_slice %arg4[%dma_wait3A_265, %dma_wait3A_273, %dma_wait3A_274] : memref<4096x50x128xf32, #tpu.memory_space<hbm>> -> memref<1x50x128xf32, #tpu.memory_space<hbm>>
    %dma_wait3A_276 = tpu.memref_squeeze %dma_wait3A_275 : memref<1x50x128xf32, #tpu.memory_space<hbm>> -> memref<50x128xf32, #tpu.memory_space<hbm>>
    %dma_wait3A_277 = arith.constant 0 : i32
    %dma_wait3A_278 = arith.constant 0 : i32
    %dma_wait3A_279 = tpu.memref_slice %arg8[%dma_wait3A_277, %dma_wait3A_278] : memref<100x128xf32, #tpu.memory_space<vmem>> -> memref<50x128xf32, #tpu.memory_space<vmem>>
    tpu.wait_dma2 semaphore(%arg16 : memref<!tpu.dma_semaphore, #tpu.memory_space<semaphore_mem>>) src(%dma_wait3A_279 : memref<50x128xf32, #tpu.memory_space<vmem>>) dst(%dma_wait3A_276 : memref<50x128xf32, #tpu.memory_space<hbm>>)
    %dma_wait3A_280 = arith.constant 0 : i32
    %dma_wait3A_281 = arith.constant 0 : i32
    %dma_wait3A_282 = arith.constant 0 : i32
    %dma_wait3A_283 = tpu.memref_slice %arg9[%dma_wait3A_281, %dma_wait3A_282] : memref<100x128xf32, #tpu.memory_space<vmem>> -> memref<50x128xf32, #tpu.memory_space<vmem>>
    %dma_wait3A_284 = arith.constant 0 : i32
    %dma_wait3A_285 = arith.constant 0 : i32
    %dma_wait3A_286 = tpu.memref_slice %arg4[%dma_wait3A_280, %dma_wait3A_284, %dma_wait3A_285] : memref<4096x50x128xf32, #tpu.memory_space<hbm>> -> memref<1x50x128xf32, #tpu.memory_space<hbm>>
    %dma_wait3A_287 = tpu.memref_squeeze %dma_wait3A_286 : memref<1x50x128xf32, #tpu.memory_space<hbm>> -> memref<50x128xf32, #tpu.memory_space<hbm>>
    %dma_wait3A_288 = arith.constant 0 : i32
    %dma_wait3A_289 = arith.constant 0 : i32
    %dma_wait3A_290 = tpu.memref_slice %arg4[%dma_wait3A_280, %dma_wait3A_288, %dma_wait3A_289] : memref<4096x50x128xf32, #tpu.memory_space<hbm>> -> memref<1x50x128xf32, #tpu.memory_space<hbm>>
    %dma_wait3A_291 = tpu.memref_squeeze %dma_wait3A_290 : memref<1x50x128xf32, #tpu.memory_space<hbm>> -> memref<50x128xf32, #tpu.memory_space<hbm>>
    %dma_wait3A_292 = arith.constant 0 : i32
    %dma_wait3A_293 = arith.constant 0 : i32
    %dma_wait3A_294 = tpu.memref_slice %arg9[%dma_wait3A_292, %dma_wait3A_293] : memref<100x128xf32, #tpu.memory_space<vmem>> -> memref<50x128xf32, #tpu.memory_space<vmem>>
    tpu.wait_dma2 semaphore(%arg17 : memref<!tpu.dma_semaphore, #tpu.memory_space<semaphore_mem>>) src(%dma_wait3A_294 : memref<50x128xf32, #tpu.memory_space<vmem>>) dst(%dma_wait3A_291 : memref<50x128xf32, #tpu.memory_space<hbm>>)
    %dma_wait3A_295 = arith.constant 0 : i32
    %dma_wait3A_296 = arith.constant 0 : i32
    %dma_wait3A_297 = arith.constant 0 : i32
    %dma_wait3A_298 = tpu.memref_slice %arg9[%dma_wait3A_296, %dma_wait3A_297] : memref<100x128xf32, #tpu.memory_space<vmem>> -> memref<50x128xf32, #tpu.memory_space<vmem>>
    %dma_wait3A_299 = arith.constant 0 : i32
    %dma_wait3A_300 = arith.constant 0 : i32
    %dma_wait3A_301 = tpu.memref_slice %arg4[%dma_wait3A_295, %dma_wait3A_299, %dma_wait3A_300] : memref<4096x50x128xf32, #tpu.memory_space<hbm>> -> memref<1x50x128xf32, #tpu.memory_space<hbm>>
    %dma_wait3A_302 = tpu.memref_squeeze %dma_wait3A_301 : memref<1x50x128xf32, #tpu.memory_space<hbm>> -> memref<50x128xf32, #tpu.memory_space<hbm>>
    %dma_wait3A_303 = arith.constant 0 : i32
    %dma_wait3A_304 = arith.constant 0 : i32
    %dma_wait3A_305 = tpu.memref_slice %arg4[%dma_wait3A_295, %dma_wait3A_303, %dma_wait3A_304] : memref<4096x50x128xf32, #tpu.memory_space<hbm>> -> memref<1x50x128xf32, #tpu.memory_space<hbm>>
    %dma_wait3A_306 = tpu.memref_squeeze %dma_wait3A_305 : memref<1x50x128xf32, #tpu.memory_space<hbm>> -> memref<50x128xf32, #tpu.memory_space<hbm>>
    %dma_wait3A_307 = arith.constant 0 : i32
    %dma_wait3A_308 = arith.constant 0 : i32
    %dma_wait3A_309 = tpu.memref_slice %arg9[%dma_wait3A_307, %dma_wait3A_308] : memref<100x128xf32, #tpu.memory_space<vmem>> -> memref<50x128xf32, #tpu.memory_space<vmem>>
    tpu.wait_dma2 semaphore(%arg17 : memref<!tpu.dma_semaphore, #tpu.memory_space<semaphore_mem>>) src(%dma_wait3A_309 : memref<50x128xf32, #tpu.memory_space<vmem>>) dst(%dma_wait3A_306 : memref<50x128xf32, #tpu.memory_space<hbm>>)
    return
  }
}

</mosaic_0001>

<sc_bundles>
// kernel: kernel.12.cloned.1.call-start
scs
__scs_entry_jumppad:
0x0: {  	(pc) =	sbr.rel $0x88, $3  }
0x1: {  	(tag) =	ssettag $0x0;
	lr =	simm.s32 $0x1  }
0x2: {  	[smem:$0x3F9F] =	sst lr;
	_ =	strace $0xD0000000  }
0x3: {  	_ = 	snop  }
0x4: {  	_ = 	snop  }
0x5: {  	_ = 	snop  }
0x6: {  	_ = 	snop  }
0x7: {  	_ = 	snop  }
__scs_overlays_trampoline_lowered:
0x8: {  	[smem:$0x3FAE] =	sst s0  }
0x9: {  	[smem:$0x3FAF] =	sst s1  }
0xa: {  	[smem:$0x3FB0] =	sst s2  }
0xb: {  	[smem:$0x3FB1] =	sst s3  }
0xc: {  	[smem:$0x3FB2] =	sst s4  }
0xd: {  	[smem:$0x3FB3] =	sst s5  }
0xe: {  	[smem:$0x3FB4] =	sst s6  }
0xf: {  	[smem:$0x3FB5] =	sst s7  }
0x10: {  	[smem:$0x3FB6] =	sst s8  }
0x11: {  	[smem:$0x3FB7] =	sst s9;
	s0 =	simm.s32 @!p0 $0x0  }
0x12: {  	s1 =	sld [smem:$0x3F9D];
	s0 =	simm.s32 @p0 $0x1  }
0x13: {  	[smem:$0x3FB8] =	sst s0;
	s0 =	simm.s32 @!p1 $0x0  }
0x14: {  	s2 =	sld [smem:$0x3F9C];
	s0 =	simm.s32 @p1 $0x1  }
0x15: {  	[smem:$0x3FB9] =	sst s0;
	s0 =	simm.s32 @!p2 $0x0  }
0x16: {  	s3 =	sld [smem:$0x3FDB];
	s0 =	simm.s32 @p2 $0x1  }
0x17: {  	s4 =	simm.s32 $0x1BF5;
	[smem:$0x3FBB] =	sst s0  }
0x18: {  	s0 =	sld [smem:$0x3F9E];
	_ =	swait.ge [sflag:s4], $0x0  }
0x19: {  	s7 =	sld [smem:$0x3F9F]  }
0x1a: {  	s8 =	sadd.s32 $0xFFFFE003, lr  }
0x1b: {  	s9 =	sadd.s32 $0xFFFFFEF7, lr;
	s5 =	simm.s32 $0xFFFFFFFF;
	p2 =	slt.u32 s8, $0xFFFFF086  }
0x1c: {  	p1 =	slt.u32 s9, $0xF7A;
	s5 =	simm.s32 @!p2 $0x0  }
0x1d: {  	s5 =	simm.s32 @p1 $0x1;
	p0 =	seq.s32 s7, s2  }
0x1e: {  	s7 =	smul.u32 @!p0 $0xF7A, s2;
	p2 =	seq.s32 @!p0 s5, $0x0  }
0x1f: {  	s9 =	smul.u32 $0xF7A, s1;
	s8 =	simm.s32 @!p0 $0x1BF5;
	p2 =	por !p2, p0  }
0x20: {  	[sflag:s8] =	ssyncset.s32 @!p0 $0xFFFFF086;
	s6 =	sadd.s32 @!p0 s3, s7;
	s7 =	simm.s32 @!p0 $0x108  }
0x21: {  	s3 =	sadd.s32 s3, s9;
	s6 =	sadd.s32 @!p0 $0x88, s6;
	s7 =	simm.s32 @p2 $0x1082  }
0x22: {  	[simem:s7], [sflag:s8] =	dma.local @!p0 [hbm:s6], $0xF7A  }
0x23: {  	s9 =	sor.u32 $0xD0000000, s2;
	s6 =	simm.s32 $0x108;
	_ =	swait.ge @!p0 [sflag:s8], $0x0  }
0x24: {  	s3 =	sadd.s32 $0x88, s3;
	s6 =	simm.s32 @!p1 $0x1082;
	[sflag:s4] =	ssyncset.s32 $0xFFFFF086  }
0x25: {  	[simem:s6], [sflag:s4] =	dma.local [hbm:s3], $0xF7A  }
0x26: {  	[smem:$0x3F9F] =	sst s1;
	(tag) =	ssettag s2;
	_ =	strace s9  }
0x27: {  	s1 =	sld [smem:$0x3FAF]  }
0x28: {  	s2 =	sld [smem:$0x3FB0]  }
0x29: {  	s4 =	sld [smem:$0x3FB2]  }
0x2a: {  	p0 =	seq.s32 s5, $0x0;
	s5 =	sld [smem:$0x3FB3]  }
0x2b: {  	s6 =	sld [smem:$0x3FB4]  }
0x2c: {  	s7 =	sld [smem:$0x3FB5]  }
0x2d: {  	s3 =	simm.s32 $0x108;
	s8 =	sld [smem:$0x3FB6]  }
0x2e: {  	s3 =	simm.s32 @!p0 $0x1082;
	s9 =	sld [smem:$0x3FB7]  }
0x2f: {  	lr =	sadd.s32 s0, s3;
	s0 =	sld [smem:$0x3FAE]  }
0x30: {  	s3 =	sld [smem:$0x3FB1]  }
0x31: {  	[smem:$0x3FBA] =	sst s10  }
0x32: {  	s10 =	sld [smem:$0x3FB8];
	_ =	sdelay $0x3  }
0x33: {  	p0 =	seq.s32 s10, $0x1;
	s10 =	sld [smem:$0x3FBA];
	_ =	sdelay $0x3  }
0x34: {  	[smem:$0x3FBA] =	sst s10  }
0x35: {  	s10 =	sld [smem:$0x3FB9];
	_ =	sdelay $0x3  }
0x36: {  	p1 =	seq.s32 s10, $0x1;
	s10 =	sld [smem:$0x3FBA];
	_ =	sdelay $0x3  }
0x37: {  	[smem:$0x3FBA] =	sst s10  }
0x38: {  	s10 =	sld [smem:$0x3FBB]  }
0x39: {  	_ = 	snop;
	(pc) =	sbr.ind lr, $3  }
0x3a: {  	_ = 	snop  }
0x3b: {  	_ = 	snop  }
0x3c: {  	p2 =	seq.s32 s10, $0x1;
	s10 =	sld [smem:$0x3FBA]  }
0x3d: {  	_ =	shalt  }
0x3e: {  	_ =	shalt  }
0x3f: {  	_ =	shalt  }
0x40: {  	_ =	shalt  }
0x41: {  	_ =	shalt  }
0x42: {  	_ =	shalt  }
0x43: {  	_ =	shalt  }
0x44: {  	_ =	shalt  }
0x45: {  	_ =	shalt  }
0x46: {  	_ =	shalt  }
0x47: {  	_ =	shalt  }
0x48: {  	_ =	shalt  }
0x49: {  	_ =	shalt  }
0x4a: {  	_ =	shalt  }
0x4b: {  	_ =	shalt  }
0x4c: {  	_ =	shalt  }
0x4d: {  	_ =	shalt  }
0x4e: {  	_ =	shalt  }
0x4f: {  	_ =	shalt  }
0x50: {  	_ =	shalt  }
0x51: {  	_ =	shalt  }
0x52: {  	_ =	shalt  }
0x53: {  	_ =	shalt  }
0x54: {  	_ =	shalt  }
0x55: {  	_ =	shalt  }
0x56: {  	_ =	shalt  }
0x57: {  	_ =	shalt  }
0x58: {  	_ =	shalt  }
0x59: {  	_ =	shalt  }
0x5a: {  	_ =	shalt  }
0x5b: {  	_ =	shalt  }
0x5c: {  	_ =	shalt  }
0x5d: {  	_ =	shalt  }
0x5e: {  	_ =	shalt  }
0x5f: {  	_ =	shalt  }
0x60: {  	_ =	shalt  }
0x61: {  	_ =	shalt  }
0x62: {  	_ =	shalt  }
0x63: {  	_ =	shalt  }
0x64: {  	_ =	shalt  }
0x65: {  	_ =	shalt  }
0x66: {  	_ =	shalt  }
0x67: {  	_ =	shalt  }
0x68: {  	_ =	shalt  }
0x69: {  	_ =	shalt  }
0x6a: {  	_ =	shalt  }
0x6b: {  	_ =	shalt  }
0x6c: {  	_ =	shalt  }
0x6d: {  	_ =	shalt  }
0x6e: {  	_ =	shalt  }
0x6f: {  	_ =	shalt  }
0x70: {  	_ =	shalt  }
0x71: {  	_ =	shalt  }
0x72: {  	_ =	shalt  }
0x73: {  	_ =	shalt  }
0x74: {  	_ =	shalt  }
0x75: {  	_ =	shalt  }
0x76: {  	_ =	shalt  }
0x77: {  	_ =	shalt  }
0x78: {  	_ =	shalt  }
0x79: {  	_ =	shalt  }
0x7a: {  	_ =	shalt  }
0x7b: {  	_ =	shalt  }
0x7c: {  	_ =	shalt  }
0x7d: {  	_ =	shalt  }
0x7e: {  	_ =	shalt  }
0x7f: {  	_ =	shalt  }
0x80: {  	_ =	shalt  }
0x81: {  	_ =	shalt  }
0x82: {  	_ =	shalt  }
0x83: {  	_ =	shalt  }
0x84: {  	_ =	shalt  }
0x85: {  	_ =	shalt  }
0x86: {  	_ =	shalt  }
0x87: {  	_ =	shalt  }
.Lfunc_end0:
.L_simem_size_0:
called_computation.3_lowered:
.L_overlay_start_0:
0x88: {  	s2 =	sld [smem:$0x3FD9]  }
0x89: {  	s3 =	sld [smem:$0x3FFE];
	_ =	sdelay $0x1  }
0x8a: {  	s1 =	srdreg.scid  }
0x8b: {  	s0 =	sand.u32 $0x1, s1  }
0x8c: {  	s17 =	sshll.u32 s0, $0xA;
	s2 =	sadd.s32 s3, s2  }
0x8d: {  	s2 =	sadd.s32 s2, s17  }
0x8e: {  	[smem:$0x3FC6] =	sst s2  }
0x8f: {  	_ = 	snop  }
0x90: {  	s18 =	sld [smem:$0x3FC8];
	(tm) =	ssettm $0x1  }
0x91: {  	s19 =	sld [smem:$0x3FFB];
	_ =	sdelay $0x3  }
0x92: {  	_ =	strace s19  }
0x93: {  	s2 =	sld [smem:$0x3FFC];
	_ =	sdelay $0x3  }
0x94: {  	_ =	strace s2  }
0x95: {  	s2 =	sld [smem:$0x3FFD];
	_ =	sdelay $0x3  }
0x96: {  	_ =	strace s2  }
0x97: {  	_ =	strace $0x8FFFFFFF  }
0x98: {  	s20 =	sld [smem:$0x3FDB];
	_ =	sdelay $0x1  }
0x99: {  	s4 =	simm.s32 $_scs_section_size  }
0x9a: {  	s5 =	simm.s32 $_size__tile_overlayer_lowered;
	s6 =	simm.s32 $_tile_overlayer_lowered  }
0x9b: {  	s7 =	simm.s32 $0x1BFF;
	s21 =	sshll.u32 s6, $0x1;
	s4 =	sadd.s32 s4, s20  }
0x9c: {  	s22 =	simm.s32 $0x0;
	s5 =	sshll.u32 s5, $0x1;
	s6 =	sadd.s32 s21, s4  }
0x9d: {  	[timem:s22], [sflag:s7] =	dma.local [hbm:s6], s5  }
0x9e: {  	_ =	swait.ge [sflag:s7], s5  }
0x9f: {  	s5 =	ssub.s32 $0x0, s5;
	[sflag:s7] =	ssyncset.done $0x0  }
0xa0: {  	[sflag:s7] =	ssyncadd.s32 s5;
	_ =	sdelay $0x1  }
0xa1: {  	s23 =	simm.s32 $0x1B8B  }
0xa2: {  	_ =	swait.ge [sflag:s23], $0x1  }
0xa3: {  	[sflag:s23] =	ssyncset.done $0x0  }
0xa4: {  	[sflag:s23] =	ssyncadd.s32 $0xFFFFFFFF  }
0xa5: {  	s5 =	sld [smem:$0x0]  }
0xa6: {  	s6 =	sand.u32 $0xFFFFFFFE, s1  }
0xa7: {  	p0 =	sne.s32 s1, s6  }
0xa8: {  	s6 =	sshll.u32 @p0 s6, $0xE  }
0xa9: {  	s6 =	sadd.s32 @p0 $0x11B8D, s6;
	s7 =	sshll.u32 @p0 s5, $0x11  }
0xaa: {  	s6 =	sor.u32 @p0 s7, s6  }
0xab: {  	[sflag:s6] =	ssyncadd.remote.s32 @p0 $0x1;
	_ =	sdelay $0x1  }
0xac: {  	s6 =	simm.s32 @p0 $0x1B8D  }
0xad: {  	_ =	swait.eq @p0 [sflag:s6], $0x1  }
0xae: {  	[sflag:s6] =	ssyncadd.s32 @p0 $0xFFFFFFFF  }
0xaf: {  	s7 =	sshll.u32 @!p0 s1, $0xE  }
0xb0: {  	s7 =	sor.u32 @!p0 $0x4000, s7;
	s6 =	simm.s32 @!p0 $0x1B8D  }
0xb1: {  	s5 =	sshll.u32 @!p0 s5, $0x11;
	s7 =	sadd.s32 @!p0 $0x11B8D, s7;
	_ =	swait.eq @!p0 [sflag:s6], $0x1  }
0xb2: {  	s5 =	sor.u32 @!p0 s5, s7;
	[sflag:s6] =	ssyncadd.s32 @!p0 $0xFFFFFFFF  }
0xb3: {  	s25 =	simm.s32 $0x1B8E;
	s24 =	sld [smem:$0x3FFE];
	[sflag:s5] =	ssyncadd.remote.s32 @!p0 $0x1  }
0xb4: {  	s26 =	simm.s32 $execute0_lowered;
	[smem:$0x3FD2] =	sst s25  }
0xb5: {  	s6 =	sshll.u32 s26, $0x1;
	_ =	strace $0x80000049;
	[dreg:$0x1] =	wrdreg $0xFFFFFFFF  }
0xb6: {  	s28 =	simm.s32 $_size_execute0_lowered;
	s4 =	sadd.s32 s4, s6;
	[dreg:$0x0] =	wrdreg $0x0  }
0xb7: {  	s6 =	sshll.u32 s28, $0x1;
	[dreg:$0x2] =	wrdreg s4  }
0xb8: {  	[dreg:$0x3] =	wrdreg s6  }
0xb9: {  	[dreg:$0x4] =	wrdreg $0xC0  }
0xba: {  	_ =	task [dreg:s22], $0x5FFFF  }
0xbb: {  	[dreg:$0x1] =	wrdreg $0xFFFFFFFF  }
0xbc: {  	[dreg:$0x0] =	wrdreg $0x60  }
0xbd: {  	[dreg:$0x2] =	wrdreg s24  }
0xbe: {  	[dreg:$0x3] =	wrdreg s18  }
0xbf: {  	[dreg:$0x4] =	wrdreg $0xB  }
0xc0: {  	_ =	task.clear_ibuf [dreg:s22], $0x5FFFF;
	_ =	strace $0x90000049  }
0xc1: {  	s29 =	simm.s32 $0xB;
	_ =	strace $0x8000004B  }
0xc2: {  	_ =	swait.ge [sflag:s29], $0x1  }
0xc3: {  	[sflag:s29] =	ssyncadd.s32 $0xFFFFFFFF  }
0xc4: {  	_ =	strace $0x9000004B  }
0xc5: {  	_ =	sfence  }
0xc6: {  	s30 =	sld [smem:$0x0];
	_ =	sdelay $0x2  }
0xc7: {  	s31 =	sshll.u32 s1, $0xD;
	s1 =	sshrl.u32 s1, $0x2  }
0xc8: {  	s4 =	sand.u32 $0x4000, s31;
	s1 =	sadd.s32 s1, s30  }
0xc9: {  	s0 =	sor.u32 s4, s0;
	s1 =	sshll.u32 s1, $0x11  }
0xca: {  	s0 =	sor.u32 s1, s0  }
0xcb: {  	s0 =	sadd.s32 $0x8F2B, s0  }
0xcc: {  	[sflag:s0] =	ssyncadd.remote.s32 $0x1  }
0xcd: {  	_ =	sfence.sel $0xFFFF  }
0xce: {  	[dreg:$0x0] =	wrdreg $0xFFFFFFFF;
	(pc) =	sbr.abs _section_cstart, $3  }
0xcf: {  	[dreg:$0x1] =	wrdreg $0xFFFFFFFF  }
0xd0: {  	_ =	task.clear_ibuf [dreg:s22], $0x2FFFF;
	_ =	strace $0x9FFFFFFF  }
0xd1: {  	(tm) =	ssettm $0x7FFFFFFF  }
tec
execute0_lowered:
.L_overlay_start_1:
0x0: {  	(tag) =	ssettag $0x1  }
0x1: {  	s0 =	rddreg [dreg:$0x0]  }
0x2: {  	s1 =	srdreg.scid;
	s10 =	stileid.u32  }
0x3: {  	s2 =	rddreg [dreg:$0x1];
	s3 =	simm.s32 $0x0;
	s14 =	simm.s32 $0x9  }
0x4: {  	s15 =	simm.s32 $0x64;
	s28 =	simm.s32 $0x3;
	s29 =	simm.s32 $0xA100  }
0x5: {  	s30 =	simm.s32 $0x4;
	s31 =	simm.s32 $0xD500;
	s8 =	smul.u32 $0x1C0000, s10  }
0x6: {  	s1 =	sand.u32 $0x1, s1;
	s4 =	sshll.u32 s10, $0x1;
	s13 =	smul.u32 $0x38000, s10  }
0x7: {  	[smem:$0x7FF] =	sst s3;
	s4 =	sor.u32 s1, s4;
	s9 =	smul.u32 $0xE0000, s1  }
0x8: {  	_ =	strace $0x8000004A;
	s6 =	ssub.s32 $0x2, s1;
	s1 =	smul.u32 $0x1C000, s1  }
0x9: {  	s5 =	sshll.u32 s4, $0xA;
	s4 =	smul.u32 $0xE0000, s4;
	s7 =	sshrl.u32 s6, $0x1  }
0xa: {  	s5 =	sadd.s32 s5, s0;
	s0 =	sadd.s32 $0x39FC00, s0;
	s6 =	ssub.s32 s6, s7  }
0xb: {  	s19 =	sadd.s32 s9, s8;
	s4 =	sshrl.u32 s4, $0x3;
	s5 =	sadd.s32 $0x397C00, s5  }
0xc: {  	s11 =	sor.u32 $0xC400, s19;
	s23 =	sadd.s32 s13, s0;
	s24 =	sor.u32 $0x8C00, s19  }
0xd: {  	s13 =	smax.u32 s6, $0x1;
	s4 =	sadd.s32 s0, s4;
	[dreg:$0x7] =	wrdreg s5  }
0xe: {  	s12 =	sshrl.u32 s11, $0x3;
	s1 =	sadd.s32 s1, s23;
	s25 =	sshrl.u32 s24, $0x3  }
0xf: {  	s5 =	sor.u32 $0x5400, s19;
	s16 =	sadd.s32 $0x1A400, s4;
	[dreg:$0x4] =	wrdreg s1  }
0x10: {  	s23 =	simm.s32 $0x1;
	s17 =	sadd.s32 $0x1A780, s4;
	[dreg:$0x8] =	wrdreg s16  }
0x11: {  	s24 =	simm.s32 $0x3900;
	s18 =	sadd.s32 $0x1AB00, s4;
	[dreg:$0x9] =	wrdreg s17  }
0x12: {  	s19 =	simm.s32 $0x8;
	s20 =	sadd.s32 $0x1AE80, s4;
	[dreg:$0xa] =	wrdreg s18  }
0x13: {  	s21 =	sadd.s32 $0x1B200, s4;
	s22 =	sadd.s32 $0x1B580, s4;
	[dreg:$0xb] =	wrdreg s20  }
0x14: {  	s11 =	sadd.s32 $0x1B900, s4;
	s12 =	sadd.s32 s12, s0;
	[dreg:$0xc] =	wrdreg s21  }
0x15: {  	s26 =	sadd.s32 s25, s0;
	s5 =	sshrl.u32 s5, $0x3;
	[dreg:$0xd] =	wrdreg s22  }
0x16: {  	s25 =	simm.s32 $0x2;
	s1 =	simm.s32 $0x5;
	[dreg:$0x3] =	wrdreg s12  }
0x17: {  	s12 =	sadd.s32 $0x1BC80, s4;
	[dreg:$0x5] =	wrdreg s26;
	s0 =	sadd.s32 s5, s0  }
0x18: {  	s16 =	simm.s32 $0x2000;
	s18 =	simm.s32 $0x5400;
	s20 =	simm.s32 $0x8800  }
0x19: {  	s22 =	simm.s32 $0xBC00;
	s26 =	simm.s32 $0x6D00;
	s17 =	simm.s32 $0x7  }
0x1a: {  	s21 =	simm.s32 $0x0;
	[dreg:$0x6] =	wrdreg s0;
	s0 =	simm.s32 $0x6  }
.LBB2_1:
0x1b: {  	s4 =	rddreg [dreg:$0x7]  }
0x1c: {  	[tilespmem:s3], [sflag:$0x9] =	stream.linear.gather [hbm4b:s4+s3], $0x2000, $0x38;
	[tilespmem:$0xF000] =	vst v63  }
0x1d: {  	_ =	swait.ge [sflag:s14], $0x2000  }
0x1e: {  	[sflag:s14] =	ssyncset.done $0x0  }
0x1f: {  	[sflag:s14] =	ssyncadd.s32 $0xFFFFE000  }
0x20: {  	[tilespmem:s16], [sflag:$0x1] =	stream.indirect.gather [hbm4b:s2+s15], $0x80, s3, s15, $0xb8;
	[tilespmem:$0xF000] =	vst v63  }
0x21: {  	s10 =	simm.s32 $0x80  }
0x22: {  	[tilespmem:s18], [sflag:$0x2] =	stream.indirect.gather [hbm4b:s2+s15], $0x80, s10, s15, $0xb8;
	[tilespmem:$0xF000] =	vst v63  }
0x23: {  	s5 =	simm.s32 $0x100  }
0x24: {  	[tilespmem:s20], [sflag:$0x3] =	stream.indirect.gather [hbm4b:s2+s15], $0x80, s5, s15, $0xb8;
	[tilespmem:$0xF000] =	vst v63  }
0x25: {  	s6 =	simm.s32 $0x180  }
0x26: {  	[tilespmem:s22], [sflag:$0x4] =	stream.indirect.gather [hbm4b:s2+s15], $0x80, s6, s15, $0xb8;
	[tilespmem:$0xF000] =	vst v63  }
0x27: {  	_ =	swait.ge [sflag:s23], $0x3200  }
0x28: {  	s7 =	rddreg [dreg:$0x4];
	[sflag:s23] =	ssyncset.done $0x0  }
0x29: {  	[sflag:s23] =	ssyncadd.s32 $0xFFFFCE00;
	s4 =	sadd.s32 $0x0, s7  }
0x2a: {  	[hbm4b:s4+s3] =	stream.linear.scatter [tilespmem:s16], [sflag:$0x5], $0x1900, $0x38;
	[tilespmem:$0xF000] =	vst v63  }
0x2b: {  	s5 =	sadd.s32 $0x380, s4  }
0x2c: {  	[hbm4b:s5+s3] =	stream.linear.scatter [tilespmem:s24], [sflag:$0x5], $0x1900, $0x38;
	[tilespmem:$0xF000] =	vst v63  }
0x2d: {  	_ =	swait.ge [sflag:s25], $0x3200  }
0x2e: {  	[sflag:s25] =	ssyncset.done $0x0  }
0x2f: {  	s6 =	sadd.s32 $0x700, s4;
	s8 =	rddreg [dreg:$0x6];
	[sflag:s25] =	ssyncadd.s32 $0xFFFFCE00  }
0x30: {  	[hbm4b:s6+s3] =	stream.linear.scatter [tilespmem:s18], [sflag:$0x6], $0x1900, $0x38;
	[tilespmem:$0xF000] =	vst v63  }
0x31: {  	s5 =	sadd.s32 $0x0, s8  }
0x32: {  	[hbm4b:s5+s3] =	stream.linear.scatter [tilespmem:s26], [sflag:$0x6], $0x1900, $0x38;
	[tilespmem:$0xF000] =	vst v63  }
0x33: {  	_ =	swait.ge [sflag:s28], $0x3200  }
0x34: {  	[sflag:s28] =	ssyncset.done $0x0  }
0x35: {  	s10 =	sadd.s32 $0xE00, s4;
	s9 =	rddreg [dreg:$0x5];
	[sflag:s28] =	ssyncadd.s32 $0xFFFFCE00  }
0x36: {  	[hbm4b:s10+s3] =	stream.linear.scatter [tilespmem:s20], [sflag:$0x7], $0x1900, $0x38;
	[tilespmem:$0xF000] =	vst v63  }
0x37: {  	s5 =	sadd.s32 $0x0, s9  }
0x38: {  	[hbm4b:s5+s3] =	stream.linear.scatter [tilespmem:s29], [sflag:$0x7], $0x1900, $0x38;
	[tilespmem:$0xF000] =	vst v63  }
0x39: {  	_ =	swait.ge [sflag:s30], $0x3200  }
0x3a: {  	[sflag:s30] =	ssyncset.done $0x0  }
0x3b: {  	s4 =	sadd.s32 $0x1500, s4;
	s6 =	rddreg [dreg:$0x3];
	[sflag:s30] =	ssyncadd.s32 $0xFFFFCE00  }
0x3c: {  	[hbm4b:s4+s3] =	stream.linear.scatter [tilespmem:s22], [sflag:$0x8], $0x1900, $0x38;
	[tilespmem:$0xF000] =	vst v63  }
0x3d: {  	s7 =	sadd.s32 $0x0, s6  }
0x3e: {  	[hbm4b:s7+s3] =	stream.linear.scatter [tilespmem:s31], [sflag:$0x8], $0x1900, $0x38;
	[tilespmem:$0xF000] =	vst v63  }
0x3f: {  	_ =	swait.ge [sflag:s1], $0x1900  }
0x40: {  	[sflag:s1] =	ssyncset.done $0x0  }
0x41: {  	[sflag:s1] =	ssyncadd.s32 $0xFFFFE700  }
0x42: {  	_ =	swait.ge [sflag:s1], $0x1900  }
0x43: {  	[sflag:s1] =	ssyncset.done $0x0  }
0x44: {  	s8 =	simm.s32 $0x200;
	[sflag:s1] =	ssyncadd.s32 $0xFFFFE700  }
0x45: {  	[tilespmem:s16], [sflag:$0x1] =	stream.indirect.gather [hbm4b:s2+s15], $0x80, s8, s15, $0xb8;
	[tilespmem:$0xF000] =	vst v63  }
0x46: {  	_ =	swait.ge [sflag:s0], $0x1900  }
0x47: {  	[sflag:s0] =	ssyncset.done $0x0  }
0x48: {  	[sflag:s0] =	ssyncadd.s32 $0xFFFFE700  }
0x49: {  	_ =	swait.ge [sflag:s0], $0x1900  }
0x4a: {  	[sflag:s0] =	ssyncset.done $0x0  }
0x4b: {  	s9 =	simm.s32 $0x280;
	[sflag:s0] =	ssyncadd.s32 $0xFFFFE700  }
0x4c: {  	[tilespmem:s18], [sflag:$0x2] =	stream.indirect.gather [hbm4b:s2+s15], $0x80, s9, s15, $0xb8;
	[tilespmem:$0xF000] =	vst v63  }
0x4d: {  	_ =	swait.ge [sflag:s17], $0x1900  }
0x4e: {  	[sflag:s17] =	ssyncset.done $0x0  }
0x4f: {  	[sflag:s17] =	ssyncadd.s32 $0xFFFFE700  }
0x50: {  	_ =	swait.ge [sflag:s17], $0x1900  }
0x51: {  	[sflag:s17] =	ssyncset.done $0x0  }
0x52: {  	s10 =	simm.s32 $0x300;
	[sflag:s17] =	ssyncadd.s32 $0xFFFFE700  }
0x53: {  	[tilespmem:s20], [sflag:$0x3] =	stream.indirect.gather [hbm4b:s2+s15], $0x80, s10, s15, $0xb8;
	[tilespmem:$0xF000] =	vst v63  }
0x54: {  	_ =	swait.ge [sflag:s19], $0x1900  }
0x55: {  	[sflag:s19] =	ssyncset.done $0x0  }
0x56: {  	[sflag:s19] =	ssyncadd.s32 $0xFFFFE700  }
0x57: {  	_ =	swait.ge [sflag:s19], $0x1900  }
0x58: {  	s5 =	simm.s32 $0x1C00;
	[sflag:s19] =	ssyncset.done $0x0  }
0x59: {  	s6 =	simm.s32 $0x580;
	s4 =	simm.s32 $0x380;
	[sflag:s19] =	ssyncadd.s32 $0xFFFFE700  }
.LBB2_2:
0x5a: {  	[tilespmem:s22], [sflag:$0x4] =	stream.indirect.gather [hbm4b:s2+s15], $0x80, s4, s15, $0xb8;
	[tilespmem:$0xF000] =	vst v63  }
0x5b: {  	_ =	swait.ge [sflag:s23], $0x3200  }
0x5c: {  	s7 =	smov.u32 s5;
	s8 =	rddreg [dreg:$0x4];
	[sflag:s23] =	ssyncset.done $0x0  }
0x5d: {  	[sflag:s23] =	ssyncadd.s32 $0xFFFFCE00;
	s8 =	sadd.s32 s7, s8  }
0x5e: {  	[hbm4b:s8+s3] =	stream.linear.scatter [tilespmem:s16], [sflag:$0x5], $0x1900, $0x38;
	[tilespmem:$0xF000] =	vst v63  }
0x5f: {  	s9 =	sadd.s32 $0x380, s8  }
0x60: {  	[hbm4b:s9+s3] =	stream.linear.scatter [tilespmem:s24], [sflag:$0x5], $0x1900, $0x38;
	[tilespmem:$0xF000] =	vst v63  }
0x61: {  	_ =	swait.ge [sflag:s25], $0x3200  }
0x62: {  	[sflag:s25] =	ssyncset.done $0x0  }
0x63: {  	s10 =	sadd.s32 $0x700, s8;
	s9 =	rddreg [dreg:$0x6];
	[sflag:s25] =	ssyncadd.s32 $0xFFFFCE00  }
0x64: {  	[hbm4b:s10+s3] =	stream.linear.scatter [tilespmem:s18], [sflag:$0x6], $0x1900, $0x38;
	[tilespmem:$0xF000] =	vst v63  }
0x65: {  	s9 =	sadd.s32 s7, s9  }
0x66: {  	[hbm4b:s9+s3] =	stream.linear.scatter [tilespmem:s26], [sflag:$0x6], $0x1900, $0x38;
	[tilespmem:$0xF000] =	vst v63  }
0x67: {  	_ =	swait.ge [sflag:s28], $0x3200  }
0x68: {  	[sflag:s28] =	ssyncset.done $0x0  }
0x69: {  	s10 =	sadd.s32 $0xE00, s8;
	s9 =	rddreg [dreg:$0x5];
	[sflag:s28] =	ssyncadd.s32 $0xFFFFCE00  }
0x6a: {  	[hbm4b:s10+s3] =	stream.linear.scatter [tilespmem:s20], [sflag:$0x7], $0x1900, $0x38;
	[tilespmem:$0xF000] =	vst v63  }
0x6b: {  	s9 =	sadd.s32 s7, s9  }
0x6c: {  	[hbm4b:s9+s3] =	stream.linear.scatter [tilespmem:s29], [sflag:$0x7], $0x1900, $0x38;
	[tilespmem:$0xF000] =	vst v63  }
0x6d: {  	_ =	swait.ge [sflag:s30], $0x3200  }
0x6e: {  	[sflag:s30] =	ssyncset.done $0x0  }
0x6f: {  	s8 =	sadd.s32 $0x1500, s8;
	s10 =	rddreg [dreg:$0x3];
	[sflag:s30] =	ssyncadd.s32 $0xFFFFCE00  }
0x70: {  	[hbm4b:s8+s3] =	stream.linear.scatter [tilespmem:s22], [sflag:$0x8], $0x1900, $0x38;
	[tilespmem:$0xF000] =	vst v63  }
0x71: {  	s7 =	sadd.s32 s7, s10  }
0x72: {  	[hbm4b:s7+s3] =	stream.linear.scatter [tilespmem:s31], [sflag:$0x8], $0x1900, $0x38;
	[tilespmem:$0xF000] =	vst v63  }
0x73: {  	_ =	swait.ge [sflag:s1], $0x1900  }
0x74: {  	[sflag:s1] =	ssyncset.done $0x0  }
0x75: {  	[sflag:s1] =	ssyncadd.s32 $0xFFFFE700  }
0x76: {  	_ =	swait.ge [sflag:s1], $0x1900  }
0x77: {  	[sflag:s1] =	ssyncset.done $0x0  }
0x78: {  	s8 =	sadd.s32 $0xFFFFFE80, s6;
	[sflag:s1] =	ssyncadd.s32 $0xFFFFE700  }
0x79: {  	[tilespmem:s16], [sflag:$0x1] =	stream.indirect.gather [hbm4b:s2+s15], $0x80, s8, s15, $0xb8;
	[tilespmem:$0xF000] =	vst v63  }
0x7a: {  	_ =	swait.ge [sflag:s0], $0x1900  }
0x7b: {  	[sflag:s0] =	ssyncset.done $0x0  }
0x7c: {  	[sflag:s0] =	ssyncadd.s32 $0xFFFFE700  }
0x7d: {  	_ =	swait.ge [sflag:s0], $0x1900  }
0x7e: {  	[sflag:s0] =	ssyncset.done $0x0  }
0x7f: {  	s9 =	sadd.s32 $0xFFFFFF00, s6;
	[sflag:s0] =	ssyncadd.s32 $0xFFFFE700  }
0x80: {  	[tilespmem:s18], [sflag:$0x2] =	stream.indirect.gather [hbm4b:s2+s15], $0x80, s9, s15, $0xb8;
	[tilespmem:$0xF000] =	vst v63  }
0x81: {  	_ =	swait.ge [sflag:s17], $0x1900  }
0x82: {  	[sflag:s17] =	ssyncset.done $0x0  }
0x83: {  	[sflag:s17] =	ssyncadd.s32 $0xFFFFE700  }
0x84: {  	_ =	swait.ge [sflag:s17], $0x1900  }
0x85: {  	[sflag:s17] =	ssyncset.done $0x0  }
0x86: {  	s10 =	sadd.s32 $0xFFFFFF80, s6;
	[sflag:s17] =	ssyncadd.s32 $0xFFFFE700  }
0x87: {  	[tilespmem:s20], [sflag:$0x3] =	stream.indirect.gather [hbm4b:s2+s15], $0x80, s10, s15, $0xb8;
	[tilespmem:$0xF000] =	vst v63  }
0x88: {  	p0 =	sne.s32 s5, $0x18800;
	_ =	swait.ge [sflag:s19], $0x1900  }
.Ltmp0:
0x89: {  	[sflag:s19] =	ssyncset.done $0x0;
	(pc) =	sbr.rel @p0 .LBB2_2-.Ltmp0, $4  }
0x8a: {  	[sflag:s19] =	ssyncadd.s32 $0xFFFFE700  }
0x8b: {  	_ =	swait.ge [sflag:s19], $0x1900  }
0x8c: {  	s4 =	smov.u32 s6;
	[sflag:s19] =	ssyncset.done $0x0  }
0x8d: {  	s5 =	sadd.s32 $0x1C00, s5;
	s6 =	sadd.s32 $0x200, s6;
	[sflag:s19] =	ssyncadd.s32 $0xFFFFE700  }
0x8e: {  	[tilespmem:s22], [sflag:$0x4] =	stream.indirect.gather [hbm4b:s2+s15], $0x80, s4, s15, $0xb8;
	[tilespmem:$0xF000] =	vst v63  }
0x8f: {  	_ =	swait.ge [sflag:s23], $0x3200  }
0x90: {  	[sflag:s23] =	ssyncset.done $0x0  }
0x91: {  	s5 =	rddreg [dreg:$0x8];
	[sflag:s23] =	ssyncadd.s32 $0xFFFFCE00  }
0x92: {  	[hbm4b:s5+s3] =	stream.linear.scatter [tilespmem:s16], [sflag:$0x5], $0x1900, $0x38;
	[tilespmem:$0xF000] =	vst v63  }
0x93: {  	s6 =	rddreg [dreg:$0x9]  }
0x94: {  	[hbm4b:s6+s3] =	stream.linear.scatter [tilespmem:s24], [sflag:$0x5], $0x1900, $0x38;
	[tilespmem:$0xF000] =	vst v63  }
0x95: {  	_ =	swait.ge [sflag:s25], $0x3200  }
0x96: {  	[sflag:s25] =	ssyncset.done $0x0  }
0x97: {  	s7 =	rddreg [dreg:$0xa];
	[sflag:s25] =	ssyncadd.s32 $0xFFFFCE00  }
0x98: {  	[hbm4b:s7+s3] =	stream.linear.scatter [tilespmem:s18], [sflag:$0x6], $0x1900, $0x38;
	[tilespmem:$0xF000] =	vst v63  }
0x99: {  	s8 =	rddreg [dreg:$0xb]  }
0x9a: {  	[hbm4b:s8+s3] =	stream.linear.scatter [tilespmem:s26], [sflag:$0x6], $0x1900, $0x38;
	[tilespmem:$0xF000] =	vst v63  }
0x9b: {  	_ =	swait.ge [sflag:s28], $0x3200  }
0x9c: {  	[sflag:s28] =	ssyncset.done $0x0  }
0x9d: {  	s9 =	rddreg [dreg:$0xc];
	[sflag:s28] =	ssyncadd.s32 $0xFFFFCE00  }
0x9e: {  	[hbm4b:s9+s3] =	stream.linear.scatter [tilespmem:s20], [sflag:$0x7], $0x1900, $0x38;
	[tilespmem:$0xF000] =	vst v63  }
0x9f: {  	s10 =	rddreg [dreg:$0xd]  }
0xa0: {  	[hbm4b:s10+s3] =	stream.linear.scatter [tilespmem:s29], [sflag:$0x7], $0x1900, $0x38;
	[tilespmem:$0xF000] =	vst v63  }
0xa1: {  	_ =	swait.ge [sflag:s30], $0x3200  }
0xa2: {  	[sflag:s30] =	ssyncset.done $0x0  }
0xa3: {  	[sflag:s30] =	ssyncadd.s32 $0xFFFFCE00  }
0xa4: {  	[hbm4b:s11+s3] =	stream.linear.scatter [tilespmem:s22], [sflag:$0x8], $0x1900, $0x38;
	[tilespmem:$0xF000] =	vst v63  }
0xa5: {  	_ = 	snop  }
0xa6: {  	[hbm4b:s12+s3] =	stream.linear.scatter [tilespmem:s31], [sflag:$0x8], $0x1900, $0x38;
	[tilespmem:$0xF000] =	vst v63  }
0xa7: {  	_ =	swait.ge [sflag:s1], $0x1900  }
0xa8: {  	[sflag:s1] =	ssyncset.done $0x0  }
0xa9: {  	[sflag:s1] =	ssyncadd.s32 $0xFFFFE700  }
0xaa: {  	_ =	swait.ge [sflag:s1], $0x1900  }
0xab: {  	[sflag:s1] =	ssyncset.done $0x0  }
0xac: {  	[sflag:s1] =	ssyncadd.s32 $0xFFFFE700  }
0xad: {  	_ =	swait.ge [sflag:s0], $0x1900  }
0xae: {  	[sflag:s0] =	ssyncset.done $0x0  }
0xaf: {  	[sflag:s0] =	ssyncadd.s32 $0xFFFFE700  }
0xb0: {  	_ =	swait.ge [sflag:s0], $0x1900  }
0xb1: {  	[sflag:s0] =	ssyncset.done $0x0  }
0xb2: {  	[sflag:s0] =	ssyncadd.s32 $0xFFFFE700  }
0xb3: {  	_ =	swait.ge [sflag:s17], $0x1900  }
0xb4: {  	[sflag:s17] =	ssyncset.done $0x0  }
0xb5: {  	[sflag:s17] =	ssyncadd.s32 $0xFFFFE700  }
0xb6: {  	_ =	swait.ge [sflag:s17], $0x1900  }
0xb7: {  	[sflag:s17] =	ssyncset.done $0x0  }
0xb8: {  	s21 =	sadd.s32 $0x1, s21;
	[sflag:s17] =	ssyncadd.s32 $0xFFFFE700  }
0xb9: {  	p0 =	sne.s32 s21, s13;
	_ =	swait.ge [sflag:s19], $0x1900  }
.Ltmp1:
0xba: {  	[sflag:s19] =	ssyncset.done $0x0;
	(pc) =	sbr.rel @p0 .LBB2_1-.Ltmp1, $4  }
0xbb: {  	[sflag:s19] =	ssyncadd.s32 $0xFFFFE700  }
0xbc: {  	_ =	swait.ge [sflag:s19], $0x1900  }
0xbd: {  	[sflag:s19] =	ssyncset.done $0x0  }
0xbe: {  	[sflag:s19] =	ssyncadd.s32 $0xFFFFE700  }
0xbf: {  	_ =	sfence.sel $0x180000  }
0xc0: {  	[bflag:$0x0] =	sbarrier.arrive $0xFFFF  }
0xc1: {  	_ =	strace $0x9000004A  }
0xc2: {  	s0 =	stileid.u32;
	[bflag:$0x2] =	sbarrier.arrive $0xFFFF  }
0xc3: {  	p0 =	sne.s32 s0, $0x0;
	s0 =	rddreg [dreg:$0x2]  }
0xc4: {  	s0 =	sadd.s32 @!p0 $0x100000, s0  }
0xc5: {  	[sflag:s0] =	ssyncadd.tile.s32 @!p0 $0x1;
	_ =	shalt  }
.Lfunc_end2:
_tile_overlayer_lowered:
.L_overlay_start_2:
0xc6: {  	(tag) =	ssettag $0x2  }
0xc7: {  	s0 =	rddreg [dreg:$0x0];
	s2 =	stileid.u32  }
0xc8: {  	s1 =	rddreg [dreg:$0x1];
	p0 =	sne.s32 s2, $0x0  }
0xc9: {  	s3 =	rddreg [dreg:$0x2];
	[bflag:$0x3] =	sbarrier.arrive $0xFFFF;
	s2 =	simm.s32 @!p0 $0x1C09  }
0xca: {  	[timem:s3], [sflag:s2] =	dma.local @!p0 [hbm:s0], s1  }
0xcb: {  	s0 =	simm.s32 @!p0 $0x9  }
0xcc: {  	_ =	swait.ge @!p0 [sflag:s0], s1  }
0xcd: {  	s1 =	ssub.s32 @!p0 $0x0, s1;
	[sflag:s0] =	ssyncset.done @!p0 $0x0  }
0xce: {  	[sflag:s0] =	ssyncadd.s32 @!p0 s1  }
0xcf: {  	[bflag:$0x3] =	sbarrier.arrive $0xFFFF  }
0xd0: {  	_ =	shalt  }

// kernel: kernel.15.cloned.1.call-start
scs
__scs_entry_jumppad:
0x0: {  	(pc) =	sbr.rel $0x88, $3  }
0x1: {  	(tag) =	ssettag $0x0;
	lr =	simm.s32 $0x1  }
0x2: {  	[smem:$0x3F9F] =	sst lr;
	_ =	strace $0xD0000000  }
0x3: {  	_ = 	snop  }
0x4: {  	_ = 	snop  }
0x5: {  	_ = 	snop  }
0x6: {  	_ = 	snop  }
0x7: {  	_ = 	snop  }
__scs_overlays_trampoline_lowered:
0x8: {  	[smem:$0x3FAE] =	sst s0  }
0x9: {  	[smem:$0x3FAF] =	sst s1  }
0xa: {  	[smem:$0x3FB0] =	sst s2  }
0xb: {  	[smem:$0x3FB1] =	sst s3  }
0xc: {  	[smem:$0x3FB2] =	sst s4  }
0xd: {  	[smem:$0x3FB3] =	sst s5  }
0xe: {  	[smem:$0x3FB4] =	sst s6  }
0xf: {  	[smem:$0x3FB5] =	sst s7  }
0x10: {  	[smem:$0x3FB6] =	sst s8  }
0x11: {  	[smem:$0x3FB7] =	sst s9;
	s0 =	simm.s32 @!p0 $0x0  }
0x12: {  	s1 =	sld [smem:$0x3F9D];
	s0 =	simm.s32 @p0 $0x1  }
0x13: {  	[smem:$0x3FB8] =	sst s0;
	s0 =	simm.s32 @!p1 $0x0  }
0x14: {  	s2 =	sld [smem:$0x3F9C];
	s0 =	simm.s32 @p1 $0x1  }
0x15: {  	[smem:$0x3FB9] =	sst s0;
	s0 =	simm.s32 @!p2 $0x0  }
0x16: {  	s3 =	sld [smem:$0x3FDB];
	s0 =	simm.s32 @p2 $0x1  }
0x17: {  	s4 =	simm.s32 $0x1BF5;
	[smem:$0x3FBB] =	sst s0  }
0x18: {  	s0 =	sld [smem:$0x3F9E];
	_ =	swait.ge [sflag:s4], $0x0  }
0x19: {  	s7 =	sld [smem:$0x3F9F]  }
0x1a: {  	s8 =	sadd.s32 $0xFFFFE003, lr  }
0x1b: {  	s9 =	sadd.s32 $0xFFFFFEF7, lr;
	s5 =	simm.s32 $0xFFFFFFFF;
	p2 =	slt.u32 s8, $0xFFFFF086  }
0x1c: {  	p1 =	slt.u32 s9, $0xF7A;
	s5 =	simm.s32 @!p2 $0x0  }
0x1d: {  	s5 =	simm.s32 @p1 $0x1;
	p0 =	seq.s32 s7, s2  }
0x1e: {  	s7 =	smul.u32 @!p0 $0xF7A, s2;
	p2 =	seq.s32 @!p0 s5, $0x0  }
0x1f: {  	s9 =	smul.u32 $0xF7A, s1;
	s8 =	simm.s32 @!p0 $0x1BF5;
	p2 =	por !p2, p0  }
0x20: {  	[sflag:s8] =	ssyncset.s32 @!p0 $0xFFFFF086;
	s6 =	sadd.s32 @!p0 s3, s7;
	s7 =	simm.s32 @!p0 $0x108  }
0x21: {  	s3 =	sadd.s32 s3, s9;
	s6 =	sadd.s32 @!p0 $0x88, s6;
	s7 =	simm.s32 @p2 $0x1082  }
0x22: {  	[simem:s7], [sflag:s8] =	dma.local @!p0 [hbm:s6], $0xF7A  }
0x23: {  	s9 =	sor.u32 $0xD0000000, s2;
	s6 =	simm.s32 $0x108;
	_ =	swait.ge @!p0 [sflag:s8], $0x0  }
0x24: {  	s3 =	sadd.s32 $0x88, s3;
	s6 =	simm.s32 @!p1 $0x1082;
	[sflag:s4] =	ssyncset.s32 $0xFFFFF086  }
0x25: {  	[simem:s6], [sflag:s4] =	dma.local [hbm:s3], $0xF7A  }
0x26: {  	[smem:$0x3F9F] =	sst s1;
	(tag) =	ssettag s2;
	_ =	strace s9  }
0x27: {  	s1 =	sld [smem:$0x3FAF]  }
0x28: {  	s2 =	sld [smem:$0x3FB0]  }
0x29: {  	s4 =	sld [smem:$0x3FB2]  }
0x2a: {  	p0 =	seq.s32 s5, $0x0;
	s5 =	sld [smem:$0x3FB3]  }
0x2b: {  	s6 =	sld [smem:$0x3FB4]  }
0x2c: {  	s7 =	sld [smem:$0x3FB5]  }
0x2d: {  	s3 =	simm.s32 $0x108;
	s8 =	sld [smem:$0x3FB6]  }
0x2e: {  	s3 =	simm.s32 @!p0 $0x1082;
	s9 =	sld [smem:$0x3FB7]  }
0x2f: {  	lr =	sadd.s32 s0, s3;
	s0 =	sld [smem:$0x3FAE]  }
0x30: {  	s3 =	sld [smem:$0x3FB1]  }
0x31: {  	[smem:$0x3FBA] =	sst s10  }
0x32: {  	s10 =	sld [smem:$0x3FB8];
	_ =	sdelay $0x3  }
0x33: {  	p0 =	seq.s32 s10, $0x1;
	s10 =	sld [smem:$0x3FBA];
	_ =	sdelay $0x3  }
0x34: {  	[smem:$0x3FBA] =	sst s10  }
0x35: {  	s10 =	sld [smem:$0x3FB9];
	_ =	sdelay $0x3  }
0x36: {  	p1 =	seq.s32 s10, $0x1;
	s10 =	sld [smem:$0x3FBA];
	_ =	sdelay $0x3  }
0x37: {  	[smem:$0x3FBA] =	sst s10  }
0x38: {  	s10 =	sld [smem:$0x3FBB]  }
0x39: {  	_ = 	snop;
	(pc) =	sbr.ind lr, $3  }
0x3a: {  	_ = 	snop  }
0x3b: {  	_ = 	snop  }
0x3c: {  	p2 =	seq.s32 s10, $0x1;
	s10 =	sld [smem:$0x3FBA]  }
0x3d: {  	_ =	shalt  }
0x3e: {  	_ =	shalt  }
0x3f: {  	_ =	shalt  }
0x40: {  	_ =	shalt  }
0x41: {  	_ =	shalt  }
0x42: {  	_ =	shalt  }
0x43: {  	_ =	shalt  }
0x44: {  	_ =	shalt  }
0x45: {  	_ =	shalt  }
0x46: {  	_ =	shalt  }
0x47: {  	_ =	shalt  }
0x48: {  	_ =	shalt  }
0x49: {  	_ =	shalt  }
0x4a: {  	_ =	shalt  }
0x4b: {  	_ =	shalt  }
0x4c: {  	_ =	shalt  }
0x4d: {  	_ =	shalt  }
0x4e: {  	_ =	shalt  }
0x4f: {  	_ =	shalt  }
0x50: {  	_ =	shalt  }
0x51: {  	_ =	shalt  }
0x52: {  	_ =	shalt  }
0x53: {  	_ =	shalt  }
0x54: {  	_ =	shalt  }
0x55: {  	_ =	shalt  }
0x56: {  	_ =	shalt  }
0x57: {  	_ =	shalt  }
0x58: {  	_ =	shalt  }
0x59: {  	_ =	shalt  }
0x5a: {  	_ =	shalt  }
0x5b: {  	_ =	shalt  }
0x5c: {  	_ =	shalt  }
0x5d: {  	_ =	shalt  }
0x5e: {  	_ =	shalt  }
0x5f: {  	_ =	shalt  }
0x60: {  	_ =	shalt  }
0x61: {  	_ =	shalt  }
0x62: {  	_ =	shalt  }
0x63: {  	_ =	shalt  }
0x64: {  	_ =	shalt  }
0x65: {  	_ =	shalt  }
0x66: {  	_ =	shalt  }
0x67: {  	_ =	shalt  }
0x68: {  	_ =	shalt  }
0x69: {  	_ =	shalt  }
0x6a: {  	_ =	shalt  }
0x6b: {  	_ =	shalt  }
0x6c: {  	_ =	shalt  }
0x6d: {  	_ =	shalt  }
0x6e: {  	_ =	shalt  }
0x6f: {  	_ =	shalt  }
0x70: {  	_ =	shalt  }
0x71: {  	_ =	shalt  }
0x72: {  	_ =	shalt  }
0x73: {  	_ =	shalt  }
0x74: {  	_ =	shalt  }
0x75: {  	_ =	shalt  }
0x76: {  	_ =	shalt  }
0x77: {  	_ =	shalt  }
0x78: {  	_ =	shalt  }
0x79: {  	_ =	shalt  }
0x7a: {  	_ =	shalt  }
0x7b: {  	_ =	shalt  }
0x7c: {  	_ =	shalt  }
0x7d: {  	_ =	shalt  }
0x7e: {  	_ =	shalt  }
0x7f: {  	_ =	shalt  }
0x80: {  	_ =	shalt  }
0x81: {  	_ =	shalt  }
0x82: {  	_ =	shalt  }
0x83: {  	_ =	shalt  }
0x84: {  	_ =	shalt  }
0x85: {  	_ =	shalt  }
0x86: {  	_ =	shalt  }
0x87: {  	_ =	shalt  }
.Lfunc_end0:
.L_simem_size_0:
called_computation.4_lowered:
.L_overlay_start_0:
0x88: {  	s2 =	sld [smem:$0x3FD9]  }
0x89: {  	s3 =	sld [smem:$0x3FFE];
	_ =	sdelay $0x1  }
0x8a: {  	s1 =	srdreg.scid  }
0x8b: {  	s0 =	sand.u32 $0x1, s1  }
0x8c: {  	s17 =	sshll.u32 s0, $0xA;
	s2 =	sadd.s32 s3, s2  }
0x8d: {  	s2 =	sadd.s32 s2, s17  }
0x8e: {  	[smem:$0x3FC6] =	sst s2  }
0x8f: {  	_ = 	snop  }
0x90: {  	s18 =	sld [smem:$0x3FC8];
	(tm) =	ssettm $0x1  }
0x91: {  	s19 =	sld [smem:$0x3FFB];
	_ =	sdelay $0x3  }
0x92: {  	_ =	strace s19  }
0x93: {  	s2 =	sld [smem:$0x3FFC];
	_ =	sdelay $0x3  }
0x94: {  	_ =	strace s2  }
0x95: {  	s2 =	sld [smem:$0x3FFD];
	_ =	sdelay $0x3  }
0x96: {  	_ =	strace s2  }
0x97: {  	_ =	strace $0x8FFFFFFF  }
0x98: {  	s20 =	sld [smem:$0x3FDB];
	_ =	sdelay $0x1  }
0x99: {  	s4 =	simm.s32 $_scs_section_size  }
0x9a: {  	s5 =	simm.s32 $_size__tile_overlayer_lowered;
	s6 =	simm.s32 $_tile_overlayer_lowered  }
0x9b: {  	s7 =	simm.s32 $0x1BFF;
	s21 =	sshll.u32 s6, $0x1;
	s4 =	sadd.s32 s4, s20  }
0x9c: {  	s22 =	simm.s32 $0x0;
	s5 =	sshll.u32 s5, $0x1;
	s6 =	sadd.s32 s21, s4  }
0x9d: {  	[timem:s22], [sflag:s7] =	dma.local [hbm:s6], s5  }
0x9e: {  	_ =	swait.ge [sflag:s7], s5  }
0x9f: {  	s5 =	ssub.s32 $0x0, s5;
	[sflag:s7] =	ssyncset.done $0x0  }
0xa0: {  	[sflag:s7] =	ssyncadd.s32 s5;
	_ =	sdelay $0x1  }
0xa1: {  	s23 =	simm.s32 $0x1B8B  }
0xa2: {  	_ =	swait.ge [sflag:s23], $0x1  }
0xa3: {  	[sflag:s23] =	ssyncset.done $0x0  }
0xa4: {  	[sflag:s23] =	ssyncadd.s32 $0xFFFFFFFF  }
0xa5: {  	s5 =	sld [smem:$0x0]  }
0xa6: {  	s6 =	sand.u32 $0xFFFFFFFE, s1  }
0xa7: {  	p0 =	sne.s32 s1, s6  }
0xa8: {  	s6 =	sshll.u32 @p0 s6, $0xE  }
0xa9: {  	s6 =	sadd.s32 @p0 $0x11B8D, s6;
	s7 =	sshll.u32 @p0 s5, $0x11  }
0xaa: {  	s6 =	sor.u32 @p0 s7, s6  }
0xab: {  	[sflag:s6] =	ssyncadd.remote.s32 @p0 $0x1;
	_ =	sdelay $0x1  }
0xac: {  	s6 =	simm.s32 @p0 $0x1B8D  }
0xad: {  	_ =	swait.eq @p0 [sflag:s6], $0x1  }
0xae: {  	[sflag:s6] =	ssyncadd.s32 @p0 $0xFFFFFFFF  }
0xaf: {  	s7 =	sshll.u32 @!p0 s1, $0xE  }
0xb0: {  	s7 =	sor.u32 @!p0 $0x4000, s7;
	s6 =	simm.s32 @!p0 $0x1B8D  }
0xb1: {  	s5 =	sshll.u32 @!p0 s5, $0x11;
	s7 =	sadd.s32 @!p0 $0x11B8D, s7;
	_ =	swait.eq @!p0 [sflag:s6], $0x1  }
0xb2: {  	s5 =	sor.u32 @!p0 s5, s7;
	[sflag:s6] =	ssyncadd.s32 @!p0 $0xFFFFFFFF  }
0xb3: {  	s25 =	simm.s32 $0x1B8E;
	s24 =	sld [smem:$0x3FFE];
	[sflag:s5] =	ssyncadd.remote.s32 @!p0 $0x1  }
0xb4: {  	s26 =	simm.s32 $execute0_lowered;
	[smem:$0x3FD2] =	sst s25  }
0xb5: {  	s6 =	sshll.u32 s26, $0x1;
	_ =	strace $0x8000004C;
	[dreg:$0x1] =	wrdreg $0xFFFFFFFF  }
0xb6: {  	s28 =	simm.s32 $_size_execute0_lowered;
	s4 =	sadd.s32 s4, s6;
	[dreg:$0x0] =	wrdreg $0x0  }
0xb7: {  	s6 =	sshll.u32 s28, $0x1;
	[dreg:$0x2] =	wrdreg s4  }
0xb8: {  	[dreg:$0x3] =	wrdreg s6  }
0xb9: {  	[dreg:$0x4] =	wrdreg $0xC0  }
0xba: {  	_ =	task [dreg:s22], $0x5FFFF  }
0xbb: {  	[dreg:$0x1] =	wrdreg $0xFFFFFFFF  }
0xbc: {  	[dreg:$0x0] =	wrdreg $0x60  }
0xbd: {  	[dreg:$0x2] =	wrdreg s24  }
0xbe: {  	[dreg:$0x3] =	wrdreg s18  }
0xbf: {  	[dreg:$0x4] =	wrdreg $0xC  }
0xc0: {  	_ =	task.clear_ibuf [dreg:s22], $0x5FFFF;
	_ =	strace $0x9000004C  }
0xc1: {  	s29 =	simm.s32 $0xC;
	_ =	strace $0x8000004E  }
0xc2: {  	_ =	swait.ge [sflag:s29], $0x1  }
0xc3: {  	[sflag:s29] =	ssyncadd.s32 $0xFFFFFFFF  }
0xc4: {  	_ =	strace $0x9000004E  }
0xc5: {  	_ =	sfence  }
0xc6: {  	s30 =	sld [smem:$0x0];
	_ =	sdelay $0x2  }
0xc7: {  	s31 =	sshll.u32 s1, $0xD;
	s1 =	sshrl.u32 s1, $0x2  }
0xc8: {  	s4 =	sand.u32 $0x4000, s31;
	s1 =	sadd.s32 s1, s30  }
0xc9: {  	s0 =	sor.u32 s4, s0;
	s1 =	sshll.u32 s1, $0x11  }
0xca: {  	s0 =	sor.u32 s1, s0  }
0xcb: {  	s0 =	sadd.s32 $0x8F2B, s0  }
0xcc: {  	[sflag:s0] =	ssyncadd.remote.s32 $0x1  }
0xcd: {  	_ =	sfence.sel $0xFFFF  }
0xce: {  	[dreg:$0x0] =	wrdreg $0xFFFFFFFF;
	(pc) =	sbr.abs _section_cstart, $3  }
0xcf: {  	[dreg:$0x1] =	wrdreg $0xFFFFFFFF  }
0xd0: {  	_ =	task.clear_ibuf [dreg:s22], $0x2FFFF;
	_ =	strace $0x9FFFFFFF  }
0xd1: {  	(tm) =	ssettm $0x7FFFFFFF  }
tec
execute0_lowered:
.L_overlay_start_1:
0x0: {  	(tag) =	ssettag $0x1  }
0x1: {  	s0 =	rddreg [dreg:$0x0]  }
0x2: {  	s1 =	srdreg.scid;
	s10 =	stileid.u32  }
0x3: {  	s2 =	rddreg [dreg:$0x1];
	s3 =	simm.s32 $0x0;
	s14 =	simm.s32 $0x9  }
0x4: {  	s15 =	simm.s32 $0x64;
	s28 =	simm.s32 $0x3;
	s29 =	simm.s32 $0xA100  }
0x5: {  	s30 =	simm.s32 $0x4;
	s31 =	simm.s32 $0xD500;
	s8 =	smul.u32 $0x1C0000, s10  }
0x6: {  	s1 =	sand.u32 $0x1, s1;
	s4 =	sshll.u32 s10, $0x1;
	s13 =	smul.u32 $0x38000, s10  }
0x7: {  	[smem:$0x7FF] =	sst s3;
	s4 =	sor.u32 s1, s4;
	s9 =	smul.u32 $0xE0000, s1  }
0x8: {  	_ =	strace $0x8000004D;
	s6 =	ssub.s32 $0x2, s1;
	s1 =	smul.u32 $0x1C000, s1  }
0x9: {  	s5 =	sshll.u32 s4, $0xA;
	s4 =	smul.u32 $0xE0000, s4;
	s7 =	sshrl.u32 s6, $0x1  }
0xa: {  	s5 =	sadd.s32 s5, s0;
	s0 =	sadd.s32 $0x71FC00, s0;
	s6 =	ssub.s32 s6, s7  }
0xb: {  	s19 =	sadd.s32 s9, s8;
	s4 =	sshrl.u32 s4, $0x3;
	s5 =	sadd.s32 $0x1C00, s5  }
0xc: {  	s11 =	sor.u32 $0xC400, s19;
	s23 =	sadd.s32 s13, s0;
	s24 =	sor.u32 $0x8C00, s19  }
0xd: {  	s13 =	smax.u32 s6, $0x1;
	s4 =	sadd.s32 s0, s4;
	[dreg:$0x7] =	wrdreg s5  }
0xe: {  	s12 =	sshrl.u32 s11, $0x3;
	s1 =	sadd.s32 s1, s23;
	s25 =	sshrl.u32 s24, $0x3  }
0xf: {  	s5 =	sor.u32 $0x5400, s19;
	s16 =	sadd.s32 $0x1A400, s4;
	[dreg:$0x4] =	wrdreg s1  }
0x10: {  	s23 =	simm.s32 $0x1;
	s17 =	sadd.s32 $0x1A780, s4;
	[dreg:$0x8] =	wrdreg s16  }
0x11: {  	s24 =	simm.s32 $0x3900;
	s18 =	sadd.s32 $0x1AB00, s4;
	[dreg:$0x9] =	wrdreg s17  }
0x12: {  	s19 =	simm.s32 $0x8;
	s20 =	sadd.s32 $0x1AE80, s4;
	[dreg:$0xa] =	wrdreg s18  }
0x13: {  	s21 =	sadd.s32 $0x1B200, s4;
	s22 =	sadd.s32 $0x1B580, s4;
	[dreg:$0xb] =	wrdreg s20  }
0x14: {  	s11 =	sadd.s32 $0x1B900, s4;
	s12 =	sadd.s32 s12, s0;
	[dreg:$0xc] =	wrdreg s21  }
0x15: {  	s26 =	sadd.s32 s25, s0;
	s5 =	sshrl.u32 s5, $0x3;
	[dreg:$0xd] =	wrdreg s22  }
0x16: {  	s25 =	simm.s32 $0x2;
	s1 =	simm.s32 $0x5;
	[dreg:$0x3] =	wrdreg s12  }
0x17: {  	s12 =	sadd.s32 $0x1BC80, s4;
	[dreg:$0x5] =	wrdreg s26;
	s0 =	sadd.s32 s5, s0  }
0x18: {  	s16 =	simm.s32 $0x2000;
	s18 =	simm.s32 $0x5400;
	s20 =	simm.s32 $0x8800  }
0x19: {  	s22 =	simm.s32 $0xBC00;
	s26 =	simm.s32 $0x6D00;
	s17 =	simm.s32 $0x7  }
0x1a: {  	s21 =	simm.s32 $0x0;
	[dreg:$0x6] =	wrdreg s0;
	s0 =	simm.s32 $0x6  }
.LBB2_1:
0x1b: {  	s4 =	rddreg [dreg:$0x7]  }
0x1c: {  	[tilespmem:s3], [sflag:$0x9] =	stream.linear.gather [hbm4b:s4+s3], $0x2000, $0x38;
	[tilespmem:$0xF000] =	vst v63  }
0x1d: {  	_ =	swait.ge [sflag:s14], $0x2000  }
0x1e: {  	[sflag:s14] =	ssyncset.done $0x0  }
0x1f: {  	[sflag:s14] =	ssyncadd.s32 $0xFFFFE000  }
0x20: {  	[tilespmem:s16], [sflag:$0x1] =	stream.indirect.gather [hbm4b:s2+s15], $0x80, s3, s15, $0xb8;
	[tilespmem:$0xF000] =	vst v63  }
0x21: {  	s10 =	simm.s32 $0x80  }
0x22: {  	[tilespmem:s18], [sflag:$0x2] =	stream.indirect.gather [hbm4b:s2+s15], $0x80, s10, s15, $0xb8;
	[tilespmem:$0xF000] =	vst v63  }
0x23: {  	s5 =	simm.s32 $0x100  }
0x24: {  	[tilespmem:s20], [sflag:$0x3] =	stream.indirect.gather [hbm4b:s2+s15], $0x80, s5, s15, $0xb8;
	[tilespmem:$0xF000] =	vst v63  }
0x25: {  	s6 =	simm.s32 $0x180  }
0x26: {  	[tilespmem:s22], [sflag:$0x4] =	stream.indirect.gather [hbm4b:s2+s15], $0x80, s6, s15, $0xb8;
	[tilespmem:$0xF000] =	vst v63  }
0x27: {  	_ =	swait.ge [sflag:s23], $0x3200  }
0x28: {  	s7 =	rddreg [dreg:$0x4];
	[sflag:s23] =	ssyncset.done $0x0  }
0x29: {  	[sflag:s23] =	ssyncadd.s32 $0xFFFFCE00;
	s4 =	sadd.s32 $0x0, s7  }
0x2a: {  	[hbm4b:s4+s3] =	stream.linear.scatter [tilespmem:s16], [sflag:$0x5], $0x1900, $0x38;
	[tilespmem:$0xF000] =	vst v63  }
0x2b: {  	s5 =	sadd.s32 $0x380, s4  }
0x2c: {  	[hbm4b:s5+s3] =	stream.linear.scatter [tilespmem:s24], [sflag:$0x5], $0x1900, $0x38;
	[tilespmem:$0xF000] =	vst v63  }
0x2d: {  	_ =	swait.ge [sflag:s25], $0x3200  }
0x2e: {  	[sflag:s25] =	ssyncset.done $0x0  }
0x2f: {  	s6 =	sadd.s32 $0x700, s4;
	s8 =	rddreg [dreg:$0x6];
	[sflag:s25] =	ssyncadd.s32 $0xFFFFCE00  }
0x30: {  	[hbm4b:s6+s3] =	stream.linear.scatter [tilespmem:s18], [sflag:$0x6], $0x1900, $0x38;
	[tilespmem:$0xF000] =	vst v63  }
0x31: {  	s5 =	sadd.s32 $0x0, s8  }
0x32: {  	[hbm4b:s5+s3] =	stream.linear.scatter [tilespmem:s26], [sflag:$0x6], $0x1900, $0x38;
	[tilespmem:$0xF000] =	vst v63  }
0x33: {  	_ =	swait.ge [sflag:s28], $0x3200  }
0x34: {  	[sflag:s28] =	ssyncset.done $0x0  }
0x35: {  	s10 =	sadd.s32 $0xE00, s4;
	s9 =	rddreg [dreg:$0x5];
	[sflag:s28] =	ssyncadd.s32 $0xFFFFCE00  }
0x36: {  	[hbm4b:s10+s3] =	stream.linear.scatter [tilespmem:s20], [sflag:$0x7], $0x1900, $0x38;
	[tilespmem:$0xF000] =	vst v63  }
0x37: {  	s5 =	sadd.s32 $0x0, s9  }
0x38: {  	[hbm4b:s5+s3] =	stream.linear.scatter [tilespmem:s29], [sflag:$0x7], $0x1900, $0x38;
	[tilespmem:$0xF000] =	vst v63  }
0x39: {  	_ =	swait.ge [sflag:s30], $0x3200  }
0x3a: {  	[sflag:s30] =	ssyncset.done $0x0  }
0x3b: {  	s4 =	sadd.s32 $0x1500, s4;
	s6 =	rddreg [dreg:$0x3];
	[sflag:s30] =	ssyncadd.s32 $0xFFFFCE00  }
0x3c: {  	[hbm4b:s4+s3] =	stream.linear.scatter [tilespmem:s22], [sflag:$0x8], $0x1900, $0x38;
	[tilespmem:$0xF000] =	vst v63  }
0x3d: {  	s7 =	sadd.s32 $0x0, s6  }
0x3e: {  	[hbm4b:s7+s3] =	stream.linear.scatter [tilespmem:s31], [sflag:$0x8], $0x1900, $0x38;
	[tilespmem:$0xF000] =	vst v63  }
0x3f: {  	_ =	swait.ge [sflag:s1], $0x1900  }
0x40: {  	[sflag:s1] =	ssyncset.done $0x0  }
0x41: {  	[sflag:s1] =	ssyncadd.s32 $0xFFFFE700  }
0x42: {  	_ =	swait.ge [sflag:s1], $0x1900  }
0x43: {  	[sflag:s1] =	ssyncset.done $0x0  }
0x44: {  	s8 =	simm.s32 $0x200;
	[sflag:s1] =	ssyncadd.s32 $0xFFFFE700  }
0x45: {  	[tilespmem:s16], [sflag:$0x1] =	stream.indirect.gather [hbm4b:s2+s15], $0x80, s8, s15, $0xb8;
	[tilespmem:$0xF000] =	vst v63  }
0x46: {  	_ =	swait.ge [sflag:s0], $0x1900  }
0x47: {  	[sflag:s0] =	ssyncset.done $0x0  }
0x48: {  	[sflag:s0] =	ssyncadd.s32 $0xFFFFE700  }
0x49: {  	_ =	swait.ge [sflag:s0], $0x1900  }
0x4a: {  	[sflag:s0] =	ssyncset.done $0x0  }
0x4b: {  	s9 =	simm.s32 $0x280;
	[sflag:s0] =	ssyncadd.s32 $0xFFFFE700  }
0x4c: {  	[tilespmem:s18], [sflag:$0x2] =	stream.indirect.gather [hbm4b:s2+s15], $0x80, s9, s15, $0xb8;
	[tilespmem:$0xF000] =	vst v63  }
0x4d: {  	_ =	swait.ge [sflag:s17], $0x1900  }
0x4e: {  	[sflag:s17] =	ssyncset.done $0x0  }
0x4f: {  	[sflag:s17] =	ssyncadd.s32 $0xFFFFE700  }
0x50: {  	_ =	swait.ge [sflag:s17], $0x1900  }
0x51: {  	[sflag:s17] =	ssyncset.done $0x0  }
0x52: {  	s10 =	simm.s32 $0x300;
	[sflag:s17] =	ssyncadd.s32 $0xFFFFE700  }
0x53: {  	[tilespmem:s20], [sflag:$0x3] =	stream.indirect.gather [hbm4b:s2+s15], $0x80, s10, s15, $0xb8;
	[tilespmem:$0xF000] =	vst v63  }
0x54: {  	_ =	swait.ge [sflag:s19], $0x1900  }
0x55: {  	[sflag:s19] =	ssyncset.done $0x0  }
0x56: {  	[sflag:s19] =	ssyncadd.s32 $0xFFFFE700  }
0x57: {  	_ =	swait.ge [sflag:s19], $0x1900  }
0x58: {  	s5 =	simm.s32 $0x1C00;
	[sflag:s19] =	ssyncset.done $0x0  }
0x59: {  	s6 =	simm.s32 $0x580;
	s4 =	simm.s32 $0x380;
	[sflag:s19] =	ssyncadd.s32 $0xFFFFE700  }
.LBB2_2:
0x5a: {  	[tilespmem:s22], [sflag:$0x4] =	stream.indirect.gather [hbm4b:s2+s15], $0x80, s4, s15, $0xb8;
	[tilespmem:$0xF000] =	vst v63  }
0x5b: {  	_ =	swait.ge [sflag:s23], $0x3200  }
0x5c: {  	s7 =	smov.u32 s5;
	s8 =	rddreg [dreg:$0x4];
	[sflag:s23] =	ssyncset.done $0x0  }
0x5d: {  	[sflag:s23] =	ssyncadd.s32 $0xFFFFCE00;
	s8 =	sadd.s32 s7, s8  }
0x5e: {  	[hbm4b:s8+s3] =	stream.linear.scatter [tilespmem:s16], [sflag:$0x5], $0x1900, $0x38;
	[tilespmem:$0xF000] =	vst v63  }
0x5f: {  	s9 =	sadd.s32 $0x380, s8  }
0x60: {  	[hbm4b:s9+s3] =	stream.linear.scatter [tilespmem:s24], [sflag:$0x5], $0x1900, $0x38;
	[tilespmem:$0xF000] =	vst v63  }
0x61: {  	_ =	swait.ge [sflag:s25], $0x3200  }
0x62: {  	[sflag:s25] =	ssyncset.done $0x0  }
0x63: {  	s10 =	sadd.s32 $0x700, s8;
	s9 =	rddreg [dreg:$0x6];
	[sflag:s25] =	ssyncadd.s32 $0xFFFFCE00  }
0x64: {  	[hbm4b:s10+s3] =	stream.linear.scatter [tilespmem:s18], [sflag:$0x6], $0x1900, $0x38;
	[tilespmem:$0xF000] =	vst v63  }
0x65: {  	s9 =	sadd.s32 s7, s9  }
0x66: {  	[hbm4b:s9+s3] =	stream.linear.scatter [tilespmem:s26], [sflag:$0x6], $0x1900, $0x38;
	[tilespmem:$0xF000] =	vst v63  }
0x67: {  	_ =	swait.ge [sflag:s28], $0x3200  }
0x68: {  	[sflag:s28] =	ssyncset.done $0x0  }
0x69: {  	s10 =	sadd.s32 $0xE00, s8;
	s9 =	rddreg [dreg:$0x5];
	[sflag:s28] =	ssyncadd.s32 $0xFFFFCE00  }
0x6a: {  	[hbm4b:s10+s3] =	stream.linear.scatter [tilespmem:s20], [sflag:$0x7], $0x1900, $0x38;
	[tilespmem:$0xF000] =	vst v63  }
0x6b: {  	s9 =	sadd.s32 s7, s9  }
0x6c: {  	[hbm4b:s9+s3] =	stream.linear.scatter [tilespmem:s29], [sflag:$0x7], $0x1900, $0x38;
	[tilespmem:$0xF000] =	vst v63  }
0x6d: {  	_ =	swait.ge [sflag:s30], $0x3200  }
0x6e: {  	[sflag:s30] =	ssyncset.done $0x0  }
0x6f: {  	s8 =	sadd.s32 $0x1500, s8;
	s10 =	rddreg [dreg:$0x3];
	[sflag:s30] =	ssyncadd.s32 $0xFFFFCE00  }
0x70: {  	[hbm4b:s8+s3] =	stream.linear.scatter [tilespmem:s22], [sflag:$0x8], $0x1900, $0x38;
	[tilespmem:$0xF000] =	vst v63  }
0x71: {  	s7 =	sadd.s32 s7, s10  }
0x72: {  	[hbm4b:s7+s3] =	stream.linear.scatter [tilespmem:s31], [sflag:$0x8], $0x1900, $0x38;
	[tilespmem:$0xF000] =	vst v63  }
0x73: {  	_ =	swait.ge [sflag:s1], $0x1900  }
0x74: {  	[sflag:s1] =	ssyncset.done $0x0  }
0x75: {  	[sflag:s1] =	ssyncadd.s32 $0xFFFFE700  }
0x76: {  	_ =	swait.ge [sflag:s1], $0x1900  }
0x77: {  	[sflag:s1] =	ssyncset.done $0x0  }
0x78: {  	s8 =	sadd.s32 $0xFFFFFE80, s6;
	[sflag:s1] =	ssyncadd.s32 $0xFFFFE700  }
0x79: {  	[tilespmem:s16], [sflag:$0x1] =	stream.indirect.gather [hbm4b:s2+s15], $0x80, s8, s15, $0xb8;
	[tilespmem:$0xF000] =	vst v63  }
0x7a: {  	_ =	swait.ge [sflag:s0], $0x1900  }
0x7b: {  	[sflag:s0] =	ssyncset.done $0x0  }
0x7c: {  	[sflag:s0] =	ssyncadd.s32 $0xFFFFE700  }
0x7d: {  	_ =	swait.ge [sflag:s0], $0x1900  }
0x7e: {  	[sflag:s0] =	ssyncset.done $0x0  }
0x7f: {  	s9 =	sadd.s32 $0xFFFFFF00, s6;
	[sflag:s0] =	ssyncadd.s32 $0xFFFFE700  }
0x80: {  	[tilespmem:s18], [sflag:$0x2] =	stream.indirect.gather [hbm4b:s2+s15], $0x80, s9, s15, $0xb8;
	[tilespmem:$0xF000] =	vst v63  }
0x81: {  	_ =	swait.ge [sflag:s17], $0x1900  }
0x82: {  	[sflag:s17] =	ssyncset.done $0x0  }
0x83: {  	[sflag:s17] =	ssyncadd.s32 $0xFFFFE700  }
0x84: {  	_ =	swait.ge [sflag:s17], $0x1900  }
0x85: {  	[sflag:s17] =	ssyncset.done $0x0  }
0x86: {  	s10 =	sadd.s32 $0xFFFFFF80, s6;
	[sflag:s17] =	ssyncadd.s32 $0xFFFFE700  }
0x87: {  	[tilespmem:s20], [sflag:$0x3] =	stream.indirect.gather [hbm4b:s2+s15], $0x80, s10, s15, $0xb8;
	[tilespmem:$0xF000] =	vst v63  }
0x88: {  	p0 =	sne.s32 s5, $0x18800;
	_ =	swait.ge [sflag:s19], $0x1900  }
.Ltmp0:
0x89: {  	[sflag:s19] =	ssyncset.done $0x0;
	(pc) =	sbr.rel @p0 .LBB2_2-.Ltmp0, $4  }
0x8a: {  	[sflag:s19] =	ssyncadd.s32 $0xFFFFE700  }
0x8b: {  	_ =	swait.ge [sflag:s19], $0x1900  }
0x8c: {  	s4 =	smov.u32 s6;
	[sflag:s19] =	ssyncset.done $0x0  }
0x8d: {  	s5 =	sadd.s32 $0x1C00, s5;
	s6 =	sadd.s32 $0x200, s6;
	[sflag:s19] =	ssyncadd.s32 $0xFFFFE700  }
0x8e: {  	[tilespmem:s22], [sflag:$0x4] =	stream.indirect.gather [hbm4b:s2+s15], $0x80, s4, s15, $0xb8;
	[tilespmem:$0xF000] =	vst v63  }
0x8f: {  	_ =	swait.ge [sflag:s23], $0x3200  }
0x90: {  	[sflag:s23] =	ssyncset.done $0x0  }
0x91: {  	s5 =	rddreg [dreg:$0x8];
	[sflag:s23] =	ssyncadd.s32 $0xFFFFCE00  }
0x92: {  	[hbm4b:s5+s3] =	stream.linear.scatter [tilespmem:s16], [sflag:$0x5], $0x1900, $0x38;
	[tilespmem:$0xF000] =	vst v63  }
0x93: {  	s6 =	rddreg [dreg:$0x9]  }
0x94: {  	[hbm4b:s6+s3] =	stream.linear.scatter [tilespmem:s24], [sflag:$0x5], $0x1900, $0x38;
	[tilespmem:$0xF000] =	vst v63  }
0x95: {  	_ =	swait.ge [sflag:s25], $0x3200  }
0x96: {  	[sflag:s25] =	ssyncset.done $0x0  }
0x97: {  	s7 =	rddreg [dreg:$0xa];
	[sflag:s25] =	ssyncadd.s32 $0xFFFFCE00  }
0x98: {  	[hbm4b:s7+s3] =	stream.linear.scatter [tilespmem:s18], [sflag:$0x6], $0x1900, $0x38;
	[tilespmem:$0xF000] =	vst v63  }
0x99: {  	s8 =	rddreg [dreg:$0xb]  }
0x9a: {  	[hbm4b:s8+s3] =	stream.linear.scatter [tilespmem:s26], [sflag:$0x6], $0x1900, $0x38;
	[tilespmem:$0xF000] =	vst v63  }
0x9b: {  	_ =	swait.ge [sflag:s28], $0x3200  }
0x9c: {  	[sflag:s28] =	ssyncset.done $0x0  }
0x9d: {  	s9 =	rddreg [dreg:$0xc];
	[sflag:s28] =	ssyncadd.s32 $0xFFFFCE00  }
0x9e: {  	[hbm4b:s9+s3] =	stream.linear.scatter [tilespmem:s20], [sflag:$0x7], $0x1900, $0x38;
	[tilespmem:$0xF000] =	vst v63  }
0x9f: {  	s10 =	rddreg [dreg:$0xd]  }
0xa0: {  	[hbm4b:s10+s3] =	stream.linear.scatter [tilespmem:s29], [sflag:$0x7], $0x1900, $0x38;
	[tilespmem:$0xF000] =	vst v63  }
0xa1: {  	_ =	swait.ge [sflag:s30], $0x3200  }
0xa2: {  	[sflag:s30] =	ssyncset.done $0x0  }
0xa3: {  	[sflag:s30] =	ssyncadd.s32 $0xFFFFCE00  }
0xa4: {  	[hbm4b:s11+s3] =	stream.linear.scatter [tilespmem:s22], [sflag:$0x8], $0x1900, $0x38;
	[tilespmem:$0xF000] =	vst v63  }
0xa5: {  	_ = 	snop  }
0xa6: {  	[hbm4b:s12+s3] =	stream.linear.scatter [tilespmem:s31], [sflag:$0x8], $0x1900, $0x38;
	[tilespmem:$0xF000] =	vst v63  }
0xa7: {  	_ =	swait.ge [sflag:s1], $0x1900  }
0xa8: {  	[sflag:s1] =	ssyncset.done $0x0  }
0xa9: {  	[sflag:s1] =	ssyncadd.s32 $0xFFFFE700  }
0xaa: {  	_ =	swait.ge [sflag:s1], $0x1900  }
0xab: {  	[sflag:s1] =	ssyncset.done $0x0  }
0xac: {  	[sflag:s1] =	ssyncadd.s32 $0xFFFFE700  }
0xad: {  	_ =	swait.ge [sflag:s0], $0x1900  }
0xae: {  	[sflag:s0] =	ssyncset.done $0x0  }
0xaf: {  	[sflag:s0] =	ssyncadd.s32 $0xFFFFE700  }
0xb0: {  	_ =	swait.ge [sflag:s0], $0x1900  }
0xb1: {  	[sflag:s0] =	ssyncset.done $0x0  }
0xb2: {  	[sflag:s0] =	ssyncadd.s32 $0xFFFFE700  }
0xb3: {  	_ =	swait.ge [sflag:s17], $0x1900  }
0xb4: {  	[sflag:s17] =	ssyncset.done $0x0  }
0xb5: {  	[sflag:s17] =	ssyncadd.s32 $0xFFFFE700  }
0xb6: {  	_ =	swait.ge [sflag:s17], $0x1900  }
0xb7: {  	[sflag:s17] =	ssyncset.done $0x0  }
0xb8: {  	s21 =	sadd.s32 $0x1, s21;
	[sflag:s17] =	ssyncadd.s32 $0xFFFFE700  }
0xb9: {  	p0 =	sne.s32 s21, s13;
	_ =	swait.ge [sflag:s19], $0x1900  }
.Ltmp1:
0xba: {  	[sflag:s19] =	ssyncset.done $0x0;
	(pc) =	sbr.rel @p0 .LBB2_1-.Ltmp1, $4  }
0xbb: {  	[sflag:s19] =	ssyncadd.s32 $0xFFFFE700  }
0xbc: {  	_ =	swait.ge [sflag:s19], $0x1900  }
0xbd: {  	[sflag:s19] =	ssyncset.done $0x0  }
0xbe: {  	[sflag:s19] =	ssyncadd.s32 $0xFFFFE700  }
0xbf: {  	_ =	sfence.sel $0x180000  }
0xc0: {  	[bflag:$0x0] =	sbarrier.arrive $0xFFFF  }
0xc1: {  	_ =	strace $0x9000004D  }
0xc2: {  	s0 =	stileid.u32;
	[bflag:$0x2] =	sbarrier.arrive $0xFFFF  }
0xc3: {  	p0 =	sne.s32 s0, $0x0;
	s0 =	rddreg [dreg:$0x2]  }
0xc4: {  	s0 =	sadd.s32 @!p0 $0x100000, s0  }
0xc5: {  	[sflag:s0] =	ssyncadd.tile.s32 @!p0 $0x1;
	_ =	shalt  }
.Lfunc_end2:
_tile_overlayer_lowered:
.L_overlay_start_2:
0xc6: {  	(tag) =	ssettag $0x2  }
0xc7: {  	s0 =	rddreg [dreg:$0x0];
	s2 =	stileid.u32  }
0xc8: {  	s1 =	rddreg [dreg:$0x1];
	p0 =	sne.s32 s2, $0x0  }
0xc9: {  	s3 =	rddreg [dreg:$0x2];
	[bflag:$0x3] =	sbarrier.arrive $0xFFFF;
	s2 =	simm.s32 @!p0 $0x1C09  }
0xca: {  	[timem:s3], [sflag:s2] =	dma.local @!p0 [hbm:s0], s1  }
0xcb: {  	s0 =	simm.s32 @!p0 $0x9  }
0xcc: {  	_ =	swait.ge @!p0 [sflag:s0], s1  }
0xcd: {  	s1 =	ssub.s32 @!p0 $0x0, s1;
	[sflag:s0] =	ssyncset.done @!p0 $0x0  }
0xce: {  	[sflag:s0] =	ssyncadd.s32 @!p0 s1  }
0xcf: {  	[bflag:$0x3] =	sbarrier.arrive $0xFFFF  }
0xd0: {  	_ =	shalt  }

// kernel: kernel.6.cloned.1.call-start
scs
__scs_entry_jumppad:
0x0: {  	(pc) =	sbr.rel $0x88, $3  }
0x1: {  	(tag) =	ssettag $0x0;
	lr =	simm.s32 $0x1  }
0x2: {  	[smem:$0x3F9F] =	sst lr;
	_ =	strace $0xD0000000  }
0x3: {  	_ = 	snop  }
0x4: {  	_ = 	snop  }
0x5: {  	_ = 	snop  }
0x6: {  	_ = 	snop  }
0x7: {  	_ = 	snop  }
__scs_overlays_trampoline_lowered:
0x8: {  	[smem:$0x3FAE] =	sst s0  }
0x9: {  	[smem:$0x3FAF] =	sst s1  }
0xa: {  	[smem:$0x3FB0] =	sst s2  }
0xb: {  	[smem:$0x3FB1] =	sst s3  }
0xc: {  	[smem:$0x3FB2] =	sst s4  }
0xd: {  	[smem:$0x3FB3] =	sst s5  }
0xe: {  	[smem:$0x3FB4] =	sst s6  }
0xf: {  	[smem:$0x3FB5] =	sst s7  }
0x10: {  	[smem:$0x3FB6] =	sst s8  }
0x11: {  	[smem:$0x3FB7] =	sst s9;
	s0 =	simm.s32 @!p0 $0x0  }
0x12: {  	s1 =	sld [smem:$0x3F9D];
	s0 =	simm.s32 @p0 $0x1  }
0x13: {  	[smem:$0x3FB8] =	sst s0;
	s0 =	simm.s32 @!p1 $0x0  }
0x14: {  	s2 =	sld [smem:$0x3F9C];
	s0 =	simm.s32 @p1 $0x1  }
0x15: {  	[smem:$0x3FB9] =	sst s0;
	s0 =	simm.s32 @!p2 $0x0  }
0x16: {  	s3 =	sld [smem:$0x3FDB];
	s0 =	simm.s32 @p2 $0x1  }
0x17: {  	s4 =	simm.s32 $0x1BF5;
	[smem:$0x3FBB] =	sst s0  }
0x18: {  	s0 =	sld [smem:$0x3F9E];
	_ =	swait.ge [sflag:s4], $0x0  }
0x19: {  	s7 =	sld [smem:$0x3F9F]  }
0x1a: {  	s8 =	sadd.s32 $0xFFFFE003, lr  }
0x1b: {  	s9 =	sadd.s32 $0xFFFFFEF7, lr;
	s5 =	simm.s32 $0xFFFFFFFF;
	p2 =	slt.u32 s8, $0xFFFFF086  }
0x1c: {  	p1 =	slt.u32 s9, $0xF7A;
	s5 =	simm.s32 @!p2 $0x0  }
0x1d: {  	s5 =	simm.s32 @p1 $0x1;
	p0 =	seq.s32 s7, s2  }
0x1e: {  	s7 =	smul.u32 @!p0 $0xF7A, s2;
	p2 =	seq.s32 @!p0 s5, $0x0  }
0x1f: {  	s9 =	smul.u32 $0xF7A, s1;
	s8 =	simm.s32 @!p0 $0x1BF5;
	p2 =	por !p2, p0  }
0x20: {  	[sflag:s8] =	ssyncset.s32 @!p0 $0xFFFFF086;
	s6 =	sadd.s32 @!p0 s3, s7;
	s7 =	simm.s32 @!p0 $0x108  }
0x21: {  	s3 =	sadd.s32 s3, s9;
	s6 =	sadd.s32 @!p0 $0x88, s6;
	s7 =	simm.s32 @p2 $0x1082  }
0x22: {  	[simem:s7], [sflag:s8] =	dma.local @!p0 [hbm:s6], $0xF7A  }
0x23: {  	s9 =	sor.u32 $0xD0000000, s2;
	s6 =	simm.s32 $0x108;
	_ =	swait.ge @!p0 [sflag:s8], $0x0  }
0x24: {  	s3 =	sadd.s32 $0x88, s3;
	s6 =	simm.s32 @!p1 $0x1082;
	[sflag:s4] =	ssyncset.s32 $0xFFFFF086  }
0x25: {  	[simem:s6], [sflag:s4] =	dma.local [hbm:s3], $0xF7A  }
0x26: {  	[smem:$0x3F9F] =	sst s1;
	(tag) =	ssettag s2;
	_ =	strace s9  }
0x27: {  	s1 =	sld [smem:$0x3FAF]  }
0x28: {  	s2 =	sld [smem:$0x3FB0]  }
0x29: {  	s4 =	sld [smem:$0x3FB2]  }
0x2a: {  	p0 =	seq.s32 s5, $0x0;
	s5 =	sld [smem:$0x3FB3]  }
0x2b: {  	s6 =	sld [smem:$0x3FB4]  }
0x2c: {  	s7 =	sld [smem:$0x3FB5]  }
0x2d: {  	s3 =	simm.s32 $0x108;
	s8 =	sld [smem:$0x3FB6]  }
0x2e: {  	s3 =	simm.s32 @!p0 $0x1082;
	s9 =	sld [smem:$0x3FB7]  }
0x2f: {  	lr =	sadd.s32 s0, s3;
	s0 =	sld [smem:$0x3FAE]  }
0x30: {  	s3 =	sld [smem:$0x3FB1]  }
0x31: {  	[smem:$0x3FBA] =	sst s10  }
0x32: {  	s10 =	sld [smem:$0x3FB8];
	_ =	sdelay $0x3  }
0x33: {  	p0 =	seq.s32 s10, $0x1;
	s10 =	sld [smem:$0x3FBA];
	_ =	sdelay $0x3  }
0x34: {  	[smem:$0x3FBA] =	sst s10  }
0x35: {  	s10 =	sld [smem:$0x3FB9];
	_ =	sdelay $0x3  }
0x36: {  	p1 =	seq.s32 s10, $0x1;
	s10 =	sld [smem:$0x3FBA];
	_ =	sdelay $0x3  }
0x37: {  	[smem:$0x3FBA] =	sst s10  }
0x38: {  	s10 =	sld [smem:$0x3FBB]  }
0x39: {  	_ = 	snop;
	(pc) =	sbr.ind lr, $3  }
0x3a: {  	_ = 	snop  }
0x3b: {  	_ = 	snop  }
0x3c: {  	p2 =	seq.s32 s10, $0x1;
	s10 =	sld [smem:$0x3FBA]  }
0x3d: {  	_ =	shalt  }
0x3e: {  	_ =	shalt  }
0x3f: {  	_ =	shalt  }
0x40: {  	_ =	shalt  }
0x41: {  	_ =	shalt  }
0x42: {  	_ =	shalt  }
0x43: {  	_ =	shalt  }
0x44: {  	_ =	shalt  }
0x45: {  	_ =	shalt  }
0x46: {  	_ =	shalt  }
0x47: {  	_ =	shalt  }
0x48: {  	_ =	shalt  }
0x49: {  	_ =	shalt  }
0x4a: {  	_ =	shalt  }
0x4b: {  	_ =	shalt  }
0x4c: {  	_ =	shalt  }
0x4d: {  	_ =	shalt  }
0x4e: {  	_ =	shalt  }
0x4f: {  	_ =	shalt  }
0x50: {  	_ =	shalt  }
0x51: {  	_ =	shalt  }
0x52: {  	_ =	shalt  }
0x53: {  	_ =	shalt  }
0x54: {  	_ =	shalt  }
0x55: {  	_ =	shalt  }
0x56: {  	_ =	shalt  }
0x57: {  	_ =	shalt  }
0x58: {  	_ =	shalt  }
0x59: {  	_ =	shalt  }
0x5a: {  	_ =	shalt  }
0x5b: {  	_ =	shalt  }
0x5c: {  	_ =	shalt  }
0x5d: {  	_ =	shalt  }
0x5e: {  	_ =	shalt  }
0x5f: {  	_ =	shalt  }
0x60: {  	_ =	shalt  }
0x61: {  	_ =	shalt  }
0x62: {  	_ =	shalt  }
0x63: {  	_ =	shalt  }
0x64: {  	_ =	shalt  }
0x65: {  	_ =	shalt  }
0x66: {  	_ =	shalt  }
0x67: {  	_ =	shalt  }
0x68: {  	_ =	shalt  }
0x69: {  	_ =	shalt  }
0x6a: {  	_ =	shalt  }
0x6b: {  	_ =	shalt  }
0x6c: {  	_ =	shalt  }
0x6d: {  	_ =	shalt  }
0x6e: {  	_ =	shalt  }
0x6f: {  	_ =	shalt  }
0x70: {  	_ =	shalt  }
0x71: {  	_ =	shalt  }
0x72: {  	_ =	shalt  }
0x73: {  	_ =	shalt  }
0x74: {  	_ =	shalt  }
0x75: {  	_ =	shalt  }
0x76: {  	_ =	shalt  }
0x77: {  	_ =	shalt  }
0x78: {  	_ =	shalt  }
0x79: {  	_ =	shalt  }
0x7a: {  	_ =	shalt  }
0x7b: {  	_ =	shalt  }
0x7c: {  	_ =	shalt  }
0x7d: {  	_ =	shalt  }
0x7e: {  	_ =	shalt  }
0x7f: {  	_ =	shalt  }
0x80: {  	_ =	shalt  }
0x81: {  	_ =	shalt  }
0x82: {  	_ =	shalt  }
0x83: {  	_ =	shalt  }
0x84: {  	_ =	shalt  }
0x85: {  	_ =	shalt  }
0x86: {  	_ =	shalt  }
0x87: {  	_ =	shalt  }
.Lfunc_end0:
.L_simem_size_0:
called_computation.1_lowered:
.L_overlay_start_0:
0x88: {  	s2 =	sld [smem:$0x3FD9]  }
0x89: {  	s3 =	sld [smem:$0x3FFE];
	_ =	sdelay $0x1  }
0x8a: {  	s1 =	srdreg.scid  }
0x8b: {  	s0 =	sand.u32 $0x1, s1  }
0x8c: {  	s17 =	sshll.u32 s0, $0xA;
	s2 =	sadd.s32 s3, s2  }
0x8d: {  	s2 =	sadd.s32 s2, s17  }
0x8e: {  	[smem:$0x3FC6] =	sst s2  }
0x8f: {  	_ = 	snop  }
0x90: {  	s18 =	sld [smem:$0x3FC8]  }
0x91: {  	s4 =	sld [smem:$0x3FD0];
	(tm) =	ssettm $0x1  }
0x92: {  	s19 =	sld [smem:$0x3FFB];
	_ =	sdelay $0x3  }
0x93: {  	_ =	strace s19  }
0x94: {  	s2 =	sld [smem:$0x3FFC];
	_ =	sdelay $0x3  }
0x95: {  	_ =	strace s2  }
0x96: {  	s2 =	sld [smem:$0x3FFD];
	_ =	sdelay $0x3  }
0x97: {  	_ =	strace s2  }
0x98: {  	_ =	strace $0x8FFFFFFF  }
0x99: {  	s20 =	sld [smem:$0x3FDB];
	_ =	sdelay $0x1  }
0x9a: {  	s5 =	simm.s32 $_scs_section_size  }
0x9b: {  	s6 =	simm.s32 $_size__tile_overlayer_lowered;
	s7 =	simm.s32 $_tile_overlayer_lowered  }
0x9c: {  	s8 =	simm.s32 $0x1BFF;
	s21 =	sshll.u32 s7, $0x1;
	s5 =	sadd.s32 s5, s20  }
0x9d: {  	s22 =	simm.s32 $0x0;
	s6 =	sshll.u32 s6, $0x1;
	s7 =	sadd.s32 s21, s5  }
0x9e: {  	[timem:s22], [sflag:s8] =	dma.local [hbm:s7], s6  }
0x9f: {  	_ =	swait.ge [sflag:s8], s6  }
0xa0: {  	s6 =	ssub.s32 $0x0, s6;
	[sflag:s8] =	ssyncset.done $0x0  }
0xa1: {  	[sflag:s8] =	ssyncadd.s32 s6;
	_ =	sdelay $0x1  }
0xa2: {  	s23 =	simm.s32 $0x1B8B  }
0xa3: {  	_ =	swait.ge [sflag:s23], $0x1  }
0xa4: {  	[sflag:s23] =	ssyncset.done $0x0  }
0xa5: {  	[sflag:s23] =	ssyncadd.s32 $0xFFFFFFFF  }
0xa6: {  	s6 =	sld [smem:$0x0]  }
0xa7: {  	s7 =	sand.u32 $0xFFFFFFFE, s1  }
0xa8: {  	p0 =	sne.s32 s1, s7  }
0xa9: {  	s7 =	sshll.u32 @p0 s7, $0xE  }
0xaa: {  	s7 =	sadd.s32 @p0 $0x11B8D, s7;
	s8 =	sshll.u32 @p0 s6, $0x11  }
0xab: {  	s7 =	sor.u32 @p0 s8, s7  }
0xac: {  	[sflag:s7] =	ssyncadd.remote.s32 @p0 $0x1;
	_ =	sdelay $0x1  }
0xad: {  	s7 =	simm.s32 @p0 $0x1B8D  }
0xae: {  	_ =	swait.eq @p0 [sflag:s7], $0x1  }
0xaf: {  	[sflag:s7] =	ssyncadd.s32 @p0 $0xFFFFFFFF  }
0xb0: {  	s8 =	sshll.u32 @!p0 s1, $0xE  }
0xb1: {  	s8 =	sor.u32 @!p0 $0x4000, s8;
	s7 =	simm.s32 @!p0 $0x1B8D  }
0xb2: {  	s6 =	sshll.u32 @!p0 s6, $0x11;
	s8 =	sadd.s32 @!p0 $0x11B8D, s8;
	_ =	swait.eq @!p0 [sflag:s7], $0x1  }
0xb3: {  	s6 =	sor.u32 @!p0 s6, s8;
	[sflag:s7] =	ssyncadd.s32 @!p0 $0xFFFFFFFF  }
0xb4: {  	s25 =	simm.s32 $0x1B8E;
	s24 =	sld [smem:$0x3FFE];
	[sflag:s6] =	ssyncadd.remote.s32 @!p0 $0x1  }
0xb5: {  	s26 =	simm.s32 $execute0_lowered;
	[smem:$0x3FD2] =	sst s25  }
0xb6: {  	s7 =	sshll.u32 s26, $0x1;
	_ =	strace $0x8000004F;
	[dreg:$0x1] =	wrdreg $0xFFFFFFFF  }
0xb7: {  	s28 =	simm.s32 $_size_execute0_lowered;
	s5 =	sadd.s32 s5, s7;
	[dreg:$0x0] =	wrdreg $0x0  }
0xb8: {  	s7 =	sshll.u32 s28, $0x1;
	[dreg:$0x2] =	wrdreg s5  }
0xb9: {  	[dreg:$0x3] =	wrdreg s7  }
0xba: {  	[dreg:$0x4] =	wrdreg $0xC0  }
0xbb: {  	_ =	task [dreg:s22], $0x5FFFF  }
0xbc: {  	[dreg:$0x1] =	wrdreg $0xFFFFFFFF  }
0xbd: {  	[dreg:$0x0] =	wrdreg $0x60  }
0xbe: {  	[dreg:$0x2] =	wrdreg s24  }
0xbf: {  	[dreg:$0x3] =	wrdreg s18  }
0xc0: {  	[dreg:$0x4] =	wrdreg s4  }
0xc1: {  	[dreg:$0x5] =	wrdreg $0x9  }
0xc2: {  	_ =	task.clear_ibuf [dreg:s22], $0x6FFFF;
	_ =	strace $0x9000004F  }
0xc3: {  	s29 =	simm.s32 $0x9;
	_ =	strace $0x80000051  }
0xc4: {  	_ =	swait.ge [sflag:s29], $0x1  }
0xc5: {  	[sflag:s29] =	ssyncadd.s32 $0xFFFFFFFF  }
0xc6: {  	_ =	strace $0x90000051  }
0xc7: {  	_ =	sfence  }
0xc8: {  	s30 =	sld [smem:$0x0];
	_ =	sdelay $0x2  }
0xc9: {  	s31 =	sshll.u32 s1, $0xD;
	s1 =	sshrl.u32 s1, $0x2  }
0xca: {  	s4 =	sand.u32 $0x4000, s31;
	s1 =	sadd.s32 s1, s30  }
0xcb: {  	s0 =	sor.u32 s4, s0;
	s1 =	sshll.u32 s1, $0x11  }
0xcc: {  	s0 =	sor.u32 s1, s0  }
0xcd: {  	s0 =	sadd.s32 $0x8F2B, s0  }
0xce: {  	[sflag:s0] =	ssyncadd.remote.s32 $0x1  }
0xcf: {  	_ =	sfence.sel $0xFFFF  }
0xd0: {  	[dreg:$0x0] =	wrdreg $0xFFFFFFFF;
	(pc) =	sbr.abs _section_cstart, $3  }
0xd1: {  	[dreg:$0x1] =	wrdreg $0xFFFFFFFF  }
0xd2: {  	_ =	task.clear_ibuf [dreg:s22], $0x2FFFF;
	_ =	strace $0x9FFFFFFF  }
0xd3: {  	(tm) =	ssettm $0x7FFFFFFF  }
tec
execute0_lowered:
.L_overlay_start_1:
0x0: {  	(tag) =	ssettag $0x1  }
0x1: {  	s0 =	rddreg [dreg:$0x0]  }
0x2: {  	s2 =	rddreg [dreg:$0x1];
	s1 =	srdreg.scid  }
0x3: {  	s10 =	stileid.u32;
	s4 =	rddreg [dreg:$0x2];
	s3 =	simm.s32 $0x0  }
0x4: {  	s14 =	simm.s32 $0x9;
	s28 =	simm.s32 $0x3;
	s29 =	simm.s32 $0xA100  }
0x5: {  	s30 =	simm.s32 $0x4;
	s31 =	simm.s32 $0xD500;
	s8 =	smul.u32 $0x1C0000, s10  }
0x6: {  	s1 =	sand.u32 $0x1, s1;
	s5 =	sshll.u32 s10, $0x1;
	s13 =	smul.u32 $0x38000, s10  }
0x7: {  	[smem:$0x7FF] =	sst s3;
	s5 =	sor.u32 s1, s5;
	s9 =	smul.u32 $0xE0000, s1  }
0x8: {  	_ =	strace $0x80000050;
	s15 =	ssub.s32 $0x2, s1;
	s1 =	smul.u32 $0x1C000, s1  }
0x9: {  	s6 =	sshll.u32 s5, $0xA;
	s5 =	smul.u32 $0xE0000, s5;
	s7 =	sshrl.u32 s15, $0x1  }
0xa: {  	s23 =	sadd.s32 s13, s4;
	s0 =	sadd.s32 s6, s0;
	s6 =	ssub.s32 s15, s7  }
0xb: {  	s19 =	sadd.s32 s9, s8;
	s1 =	sadd.s32 s1, s23;
	s15 =	simm.s32 $0x64  }
0xc: {  	s23 =	simm.s32 $0x1;
	s5 =	sshrl.u32 s5, $0x3;
	s0 =	sadd.s32 $0xA9FC00, s0  }
0xd: {  	s11 =	sor.u32 $0xC400, s19;
	s24 =	sor.u32 $0x8C00, s19;
	[dreg:$0x5] =	wrdreg s1  }
0xe: {  	s13 =	smax.u32 s6, $0x1;
	s1 =	simm.s32 $0x5;
	s5 =	sadd.s32 s4, s5  }
0xf: {  	[dreg:$0x8] =	wrdreg s0;
	s12 =	sshrl.u32 s11, $0x3;
	s16 =	sadd.s32 $0x1A400, s5  }
0x10: {  	s25 =	sshrl.u32 s24, $0x3;
	s17 =	sadd.s32 $0x1A780, s5;
	[dreg:$0x9] =	wrdreg s16  }
0x11: {  	s0 =	sor.u32 $0x5400, s19;
	s18 =	sadd.s32 $0x1AB00, s5;
	[dreg:$0xa] =	wrdreg s17  }
0x12: {  	s24 =	simm.s32 $0x3900;
	s20 =	sadd.s32 $0x1AE80, s5;
	[dreg:$0xb] =	wrdreg s18  }
0x13: {  	s19 =	simm.s32 $0x8;
	s21 =	sadd.s32 $0x1B200, s5;
	[dreg:$0xc] =	wrdreg s20  }
0x14: {  	s22 =	sadd.s32 $0x1B580, s5;
	s11 =	sadd.s32 $0x1B900, s5;
	[dreg:$0xd] =	wrdreg s21  }
0x15: {  	s12 =	sadd.s32 s12, s4;
	s26 =	sadd.s32 s25, s4;
	[dreg:$0xe] =	wrdreg s22  }
0x16: {  	s0 =	sshrl.u32 s0, $0x3;
	s25 =	simm.s32 $0x2;
	[dreg:$0x4] =	wrdreg s12  }
0x17: {  	s12 =	sadd.s32 $0x1BC80, s5;
	[dreg:$0x6] =	wrdreg s26;
	s0 =	sadd.s32 s0, s4  }
0x18: {  	s16 =	simm.s32 $0x2000;
	s18 =	simm.s32 $0x5400;
	s20 =	simm.s32 $0x8800  }
0x19: {  	s22 =	simm.s32 $0xBC00;
	s26 =	simm.s32 $0x6D00;
	s17 =	simm.s32 $0x7  }
0x1a: {  	s21 =	simm.s32 $0x0;
	[dreg:$0x7] =	wrdreg s0;
	s0 =	simm.s32 $0x6  }
.LBB2_1:
0x1b: {  	s4 =	rddreg [dreg:$0x8]  }
0x1c: {  	[tilespmem:s3], [sflag:$0x9] =	stream.linear.gather [hbm4b:s4+s3], $0x2000, $0x38;
	[tilespmem:$0xF000] =	vst v63  }
0x1d: {  	_ =	swait.ge [sflag:s14], $0x2000  }
0x1e: {  	[sflag:s14] =	ssyncset.done $0x0  }
0x1f: {  	[sflag:s14] =	ssyncadd.s32 $0xFFFFE000  }
0x20: {  	[tilespmem:s16], [sflag:$0x1] =	stream.indirect.gather [hbm4b:s2+s15], $0x80, s3, s15, $0xb8;
	[tilespmem:$0xF000] =	vst v63  }
0x21: {  	s10 =	simm.s32 $0x80  }
0x22: {  	[tilespmem:s18], [sflag:$0x2] =	stream.indirect.gather [hbm4b:s2+s15], $0x80, s10, s15, $0xb8;
	[tilespmem:$0xF000] =	vst v63  }
0x23: {  	s5 =	simm.s32 $0x100  }
0x24: {  	[tilespmem:s20], [sflag:$0x3] =	stream.indirect.gather [hbm4b:s2+s15], $0x80, s5, s15, $0xb8;
	[tilespmem:$0xF000] =	vst v63  }
0x25: {  	s6 =	simm.s32 $0x180  }
0x26: {  	[tilespmem:s22], [sflag:$0x4] =	stream.indirect.gather [hbm4b:s2+s15], $0x80, s6, s15, $0xb8;
	[tilespmem:$0xF000] =	vst v63  }
0x27: {  	_ =	swait.ge [sflag:s23], $0x3200  }
0x28: {  	s7 =	rddreg [dreg:$0x5];
	[sflag:s23] =	ssyncset.done $0x0  }
0x29: {  	[sflag:s23] =	ssyncadd.s32 $0xFFFFCE00;
	s4 =	sadd.s32 $0x0, s7  }
0x2a: {  	[hbm4b:s4+s3] =	stream.linear.scatter [tilespmem:s16], [sflag:$0x5], $0x1900, $0x38;
	[tilespmem:$0xF000] =	vst v63  }
0x2b: {  	s5 =	sadd.s32 $0x380, s4  }
0x2c: {  	[hbm4b:s5+s3] =	stream.linear.scatter [tilespmem:s24], [sflag:$0x5], $0x1900, $0x38;
	[tilespmem:$0xF000] =	vst v63  }
0x2d: {  	_ =	swait.ge [sflag:s25], $0x3200  }
0x2e: {  	[sflag:s25] =	ssyncset.done $0x0  }
0x2f: {  	s6 =	sadd.s32 $0x700, s4;
	s8 =	rddreg [dreg:$0x7];
	[sflag:s25] =	ssyncadd.s32 $0xFFFFCE00  }
0x30: {  	[hbm4b:s6+s3] =	stream.linear.scatter [tilespmem:s18], [sflag:$0x6], $0x1900, $0x38;
	[tilespmem:$0xF000] =	vst v63  }
0x31: {  	s5 =	sadd.s32 $0x0, s8  }
0x32: {  	[hbm4b:s5+s3] =	stream.linear.scatter [tilespmem:s26], [sflag:$0x6], $0x1900, $0x38;
	[tilespmem:$0xF000] =	vst v63  }
0x33: {  	_ =	swait.ge [sflag:s28], $0x3200  }
0x34: {  	[sflag:s28] =	ssyncset.done $0x0  }
0x35: {  	s10 =	sadd.s32 $0xE00, s4;
	s9 =	rddreg [dreg:$0x6];
	[sflag:s28] =	ssyncadd.s32 $0xFFFFCE00  }
0x36: {  	[hbm4b:s10+s3] =	stream.linear.scatter [tilespmem:s20], [sflag:$0x7], $0x1900, $0x38;
	[tilespmem:$0xF000] =	vst v63  }
0x37: {  	s5 =	sadd.s32 $0x0, s9  }
0x38: {  	[hbm4b:s5+s3] =	stream.linear.scatter [tilespmem:s29], [sflag:$0x7], $0x1900, $0x38;
	[tilespmem:$0xF000] =	vst v63  }
0x39: {  	_ =	swait.ge [sflag:s30], $0x3200  }
0x3a: {  	[sflag:s30] =	ssyncset.done $0x0  }
0x3b: {  	s4 =	sadd.s32 $0x1500, s4;
	s6 =	rddreg [dreg:$0x4];
	[sflag:s30] =	ssyncadd.s32 $0xFFFFCE00  }
0x3c: {  	[hbm4b:s4+s3] =	stream.linear.scatter [tilespmem:s22], [sflag:$0x8], $0x1900, $0x38;
	[tilespmem:$0xF000] =	vst v63  }
0x3d: {  	s7 =	sadd.s32 $0x0, s6  }
0x3e: {  	[hbm4b:s7+s3] =	stream.linear.scatter [tilespmem:s31], [sflag:$0x8], $0x1900, $0x38;
	[tilespmem:$0xF000] =	vst v63  }
0x3f: {  	_ =	swait.ge [sflag:s1], $0x1900  }
0x40: {  	[sflag:s1] =	ssyncset.done $0x0  }
0x41: {  	[sflag:s1] =	ssyncadd.s32 $0xFFFFE700  }
0x42: {  	_ =	swait.ge [sflag:s1], $0x1900  }
0x43: {  	[sflag:s1] =	ssyncset.done $0x0  }
0x44: {  	s8 =	simm.s32 $0x200;
	[sflag:s1] =	ssyncadd.s32 $0xFFFFE700  }
0x45: {  	[tilespmem:s16], [sflag:$0x1] =	stream.indirect.gather [hbm4b:s2+s15], $0x80, s8, s15, $0xb8;
	[tilespmem:$0xF000] =	vst v63  }
0x46: {  	_ =	swait.ge [sflag:s0], $0x1900  }
0x47: {  	[sflag:s0] =	ssyncset.done $0x0  }
0x48: {  	[sflag:s0] =	ssyncadd.s32 $0xFFFFE700  }
0x49: {  	_ =	swait.ge [sflag:s0], $0x1900  }
0x4a: {  	[sflag:s0] =	ssyncset.done $0x0  }
0x4b: {  	s9 =	simm.s32 $0x280;
	[sflag:s0] =	ssyncadd.s32 $0xFFFFE700  }
0x4c: {  	[tilespmem:s18], [sflag:$0x2] =	stream.indirect.gather [hbm4b:s2+s15], $0x80, s9, s15, $0xb8;
	[tilespmem:$0xF000] =	vst v63  }
0x4d: {  	_ =	swait.ge [sflag:s17], $0x1900  }
0x4e: {  	[sflag:s17] =	ssyncset.done $0x0  }
0x4f: {  	[sflag:s17] =	ssyncadd.s32 $0xFFFFE700  }
0x50: {  	_ =	swait.ge [sflag:s17], $0x1900  }
0x51: {  	[sflag:s17] =	ssyncset.done $0x0  }
0x52: {  	s10 =	simm.s32 $0x300;
	[sflag:s17] =	ssyncadd.s32 $0xFFFFE700  }
0x53: {  	[tilespmem:s20], [sflag:$0x3] =	stream.indirect.gather [hbm4b:s2+s15], $0x80, s10, s15, $0xb8;
	[tilespmem:$0xF000] =	vst v63  }
0x54: {  	_ =	swait.ge [sflag:s19], $0x1900  }
0x55: {  	[sflag:s19] =	ssyncset.done $0x0  }
0x56: {  	[sflag:s19] =	ssyncadd.s32 $0xFFFFE700  }
0x57: {  	_ =	swait.ge [sflag:s19], $0x1900  }
0x58: {  	s5 =	simm.s32 $0x1C00;
	[sflag:s19] =	ssyncset.done $0x0  }
0x59: {  	s6 =	simm.s32 $0x580;
	s4 =	simm.s32 $0x380;
	[sflag:s19] =	ssyncadd.s32 $0xFFFFE700  }
.LBB2_2:
0x5a: {  	[tilespmem:s22], [sflag:$0x4] =	stream.indirect.gather [hbm4b:s2+s15], $0x80, s4, s15, $0xb8;
	[tilespmem:$0xF000] =	vst v63  }
0x5b: {  	_ =	swait.ge [sflag:s23], $0x3200  }
0x5c: {  	s7 =	smov.u32 s5;
	s8 =	rddreg [dreg:$0x5];
	[sflag:s23] =	ssyncset.done $0x0  }
0x5d: {  	[sflag:s23] =	ssyncadd.s32 $0xFFFFCE00;
	s8 =	sadd.s32 s7, s8  }
0x5e: {  	[hbm4b:s8+s3] =	stream.linear.scatter [tilespmem:s16], [sflag:$0x5], $0x1900, $0x38;
	[tilespmem:$0xF000] =	vst v63  }
0x5f: {  	s9 =	sadd.s32 $0x380, s8  }
0x60: {  	[hbm4b:s9+s3] =	stream.linear.scatter [tilespmem:s24], [sflag:$0x5], $0x1900, $0x38;
	[tilespmem:$0xF000] =	vst v63  }
0x61: {  	_ =	swait.ge [sflag:s25], $0x3200  }
0x62: {  	[sflag:s25] =	ssyncset.done $0x0  }
0x63: {  	s10 =	sadd.s32 $0x700, s8;
	s9 =	rddreg [dreg:$0x7];
	[sflag:s25] =	ssyncadd.s32 $0xFFFFCE00  }
0x64: {  	[hbm4b:s10+s3] =	stream.linear.scatter [tilespmem:s18], [sflag:$0x6], $0x1900, $0x38;
	[tilespmem:$0xF000] =	vst v63  }
0x65: {  	s9 =	sadd.s32 s7, s9  }
0x66: {  	[hbm4b:s9+s3] =	stream.linear.scatter [tilespmem:s26], [sflag:$0x6], $0x1900, $0x38;
	[tilespmem:$0xF000] =	vst v63  }
0x67: {  	_ =	swait.ge [sflag:s28], $0x3200  }
0x68: {  	[sflag:s28] =	ssyncset.done $0x0  }
0x69: {  	s10 =	sadd.s32 $0xE00, s8;
	s9 =	rddreg [dreg:$0x6];
	[sflag:s28] =	ssyncadd.s32 $0xFFFFCE00  }
0x6a: {  	[hbm4b:s10+s3] =	stream.linear.scatter [tilespmem:s20], [sflag:$0x7], $0x1900, $0x38;
	[tilespmem:$0xF000] =	vst v63  }
0x6b: {  	s9 =	sadd.s32 s7, s9  }
0x6c: {  	[hbm4b:s9+s3] =	stream.linear.scatter [tilespmem:s29], [sflag:$0x7], $0x1900, $0x38;
	[tilespmem:$0xF000] =	vst v63  }
0x6d: {  	_ =	swait.ge [sflag:s30], $0x3200  }
0x6e: {  	[sflag:s30] =	ssyncset.done $0x0  }
0x6f: {  	s8 =	sadd.s32 $0x1500, s8;
	s10 =	rddreg [dreg:$0x4];
	[sflag:s30] =	ssyncadd.s32 $0xFFFFCE00  }
0x70: {  	[hbm4b:s8+s3] =	stream.linear.scatter [tilespmem:s22], [sflag:$0x8], $0x1900, $0x38;
	[tilespmem:$0xF000] =	vst v63  }
0x71: {  	s7 =	sadd.s32 s7, s10  }
0x72: {  	[hbm4b:s7+s3] =	stream.linear.scatter [tilespmem:s31], [sflag:$0x8], $0x1900, $0x38;
	[tilespmem:$0xF000] =	vst v63  }
0x73: {  	_ =	swait.ge [sflag:s1], $0x1900  }
0x74: {  	[sflag:s1] =	ssyncset.done $0x0  }
0x75: {  	[sflag:s1] =	ssyncadd.s32 $0xFFFFE700  }
0x76: {  	_ =	swait.ge [sflag:s1], $0x1900  }
0x77: {  	[sflag:s1] =	ssyncset.done $0x0  }
0x78: {  	s8 =	sadd.s32 $0xFFFFFE80, s6;
	[sflag:s1] =	ssyncadd.s32 $0xFFFFE700  }
0x79: {  	[tilespmem:s16], [sflag:$0x1] =	stream.indirect.gather [hbm4b:s2+s15], $0x80, s8, s15, $0xb8;
	[tilespmem:$0xF000] =	vst v63  }
0x7a: {  	_ =	swait.ge [sflag:s0], $0x1900  }
0x7b: {  	[sflag:s0] =	ssyncset.done $0x0  }
0x7c: {  	[sflag:s0] =	ssyncadd.s32 $0xFFFFE700  }
0x7d: {  	_ =	swait.ge [sflag:s0], $0x1900  }
0x7e: {  	[sflag:s0] =	ssyncset.done $0x0  }
0x7f: {  	s9 =	sadd.s32 $0xFFFFFF00, s6;
	[sflag:s0] =	ssyncadd.s32 $0xFFFFE700  }
0x80: {  	[tilespmem:s18], [sflag:$0x2] =	stream.indirect.gather [hbm4b:s2+s15], $0x80, s9, s15, $0xb8;
	[tilespmem:$0xF000] =	vst v63  }
0x81: {  	_ =	swait.ge [sflag:s17], $0x1900  }
0x82: {  	[sflag:s17] =	ssyncset.done $0x0  }
0x83: {  	[sflag:s17] =	ssyncadd.s32 $0xFFFFE700  }
0x84: {  	_ =	swait.ge [sflag:s17], $0x1900  }
0x85: {  	[sflag:s17] =	ssyncset.done $0x0  }
0x86: {  	s10 =	sadd.s32 $0xFFFFFF80, s6;
	[sflag:s17] =	ssyncadd.s32 $0xFFFFE700  }
0x87: {  	[tilespmem:s20], [sflag:$0x3] =	stream.indirect.gather [hbm4b:s2+s15], $0x80, s10, s15, $0xb8;
	[tilespmem:$0xF000] =	vst v63  }
0x88: {  	p0 =	sne.s32 s5, $0x18800;
	_ =	swait.ge [sflag:s19], $0x1900  }
.Ltmp0:
0x89: {  	[sflag:s19] =	ssyncset.done $0x0;
	(pc) =	sbr.rel @p0 .LBB2_2-.Ltmp0, $4  }
0x8a: {  	[sflag:s19] =	ssyncadd.s32 $0xFFFFE700  }
0x8b: {  	_ =	swait.ge [sflag:s19], $0x1900  }
0x8c: {  	s4 =	smov.u32 s6;
	[sflag:s19] =	ssyncset.done $0x0  }
0x8d: {  	s5 =	sadd.s32 $0x1C00, s5;
	s6 =	sadd.s32 $0x200, s6;
	[sflag:s19] =	ssyncadd.s32 $0xFFFFE700  }
0x8e: {  	[tilespmem:s22], [sflag:$0x4] =	stream.indirect.gather [hbm4b:s2+s15], $0x80, s4, s15, $0xb8;
	[tilespmem:$0xF000] =	vst v63  }
0x8f: {  	_ =	swait.ge [sflag:s23], $0x3200  }
0x90: {  	[sflag:s23] =	ssyncset.done $0x0  }
0x91: {  	s5 =	rddreg [dreg:$0x9];
	[sflag:s23] =	ssyncadd.s32 $0xFFFFCE00  }
0x92: {  	[hbm4b:s5+s3] =	stream.linear.scatter [tilespmem:s16], [sflag:$0x5], $0x1900, $0x38;
	[tilespmem:$0xF000] =	vst v63  }
0x93: {  	s6 =	rddreg [dreg:$0xa]  }
0x94: {  	[hbm4b:s6+s3] =	stream.linear.scatter [tilespmem:s24], [sflag:$0x5], $0x1900, $0x38;
	[tilespmem:$0xF000] =	vst v63  }
0x95: {  	_ =	swait.ge [sflag:s25], $0x3200  }
0x96: {  	[sflag:s25] =	ssyncset.done $0x0  }
0x97: {  	s7 =	rddreg [dreg:$0xb];
	[sflag:s25] =	ssyncadd.s32 $0xFFFFCE00  }
0x98: {  	[hbm4b:s7+s3] =	stream.linear.scatter [tilespmem:s18], [sflag:$0x6], $0x1900, $0x38;
	[tilespmem:$0xF000] =	vst v63  }
0x99: {  	s8 =	rddreg [dreg:$0xc]  }
0x9a: {  	[hbm4b:s8+s3] =	stream.linear.scatter [tilespmem:s26], [sflag:$0x6], $0x1900, $0x38;
	[tilespmem:$0xF000] =	vst v63  }
0x9b: {  	_ =	swait.ge [sflag:s28], $0x3200  }
0x9c: {  	[sflag:s28] =	ssyncset.done $0x0  }
0x9d: {  	s9 =	rddreg [dreg:$0xd];
	[sflag:s28] =	ssyncadd.s32 $0xFFFFCE00  }
0x9e: {  	[hbm4b:s9+s3] =	stream.linear.scatter [tilespmem:s20], [sflag:$0x7], $0x1900, $0x38;
	[tilespmem:$0xF000] =	vst v63  }
0x9f: {  	s10 =	rddreg [dreg:$0xe]  }
0xa0: {  	[hbm4b:s10+s3] =	stream.linear.scatter [tilespmem:s29], [sflag:$0x7], $0x1900, $0x38;
	[tilespmem:$0xF000] =	vst v63  }
0xa1: {  	_ =	swait.ge [sflag:s30], $0x3200  }
0xa2: {  	[sflag:s30] =	ssyncset.done $0x0  }
0xa3: {  	[sflag:s30] =	ssyncadd.s32 $0xFFFFCE00  }
0xa4: {  	[hbm4b:s11+s3] =	stream.linear.scatter [tilespmem:s22], [sflag:$0x8], $0x1900, $0x38;
	[tilespmem:$0xF000] =	vst v63  }
0xa5: {  	_ = 	snop  }
0xa6: {  	[hbm4b:s12+s3] =	stream.linear.scatter [tilespmem:s31], [sflag:$0x8], $0x1900, $0x38;
	[tilespmem:$0xF000] =	vst v63  }
0xa7: {  	_ =	swait.ge [sflag:s1], $0x1900  }
0xa8: {  	[sflag:s1] =	ssyncset.done $0x0  }
0xa9: {  	[sflag:s1] =	ssyncadd.s32 $0xFFFFE700  }
0xaa: {  	_ =	swait.ge [sflag:s1], $0x1900  }
0xab: {  	[sflag:s1] =	ssyncset.done $0x0  }
0xac: {  	[sflag:s1] =	ssyncadd.s32 $0xFFFFE700  }
0xad: {  	_ =	swait.ge [sflag:s0], $0x1900  }
0xae: {  	[sflag:s0] =	ssyncset.done $0x0  }
0xaf: {  	[sflag:s0] =	ssyncadd.s32 $0xFFFFE700  }
0xb0: {  	_ =	swait.ge [sflag:s0], $0x1900  }
0xb1: {  	[sflag:s0] =	ssyncset.done $0x0  }
0xb2: {  	[sflag:s0] =	ssyncadd.s32 $0xFFFFE700  }
0xb3: {  	_ =	swait.ge [sflag:s17], $0x1900  }
0xb4: {  	[sflag:s17] =	ssyncset.done $0x0  }
0xb5: {  	[sflag:s17] =	ssyncadd.s32 $0xFFFFE700  }
0xb6: {  	_ =	swait.ge [sflag:s17], $0x1900  }
0xb7: {  	[sflag:s17] =	ssyncset.done $0x0  }
0xb8: {  	s21 =	sadd.s32 $0x1, s21;
	[sflag:s17] =	ssyncadd.s32 $0xFFFFE700  }
0xb9: {  	p0 =	sne.s32 s21, s13;
	_ =	swait.ge [sflag:s19], $0x1900  }
.Ltmp1:
0xba: {  	[sflag:s19] =	ssyncset.done $0x0;
	(pc) =	sbr.rel @p0 .LBB2_1-.Ltmp1, $4  }
0xbb: {  	[sflag:s19] =	ssyncadd.s32 $0xFFFFE700  }
0xbc: {  	_ =	swait.ge [sflag:s19], $0x1900  }
0xbd: {  	[sflag:s19] =	ssyncset.done $0x0  }
0xbe: {  	[sflag:s19] =	ssyncadd.s32 $0xFFFFE700  }
0xbf: {  	_ =	sfence.sel $0x180000  }
0xc0: {  	[bflag:$0x0] =	sbarrier.arrive $0xFFFF  }
0xc1: {  	_ =	strace $0x90000050  }
0xc2: {  	s0 =	stileid.u32;
	[bflag:$0x2] =	sbarrier.arrive $0xFFFF  }
0xc3: {  	p0 =	sne.s32 s0, $0x0;
	s0 =	rddreg [dreg:$0x3]  }
0xc4: {  	s0 =	sadd.s32 @!p0 $0x100000, s0  }
0xc5: {  	[sflag:s0] =	ssyncadd.tile.s32 @!p0 $0x1;
	_ =	shalt  }
.Lfunc_end2:
_tile_overlayer_lowered:
.L_overlay_start_2:
0xc6: {  	(tag) =	ssettag $0x2  }
0xc7: {  	s0 =	rddreg [dreg:$0x0];
	s2 =	stileid.u32  }
0xc8: {  	s1 =	rddreg [dreg:$0x1];
	p0 =	sne.s32 s2, $0x0  }
0xc9: {  	s3 =	rddreg [dreg:$0x2];
	[bflag:$0x3] =	sbarrier.arrive $0xFFFF;
	s2 =	simm.s32 @!p0 $0x1C09  }
0xca: {  	[timem:s3], [sflag:s2] =	dma.local @!p0 [hbm:s0], s1  }
0xcb: {  	s0 =	simm.s32 @!p0 $0x9  }
0xcc: {  	_ =	swait.ge @!p0 [sflag:s0], s1  }
0xcd: {  	s1 =	ssub.s32 @!p0 $0x0, s1;
	[sflag:s0] =	ssyncset.done @!p0 $0x0  }
0xce: {  	[sflag:s0] =	ssyncadd.s32 @!p0 s1  }
0xcf: {  	[bflag:$0x3] =	sbarrier.arrive $0xFFFF  }
0xd0: {  	_ =	shalt  }

// kernel: kernel.9.cloned.1.call-start
scs
__scs_entry_jumppad:
0x0: {  	(pc) =	sbr.rel $0x88, $3  }
0x1: {  	(tag) =	ssettag $0x0;
	lr =	simm.s32 $0x1  }
0x2: {  	[smem:$0x3F9F] =	sst lr;
	_ =	strace $0xD0000000  }
0x3: {  	_ = 	snop  }
0x4: {  	_ = 	snop  }
0x5: {  	_ = 	snop  }
0x6: {  	_ = 	snop  }
0x7: {  	_ = 	snop  }
__scs_overlays_trampoline_lowered:
0x8: {  	[smem:$0x3FAE] =	sst s0  }
0x9: {  	[smem:$0x3FAF] =	sst s1  }
0xa: {  	[smem:$0x3FB0] =	sst s2  }
0xb: {  	[smem:$0x3FB1] =	sst s3  }
0xc: {  	[smem:$0x3FB2] =	sst s4  }
0xd: {  	[smem:$0x3FB3] =	sst s5  }
0xe: {  	[smem:$0x3FB4] =	sst s6  }
0xf: {  	[smem:$0x3FB5] =	sst s7  }
0x10: {  	[smem:$0x3FB6] =	sst s8  }
0x11: {  	[smem:$0x3FB7] =	sst s9;
	s0 =	simm.s32 @!p0 $0x0  }
0x12: {  	s1 =	sld [smem:$0x3F9D];
	s0 =	simm.s32 @p0 $0x1  }
0x13: {  	[smem:$0x3FB8] =	sst s0;
	s0 =	simm.s32 @!p1 $0x0  }
0x14: {  	s2 =	sld [smem:$0x3F9C];
	s0 =	simm.s32 @p1 $0x1  }
0x15: {  	[smem:$0x3FB9] =	sst s0;
	s0 =	simm.s32 @!p2 $0x0  }
0x16: {  	s3 =	sld [smem:$0x3FDB];
	s0 =	simm.s32 @p2 $0x1  }
0x17: {  	s4 =	simm.s32 $0x1BF5;
	[smem:$0x3FBB] =	sst s0  }
0x18: {  	s0 =	sld [smem:$0x3F9E];
	_ =	swait.ge [sflag:s4], $0x0  }
0x19: {  	s7 =	sld [smem:$0x3F9F]  }
0x1a: {  	s8 =	sadd.s32 $0xFFFFE003, lr  }
0x1b: {  	s9 =	sadd.s32 $0xFFFFFEF7, lr;
	s5 =	simm.s32 $0xFFFFFFFF;
	p2 =	slt.u32 s8, $0xFFFFF086  }
0x1c: {  	p1 =	slt.u32 s9, $0xF7A;
	s5 =	simm.s32 @!p2 $0x0  }
0x1d: {  	s5 =	simm.s32 @p1 $0x1;
	p0 =	seq.s32 s7, s2  }
0x1e: {  	s7 =	smul.u32 @!p0 $0xF7A, s2;
	p2 =	seq.s32 @!p0 s5, $0x0  }
0x1f: {  	s9 =	smul.u32 $0xF7A, s1;
	s8 =	simm.s32 @!p0 $0x1BF5;
	p2 =	por !p2, p0  }
0x20: {  	[sflag:s8] =	ssyncset.s32 @!p0 $0xFFFFF086;
	s6 =	sadd.s32 @!p0 s3, s7;
	s7 =	simm.s32 @!p0 $0x108  }
0x21: {  	s3 =	sadd.s32 s3, s9;
	s6 =	sadd.s32 @!p0 $0x88, s6;
	s7 =	simm.s32 @p2 $0x1082  }
0x22: {  	[simem:s7], [sflag:s8] =	dma.local @!p0 [hbm:s6], $0xF7A  }
0x23: {  	s9 =	sor.u32 $0xD0000000, s2;
	s6 =	simm.s32 $0x108;
	_ =	swait.ge @!p0 [sflag:s8], $0x0  }
0x24: {  	s3 =	sadd.s32 $0x88, s3;
	s6 =	simm.s32 @!p1 $0x1082;
	[sflag:s4] =	ssyncset.s32 $0xFFFFF086  }
0x25: {  	[simem:s6], [sflag:s4] =	dma.local [hbm:s3], $0xF7A  }
0x26: {  	[smem:$0x3F9F] =	sst s1;
	(tag) =	ssettag s2;
	_ =	strace s9  }
0x27: {  	s1 =	sld [smem:$0x3FAF]  }
0x28: {  	s2 =	sld [smem:$0x3FB0]  }
0x29: {  	s4 =	sld [smem:$0x3FB2]  }
0x2a: {  	p0 =	seq.s32 s5, $0x0;
	s5 =	sld [smem:$0x3FB3]  }
0x2b: {  	s6 =	sld [smem:$0x3FB4]  }
0x2c: {  	s7 =	sld [smem:$0x3FB5]  }
0x2d: {  	s3 =	simm.s32 $0x108;
	s8 =	sld [smem:$0x3FB6]  }
0x2e: {  	s3 =	simm.s32 @!p0 $0x1082;
	s9 =	sld [smem:$0x3FB7]  }
0x2f: {  	lr =	sadd.s32 s0, s3;
	s0 =	sld [smem:$0x3FAE]  }
0x30: {  	s3 =	sld [smem:$0x3FB1]  }
0x31: {  	[smem:$0x3FBA] =	sst s10  }
0x32: {  	s10 =	sld [smem:$0x3FB8];
	_ =	sdelay $0x3  }
0x33: {  	p0 =	seq.s32 s10, $0x1;
	s10 =	sld [smem:$0x3FBA];
	_ =	sdelay $0x3  }
0x34: {  	[smem:$0x3FBA] =	sst s10  }
0x35: {  	s10 =	sld [smem:$0x3FB9];
	_ =	sdelay $0x3  }
0x36: {  	p1 =	seq.s32 s10, $0x1;
	s10 =	sld [smem:$0x3FBA];
	_ =	sdelay $0x3  }
0x37: {  	[smem:$0x3FBA] =	sst s10  }
0x38: {  	s10 =	sld [smem:$0x3FBB]  }
0x39: {  	_ = 	snop;
	(pc) =	sbr.ind lr, $3  }
0x3a: {  	_ = 	snop  }
0x3b: {  	_ = 	snop  }
0x3c: {  	p2 =	seq.s32 s10, $0x1;
	s10 =	sld [smem:$0x3FBA]  }
0x3d: {  	_ =	shalt  }
0x3e: {  	_ =	shalt  }
0x3f: {  	_ =	shalt  }
0x40: {  	_ =	shalt  }
0x41: {  	_ =	shalt  }
0x42: {  	_ =	shalt  }
0x43: {  	_ =	shalt  }
0x44: {  	_ =	shalt  }
0x45: {  	_ =	shalt  }
0x46: {  	_ =	shalt  }
0x47: {  	_ =	shalt  }
0x48: {  	_ =	shalt  }
0x49: {  	_ =	shalt  }
0x4a: {  	_ =	shalt  }
0x4b: {  	_ =	shalt  }
0x4c: {  	_ =	shalt  }
0x4d: {  	_ =	shalt  }
0x4e: {  	_ =	shalt  }
0x4f: {  	_ =	shalt  }
0x50: {  	_ =	shalt  }
0x51: {  	_ =	shalt  }
0x52: {  	_ =	shalt  }
0x53: {  	_ =	shalt  }
0x54: {  	_ =	shalt  }
0x55: {  	_ =	shalt  }
0x56: {  	_ =	shalt  }
0x57: {  	_ =	shalt  }
0x58: {  	_ =	shalt  }
0x59: {  	_ =	shalt  }
0x5a: {  	_ =	shalt  }
0x5b: {  	_ =	shalt  }
0x5c: {  	_ =	shalt  }
0x5d: {  	_ =	shalt  }
0x5e: {  	_ =	shalt  }
0x5f: {  	_ =	shalt  }
0x60: {  	_ =	shalt  }
0x61: {  	_ =	shalt  }
0x62: {  	_ =	shalt  }
0x63: {  	_ =	shalt  }
0x64: {  	_ =	shalt  }
0x65: {  	_ =	shalt  }
0x66: {  	_ =	shalt  }
0x67: {  	_ =	shalt  }
0x68: {  	_ =	shalt  }
0x69: {  	_ =	shalt  }
0x6a: {  	_ =	shalt  }
0x6b: {  	_ =	shalt  }
0x6c: {  	_ =	shalt  }
0x6d: {  	_ =	shalt  }
0x6e: {  	_ =	shalt  }
0x6f: {  	_ =	shalt  }
0x70: {  	_ =	shalt  }
0x71: {  	_ =	shalt  }
0x72: {  	_ =	shalt  }
0x73: {  	_ =	shalt  }
0x74: {  	_ =	shalt  }
0x75: {  	_ =	shalt  }
0x76: {  	_ =	shalt  }
0x77: {  	_ =	shalt  }
0x78: {  	_ =	shalt  }
0x79: {  	_ =	shalt  }
0x7a: {  	_ =	shalt  }
0x7b: {  	_ =	shalt  }
0x7c: {  	_ =	shalt  }
0x7d: {  	_ =	shalt  }
0x7e: {  	_ =	shalt  }
0x7f: {  	_ =	shalt  }
0x80: {  	_ =	shalt  }
0x81: {  	_ =	shalt  }
0x82: {  	_ =	shalt  }
0x83: {  	_ =	shalt  }
0x84: {  	_ =	shalt  }
0x85: {  	_ =	shalt  }
0x86: {  	_ =	shalt  }
0x87: {  	_ =	shalt  }
.Lfunc_end0:
.L_simem_size_0:
called_computation.2_lowered:
.L_overlay_start_0:
0x88: {  	s2 =	sld [smem:$0x3FD9]  }
0x89: {  	s3 =	sld [smem:$0x3FFE];
	_ =	sdelay $0x1  }
0x8a: {  	s1 =	srdreg.scid  }
0x8b: {  	s0 =	sand.u32 $0x1, s1  }
0x8c: {  	s17 =	sshll.u32 s0, $0xA;
	s2 =	sadd.s32 s3, s2  }
0x8d: {  	s2 =	sadd.s32 s2, s17  }
0x8e: {  	[smem:$0x3FC6] =	sst s2  }
0x8f: {  	_ = 	snop  }
0x90: {  	s2 =	sld [smem:$0x3FC8];
	(tm) =	ssettm $0x1  }
0x91: {  	s18 =	sld [smem:$0x3FFB];
	_ =	sdelay $0x3  }
0x92: {  	_ =	strace s18  }
0x93: {  	s3 =	sld [smem:$0x3FFC];
	_ =	sdelay $0x3  }
0x94: {  	_ =	strace s3  }
0x95: {  	s3 =	sld [smem:$0x3FFD];
	_ =	sdelay $0x3  }
0x96: {  	_ =	strace s3  }
0x97: {  	_ =	strace $0x8FFFFFFF  }
0x98: {  	s19 =	sld [smem:$0x3FDB];
	_ =	sdelay $0x1  }
0x99: {  	s4 =	simm.s32 $_scs_section_size  }
0x9a: {  	s5 =	simm.s32 $_size__tile_overlayer_lowered;
	s6 =	simm.s32 $_tile_overlayer_lowered  }
0x9b: {  	s22 =	simm.s32 $0x1BFF;
	s21 =	sshll.u32 s6, $0x1;
	s3 =	sadd.s32 s4, s19  }
0x9c: {  	s7 =	simm.s32 $0x0;
	s20 =	sshll.u32 s5, $0x1;
	s5 =	sadd.s32 s21, s3  }
0x9d: {  	[timem:s7], [sflag:s22] =	dma.local [hbm:s5], s20  }
0x9e: {  	_ =	swait.ge [sflag:s22], s20  }
0x9f: {  	s4 =	ssub.s32 $0x0, s20;
	[sflag:s22] =	ssyncset.done $0x0  }
0xa0: {  	[sflag:s22] =	ssyncadd.s32 s4;
	_ =	sdelay $0x1  }
0xa1: {  	s23 =	simm.s32 $0x1B8B  }
0xa2: {  	_ =	swait.ge [sflag:s23], $0x1  }
0xa3: {  	[sflag:s23] =	ssyncset.done $0x0  }
0xa4: {  	s25 =	simm.s32 $0x1B8E;
	s24 =	sld [smem:$0x3FFE];
	[sflag:s23] =	ssyncadd.s32 $0xFFFFFFFF  }
0xa5: {  	s26 =	simm.s32 $execute0_lowered;
	[smem:$0x3FD2] =	sst s25  }
0xa6: {  	s5 =	sshll.u32 s26, $0x1;
	_ =	strace $0x80000046;
	[dreg:$0x1] =	wrdreg $0xFFFFFFFF  }
0xa7: {  	s28 =	simm.s32 $_size_execute0_lowered;
	s3 =	sadd.s32 s3, s5;
	[dreg:$0x0] =	wrdreg $0x0  }
0xa8: {  	s5 =	sshll.u32 s28, $0x1;
	[dreg:$0x2] =	wrdreg s3  }
0xa9: {  	[dreg:$0x3] =	wrdreg s5  }
0xaa: {  	[dreg:$0x4] =	wrdreg $0xC0  }
0xab: {  	_ =	task [dreg:s7], $0x5FFFF  }
0xac: {  	[dreg:$0x1] =	wrdreg $0xFFFFFFFF  }
0xad: {  	[dreg:$0x0] =	wrdreg $0x60  }
0xae: {  	[dreg:$0x2] =	wrdreg s24  }
0xaf: {  	[dreg:$0x3] =	wrdreg s2  }
0xb0: {  	[dreg:$0x4] =	wrdreg $0xA  }
0xb1: {  	_ =	task.clear_ibuf [dreg:s7], $0x5FFFF;
	_ =	strace $0x90000046  }
0xb2: {  	s29 =	simm.s32 $0xA;
	_ =	strace $0x80000048  }
0xb3: {  	_ =	swait.ge [sflag:s29], $0x1  }
0xb4: {  	[sflag:s29] =	ssyncadd.s32 $0xFFFFFFFF  }
0xb5: {  	_ =	strace $0x90000048  }
0xb6: {  	_ =	sfence  }
0xb7: {  	s30 =	sld [smem:$0x0];
	_ =	sdelay $0x2  }
0xb8: {  	s31 =	sshll.u32 s1, $0xD;
	s1 =	sshrl.u32 s1, $0x2  }
0xb9: {  	s3 =	sand.u32 $0x4000, s31;
	s1 =	sadd.s32 s1, s30  }
0xba: {  	s0 =	sor.u32 s3, s0;
	s1 =	sshll.u32 s1, $0x11  }
0xbb: {  	s0 =	sor.u32 s1, s0  }
0xbc: {  	s0 =	sadd.s32 $0x8F2B, s0  }
0xbd: {  	[sflag:s0] =	ssyncadd.remote.s32 $0x1  }
0xbe: {  	_ =	sfence.sel $0xFFFF  }
0xbf: {  	[dreg:$0x0] =	wrdreg $0xFFFFFFFF;
	(pc) =	sbr.abs _section_cstart, $3  }
0xc0: {  	[dreg:$0x1] =	wrdreg $0xFFFFFFFF  }
0xc1: {  	_ =	task.clear_ibuf [dreg:s7], $0x2FFFF;
	_ =	strace $0x9FFFFFFF  }
0xc2: {  	(tm) =	ssettm $0x7FFFFFFF  }
0xc3: {  	_ =	shalt  }
tec
execute0_lowered:
.L_overlay_start_1:
0x0: {  	(tag) =	ssettag $0x1  }
0x1: {  	s0 =	rddreg [dreg:$0x0]  }
0x2: {  	s1 =	srdreg.scid;
	s10 =	stileid.u32  }
0x3: {  	s2 =	rddreg [dreg:$0x1];
	s3 =	simm.s32 $0x0;
	s14 =	simm.s32 $0x9  }
0x4: {  	s15 =	simm.s32 $0x64;
	s28 =	simm.s32 $0x3;
	s29 =	simm.s32 $0xA100  }
0x5: {  	s30 =	simm.s32 $0x4;
	s31 =	simm.s32 $0xD500;
	s8 =	smul.u32 $0x1C0000, s10  }
0x6: {  	s1 =	sand.u32 $0x1, s1;
	s4 =	sshll.u32 s10, $0x1;
	s13 =	smul.u32 $0x38000, s10  }
0x7: {  	[smem:$0x7FF] =	sst s3;
	s4 =	sor.u32 s1, s4;
	s9 =	smul.u32 $0xE0000, s1  }
0x8: {  	_ =	strace $0x80000047;
	s6 =	ssub.s32 $0x2, s1;
	s1 =	smul.u32 $0x1C000, s1  }
0x9: {  	s5 =	sshll.u32 s4, $0xA;
	s4 =	smul.u32 $0xE0000, s4;
	s7 =	sshrl.u32 s6, $0x1  }
0xa: {  	s5 =	sadd.s32 s5, s0;
	s0 =	sadd.s32 $0x17C00, s0;
	s6 =	ssub.s32 s6, s7  }
0xb: {  	s19 =	sadd.s32 s9, s8;
	s4 =	sshrl.u32 s4, $0x3;
	s5 =	sadd.s32 $0xFC00, s5  }
0xc: {  	s11 =	sor.u32 $0xC400, s19;
	s23 =	sadd.s32 s13, s0;
	s24 =	sor.u32 $0x8C00, s19  }
0xd: {  	s13 =	smax.u32 s6, $0x1;
	s4 =	sadd.s32 s0, s4;
	[dreg:$0x7] =	wrdreg s5  }
0xe: {  	s12 =	sshrl.u32 s11, $0x3;
	s1 =	sadd.s32 s1, s23;
	s25 =	sshrl.u32 s24, $0x3  }
0xf: {  	s5 =	sor.u32 $0x5400, s19;
	s16 =	sadd.s32 $0x1A400, s4;
	[dreg:$0x4] =	wrdreg s1  }
0x10: {  	s23 =	simm.s32 $0x1;
	s17 =	sadd.s32 $0x1A780, s4;
	[dreg:$0x8] =	wrdreg s16  }
0x11: {  	s24 =	simm.s32 $0x3900;
	s18 =	sadd.s32 $0x1AB00, s4;
	[dreg:$0x9] =	wrdreg s17  }
0x12: {  	s19 =	simm.s32 $0x8;
	s20 =	sadd.s32 $0x1AE80, s4;
	[dreg:$0xa] =	wrdreg s18  }
0x13: {  	s21 =	sadd.s32 $0x1B200, s4;
	s22 =	sadd.s32 $0x1B580, s4;
	[dreg:$0xb] =	wrdreg s20  }
0x14: {  	s11 =	sadd.s32 $0x1B900, s4;
	s12 =	sadd.s32 s12, s0;
	[dreg:$0xc] =	wrdreg s21  }
0x15: {  	s26 =	sadd.s32 s25, s0;
	s5 =	sshrl.u32 s5, $0x3;
	[dreg:$0xd] =	wrdreg s22  }
0x16: {  	s25 =	simm.s32 $0x2;
	s1 =	simm.s32 $0x5;
	[dreg:$0x3] =	wrdreg s12  }
0x17: {  	s12 =	sadd.s32 $0x1BC80, s4;
	[dreg:$0x5] =	wrdreg s26;
	s0 =	sadd.s32 s5, s0  }
0x18: {  	s16 =	simm.s32 $0x2000;
	s18 =	simm.s32 $0x5400;
	s20 =	simm.s32 $0x8800  }
0x19: {  	s22 =	simm.s32 $0xBC00;
	s26 =	simm.s32 $0x6D00;
	s17 =	simm.s32 $0x7  }
0x1a: {  	s21 =	simm.s32 $0x0;
	[dreg:$0x6] =	wrdreg s0;
	s0 =	simm.s32 $0x6  }
.LBB2_1:
0x1b: {  	s4 =	rddreg [dreg:$0x7]  }
0x1c: {  	[tilespmem:s3], [sflag:$0x9] =	stream.linear.gather [hbm4b:s4+s3], $0x2000, $0x38;
	[tilespmem:$0xF000] =	vst v63  }
0x1d: {  	_ =	swait.ge [sflag:s14], $0x2000  }
0x1e: {  	[sflag:s14] =	ssyncset.done $0x0  }
0x1f: {  	[sflag:s14] =	ssyncadd.s32 $0xFFFFE000  }
0x20: {  	[tilespmem:s16], [sflag:$0x1] =	stream.indirect.gather [hbm4b:s2+s15], $0x80, s3, s15, $0xb8;
	[tilespmem:$0xF000] =	vst v63  }
0x21: {  	s10 =	simm.s32 $0x80  }
0x22: {  	[tilespmem:s18], [sflag:$0x2] =	stream.indirect.gather [hbm4b:s2+s15], $0x80, s10, s15, $0xb8;
	[tilespmem:$0xF000] =	vst v63  }
0x23: {  	s5 =	simm.s32 $0x100  }
0x24: {  	[tilespmem:s20], [sflag:$0x3] =	stream.indirect.gather [hbm4b:s2+s15], $0x80, s5, s15, $0xb8;
	[tilespmem:$0xF000] =	vst v63  }
0x25: {  	s6 =	simm.s32 $0x180  }
0x26: {  	[tilespmem:s22], [sflag:$0x4] =	stream.indirect.gather [hbm4b:s2+s15], $0x80, s6, s15, $0xb8;
	[tilespmem:$0xF000] =	vst v63  }
0x27: {  	_ =	swait.ge [sflag:s23], $0x3200  }
0x28: {  	s7 =	rddreg [dreg:$0x4];
	[sflag:s23] =	ssyncset.done $0x0  }
0x29: {  	[sflag:s23] =	ssyncadd.s32 $0xFFFFCE00;
	s4 =	sadd.s32 $0x0, s7  }
0x2a: {  	[hbm4b:s4+s3] =	stream.linear.scatter [tilespmem:s16], [sflag:$0x5], $0x1900, $0x38;
	[tilespmem:$0xF000] =	vst v63  }
0x2b: {  	s5 =	sadd.s32 $0x380, s4  }
0x2c: {  	[hbm4b:s5+s3] =	stream.linear.scatter [tilespmem:s24], [sflag:$0x5], $0x1900, $0x38;
	[tilespmem:$0xF000] =	vst v63  }
0x2d: {  	_ =	swait.ge [sflag:s25], $0x3200  }
0x2e: {  	[sflag:s25] =	ssyncset.done $0x0  }
0x2f: {  	s6 =	sadd.s32 $0x700, s4;
	s8 =	rddreg [dreg:$0x6];
	[sflag:s25] =	ssyncadd.s32 $0xFFFFCE00  }
0x30: {  	[hbm4b:s6+s3] =	stream.linear.scatter [tilespmem:s18], [sflag:$0x6], $0x1900, $0x38;
	[tilespmem:$0xF000] =	vst v63  }
0x31: {  	s5 =	sadd.s32 $0x0, s8  }
0x32: {  	[hbm4b:s5+s3] =	stream.linear.scatter [tilespmem:s26], [sflag:$0x6], $0x1900, $0x38;
	[tilespmem:$0xF000] =	vst v63  }
0x33: {  	_ =	swait.ge [sflag:s28], $0x3200  }
0x34: {  	[sflag:s28] =	ssyncset.done $0x0  }
0x35: {  	s10 =	sadd.s32 $0xE00, s4;
	s9 =	rddreg [dreg:$0x5];
	[sflag:s28] =	ssyncadd.s32 $0xFFFFCE00  }
0x36: {  	[hbm4b:s10+s3] =	stream.linear.scatter [tilespmem:s20], [sflag:$0x7], $0x1900, $0x38;
	[tilespmem:$0xF000] =	vst v63  }
0x37: {  	s5 =	sadd.s32 $0x0, s9  }
0x38: {  	[hbm4b:s5+s3] =	stream.linear.scatter [tilespmem:s29], [sflag:$0x7], $0x1900, $0x38;
	[tilespmem:$0xF000] =	vst v63  }
0x39: {  	_ =	swait.ge [sflag:s30], $0x3200  }
0x3a: {  	[sflag:s30] =	ssyncset.done $0x0  }
0x3b: {  	s4 =	sadd.s32 $0x1500, s4;
	s6 =	rddreg [dreg:$0x3];
	[sflag:s30] =	ssyncadd.s32 $0xFFFFCE00  }
0x3c: {  	[hbm4b:s4+s3] =	stream.linear.scatter [tilespmem:s22], [sflag:$0x8], $0x1900, $0x38;
	[tilespmem:$0xF000] =	vst v63  }
0x3d: {  	s7 =	sadd.s32 $0x0, s6  }
0x3e: {  	[hbm4b:s7+s3] =	stream.linear.scatter [tilespmem:s31], [sflag:$0x8], $0x1900, $0x38;
	[tilespmem:$0xF000] =	vst v63  }
0x3f: {  	_ =	swait.ge [sflag:s1], $0x1900  }
0x40: {  	[sflag:s1] =	ssyncset.done $0x0  }
0x41: {  	[sflag:s1] =	ssyncadd.s32 $0xFFFFE700  }
0x42: {  	_ =	swait.ge [sflag:s1], $0x1900  }
0x43: {  	[sflag:s1] =	ssyncset.done $0x0  }
0x44: {  	s8 =	simm.s32 $0x200;
	[sflag:s1] =	ssyncadd.s32 $0xFFFFE700  }
0x45: {  	[tilespmem:s16], [sflag:$0x1] =	stream.indirect.gather [hbm4b:s2+s15], $0x80, s8, s15, $0xb8;
	[tilespmem:$0xF000] =	vst v63  }
0x46: {  	_ =	swait.ge [sflag:s0], $0x1900  }
0x47: {  	[sflag:s0] =	ssyncset.done $0x0  }
0x48: {  	[sflag:s0] =	ssyncadd.s32 $0xFFFFE700  }
0x49: {  	_ =	swait.ge [sflag:s0], $0x1900  }
0x4a: {  	[sflag:s0] =	ssyncset.done $0x0  }
0x4b: {  	s9 =	simm.s32 $0x280;
	[sflag:s0] =	ssyncadd.s32 $0xFFFFE700  }
0x4c: {  	[tilespmem:s18], [sflag:$0x2] =	stream.indirect.gather [hbm4b:s2+s15], $0x80, s9, s15, $0xb8;
	[tilespmem:$0xF000] =	vst v63  }
0x4d: {  	_ =	swait.ge [sflag:s17], $0x1900  }
0x4e: {  	[sflag:s17] =	ssyncset.done $0x0  }
0x4f: {  	[sflag:s17] =	ssyncadd.s32 $0xFFFFE700  }
0x50: {  	_ =	swait.ge [sflag:s17], $0x1900  }
0x51: {  	[sflag:s17] =	ssyncset.done $0x0  }
0x52: {  	s10 =	simm.s32 $0x300;
	[sflag:s17] =	ssyncadd.s32 $0xFFFFE700  }
0x53: {  	[tilespmem:s20], [sflag:$0x3] =	stream.indirect.gather [hbm4b:s2+s15], $0x80, s10, s15, $0xb8;
	[tilespmem:$0xF000] =	vst v63  }
0x54: {  	_ =	swait.ge [sflag:s19], $0x1900  }
0x55: {  	[sflag:s19] =	ssyncset.done $0x0  }
0x56: {  	[sflag:s19] =	ssyncadd.s32 $0xFFFFE700  }
0x57: {  	_ =	swait.ge [sflag:s19], $0x1900  }
0x58: {  	s5 =	simm.s32 $0x1C00;
	[sflag:s19] =	ssyncset.done $0x0  }
0x59: {  	s6 =	simm.s32 $0x580;
	s4 =	simm.s32 $0x380;
	[sflag:s19] =	ssyncadd.s32 $0xFFFFE700  }
.LBB2_2:
0x5a: {  	[tilespmem:s22], [sflag:$0x4] =	stream.indirect.gather [hbm4b:s2+s15], $0x80, s4, s15, $0xb8;
	[tilespmem:$0xF000] =	vst v63  }
0x5b: {  	_ =	swait.ge [sflag:s23], $0x3200  }
0x5c: {  	s7 =	smov.u32 s5;
	s8 =	rddreg [dreg:$0x4];
	[sflag:s23] =	ssyncset.done $0x0  }
0x5d: {  	[sflag:s23] =	ssyncadd.s32 $0xFFFFCE00;
	s8 =	sadd.s32 s7, s8  }
0x5e: {  	[hbm4b:s8+s3] =	stream.linear.scatter [tilespmem:s16], [sflag:$0x5], $0x1900, $0x38;
	[tilespmem:$0xF000] =	vst v63  }
0x5f: {  	s9 =	sadd.s32 $0x380, s8  }
0x60: {  	[hbm4b:s9+s3] =	stream.linear.scatter [tilespmem:s24], [sflag:$0x5], $0x1900, $0x38;
	[tilespmem:$0xF000] =	vst v63  }
0x61: {  	_ =	swait.ge [sflag:s25], $0x3200  }
0x62: {  	[sflag:s25] =	ssyncset.done $0x0  }
0x63: {  	s10 =	sadd.s32 $0x700, s8;
	s9 =	rddreg [dreg:$0x6];
	[sflag:s25] =	ssyncadd.s32 $0xFFFFCE00  }
0x64: {  	[hbm4b:s10+s3] =	stream.linear.scatter [tilespmem:s18], [sflag:$0x6], $0x1900, $0x38;
	[tilespmem:$0xF000] =	vst v63  }
0x65: {  	s9 =	sadd.s32 s7, s9  }
0x66: {  	[hbm4b:s9+s3] =	stream.linear.scatter [tilespmem:s26], [sflag:$0x6], $0x1900, $0x38;
	[tilespmem:$0xF000] =	vst v63  }
0x67: {  	_ =	swait.ge [sflag:s28], $0x3200  }
0x68: {  	[sflag:s28] =	ssyncset.done $0x0  }
0x69: {  	s10 =	sadd.s32 $0xE00, s8;
	s9 =	rddreg [dreg:$0x5];
	[sflag:s28] =	ssyncadd.s32 $0xFFFFCE00  }
0x6a: {  	[hbm4b:s10+s3] =	stream.linear.scatter [tilespmem:s20], [sflag:$0x7], $0x1900, $0x38;
	[tilespmem:$0xF000] =	vst v63  }
0x6b: {  	s9 =	sadd.s32 s7, s9  }
0x6c: {  	[hbm4b:s9+s3] =	stream.linear.scatter [tilespmem:s29], [sflag:$0x7], $0x1900, $0x38;
	[tilespmem:$0xF000] =	vst v63  }
0x6d: {  	_ =	swait.ge [sflag:s30], $0x3200  }
0x6e: {  	[sflag:s30] =	ssyncset.done $0x0  }
0x6f: {  	s8 =	sadd.s32 $0x1500, s8;
	s10 =	rddreg [dreg:$0x3];
	[sflag:s30] =	ssyncadd.s32 $0xFFFFCE00  }
0x70: {  	[hbm4b:s8+s3] =	stream.linear.scatter [tilespmem:s22], [sflag:$0x8], $0x1900, $0x38;
	[tilespmem:$0xF000] =	vst v63  }
0x71: {  	s7 =	sadd.s32 s7, s10  }
0x72: {  	[hbm4b:s7+s3] =	stream.linear.scatter [tilespmem:s31], [sflag:$0x8], $0x1900, $0x38;
	[tilespmem:$0xF000] =	vst v63  }
0x73: {  	_ =	swait.ge [sflag:s1], $0x1900  }
0x74: {  	[sflag:s1] =	ssyncset.done $0x0  }
0x75: {  	[sflag:s1] =	ssyncadd.s32 $0xFFFFE700  }
0x76: {  	_ =	swait.ge [sflag:s1], $0x1900  }
0x77: {  	[sflag:s1] =	ssyncset.done $0x0  }
0x78: {  	s8 =	sadd.s32 $0xFFFFFE80, s6;
	[sflag:s1] =	ssyncadd.s32 $0xFFFFE700  }
0x79: {  	[tilespmem:s16], [sflag:$0x1] =	stream.indirect.gather [hbm4b:s2+s15], $0x80, s8, s15, $0xb8;
	[tilespmem:$0xF000] =	vst v63  }
0x7a: {  	_ =	swait.ge [sflag:s0], $0x1900  }
0x7b: {  	[sflag:s0] =	ssyncset.done $0x0  }
0x7c: {  	[sflag:s0] =	ssyncadd.s32 $0xFFFFE700  }
0x7d: {  	_ =	swait.ge [sflag:s0], $0x1900  }
0x7e: {  	[sflag:s0] =	ssyncset.done $0x0  }
0x7f: {  	s9 =	sadd.s32 $0xFFFFFF00, s6;
	[sflag:s0] =	ssyncadd.s32 $0xFFFFE700  }
0x80: {  	[tilespmem:s18], [sflag:$0x2] =	stream.indirect.gather [hbm4b:s2+s15], $0x80, s9, s15, $0xb8;
	[tilespmem:$0xF000] =	vst v63  }
0x81: {  	_ =	swait.ge [sflag:s17], $0x1900  }
0x82: {  	[sflag:s17] =	ssyncset.done $0x0  }
0x83: {  	[sflag:s17] =	ssyncadd.s32 $0xFFFFE700  }
0x84: {  	_ =	swait.ge [sflag:s17], $0x1900  }
0x85: {  	[sflag:s17] =	ssyncset.done $0x0  }
0x86: {  	s10 =	sadd.s32 $0xFFFFFF80, s6;
	[sflag:s17] =	ssyncadd.s32 $0xFFFFE700  }
0x87: {  	[tilespmem:s20], [sflag:$0x3] =	stream.indirect.gather [hbm4b:s2+s15], $0x80, s10, s15, $0xb8;
	[tilespmem:$0xF000] =	vst v63  }
0x88: {  	p0 =	sne.s32 s5, $0x18800;
	_ =	swait.ge [sflag:s19], $0x1900  }
.Ltmp0:
0x89: {  	[sflag:s19] =	ssyncset.done $0x0;
	(pc) =	sbr.rel @p0 .LBB2_2-.Ltmp0, $4  }
0x8a: {  	[sflag:s19] =	ssyncadd.s32 $0xFFFFE700  }
0x8b: {  	_ =	swait.ge [sflag:s19], $0x1900  }
0x8c: {  	s4 =	smov.u32 s6;
	[sflag:s19] =	ssyncset.done $0x0  }
0x8d: {  	s5 =	sadd.s32 $0x1C00, s5;
	s6 =	sadd.s32 $0x200, s6;
	[sflag:s19] =	ssyncadd.s32 $0xFFFFE700  }
0x8e: {  	[tilespmem:s22], [sflag:$0x4] =	stream.indirect.gather [hbm4b:s2+s15], $0x80, s4, s15, $0xb8;
	[tilespmem:$0xF000] =	vst v63  }
0x8f: {  	_ =	swait.ge [sflag:s23], $0x3200  }
0x90: {  	[sflag:s23] =	ssyncset.done $0x0  }
0x91: {  	s5 =	rddreg [dreg:$0x8];
	[sflag:s23] =	ssyncadd.s32 $0xFFFFCE00  }
0x92: {  	[hbm4b:s5+s3] =	stream.linear.scatter [tilespmem:s16], [sflag:$0x5], $0x1900, $0x38;
	[tilespmem:$0xF000] =	vst v63  }
0x93: {  	s6 =	rddreg [dreg:$0x9]  }
0x94: {  	[hbm4b:s6+s3] =	stream.linear.scatter [tilespmem:s24], [sflag:$0x5], $0x1900, $0x38;
	[tilespmem:$0xF000] =	vst v63  }
0x95: {  	_ =	swait.ge [sflag:s25], $0x3200  }
0x96: {  	[sflag:s25] =	ssyncset.done $0x0  }
0x97: {  	s7 =	rddreg [dreg:$0xa];
	[sflag:s25] =	ssyncadd.s32 $0xFFFFCE00  }
0x98: {  	[hbm4b:s7+s3] =	stream.linear.scatter [tilespmem:s18], [sflag:$0x6], $0x1900, $0x38;
	[tilespmem:$0xF000] =	vst v63  }
0x99: {  	s8 =	rddreg [dreg:$0xb]  }
0x9a: {  	[hbm4b:s8+s3] =	stream.linear.scatter [tilespmem:s26], [sflag:$0x6], $0x1900, $0x38;
	[tilespmem:$0xF000] =	vst v63  }
0x9b: {  	_ =	swait.ge [sflag:s28], $0x3200  }
0x9c: {  	[sflag:s28] =	ssyncset.done $0x0  }
0x9d: {  	s9 =	rddreg [dreg:$0xc];
	[sflag:s28] =	ssyncadd.s32 $0xFFFFCE00  }
0x9e: {  	[hbm4b:s9+s3] =	stream.linear.scatter [tilespmem:s20], [sflag:$0x7], $0x1900, $0x38;
	[tilespmem:$0xF000] =	vst v63  }
0x9f: {  	s10 =	rddreg [dreg:$0xd]  }
0xa0: {  	[hbm4b:s10+s3] =	stream.linear.scatter [tilespmem:s29], [sflag:$0x7], $0x1900, $0x38;
	[tilespmem:$0xF000] =	vst v63  }
0xa1: {  	_ =	swait.ge [sflag:s30], $0x3200  }
0xa2: {  	[sflag:s30] =	ssyncset.done $0x0  }
0xa3: {  	[sflag:s30] =	ssyncadd.s32 $0xFFFFCE00  }
0xa4: {  	[hbm4b:s11+s3] =	stream.linear.scatter [tilespmem:s22], [sflag:$0x8], $0x1900, $0x38;
	[tilespmem:$0xF000] =	vst v63  }
0xa5: {  	_ = 	snop  }
0xa6: {  	[hbm4b:s12+s3] =	stream.linear.scatter [tilespmem:s31], [sflag:$0x8], $0x1900, $0x38;
	[tilespmem:$0xF000] =	vst v63  }
0xa7: {  	_ =	swait.ge [sflag:s1], $0x1900  }
0xa8: {  	[sflag:s1] =	ssyncset.done $0x0  }
0xa9: {  	[sflag:s1] =	ssyncadd.s32 $0xFFFFE700  }
0xaa: {  	_ =	swait.ge [sflag:s1], $0x1900  }
0xab: {  	[sflag:s1] =	ssyncset.done $0x0  }
0xac: {  	[sflag:s1] =	ssyncadd.s32 $0xFFFFE700  }
0xad: {  	_ =	swait.ge [sflag:s0], $0x1900  }
0xae: {  	[sflag:s0] =	ssyncset.done $0x0  }
0xaf: {  	[sflag:s0] =	ssyncadd.s32 $0xFFFFE700  }
0xb0: {  	_ =	swait.ge [sflag:s0], $0x1900  }
0xb1: {  	[sflag:s0] =	ssyncset.done $0x0  }
0xb2: {  	[sflag:s0] =	ssyncadd.s32 $0xFFFFE700  }
0xb3: {  	_ =	swait.ge [sflag:s17], $0x1900  }
0xb4: {  	[sflag:s17] =	ssyncset.done $0x0  }
0xb5: {  	[sflag:s17] =	ssyncadd.s32 $0xFFFFE700  }
0xb6: {  	_ =	swait.ge [sflag:s17], $0x1900  }
0xb7: {  	[sflag:s17] =	ssyncset.done $0x0  }
0xb8: {  	s21 =	sadd.s32 $0x1, s21;
	[sflag:s17] =	ssyncadd.s32 $0xFFFFE700  }
0xb9: {  	p0 =	sne.s32 s21, s13;
	_ =	swait.ge [sflag:s19], $0x1900  }
.Ltmp1:
0xba: {  	[sflag:s19] =	ssyncset.done $0x0;
	(pc) =	sbr.rel @p0 .LBB2_1-.Ltmp1, $4  }
0xbb: {  	[sflag:s19] =	ssyncadd.s32 $0xFFFFE700  }
0xbc: {  	_ =	swait.ge [sflag:s19], $0x1900  }
0xbd: {  	[sflag:s19] =	ssyncset.done $0x0  }
0xbe: {  	[sflag:s19] =	ssyncadd.s32 $0xFFFFE700  }
0xbf: {  	_ =	sfence.sel $0x180000  }
0xc0: {  	[bflag:$0x0] =	sbarrier.arrive $0xFFFF  }
0xc1: {  	_ =	strace $0x90000047  }
0xc2: {  	s0 =	stileid.u32;
	[bflag:$0x2] =	sbarrier.arrive $0xFFFF  }
0xc3: {  	p0 =	sne.s32 s0, $0x0;
	s0 =	rddreg [dreg:$0x2]  }
0xc4: {  	s0 =	sadd.s32 @!p0 $0x100000, s0  }
0xc5: {  	[sflag:s0] =	ssyncadd.tile.s32 @!p0 $0x1;
	_ =	shalt  }
.Lfunc_end2:
_tile_overlayer_lowered:
.L_overlay_start_2:
0xc6: {  	(tag) =	ssettag $0x2  }
0xc7: {  	s0 =	rddreg [dreg:$0x0];
	s2 =	stileid.u32  }
0xc8: {  	s1 =	rddreg [dreg:$0x1];
	p0 =	sne.s32 s2, $0x0  }
0xc9: {  	s3 =	rddreg [dreg:$0x2];
	[bflag:$0x3] =	sbarrier.arrive $0xFFFF;
	s2 =	simm.s32 @!p0 $0x1C09  }
0xca: {  	[timem:s3], [sflag:s2] =	dma.local @!p0 [hbm:s0], s1  }
0xcb: {  	s0 =	simm.s32 @!p0 $0x9  }
0xcc: {  	_ =	swait.ge @!p0 [sflag:s0], s1  }
0xcd: {  	s1 =	ssub.s32 @!p0 $0x0, s1;
	[sflag:s0] =	ssyncset.done @!p0 $0x0  }
0xce: {  	[sflag:s0] =	ssyncadd.s32 @!p0 s1  }
0xcf: {  	[bflag:$0x3] =	sbarrier.arrive $0xFFFF  }
0xd0: {  	_ =	shalt  }

// kernel: sparse-core-data-format-call.cloned.1.call-start
scs
called_computation_lowered:
.L_overlay_start_0:
0x0: {  	s2 =	sld [smem:$0x3FD9]  }
0x1: {  	s3 =	sld [smem:$0x3FFE];
	_ =	sdelay $0x1  }
0x2: {  	s1 =	srdreg.scid  }
0x3: {  	s0 =	sand.u32 $0x1, s1  }
0x4: {  	s18 =	sshll.u32 s0, $0xA;
	s2 =	sadd.s32 s3, s2  }
0x5: {  	s2 =	sadd.s32 s2, s18  }
0x6: {  	[smem:$0x3FC6] =	sst s2  }
0x7: {  	_ = 	snop  }
0x8: {  	s2 =	sld [smem:$0x3FD0];
	(tm) =	ssettm $0x1  }
0x9: {  	s19 =	sld [smem:$0x3FFB];
	_ =	sdelay $0x3  }
0xa: {  	_ =	strace s19  }
0xb: {  	s3 =	sld [smem:$0x3FFC];
	_ =	sdelay $0x3  }
0xc: {  	_ =	strace s3  }
0xd: {  	s3 =	sld [smem:$0x3FFD];
	_ =	sdelay $0x3  }
0xe: {  	_ =	strace s3  }
0xf: {  	_ =	strace $0x8FFFFFFF  }
0x10: {  	s20 =	sld [smem:$0x3FDB];
	_ =	sdelay $0x1  }
0x11: {  	s4 =	simm.s32 $_scs_section_size  }
0x12: {  	s5 =	simm.s32 $_size__tile_overlayer_lowered;
	s6 =	simm.s32 $_tile_overlayer_lowered  }
0x13: {  	s23 =	simm.s32 $0x1BFF;
	s22 =	sshll.u32 s6, $0x1;
	s3 =	sadd.s32 s4, s20  }
0x14: {  	s7 =	simm.s32 $0x0;
	s21 =	sshll.u32 s5, $0x1;
	s5 =	sadd.s32 s22, s3  }
0x15: {  	[timem:s7], [sflag:s23] =	dma.local [hbm:s5], s21  }
0x16: {  	_ =	swait.ge [sflag:s23], s21  }
0x17: {  	s4 =	ssub.s32 $0x0, s21;
	[sflag:s23] =	ssyncset.done $0x0  }
0x18: {  	[sflag:s23] =	ssyncadd.s32 s4;
	_ =	sdelay $0x1  }
0x19: {  	s24 =	simm.s32 $0x1B8B  }
0x1a: {  	_ =	swait.ge [sflag:s24], $0x1  }
0x1b: {  	[sflag:s24] =	ssyncset.done $0x0  }
0x1c: {  	s26 =	simm.s32 $0x1B8E;
	s25 =	sld [smem:$0x3FFE];
	[sflag:s24] =	ssyncadd.s32 $0xFFFFFFFF  }
0x1d: {  	s27 =	simm.s32 $execute0_lowered;
	[smem:$0x3FD2] =	sst s26  }
0x1e: {  	s5 =	sshll.u32 s27, $0x1;
	_ =	strace $0x80000052;
	[dreg:$0x1] =	wrdreg $0xFFFFFFFF  }
0x1f: {  	s28 =	simm.s32 $_size_execute0_lowered;
	s3 =	sadd.s32 s3, s5;
	[dreg:$0x0] =	wrdreg $0x0  }
0x20: {  	s5 =	sshll.u32 s28, $0x1;
	[dreg:$0x2] =	wrdreg s3  }
0x21: {  	[dreg:$0x3] =	wrdreg s5  }
0x22: {  	[dreg:$0x4] =	wrdreg $0xC0  }
0x23: {  	_ =	task [dreg:s7], $0x5FFFF  }
0x24: {  	[dreg:$0x1] =	wrdreg $0xFFFFFFFF  }
0x25: {  	[dreg:$0x0] =	wrdreg $0x60  }
0x26: {  	[dreg:$0x2] =	wrdreg s25  }
0x27: {  	[dreg:$0x3] =	wrdreg s2  }
0x28: {  	[dreg:$0x4] =	wrdreg $0x9  }
0x29: {  	_ =	task.clear_ibuf [dreg:s7], $0x5FFFF;
	_ =	strace $0x90000052  }
0x2a: {  	s29 =	simm.s32 $0x9;
	_ =	strace $0x80000054  }
0x2b: {  	_ =	swait.ge [sflag:s29], $0x1  }
0x2c: {  	[sflag:s29] =	ssyncadd.s32 $0xFFFFFFFF  }
0x2d: {  	_ =	strace $0x90000054  }
0x2e: {  	_ =	sfence  }
0x2f: {  	s30 =	sld [smem:$0x0];
	_ =	sdelay $0x2  }
0x30: {  	s31 =	sshll.u32 s1, $0xD;
	s1 =	sshrl.u32 s1, $0x2  }
0x31: {  	s3 =	sand.u32 $0x4000, s31;
	s1 =	sadd.s32 s1, s30  }
0x32: {  	s0 =	sor.u32 s3, s0;
	s1 =	sshll.u32 s1, $0x11  }
0x33: {  	s0 =	sor.u32 s1, s0  }
0x34: {  	s0 =	sadd.s32 $0x8F2B, s0  }
0x35: {  	[sflag:s0] =	ssyncadd.remote.s32 $0x1  }
0x36: {  	_ =	sfence.sel $0xFFFF  }
0x37: {  	[dreg:$0x0] =	wrdreg $0xFFFFFFFF;
	(pc) =	sbr.abs _section_cstart, $3  }
0x38: {  	[dreg:$0x1] =	wrdreg $0xFFFFFFFF  }
0x39: {  	_ =	task.clear_ibuf [dreg:s7], $0x2FFFF;
	_ =	strace $0x9FFFFFFF  }
0x3a: {  	(tm) =	ssettm $0x7FFFFFFF  }
0x3b: {  	_ =	shalt  }
tec
execute0_lowered:
.L_overlay_start_1:
0x0: {  	(tag) =	ssettag $0x1  }
0x1: {  	s0 =	srdreg.scid  }
0x2: {  	s1 =	sshll.u32 s0, $0x4  }
0x3: {  	s0 =	stileid.u32;
	s1 =	sand.u32 $0x10, s1  }
0x4: {  	s1 =	sor.u32 s0, s1  }
0x5: {  	s6 =	rddreg [dreg:$0x0];
	s4 =	simm.s32 $0x1;
	s2 =	sshll.u32 s1, $0x6  }
0x6: {  	s7 =	simm.s32 $0x2;
	s13 =	simm.s32 $0x0;
	s1 =	ssub.s32 $0x4000, s2  }
0x7: {  	s8 =	simm.s32 $0x2000;
	s9 =	simm.s32 $0x200000;
	s3 =	sand.u32 $0x7C0, s1  }
0x8: {  	s14 =	simm.s32 $0x0;
	s5 =	sshrl.u32 s1, $0xB;
	p0 =	sne.s32 s3, $0x0  }
.Ltmp0:
0x9: {  	s1 =	rddreg [dreg:$0x2];
	s4 =	simm.s32 @!p0 $0x0;
	(pc) =	sbr.rel .LBB1_1-.Ltmp0, $4  }
0xa: {  	s10 =	simm.s32 $0x0;
	s3 =	rddreg [dreg:$0x1];
	s5 =	sadd.s32 s4, s5  }
0xb: {  	_ =	strace $0x80000053;
	s4 =	simm.s32 $0x1;
	s5 =	smul.u32 $0x19, s5  }
0xc: {  	s12 =	simm.s32 $0x0;
	s6 =	sadd.s32 $0xA9FC00, s6;
	[sflag:s4] =	ssyncpa.u1 $0x0  }
0xd: {  	s11 =	smov.u32 s2;
	[sflag:s7] =	ssyncpa.u1 $0x0;
	s7 =	sadd.s32 $0x1, s5  }
.LBB1_7:
0xe: {  	s15 =	sadd.s32 $0x2, s10  }
0xf: {  	s13 =	sadd.s32 $0x800, s11;
	s17 =	smov.u32 s11;
	p1 =	sgt.s32 s15, $0x31  }
0x10: {  	s17 =	smov.u32 @p1 s13  }
0x11: {  	s15 =	simm.s32 @p1 $0x0;
	p1 =	sgt.s32 s17, $0x3FFF  }
0x12: {  	s17 =	smov.u32 @p1 s2;
	p1 =	sne.s32 s12, s7  }
.Ltmp1:
0x13: {  	p0 =	slt.u32 s12, $0x2;
	(pc) =	sbr.rel @!p1 .LBB1_8-.Ltmp1, $4  }
0x14: {  	s16 =	simm.s32 @!p0 $0x2  }
0x15: {  	s14 =	smov.u32 s11;
	_ =	swait.ge @!p0 [sflag:s16], $0x4000  }
0x16: {  	s13 =	smov.u32 s10;
	[sflag:s16] =	ssyncset.done @!p0 $0x0;
	s10 =	smov.u32 s15  }
0x17: {  	s12 =	sadd.s32 $0x1, s12;
	[sflag:s16] =	ssyncadd.s32 @!p0 $0xFFFFC000;
	s11 =	smov.u32 s17  }
.LBB1_1:
0x18: {  	p0 =	sge.u32 s12, s5  }
0x19: {  	s15 =	sand.u32 @!p0 $0x1FFFFFF, s10  }
0x1a: {  	s16 =	smulhi.u32 @!p0 $0x4924925, s15;
	_ =	sdelay $0x1  }
0x1b: {  	s16 =	smul.u32 @!p0 $0x38, s16  }
0x1c: {  	s17 =	sxor.u32 @!p0 $0xFFFFFFFF, s12;
	s18 =	smul.u32 @!p0 $0x380, s11  }
0x1d: {  	s31 =	sadd.s32 $0xFFFFFFFF, s12;
	s17 =	sshll.u32 @!p0 s17, $0xE;
	s15 =	ssub.s32 @!p0 s15, s16  }
0x1e: {  	s16 =	sand.u32 @!p0 $0x4000, s17;
	s17 =	sadd.s32 @!p0 s6, s18;
	s15 =	sshll.u32 @!p0 s15, $0x4  }
0x1f: {  	s18 =	simm.s32 @!p0 $0x1C00;
	s15 =	sadd.s32 @!p0 s15, s17;
	s17 =	simm.s32 @!p0 $0x100  }
0x20: {  	[tilespmem:s16], [sflag:$0x1] =	stream.strided.gather @!p0 [hbm4b:s15+s17], $0x4000, s18, s17, $0x38;
	[tilespmem:$0x10000] =	vst v63  }
0x21: {  	p0 =	sge.u32 s31, s5  }
.Ltmp2:
0x22: {  	_ = 	snop;
	(pc) =	sbr.rel @p0 .LBB1_7-.Ltmp2, $1  }
0x23: {  	_ =	sdelay $0x3  }
0x24: {  	_ =	swait.ge [sflag:s4], $0x4000;
	s15 =	sshll.u32 s12, $0xE  }
0x25: {  	[sflag:s4] =	ssyncset.done $0x0;
	s16 =	sand.u32 $0x4000, s15  }
0x26: {  	s17 =	simm.s32 $0x0;
	[sflag:s4] =	ssyncadd.s32 $0xFFFFC000;
	s15 =	sor.u32 $0x8000, s16  }
.LBB1_3:
0x27: {  	s18 =	sshll.u32 s17, $0x8  }
0x28: {  	s18 =	sand.u32 $0x3FFFFF00, s18  }
0x29: {  	s19 =	sshll.u32 s17, $0x7;
	s18 =	sadd.s32 s18, s16  }
0x2a: {  	s19 =	sand.u32 $0x3FFFFF80, s19;
	v0 =	vmov s18  }
0x2b: {  	s19 =	sadd.s32 s19, s15  }
0x2c: {  	p0 =	por $0x1, $0x1;
	v1 =	vmov s19;
	s18 =	simm.s32 $0x0  }
.LBB1_4:
0x2d: {  	s19 =	sshll.u32 s18, $0x7  }
0x2e: {  	s19 =	sand.u32 $0x3FFFFF80, s19  }
0x2f: {  	v2 =	vld.idx.msk [tilespmem:v0+s19+$0x0 ss:$0x1], $0xffff  }
0x30: {  	v3 =	vld.idx.msk [tilespmem:v0+s19+$0x10 ss:$0x1], $0xffff  }
0x31: {  	v4 =	vld.idx.msk [tilespmem:v0+s19+$0x20 ss:$0x1], $0xffff  }
0x32: {  	s31 =	sshll.u32 s18, $0xD;
	v5 =	vld.idx.msk [tilespmem:v0+s19+$0x30 ss:$0x1], $0xffff  }
0x33: {  	s18 =	sand.u32 $0x3FFFE000, s31;
	v6 =	vld.idx.msk [tilespmem:v0+s19+$0x40 ss:$0x1], $0xffff  }
0x34: {  	v63 =	vld.idx.msk [tilespmem:v0+s19+$0x70 ss:$0x1], $0xffff;
	[tilespmem:v1+s18+$0x0 ss:$0x1] =	vst.idx.msk $0xffff, v2  }
0x35: {  	v2 =	vld.idx.msk [tilespmem:v0+s19+$0x50 ss:$0x1], $0xffff;
	[tilespmem:v1+s18+$0x10 ss:$0x1] =	vst.idx.msk $0xffff, v3  }
0x36: {  	p1 =	por p0, p0;
	v3 =	vld.idx.msk [tilespmem:v0+s19+$0x60 ss:$0x1], $0xffff;
	[tilespmem:v1+s18+$0x20 ss:$0x1] =	vst.idx.msk $0xffff, v4  }
.Ltmp3:
0x37: {  	[tilespmem:v1+s18+$0x30 ss:$0x1] =	vst.idx.msk $0xffff, v5;
	(pc) =	sbr.rel @p1 .LBB1_4-.Ltmp3, $4  }
0x38: {  	[tilespmem:v1+s18+$0x40 ss:$0x1] =	vst.idx.msk $0xffff, v6  }
0x39: {  	[tilespmem:v1+s18+$0x70 ss:$0x1] =	vst.idx.msk $0xffff, v63  }
0x3a: {  	[tilespmem:v1+s18+$0x50 ss:$0x1] =	vst.idx.msk $0xffff, v2  }
0x3b: {  	p0 =	por $0x0, $0x0;
	[tilespmem:v1+s18+$0x60 ss:$0x1] =	vst.idx.msk $0xffff, v3;
	s18 =	simm.s32 $0x1  }
0x3c: {  	s17 =	sadd.s32 $0x1, s17  }
0x3d: {  	p0 =	sne.s32 s17, $0x40  }
.Ltmp4:
0x3e: {  	_ = 	snop;
	(pc) =	sbr.rel @p0 .LBB1_3-.Ltmp4, $1  }
0x3f: {  	_ =	sdelay $0x3  }
.Ltmp5:
0x40: {  	s14 =	sshll.u32 s14, $0x4;
	(pc) =	sbr.rel .LBB1_7-.Ltmp5, $4  }
0x41: {  	s14 =	sand.u32 $0x3FFF0, s14  }
0x42: {  	s13 =	sshll.u32 s13, $0x12;
	s14 =	sadd.s32 s3, s14  }
0x43: {  	s13 =	sadd.s32 s13, s14  }
0x44: {  	[hbm4b:s13+s8] =	stream.strided.scatter [tilespmem:s15], [sflag:$0x2], $0x4000, s9, s8, $0x38;
	[tilespmem:$0x10000] =	vst v63  }
.LBB1_8:
0x45: {  	_ =	sfence.sel $0x180000  }
0x46: {  	s2 =	simm.s32 $0x1;
	[bflag:$0x0] =	sbarrier.arrive $0xFFFF  }
0x47: {  	s31 =	simm.s32 $0x2;
	[sflag:s2] =	ssyncpa.u1 $0x1  }
0x48: {  	[sflag:s31] =	ssyncpa.u1 $0x1  }
0x49: {  	p0 =	sne.s32 s0, $0x0;
	_ =	strace $0x90000053  }
0x4a: {  	s0 =	sadd.s32 @!p0 $0x100000, s1;
	[bflag:$0x2] =	sbarrier.arrive $0xFFFF  }
0x4b: {  	[sflag:s0] =	ssyncadd.tile.s32 @!p0 $0x1;
	_ =	shalt  }
.Lfunc_end1:
_tile_overlayer_lowered:
.L_overlay_start_2:
0x4c: {  	(tag) =	ssettag $0x2  }
0x4d: {  	s0 =	rddreg [dreg:$0x0];
	s2 =	stileid.u32  }
0x4e: {  	s1 =	rddreg [dreg:$0x1];
	p0 =	sne.s32 s2, $0x0  }
0x4f: {  	s3 =	rddreg [dreg:$0x2];
	[bflag:$0x3] =	sbarrier.arrive $0xFFFF;
	s2 =	simm.s32 @!p0 $0x1C01  }
0x50: {  	[timem:s3], [sflag:s2] =	dma.local @!p0 [hbm:s0], s1  }
0x51: {  	s0 =	simm.s32 @!p0 $0x1  }
0x52: {  	_ =	swait.ge @!p0 [sflag:s0], s1  }
0x53: {  	s1 =	ssub.s32 @!p0 $0x0, s1;
	[sflag:s0] =	ssyncset.done @!p0 $0x0  }
0x54: {  	[sflag:s0] =	ssyncadd.s32 @!p0 s1  }
0x55: {  	[bflag:$0x3] =	sbarrier.arrive $0xFFFF  }
0x56: {  	_ =	shalt  }

</sc_bundles>
